<compile_context>
chip_gen: v7x
topology: tpu7x:2x2x1
jax: 0.10.2.dev20260603
libtpu: 0.0.44.dev20260713+nightly
codegen_flags: <defaults>
</compile_context>

<pallas_src>
import functools

import jax
import jax.numpy as jnp
from jax import lax
from jax.experimental import pallas as pl
from jax.experimental.pallas import tpu as pltpu
from jax.experimental.pallas import tpu_sc as plsc



def _proj_body(raw_ref, g_ref, c_ref, out_ref):
    out_ref[...] = (
        jnp.dot(raw_ref[...], g_ref[0], preferred_element_type=jnp.float32,
                precision=jax.lax.Precision.DEFAULT)
        + c_ref[0]
    )


def _project(raw_all, G, c, block_rows=1024):
    rows, f = raw_all.shape
    k = G.shape[2]
    n_blocks = rows // block_rows
    per_mod = n_blocks // 2
    return pl.pallas_call(
        _proj_body,
        grid=(n_blocks,),
        in_specs=[
            pl.BlockSpec((block_rows, f), lambda i: (i, 0)),
            pl.BlockSpec((1, f, k), lambda i: (i // per_mod, 0, 0)),
            pl.BlockSpec((1, 1, k), lambda i: (i // per_mod, 0, 0)),
        ],
        out_specs=pl.BlockSpec((block_rows, k), lambda i: (i, 0)),
        out_shape=jax.ShapeDtypeStruct((rows, k), jnp.float32),
    )(raw_all, G, c)



def _make_merge(B, N, L0, L1, K, chunk=128):
    NC, NS = 2, 16
    NW = NC * NS
    wpb = NW // B
    n_per_w = N // wpb
    n_chunks = n_per_w // chunk
    M0 = B * L0
    mesh = plsc.VectorSubcoreMesh(
        core_axis_name="c", subcore_axis_name="s",
        num_cores=NC, num_subcores=NS)

    @functools.partial(
        pl.kernel,
        mesh=mesh,
        out_type=jax.ShapeDtypeStruct((N * B, K), jnp.float32),
        scratch_types=[
            pltpu.VMEM((n_per_w,), jnp.int32),
            pltpu.VMEM((n_per_w,), jnp.int32),
            pltpu.VMEM((n_chunks, chunk), jnp.int32),
            pltpu.VMEM((n_chunks, chunk), jnp.int32),
            pltpu.VMEM((chunk, K), jnp.float32),
            pltpu.VMEM((chunk, K), jnp.float32),
            pltpu.SemaphoreType.DMA,
            pltpu.SemaphoreType.DMA,
        ],
    )
    def merge(table_hbm, e_hbm, m_hbm, out_hbm,
              e_v, m_v, idx_v, oidx_v, rows_a, rows_b, sem_g, sem_s):
        wid = lax.axis_index("c") * NS + lax.axis_index("s")
        b = wid // wpb
        q = wid % wpb
        base_n = q * n_per_w
        iota = lax.iota(jnp.int32, 16)
        pltpu.sync_copy(e_hbm.at[pl.ds(b * N + base_n, n_per_w)], e_v)
        pltpu.sync_copy(m_hbm.at[pl.ds(b * N + base_n, n_per_w)], m_v)
        for ci in range(n_chunks):
            for j in range(chunk // 16):
                sl = pl.ds(ci * chunk + j * 16, 16)
                ev = e_v[sl]
                mv = m_v[sl]
                dst = pl.ds(j * 16, 16)
                idx_v[ci, dst] = mv * M0 + b * L0 + ev
                oidx_v[ci, dst] = (base_n + ci * chunk + j * 16 + iota) * B + b
        bufs = (rows_a, rows_b)
        pltpu.async_copy(table_hbm.at[idx_v.at[0]], rows_a, sem_g)
        for ci in range(n_chunks):
            cur = bufs[ci % 2]
            pltpu.make_async_copy(table_hbm.at[idx_v.at[ci]], cur, sem_g).wait()
            if ci + 1 < n_chunks:
                pltpu.async_copy(
                    table_hbm.at[idx_v.at[ci + 1]], bufs[(ci + 1) % 2], sem_g)
            pltpu.async_copy(cur, out_hbm.at[oidx_v.at[ci]], sem_s).wait()

    return merge



def _gru_body(gi_ref, wh_ref, bh_ref, len_ref, ml_ref, out_ref, h_sc,
              *, tblk, H, S):
    i = pl.program_id(0)

    @pl.when(i == 0)
    def _init():
        h_sc[...] = jnp.zeros_like(h_sc)
        out_ref[...] = jnp.zeros_like(out_ref)

    wh = wh_ref[...].astype(jnp.bfloat16)
    bh = bh_ref[...]
    Sh = wh.shape[-1] // 3
    tgt = len_ref[...] - 1

    def step(j, carry):
        h, acc = carry
        gi = gi_ref[j]
        gh = jnp.dot(h.astype(jnp.bfloat16), wh,
                     preferred_element_type=jnp.float32) + bh
        h_n = gh[:, 2 * Sh:2 * Sh + H]
        tau_r = jnp.tanh(0.5 * (gi[:, 0:H] + gh[:, 0:H]))
        tau_z = jnp.tanh(0.5 * (gi[:, S:S + H] + gh[:, Sh:Sh + H]))
        half_hn = 0.5 * h_n
        n_base = gi[:, 2 * S:2 * S + H] + half_hn
        z = 0.5 + 0.5 * tau_z
        zh = z * h
        n = jnp.tanh(n_base + tau_r * half_hn)
        h2 = (1.0 - z) * n + zh
        t = i * tblk + j
        acc2 = jnp.where(tgt == t, h2, acc)
        return h2, acc2

    U = 4

    def group(jj, carry):
        for u in range(U):
            carry = step(jj * U + u, carry)
        return carry

    nsteps = jnp.clip(ml_ref[0] - i * tblk, 0, tblk)
    ngroups = (nsteps + U - 1) // U
    h, acc = lax.fori_loop(0, ngroups, group, (h_sc[...], out_ref[...]))
    h_sc[...] = h
    out_ref[...] = acc


def _gru_scan(gi, Wh, bh, length, max_len, tblk=256):
    N, B, K = gi.shape
    H = Wh.shape[0]
    nblk = N // tblk
    body = functools.partial(_gru_body, tblk=tblk, H=H, S=K // 3)
    return pl.pallas_call(
        body,
        grid=(nblk,),
        in_specs=[
            pl.BlockSpec((tblk, B, K), lambda i: (i, 0, 0)),
            pl.BlockSpec((H, K), lambda i: (0, 0)),
            pl.BlockSpec((1, K), lambda i: (0, 0)),
            pl.BlockSpec((B, 1), lambda i: (0, 0)),
            pl.BlockSpec(memory_space=pltpu.SMEM),
        ],
        out_specs=pl.BlockSpec((B, H), lambda i: (0, 0)),
        out_shape=jax.ShapeDtypeStruct((B, H), jnp.float32),
        scratch_shapes=[pltpu.VMEM((B, H), jnp.float32)],
    )(gi, Wh, bh, length, max_len)



def kernel(raw_0, raw_1, W0, b0, W1, b1, Wi, Wh, bi, bh, time_index,
           seq_lens_0, seq_lens_1):
    B, L0, F = raw_0.shape
    _, L1, _ = raw_1.shape
    N = time_index.shape[1]
    H = Wh.shape[0]
    S = 128
    KP = 3 * S

    def pad_gates(w):
        parts = jnp.split(w, 3, axis=-1)
        pad = [(0, 0)] * (w.ndim - 1) + [(0, S - H)]
        return jnp.concatenate([jnp.pad(p, pad) for p in parts], axis=-1)

    G = pad_gates(jnp.stack([W0 @ Wi, W1 @ Wi]))
    c = pad_gates(jnp.stack([b0 @ Wi, b1 @ Wi]) + bi)[:, None, :]

    raw_all = jnp.concatenate(
        [raw_0.reshape(B * L0, F), raw_1.reshape(B * L1, F)], axis=0)
    gi_all = _project(raw_all, G, c)

    e_flat = time_index[:, :, 0].reshape(-1)
    m_flat = time_index[:, :, 1].reshape(-1)
    merge = _make_merge(B, N, L0, L1, KP)
    gi_t = merge(gi_all, e_flat, m_flat).reshape(N, B, KP)

    length = (seq_lens_0 + seq_lens_1).astype(jnp.int32).reshape(B, 1)
    max_len = jnp.max(length).reshape(1)
    out = _gru_scan(gi_t, pad_gates(Wh), pad_gates(bh).reshape(1, KP), length,
                    max_len)
    return out

# --- scband reference (transcript-rebuilt; emitter-appended) ---
"""Pipeline reference for scband-multi-modal-sort-time-seq-encoder-container-67937792688822 (READ-ONLY COPY).

The authoritative reference and input builder live on the scoring server;
editing this copy changes nothing except your own understanding.
"""

import jax, jax.numpy as jnp
import numpy as np

B, L0, L1, F, D, H = 8, 2048, 2048, 64, 64, 64
N = L0 + L1


def _merge_by_time_by_index(embs, time_index):
    # Faithful port of merge_by_time_by_index: per-modality masked gather + where-combine
    emb_idx = time_index[:, :, 0]
    mod_idx = time_index[:, :, 1]
    m = embs[0].shape[0]
    n = time_index.shape[1]
    d = embs[0].shape[2]
    out = jnp.zeros((m, n, d), dtype=embs[0].dtype)
    for mod, emb in enumerate(embs):
        mask = (mod_idx == mod)
        gather_indices = jnp.where(mask, emb_idx, 0)
        gi = jnp.broadcast_to(gather_indices[:, :, None], (m, n, d))
        selected = jnp.take_along_axis(emb, gi, axis=1)
        out = jnp.where(mask[:, :, None], selected, out)
    return out


def _gru_all_states(x, Wi, Wh, bi, bh):
    # x: [B, T, D] -> hs: [T, B, H]
    def step(h, x_t):
        gi = x_t @ Wi + bi
        gh = h @ Wh + bh
        i_r, i_z, i_n = jnp.split(gi, 3, axis=-1)
        h_r, h_z, h_n = jnp.split(gh, 3, axis=-1)
        r = jax.nn.sigmoid(i_r + h_r)
        z = jax.nn.sigmoid(i_z + h_z)
        nn_ = jnp.tanh(i_n + r * h_n)
        h_new = (1.0 - z) * nn_ + z * h
        return h_new, h_new
    h0 = jnp.zeros((x.shape[0], Wh.shape[0]), dtype=x.dtype)
    _, hs = jax.lax.scan(step, h0, jnp.transpose(x, (1, 0, 2)))
    return hs


def setup_inputs(seed: int = 0) -> dict:
    key = jax.random.key(seed)
    ks = jax.random.split(key, 12)
    raw_0 = jax.random.normal(ks[0], (B, L0, F), dtype=jnp.float32)
    raw_1 = jax.random.normal(ks[1], (B, L1, F), dtype=jnp.float32)
    emb_idx = jax.random.randint(ks[2], (B, N), 0, min(L0, L1))
    mod_idx = jax.random.randint(ks[3], (B, N), 0, 2)
    time_index = jnp.stack([emb_idx, mod_idx], axis=-1).astype(jnp.int32)
    seq_lens_0 = jax.random.randint(ks[4], (B,), 1, L0 + 1).astype(jnp.int32)
    seq_lens_1 = jax.random.randint(ks[5], (B,), 1, L1 + 1).astype(jnp.int32)
    W0 = jax.random.normal(ks[6], (F, D), dtype=jnp.float32) * 0.05
    b0 = jnp.zeros((D,), dtype=jnp.float32)
    W1 = jax.random.normal(ks[7], (F, D), dtype=jnp.float32) * 0.05
    b1 = jnp.zeros((D,), dtype=jnp.float32)
    Wi = jax.random.normal(ks[8], (D, 3 * H), dtype=jnp.float32) * 0.05
    Wh = jax.random.normal(ks[9], (H, 3 * H), dtype=jnp.float32) * 0.05
    bi = jnp.zeros((3 * H,), dtype=jnp.float32)
    bh = jnp.zeros((3 * H,), dtype=jnp.float32)
    return {"raw_0": raw_0, "raw_1": raw_1, "W0": W0, "b0": b0, "W1": W1, "b1": b1,
            "Wi": Wi, "Wh": Wh, "bi": bi, "bh": bh,
            "time_index": time_index, "seq_lens_0": seq_lens_0, "seq_lens_1": seq_lens_1}


def reference(raw_0, raw_1, W0, b0, W1, b1, Wi, Wh, bi, bh, time_index, seq_lens_0, seq_lens_1):
    # multimodal_trx_encoder: per-modality trx encoder (linear projection to input_size)
    emb0 = raw_0 @ W0 + b0
    emb1 = raw_1 @ W1 + b1
    length = seq_lens_0 + seq_lens_1
    # merge_by_time_by_index (training path, is_inference=False)
    merged = _merge_by_time_by_index([emb0, emb1], time_index)
    # seq_encoder: GRU RnnEncoder with is_reduce_sequence=True -> last valid hidden state
    hs = _gru_all_states(merged, Wi, Wh, bi, bh)  # [N, B, H]
    out = hs[length - 1, jnp.arange(hs.shape[1])]
    return out

if __name__ == "__main__":
    import jax
    _d = setup_inputs()
    print(jax.jit(kernel)(*tuple(_d.values())))

</pallas_src>

<mosaic_0001>
#map = affine_map<(d0, d1) -> (0, 0)>
#map1 = affine_map<(d0, d1) -> (0)>
module attributes {stable_mosaic.version = 14 : i64} {
  func.func @merge(%arg0: i32, %arg1: i32, %arg2: memref<32768x384xf32, #tpu.memory_space<hbm>>, %arg3: memref<32768xi32, #tpu.memory_space<hbm>>, %arg4: memref<32768xi32, #tpu.memory_space<hbm>>, %arg5: memref<32768x384xf32, #tpu.memory_space<hbm>>, %arg6: memref<1024xi32, #tpu.memory_space<vmem>>, %arg7: memref<1024xi32, #tpu.memory_space<vmem>>, %arg8: memref<8x128xi32, #tpu.memory_space<vmem>>, %arg9: memref<8x128xi32, #tpu.memory_space<vmem>>, %arg10: memref<128x384xf32, #tpu.memory_space<vmem>>, %arg11: memref<128x384xf32, #tpu.memory_space<vmem>>, %arg12: memref<!tpu.dma_semaphore, #tpu.memory_space<semaphore_mem>>, %arg13: memref<!tpu.dma_semaphore, #tpu.memory_space<semaphore_mem>>) attributes {dimension_semantics = [#tpu.dimension_semantics<core_parallel>, #tpu.dimension_semantics<subcore_parallel>], iteration_bounds = array<i64: 2, 16>, scalar_prefetch = 0 : i64, scratch_operands = 8 : i64, tpu.core_type = #tpu.core_type<sc_vector_subcore>, window_params = [{transform_indices = #map}, {transform_indices = #map1}, {transform_indices = #map1}, {transform_indices = #map}]} {
    %mul3A = arith.constant 16 : i32
    %mul3A_0 = arith.muli %arg0, %mul3A : i32
    %add3A = arith.addi %mul3A_0, %arg1 : i32
    %jit3A = arith.constant 4 : i32
    %div3A = arith.divsi %add3A, %jit3A : i32
    %sign3A = arith.constant 0 : i32
    %sign3A_1 = arith.cmpi sgt, %add3A, %sign3A : i32
    %sign3A_2 = arith.extui %sign3A_1 : i1 to i32
    %sign3A_3 = arith.constant 0 : i32
    %sign3A_4 = arith.cmpi slt, %add3A, %sign3A_3 : i32
    %sign3A_5 = arith.extui %sign3A_4 : i1 to i32
    %sign3A_6 = arith.subi %sign3A_2, %sign3A_5 : i32
    %sign3A_7 = arith.constant 0 : i32
    %sign3A_8 = arith.cmpi sgt, %jit3A, %sign3A_7 : i32
    %sign3A_9 = arith.extui %sign3A_8 : i1 to i32
    %sign3A_10 = arith.constant 0 : i32
    %sign3A_11 = arith.cmpi slt, %jit3A, %sign3A_10 : i32
    %sign3A_12 = arith.extui %sign3A_11 : i1 to i32
    %sign3A_13 = arith.subi %sign3A_9, %sign3A_12 : i32
    %ne3A = arith.cmpi ne, %sign3A_6, %sign3A_13 : i32
    %rem3A = arith.remsi %add3A, %jit3A : i32
    %ne3A_14 = arith.constant 0 : i32
    %ne3A_15 = arith.cmpi ne, %rem3A, %ne3A_14 : i32
    %and3A = arith.andi %ne3A, %ne3A_15 : i1
    %sub3A = arith.constant 1 : i32
    %sub3A_16 = arith.subi %div3A, %sub3A : i32
    %select_n3A = arith.select %and3A, %sub3A_16, %div3A : i32
    %jit3A_17 = arith.constant 4 : i32
    %eq3A = arith.constant 0 : i32
    %eq3A_18 = arith.cmpi eq, %jit3A_17, %eq3A : i32
    %jit3A_19 = arith.constant 1 : i32
    %select_n3A_20 = arith.select %eq3A_18, %jit3A_19, %jit3A_17 : i32
    %rem3A_21 = arith.remsi %add3A, %select_n3A_20 : i32
    %ne3A_22 = arith.constant 0 : i32
    %ne3A_23 = arith.cmpi ne, %rem3A_21, %ne3A_22 : i32
    %lt3A = arith.constant 0 : i32
    %lt3A_24 = arith.cmpi slt, %rem3A_21, %lt3A : i32
    %lt3A_25 = arith.constant 0 : i32
    %lt3A_26 = arith.cmpi slt, %select_n3A_20, %lt3A_25 : i32
    %ne3A_27 = arith.xori %lt3A_24, %lt3A_26 : i1
    %and3A_28 = arith.andi %ne3A_27, %ne3A_23 : i1
    %add3A_29 = arith.addi %rem3A_21, %select_n3A_20 : i32
    %select_n3A_30 = arith.select %and3A_28, %add3A_29, %rem3A_21 : i32
    %mul3A_31 = arith.constant 1024 : i32
    %mul3A_32 = arith.muli %select_n3A_30, %mul3A_31 : i32
    %iota3A = tpu.iota {dimensions = array<i32: 0>} : vector<16xi32>
    %mul3A_33 = arith.constant 4096 : i32
    %mul3A_34 = arith.muli %select_n3A, %mul3A_33 : i32
    %add3A_35 = arith.addi %mul3A_34, %mul3A_32 : i32
    "tpu.region"() ({
      %run_scoped3A = tpu.sem_alloc : memref<!tpu.dma_semaphore, #tpu.memory_space<semaphore_mem>>
      %dma_start3A_2627 = tpu.memref_slice %arg3[%add3A_35] : memref<32768xi32, #tpu.memory_space<hbm>> -> memref<1024xi32, #tpu.memory_space<hbm>>
      %dma_start3A_2628 = tpu.memref_slice %arg3[%add3A_35] : memref<32768xi32, #tpu.memory_space<hbm>> -> memref<1024xi32, #tpu.memory_space<hbm>>
      tpu.enqueue_dma source(%dma_start3A_2628 : memref<1024xi32, #tpu.memory_space<hbm>>) target(%arg6 : memref<1024xi32, #tpu.memory_space<vmem>>) target_semaphore(%run_scoped3A : memref<!tpu.dma_semaphore, #tpu.memory_space<semaphore_mem>>)
      %dma_wait3A_2629 = tpu.memref_slice %arg3[%add3A_35] : memref<32768xi32, #tpu.memory_space<hbm>> -> memref<1024xi32, #tpu.memory_space<hbm>>
      %dma_wait3A_2630 = tpu.memref_slice %arg3[%add3A_35] : memref<32768xi32, #tpu.memory_space<hbm>> -> memref<1024xi32, #tpu.memory_space<hbm>>
      tpu.wait_dma2 semaphore(%run_scoped3A : memref<!tpu.dma_semaphore, #tpu.memory_space<semaphore_mem>>) src(%dma_wait3A_2630 : memref<1024xi32, #tpu.memory_space<hbm>>) dst(%arg6 : memref<1024xi32, #tpu.memory_space<vmem>>)
      tpu.yield
    }) : () -> ()
    %mul3A_36 = arith.constant 4096 : i32
    %mul3A_37 = arith.muli %select_n3A, %mul3A_36 : i32
    %add3A_38 = arith.addi %mul3A_37, %mul3A_32 : i32
    "tpu.region"() ({
      %run_scoped3A = tpu.sem_alloc : memref<!tpu.dma_semaphore, #tpu.memory_space<semaphore_mem>>
      %dma_start3A_2627 = tpu.memref_slice %arg4[%add3A_38] : memref<32768xi32, #tpu.memory_space<hbm>> -> memref<1024xi32, #tpu.memory_space<hbm>>
      %dma_start3A_2628 = tpu.memref_slice %arg4[%add3A_38] : memref<32768xi32, #tpu.memory_space<hbm>> -> memref<1024xi32, #tpu.memory_space<hbm>>
      tpu.enqueue_dma source(%dma_start3A_2628 : memref<1024xi32, #tpu.memory_space<hbm>>) target(%arg7 : memref<1024xi32, #tpu.memory_space<vmem>>) target_semaphore(%run_scoped3A : memref<!tpu.dma_semaphore, #tpu.memory_space<semaphore_mem>>)
      %dma_wait3A_2629 = tpu.memref_slice %arg4[%add3A_38] : memref<32768xi32, #tpu.memory_space<hbm>> -> memref<1024xi32, #tpu.memory_space<hbm>>
      %dma_wait3A_2630 = tpu.memref_slice %arg4[%add3A_38] : memref<32768xi32, #tpu.memory_space<hbm>> -> memref<1024xi32, #tpu.memory_space<hbm>>
      tpu.wait_dma2 semaphore(%run_scoped3A : memref<!tpu.dma_semaphore, #tpu.memory_space<semaphore_mem>>) src(%dma_wait3A_2630 : memref<1024xi32, #tpu.memory_space<hbm>>) dst(%arg7 : memref<1024xi32, #tpu.memory_space<vmem>>)
      tpu.yield
    }) : () -> ()
    %get3A = arith.constant 0 : index
    %get3A_39 = tpu.vector_load %arg6[%get3A] {strides = array<i32>} : memref<1024xi32, #tpu.memory_space<vmem>>, vector<16xi32>,
    %get3A_40 = vector.shape_cast %get3A_39 : vector<16xi32> to vector<16xi32>
    %get3A_41 = arith.constant 0 : index
    %get3A_42 = tpu.vector_load %arg7[%get3A_41] {strides = array<i32>} : memref<1024xi32, #tpu.memory_space<vmem>>, vector<16xi32>,
    %get3A_43 = vector.shape_cast %get3A_42 : vector<16xi32> to vector<16xi32>
    %mul3A_44 = arith.constant 16384 : i32
    %mul3A_45 = vector.broadcast %mul3A_44 : i32 to vector<16xi32>
    %mul3A_46 = arith.muli %get3A_43, %mul3A_45 : vector<16xi32>
    %mul3A_47 = arith.constant 2048 : i32
    %mul3A_48 = arith.muli %select_n3A, %mul3A_47 : i32
    %add3A_49 = vector.broadcast %mul3A_48 : i32 to vector<16xi32>
    %add3A_50 = arith.addi %mul3A_46, %add3A_49 : vector<16xi32>
    %add3A_51 = arith.addi %add3A_50, %get3A_40 : vector<16xi32>
    %swap3A = arith.constant 0 : i32
    %swap3A_52 = arith.index_cast %swap3A : i32 to index
    %swap3A_53 = arith.constant 0 : index
    %swap3A_54 = tpu.vector_load %arg8[%swap3A_52, %swap3A_53] {strides = array<i32>} : memref<8x128xi32, #tpu.memory_space<vmem>>, vector<1x16xi32>,
    %swap3A_55 = vector.shape_cast %swap3A_54 : vector<1x16xi32> to vector<16xi32>
    %swap3A_56 = vector.shape_cast %add3A_51 : vector<16xi32> to vector<1x16xi32>
    tpu.vector_store %arg8[%swap3A_52, %swap3A_53], %swap3A_56 {strides = array<i32>} : memref<8x128xi32, #tpu.memory_space<vmem>>, vector<1x16xi32>,
    %add3A_57 = arith.constant 0 : i32
    %add3A_58 = arith.addi %mul3A_32, %add3A_57 : i32
    %add3A_59 = arith.constant 0 : i32
    %add3A_60 = arith.addi %add3A_58, %add3A_59 : i32
    %add3A_61 = vector.broadcast %add3A_60 : i32 to vector<16xi32>
    %add3A_62 = arith.addi %add3A_61, %iota3A : vector<16xi32>
    %mul3A_63 = arith.constant 8 : i32
    %mul3A_64 = vector.broadcast %mul3A_63 : i32 to vector<16xi32>
    %mul3A_65 = arith.muli %add3A_62, %mul3A_64 : vector<16xi32>
    %add3A_66 = vector.broadcast %select_n3A : i32 to vector<16xi32>
    %add3A_67 = arith.addi %mul3A_65, %add3A_66 : vector<16xi32>
    %swap3A_68 = arith.constant 0 : i32
    %swap3A_69 = arith.index_cast %swap3A_68 : i32 to index
    %swap3A_70 = arith.constant 0 : index
    %swap3A_71 = tpu.vector_load %arg9[%swap3A_69, %swap3A_70] {strides = array<i32>} : memref<8x128xi32, #tpu.memory_space<vmem>>, vector<1x16xi32>,
    %swap3A_72 = vector.shape_cast %swap3A_71 : vector<1x16xi32> to vector<16xi32>
    %swap3A_73 = vector.shape_cast %add3A_67 : vector<16xi32> to vector<1x16xi32>
    tpu.vector_store %arg9[%swap3A_69, %swap3A_70], %swap3A_73 {strides = array<i32>} : memref<8x128xi32, #tpu.memory_space<vmem>>, vector<1x16xi32>,
    %get3A_74 = arith.constant 16 : index
    %get3A_75 = tpu.vector_load %arg6[%get3A_74] {strides = array<i32>} : memref<1024xi32, #tpu.memory_space<vmem>>, vector<16xi32>,
    %get3A_76 = vector.shape_cast %get3A_75 : vector<16xi32> to vector<16xi32>
    %get3A_77 = arith.constant 16 : index
    %get3A_78 = tpu.vector_load %arg7[%get3A_77] {strides = array<i32>} : memref<1024xi32, #tpu.memory_space<vmem>>, vector<16xi32>,
    %get3A_79 = vector.shape_cast %get3A_78 : vector<16xi32> to vector<16xi32>
    %mul3A_80 = arith.constant 16384 : i32
    %mul3A_81 = vector.broadcast %mul3A_80 : i32 to vector<16xi32>
    %mul3A_82 = arith.muli %get3A_79, %mul3A_81 : vector<16xi32>
    %mul3A_83 = arith.constant 2048 : i32
    %mul3A_84 = arith.muli %select_n3A, %mul3A_83 : i32
    %add3A_85 = vector.broadcast %mul3A_84 : i32 to vector<16xi32>
    %add3A_86 = arith.addi %mul3A_82, %add3A_85 : vector<16xi32>
    %add3A_87 = arith.addi %add3A_86, %get3A_76 : vector<16xi32>
    %swap3A_88 = arith.constant 0 : i32
    %swap3A_89 = arith.index_cast %swap3A_88 : i32 to index
    %swap3A_90 = arith.constant 16 : index
    %swap3A_91 = tpu.vector_load %arg8[%swap3A_89, %swap3A_90] {strides = array<i32>} : memref<8x128xi32, #tpu.memory_space<vmem>>, vector<1x16xi32>,
    %swap3A_92 = vector.shape_cast %swap3A_91 : vector<1x16xi32> to vector<16xi32>
    %swap3A_93 = vector.shape_cast %add3A_87 : vector<16xi32> to vector<1x16xi32>
    tpu.vector_store %arg8[%swap3A_89, %swap3A_90], %swap3A_93 {strides = array<i32>} : memref<8x128xi32, #tpu.memory_space<vmem>>, vector<1x16xi32>,
    %add3A_94 = arith.constant 0 : i32
    %add3A_95 = arith.addi %mul3A_32, %add3A_94 : i32
    %add3A_96 = arith.constant 16 : i32
    %add3A_97 = arith.addi %add3A_95, %add3A_96 : i32
    %add3A_98 = vector.broadcast %add3A_97 : i32 to vector<16xi32>
    %add3A_99 = arith.addi %add3A_98, %iota3A : vector<16xi32>
    %mul3A_100 = arith.constant 8 : i32
    %mul3A_101 = vector.broadcast %mul3A_100 : i32 to vector<16xi32>
    %mul3A_102 = arith.muli %add3A_99, %mul3A_101 : vector<16xi32>
    %add3A_103 = vector.broadcast %select_n3A : i32 to vector<16xi32>
    %add3A_104 = arith.addi %mul3A_102, %add3A_103 : vector<16xi32>
    %swap3A_105 = arith.constant 0 : i32
    %swap3A_106 = arith.index_cast %swap3A_105 : i32 to index
    %swap3A_107 = arith.constant 16 : index
    %swap3A_108 = tpu.vector_load %arg9[%swap3A_106, %swap3A_107] {strides = array<i32>} : memref<8x128xi32, #tpu.memory_space<vmem>>, vector<1x16xi32>,
    %swap3A_109 = vector.shape_cast %swap3A_108 : vector<1x16xi32> to vector<16xi32>
    %swap3A_110 = vector.shape_cast %add3A_104 : vector<16xi32> to vector<1x16xi32>
    tpu.vector_store %arg9[%swap3A_106, %swap3A_107], %swap3A_110 {strides = array<i32>} : memref<8x128xi32, #tpu.memory_space<vmem>>, vector<1x16xi32>,
    %get3A_111 = arith.constant 32 : index
    %get3A_112 = tpu.vector_load %arg6[%get3A_111] {strides = array<i32>} : memref<1024xi32, #tpu.memory_space<vmem>>, vector<16xi32>,
    %get3A_113 = vector.shape_cast %get3A_112 : vector<16xi32> to vector<16xi32>
    %get3A_114 = arith.constant 32 : index
    %get3A_115 = tpu.vector_load %arg7[%get3A_114] {strides = array<i32>} : memref<1024xi32, #tpu.memory_space<vmem>>, vector<16xi32>,
    %get3A_116 = vector.shape_cast %get3A_115 : vector<16xi32> to vector<16xi32>
    %mul3A_117 = arith.constant 16384 : i32
    %mul3A_118 = vector.broadcast %mul3A_117 : i32 to vector<16xi32>
    %mul3A_119 = arith.muli %get3A_116, %mul3A_118 : vector<16xi32>
    %mul3A_120 = arith.constant 2048 : i32
    %mul3A_121 = arith.muli %select_n3A, %mul3A_120 : i32
    %add3A_122 = vector.broadcast %mul3A_121 : i32 to vector<16xi32>
    %add3A_123 = arith.addi %mul3A_119, %add3A_122 : vector<16xi32>
    %add3A_124 = arith.addi %add3A_123, %get3A_113 : vector<16xi32>
    %swap3A_125 = arith.constant 0 : i32
    %swap3A_126 = arith.index_cast %swap3A_125 : i32 to index
    %swap3A_127 = arith.constant 32 : index
    %swap3A_128 = tpu.vector_load %arg8[%swap3A_126, %swap3A_127] {strides = array<i32>} : memref<8x128xi32, #tpu.memory_space<vmem>>, vector<1x16xi32>,
    %swap3A_129 = vector.shape_cast %swap3A_128 : vector<1x16xi32> to vector<16xi32>
    %swap3A_130 = vector.shape_cast %add3A_124 : vector<16xi32> to vector<1x16xi32>
    tpu.vector_store %arg8[%swap3A_126, %swap3A_127], %swap3A_130 {strides = array<i32>} : memref<8x128xi32, #tpu.memory_space<vmem>>, vector<1x16xi32>,
    %add3A_131 = arith.constant 0 : i32
    %add3A_132 = arith.addi %mul3A_32, %add3A_131 : i32
    %add3A_133 = arith.constant 32 : i32
    %add3A_134 = arith.addi %add3A_132, %add3A_133 : i32
    %add3A_135 = vector.broadcast %add3A_134 : i32 to vector<16xi32>
    %add3A_136 = arith.addi %add3A_135, %iota3A : vector<16xi32>
    %mul3A_137 = arith.constant 8 : i32
    %mul3A_138 = vector.broadcast %mul3A_137 : i32 to vector<16xi32>
    %mul3A_139 = arith.muli %add3A_136, %mul3A_138 : vector<16xi32>
    %add3A_140 = vector.broadcast %select_n3A : i32 to vector<16xi32>
    %add3A_141 = arith.addi %mul3A_139, %add3A_140 : vector<16xi32>
    %swap3A_142 = arith.constant 0 : i32
    %swap3A_143 = arith.index_cast %swap3A_142 : i32 to index
    %swap3A_144 = arith.constant 32 : index
    %swap3A_145 = tpu.vector_load %arg9[%swap3A_143, %swap3A_144] {strides = array<i32>} : memref<8x128xi32, #tpu.memory_space<vmem>>, vector<1x16xi32>,
    %swap3A_146 = vector.shape_cast %swap3A_145 : vector<1x16xi32> to vector<16xi32>
    %swap3A_147 = vector.shape_cast %add3A_141 : vector<16xi32> to vector<1x16xi32>
    tpu.vector_store %arg9[%swap3A_143, %swap3A_144], %swap3A_147 {strides = array<i32>} : memref<8x128xi32, #tpu.memory_space<vmem>>, vector<1x16xi32>,
    %get3A_148 = arith.constant 48 : index
    %get3A_149 = tpu.vector_load %arg6[%get3A_148] {strides = array<i32>} : memref<1024xi32, #tpu.memory_space<vmem>>, vector<16xi32>,
    %get3A_150 = vector.shape_cast %get3A_149 : vector<16xi32> to vector<16xi32>
    %get3A_151 = arith.constant 48 : index
    %get3A_152 = tpu.vector_load %arg7[%get3A_151] {strides = array<i32>} : memref<1024xi32, #tpu.memory_space<vmem>>, vector<16xi32>,
    %get3A_153 = vector.shape_cast %get3A_152 : vector<16xi32> to vector<16xi32>
    %mul3A_154 = arith.constant 16384 : i32
    %mul3A_155 = vector.broadcast %mul3A_154 : i32 to vector<16xi32>
    %mul3A_156 = arith.muli %get3A_153, %mul3A_155 : vector<16xi32>
    %mul3A_157 = arith.constant 2048 : i32
    %mul3A_158 = arith.muli %select_n3A, %mul3A_157 : i32
    %add3A_159 = vector.broadcast %mul3A_158 : i32 to vector<16xi32>
    %add3A_160 = arith.addi %mul3A_156, %add3A_159 : vector<16xi32>
    %add3A_161 = arith.addi %add3A_160, %get3A_150 : vector<16xi32>
    %swap3A_162 = arith.constant 0 : i32
    %swap3A_163 = arith.index_cast %swap3A_162 : i32 to index
    %swap3A_164 = arith.constant 48 : index
    %swap3A_165 = tpu.vector_load %arg8[%swap3A_163, %swap3A_164] {strides = array<i32>} : memref<8x128xi32, #tpu.memory_space<vmem>>, vector<1x16xi32>,
    %swap3A_166 = vector.shape_cast %swap3A_165 : vector<1x16xi32> to vector<16xi32>
    %swap3A_167 = vector.shape_cast %add3A_161 : vector<16xi32> to vector<1x16xi32>
    tpu.vector_store %arg8[%swap3A_163, %swap3A_164], %swap3A_167 {strides = array<i32>} : memref<8x128xi32, #tpu.memory_space<vmem>>, vector<1x16xi32>,
    %add3A_168 = arith.constant 0 : i32
    %add3A_169 = arith.addi %mul3A_32, %add3A_168 : i32
    %add3A_170 = arith.constant 48 : i32
    %add3A_171 = arith.addi %add3A_169, %add3A_170 : i32
    %add3A_172 = vector.broadcast %add3A_171 : i32 to vector<16xi32>
    %add3A_173 = arith.addi %add3A_172, %iota3A : vector<16xi32>
    %mul3A_174 = arith.constant 8 : i32
    %mul3A_175 = vector.broadcast %mul3A_174 : i32 to vector<16xi32>
    %mul3A_176 = arith.muli %add3A_173, %mul3A_175 : vector<16xi32>
    %add3A_177 = vector.broadcast %select_n3A : i32 to vector<16xi32>
    %add3A_178 = arith.addi %mul3A_176, %add3A_177 : vector<16xi32>
    %swap3A_179 = arith.constant 0 : i32
    %swap3A_180 = arith.index_cast %swap3A_179 : i32 to index
    %swap3A_181 = arith.constant 48 : index
    %swap3A_182 = tpu.vector_load %arg9[%swap3A_180, %swap3A_181] {strides = array<i32>} : memref<8x128xi32, #tpu.memory_space<vmem>>, vector<1x16xi32>,
    %swap3A_183 = vector.shape_cast %swap3A_182 : vector<1x16xi32> to vector<16xi32>
    %swap3A_184 = vector.shape_cast %add3A_178 : vector<16xi32> to vector<1x16xi32>
    tpu.vector_store %arg9[%swap3A_180, %swap3A_181], %swap3A_184 {strides = array<i32>} : memref<8x128xi32, #tpu.memory_space<vmem>>, vector<1x16xi32>,
    %get3A_185 = arith.constant 64 : index
    %get3A_186 = tpu.vector_load %arg6[%get3A_185] {strides = array<i32>} : memref<1024xi32, #tpu.memory_space<vmem>>, vector<16xi32>,
    %get3A_187 = vector.shape_cast %get3A_186 : vector<16xi32> to vector<16xi32>
    %get3A_188 = arith.constant 64 : index
    %get3A_189 = tpu.vector_load %arg7[%get3A_188] {strides = array<i32>} : memref<1024xi32, #tpu.memory_space<vmem>>, vector<16xi32>,
    %get3A_190 = vector.shape_cast %get3A_189 : vector<16xi32> to vector<16xi32>
    %mul3A_191 = arith.constant 16384 : i32
    %mul3A_192 = vector.broadcast %mul3A_191 : i32 to vector<16xi32>
    %mul3A_193 = arith.muli %get3A_190, %mul3A_192 : vector<16xi32>
    %mul3A_194 = arith.constant 2048 : i32
    %mul3A_195 = arith.muli %select_n3A, %mul3A_194 : i32
    %add3A_196 = vector.broadcast %mul3A_195 : i32 to vector<16xi32>
    %add3A_197 = arith.addi %mul3A_193, %add3A_196 : vector<16xi32>
    %add3A_198 = arith.addi %add3A_197, %get3A_187 : vector<16xi32>
    %swap3A_199 = arith.constant 0 : i32
    %swap3A_200 = arith.index_cast %swap3A_199 : i32 to index
    %swap3A_201 = arith.constant 64 : index
    %swap3A_202 = tpu.vector_load %arg8[%swap3A_200, %swap3A_201] {strides = array<i32>} : memref<8x128xi32, #tpu.memory_space<vmem>>, vector<1x16xi32>,
    %swap3A_203 = vector.shape_cast %swap3A_202 : vector<1x16xi32> to vector<16xi32>
    %swap3A_204 = vector.shape_cast %add3A_198 : vector<16xi32> to vector<1x16xi32>
    tpu.vector_store %arg8[%swap3A_200, %swap3A_201], %swap3A_204 {strides = array<i32>} : memref<8x128xi32, #tpu.memory_space<vmem>>, vector<1x16xi32>,
    %add3A_205 = arith.constant 0 : i32
    %add3A_206 = arith.addi %mul3A_32, %add3A_205 : i32
    %add3A_207 = arith.constant 64 : i32
    %add3A_208 = arith.addi %add3A_206, %add3A_207 : i32
    %add3A_209 = vector.broadcast %add3A_208 : i32 to vector<16xi32>
    %add3A_210 = arith.addi %add3A_209, %iota3A : vector<16xi32>
    %mul3A_211 = arith.constant 8 : i32
    %mul3A_212 = vector.broadcast %mul3A_211 : i32 to vector<16xi32>
    %mul3A_213 = arith.muli %add3A_210, %mul3A_212 : vector<16xi32>
    %add3A_214 = vector.broadcast %select_n3A : i32 to vector<16xi32>
    %add3A_215 = arith.addi %mul3A_213, %add3A_214 : vector<16xi32>
    %swap3A_216 = arith.constant 0 : i32
    %swap3A_217 = arith.index_cast %swap3A_216 : i32 to index
    %swap3A_218 = arith.constant 64 : index
    %swap3A_219 = tpu.vector_load %arg9[%swap3A_217, %swap3A_218] {strides = array<i32>} : memref<8x128xi32, #tpu.memory_space<vmem>>, vector<1x16xi32>,
    %swap3A_220 = vector.shape_cast %swap3A_219 : vector<1x16xi32> to vector<16xi32>
    %swap3A_221 = vector.shape_cast %add3A_215 : vector<16xi32> to vector<1x16xi32>
    tpu.vector_store %arg9[%swap3A_217, %swap3A_218], %swap3A_221 {strides = array<i32>} : memref<8x128xi32, #tpu.memory_space<vmem>>, vector<1x16xi32>,
    %get3A_222 = arith.constant 80 : index
    %get3A_223 = tpu.vector_load %arg6[%get3A_222] {strides = array<i32>} : memref<1024xi32, #tpu.memory_space<vmem>>, vector<16xi32>,
    %get3A_224 = vector.shape_cast %get3A_223 : vector<16xi32> to vector<16xi32>
    %get3A_225 = arith.constant 80 : index
    %get3A_226 = tpu.vector_load %arg7[%get3A_225] {strides = array<i32>} : memref<1024xi32, #tpu.memory_space<vmem>>, vector<16xi32>,
    %get3A_227 = vector.shape_cast %get3A_226 : vector<16xi32> to vector<16xi32>
    %mul3A_228 = arith.constant 16384 : i32
    %mul3A_229 = vector.broadcast %mul3A_228 : i32 to vector<16xi32>
    %mul3A_230 = arith.muli %get3A_227, %mul3A_229 : vector<16xi32>
    %mul3A_231 = arith.constant 2048 : i32
    %mul3A_232 = arith.muli %select_n3A, %mul3A_231 : i32
    %add3A_233 = vector.broadcast %mul3A_232 : i32 to vector<16xi32>
    %add3A_234 = arith.addi %mul3A_230, %add3A_233 : vector<16xi32>
    %add3A_235 = arith.addi %add3A_234, %get3A_224 : vector<16xi32>
    %swap3A_236 = arith.constant 0 : i32
    %swap3A_237 = arith.index_cast %swap3A_236 : i32 to index
    %swap3A_238 = arith.constant 80 : index
    %swap3A_239 = tpu.vector_load %arg8[%swap3A_237, %swap3A_238] {strides = array<i32>} : memref<8x128xi32, #tpu.memory_space<vmem>>, vector<1x16xi32>,
    %swap3A_240 = vector.shape_cast %swap3A_239 : vector<1x16xi32> to vector<16xi32>
    %swap3A_241 = vector.shape_cast %add3A_235 : vector<16xi32> to vector<1x16xi32>
    tpu.vector_store %arg8[%swap3A_237, %swap3A_238], %swap3A_241 {strides = array<i32>} : memref<8x128xi32, #tpu.memory_space<vmem>>, vector<1x16xi32>,
    %add3A_242 = arith.constant 0 : i32
    %add3A_243 = arith.addi %mul3A_32, %add3A_242 : i32
    %add3A_244 = arith.constant 80 : i32
    %add3A_245 = arith.addi %add3A_243, %add3A_244 : i32
    %add3A_246 = vector.broadcast %add3A_245 : i32 to vector<16xi32>
    %add3A_247 = arith.addi %add3A_246, %iota3A : vector<16xi32>
    %mul3A_248 = arith.constant 8 : i32
    %mul3A_249 = vector.broadcast %mul3A_248 : i32 to vector<16xi32>
    %mul3A_250 = arith.muli %add3A_247, %mul3A_249 : vector<16xi32>
    %add3A_251 = vector.broadcast %select_n3A : i32 to vector<16xi32>
    %add3A_252 = arith.addi %mul3A_250, %add3A_251 : vector<16xi32>
    %swap3A_253 = arith.constant 0 : i32
    %swap3A_254 = arith.index_cast %swap3A_253 : i32 to index
    %swap3A_255 = arith.constant 80 : index
    %swap3A_256 = tpu.vector_load %arg9[%swap3A_254, %swap3A_255] {strides = array<i32>} : memref<8x128xi32, #tpu.memory_space<vmem>>, vector<1x16xi32>,
    %swap3A_257 = vector.shape_cast %swap3A_256 : vector<1x16xi32> to vector<16xi32>
    %swap3A_258 = vector.shape_cast %add3A_252 : vector<16xi32> to vector<1x16xi32>
    tpu.vector_store %arg9[%swap3A_254, %swap3A_255], %swap3A_258 {strides = array<i32>} : memref<8x128xi32, #tpu.memory_space<vmem>>, vector<1x16xi32>,
    %get3A_259 = arith.constant 96 : index
    %get3A_260 = tpu.vector_load %arg6[%get3A_259] {strides = array<i32>} : memref<1024xi32, #tpu.memory_space<vmem>>, vector<16xi32>,
    %get3A_261 = vector.shape_cast %get3A_260 : vector<16xi32> to vector<16xi32>
    %get3A_262 = arith.constant 96 : index
    %get3A_263 = tpu.vector_load %arg7[%get3A_262] {strides = array<i32>} : memref<1024xi32, #tpu.memory_space<vmem>>, vector<16xi32>,
    %get3A_264 = vector.shape_cast %get3A_263 : vector<16xi32> to vector<16xi32>
    %mul3A_265 = arith.constant 16384 : i32
    %mul3A_266 = vector.broadcast %mul3A_265 : i32 to vector<16xi32>
    %mul3A_267 = arith.muli %get3A_264, %mul3A_266 : vector<16xi32>
    %mul3A_268 = arith.constant 2048 : i32
    %mul3A_269 = arith.muli %select_n3A, %mul3A_268 : i32
    %add3A_270 = vector.broadcast %mul3A_269 : i32 to vector<16xi32>
    %add3A_271 = arith.addi %mul3A_267, %add3A_270 : vector<16xi32>
    %add3A_272 = arith.addi %add3A_271, %get3A_261 : vector<16xi32>
    %swap3A_273 = arith.constant 0 : i32
    %swap3A_274 = arith.index_cast %swap3A_273 : i32 to index
    %swap3A_275 = arith.constant 96 : index
    %swap3A_276 = tpu.vector_load %arg8[%swap3A_274, %swap3A_275] {strides = array<i32>} : memref<8x128xi32, #tpu.memory_space<vmem>>, vector<1x16xi32>,
    %swap3A_277 = vector.shape_cast %swap3A_276 : vector<1x16xi32> to vector<16xi32>
    %swap3A_278 = vector.shape_cast %add3A_272 : vector<16xi32> to vector<1x16xi32>
    tpu.vector_store %arg8[%swap3A_274, %swap3A_275], %swap3A_278 {strides = array<i32>} : memref<8x128xi32, #tpu.memory_space<vmem>>, vector<1x16xi32>,
    %add3A_279 = arith.constant 0 : i32
    %add3A_280 = arith.addi %mul3A_32, %add3A_279 : i32
    %add3A_281 = arith.constant 96 : i32
    %add3A_282 = arith.addi %add3A_280, %add3A_281 : i32
    %add3A_283 = vector.broadcast %add3A_282 : i32 to vector<16xi32>
    %add3A_284 = arith.addi %add3A_283, %iota3A : vector<16xi32>
    %mul3A_285 = arith.constant 8 : i32
    %mul3A_286 = vector.broadcast %mul3A_285 : i32 to vector<16xi32>
    %mul3A_287 = arith.muli %add3A_284, %mul3A_286 : vector<16xi32>
    %add3A_288 = vector.broadcast %select_n3A : i32 to vector<16xi32>
    %add3A_289 = arith.addi %mul3A_287, %add3A_288 : vector<16xi32>
    %swap3A_290 = arith.constant 0 : i32
    %swap3A_291 = arith.index_cast %swap3A_290 : i32 to index
    %swap3A_292 = arith.constant 96 : index
    %swap3A_293 = tpu.vector_load %arg9[%swap3A_291, %swap3A_292] {strides = array<i32>} : memref<8x128xi32, #tpu.memory_space<vmem>>, vector<1x16xi32>,
    %swap3A_294 = vector.shape_cast %swap3A_293 : vector<1x16xi32> to vector<16xi32>
    %swap3A_295 = vector.shape_cast %add3A_289 : vector<16xi32> to vector<1x16xi32>
    tpu.vector_store %arg9[%swap3A_291, %swap3A_292], %swap3A_295 {strides = array<i32>} : memref<8x128xi32, #tpu.memory_space<vmem>>, vector<1x16xi32>,
    %get3A_296 = arith.constant 112 : index
    %get3A_297 = tpu.vector_load %arg6[%get3A_296] {strides = array<i32>} : memref<1024xi32, #tpu.memory_space<vmem>>, vector<16xi32>,
    %get3A_298 = vector.shape_cast %get3A_297 : vector<16xi32> to vector<16xi32>
    %get3A_299 = arith.constant 112 : index
    %get3A_300 = tpu.vector_load %arg7[%get3A_299] {strides = array<i32>} : memref<1024xi32, #tpu.memory_space<vmem>>, vector<16xi32>,
    %get3A_301 = vector.shape_cast %get3A_300 : vector<16xi32> to vector<16xi32>
    %mul3A_302 = arith.constant 16384 : i32
    %mul3A_303 = vector.broadcast %mul3A_302 : i32 to vector<16xi32>
    %mul3A_304 = arith.muli %get3A_301, %mul3A_303 : vector<16xi32>
    %mul3A_305 = arith.constant 2048 : i32
    %mul3A_306 = arith.muli %select_n3A, %mul3A_305 : i32
    %add3A_307 = vector.broadcast %mul3A_306 : i32 to vector<16xi32>
    %add3A_308 = arith.addi %mul3A_304, %add3A_307 : vector<16xi32>
    %add3A_309 = arith.addi %add3A_308, %get3A_298 : vector<16xi32>
    %swap3A_310 = arith.constant 0 : i32
    %swap3A_311 = arith.index_cast %swap3A_310 : i32 to index
    %swap3A_312 = arith.constant 112 : index
    %swap3A_313 = tpu.vector_load %arg8[%swap3A_311, %swap3A_312] {strides = array<i32>} : memref<8x128xi32, #tpu.memory_space<vmem>>, vector<1x16xi32>,
    %swap3A_314 = vector.shape_cast %swap3A_313 : vector<1x16xi32> to vector<16xi32>
    %swap3A_315 = vector.shape_cast %add3A_309 : vector<16xi32> to vector<1x16xi32>
    tpu.vector_store %arg8[%swap3A_311, %swap3A_312], %swap3A_315 {strides = array<i32>} : memref<8x128xi32, #tpu.memory_space<vmem>>, vector<1x16xi32>,
    %add3A_316 = arith.constant 0 : i32
    %add3A_317 = arith.addi %mul3A_32, %add3A_316 : i32
    %add3A_318 = arith.constant 112 : i32
    %add3A_319 = arith.addi %add3A_317, %add3A_318 : i32
    %add3A_320 = vector.broadcast %add3A_319 : i32 to vector<16xi32>
    %add3A_321 = arith.addi %add3A_320, %iota3A : vector<16xi32>
    %mul3A_322 = arith.constant 8 : i32
    %mul3A_323 = vector.broadcast %mul3A_322 : i32 to vector<16xi32>
    %mul3A_324 = arith.muli %add3A_321, %mul3A_323 : vector<16xi32>
    %add3A_325 = vector.broadcast %select_n3A : i32 to vector<16xi32>
    %add3A_326 = arith.addi %mul3A_324, %add3A_325 : vector<16xi32>
    %swap3A_327 = arith.constant 0 : i32
    %swap3A_328 = arith.index_cast %swap3A_327 : i32 to index
    %swap3A_329 = arith.constant 112 : index
    %swap3A_330 = tpu.vector_load %arg9[%swap3A_328, %swap3A_329] {strides = array<i32>} : memref<8x128xi32, #tpu.memory_space<vmem>>, vector<1x16xi32>,
    %swap3A_331 = vector.shape_cast %swap3A_330 : vector<1x16xi32> to vector<16xi32>
    %swap3A_332 = vector.shape_cast %add3A_326 : vector<16xi32> to vector<1x16xi32>
    tpu.vector_store %arg9[%swap3A_328, %swap3A_329], %swap3A_332 {strides = array<i32>} : memref<8x128xi32, #tpu.memory_space<vmem>>, vector<1x16xi32>,
    %get3A_333 = arith.constant 128 : index
    %get3A_334 = tpu.vector_load %arg6[%get3A_333] {strides = array<i32>} : memref<1024xi32, #tpu.memory_space<vmem>>, vector<16xi32>,
    %get3A_335 = vector.shape_cast %get3A_334 : vector<16xi32> to vector<16xi32>
    %get3A_336 = arith.constant 128 : index
    %get3A_337 = tpu.vector_load %arg7[%get3A_336] {strides = array<i32>} : memref<1024xi32, #tpu.memory_space<vmem>>, vector<16xi32>,
    %get3A_338 = vector.shape_cast %get3A_337 : vector<16xi32> to vector<16xi32>
    %mul3A_339 = arith.constant 16384 : i32
    %mul3A_340 = vector.broadcast %mul3A_339 : i32 to vector<16xi32>
    %mul3A_341 = arith.muli %get3A_338, %mul3A_340 : vector<16xi32>
    %mul3A_342 = arith.constant 2048 : i32
    %mul3A_343 = arith.muli %select_n3A, %mul3A_342 : i32
    %add3A_344 = vector.broadcast %mul3A_343 : i32 to vector<16xi32>
    %add3A_345 = arith.addi %mul3A_341, %add3A_344 : vector<16xi32>
    %add3A_346 = arith.addi %add3A_345, %get3A_335 : vector<16xi32>
    %swap3A_347 = arith.constant 1 : i32
    %swap3A_348 = arith.index_cast %swap3A_347 : i32 to index
    %swap3A_349 = arith.constant 0 : index
    %swap3A_350 = tpu.vector_load %arg8[%swap3A_348, %swap3A_349] {strides = array<i32>} : memref<8x128xi32, #tpu.memory_space<vmem>>, vector<1x16xi32>,
    %swap3A_351 = vector.shape_cast %swap3A_350 : vector<1x16xi32> to vector<16xi32>
    %swap3A_352 = vector.shape_cast %add3A_346 : vector<16xi32> to vector<1x16xi32>
    tpu.vector_store %arg8[%swap3A_348, %swap3A_349], %swap3A_352 {strides = array<i32>} : memref<8x128xi32, #tpu.memory_space<vmem>>, vector<1x16xi32>,
    %add3A_353 = arith.constant 128 : i32
    %add3A_354 = arith.addi %mul3A_32, %add3A_353 : i32
    %add3A_355 = arith.constant 0 : i32
    %add3A_356 = arith.addi %add3A_354, %add3A_355 : i32
    %add3A_357 = vector.broadcast %add3A_356 : i32 to vector<16xi32>
    %add3A_358 = arith.addi %add3A_357, %iota3A : vector<16xi32>
    %mul3A_359 = arith.constant 8 : i32
    %mul3A_360 = vector.broadcast %mul3A_359 : i32 to vector<16xi32>
    %mul3A_361 = arith.muli %add3A_358, %mul3A_360 : vector<16xi32>
    %add3A_362 = vector.broadcast %select_n3A : i32 to vector<16xi32>
    %add3A_363 = arith.addi %mul3A_361, %add3A_362 : vector<16xi32>
    %swap3A_364 = arith.constant 1 : i32
    %swap3A_365 = arith.index_cast %swap3A_364 : i32 to index
    %swap3A_366 = arith.constant 0 : index
    %swap3A_367 = tpu.vector_load %arg9[%swap3A_365, %swap3A_366] {strides = array<i32>} : memref<8x128xi32, #tpu.memory_space<vmem>>, vector<1x16xi32>,
    %swap3A_368 = vector.shape_cast %swap3A_367 : vector<1x16xi32> to vector<16xi32>
    %swap3A_369 = vector.shape_cast %add3A_363 : vector<16xi32> to vector<1x16xi32>
    tpu.vector_store %arg9[%swap3A_365, %swap3A_366], %swap3A_369 {strides = array<i32>} : memref<8x128xi32, #tpu.memory_space<vmem>>, vector<1x16xi32>,
    %get3A_370 = arith.constant 144 : index
    %get3A_371 = tpu.vector_load %arg6[%get3A_370] {strides = array<i32>} : memref<1024xi32, #tpu.memory_space<vmem>>, vector<16xi32>,
    %get3A_372 = vector.shape_cast %get3A_371 : vector<16xi32> to vector<16xi32>
    %get3A_373 = arith.constant 144 : index
    %get3A_374 = tpu.vector_load %arg7[%get3A_373] {strides = array<i32>} : memref<1024xi32, #tpu.memory_space<vmem>>, vector<16xi32>,
    %get3A_375 = vector.shape_cast %get3A_374 : vector<16xi32> to vector<16xi32>
    %mul3A_376 = arith.constant 16384 : i32
    %mul3A_377 = vector.broadcast %mul3A_376 : i32 to vector<16xi32>
    %mul3A_378 = arith.muli %get3A_375, %mul3A_377 : vector<16xi32>
    %mul3A_379 = arith.constant 2048 : i32
    %mul3A_380 = arith.muli %select_n3A, %mul3A_379 : i32
    %add3A_381 = vector.broadcast %mul3A_380 : i32 to vector<16xi32>
    %add3A_382 = arith.addi %mul3A_378, %add3A_381 : vector<16xi32>
    %add3A_383 = arith.addi %add3A_382, %get3A_372 : vector<16xi32>
    %swap3A_384 = arith.constant 1 : i32
    %swap3A_385 = arith.index_cast %swap3A_384 : i32 to index
    %swap3A_386 = arith.constant 16 : index
    %swap3A_387 = tpu.vector_load %arg8[%swap3A_385, %swap3A_386] {strides = array<i32>} : memref<8x128xi32, #tpu.memory_space<vmem>>, vector<1x16xi32>,
    %swap3A_388 = vector.shape_cast %swap3A_387 : vector<1x16xi32> to vector<16xi32>
    %swap3A_389 = vector.shape_cast %add3A_383 : vector<16xi32> to vector<1x16xi32>
    tpu.vector_store %arg8[%swap3A_385, %swap3A_386], %swap3A_389 {strides = array<i32>} : memref<8x128xi32, #tpu.memory_space<vmem>>, vector<1x16xi32>,
    %add3A_390 = arith.constant 128 : i32
    %add3A_391 = arith.addi %mul3A_32, %add3A_390 : i32
    %add3A_392 = arith.constant 16 : i32
    %add3A_393 = arith.addi %add3A_391, %add3A_392 : i32
    %add3A_394 = vector.broadcast %add3A_393 : i32 to vector<16xi32>
    %add3A_395 = arith.addi %add3A_394, %iota3A : vector<16xi32>
    %mul3A_396 = arith.constant 8 : i32
    %mul3A_397 = vector.broadcast %mul3A_396 : i32 to vector<16xi32>
    %mul3A_398 = arith.muli %add3A_395, %mul3A_397 : vector<16xi32>
    %add3A_399 = vector.broadcast %select_n3A : i32 to vector<16xi32>
    %add3A_400 = arith.addi %mul3A_398, %add3A_399 : vector<16xi32>
    %swap3A_401 = arith.constant 1 : i32
    %swap3A_402 = arith.index_cast %swap3A_401 : i32 to index
    %swap3A_403 = arith.constant 16 : index
    %swap3A_404 = tpu.vector_load %arg9[%swap3A_402, %swap3A_403] {strides = array<i32>} : memref<8x128xi32, #tpu.memory_space<vmem>>, vector<1x16xi32>,
    %swap3A_405 = vector.shape_cast %swap3A_404 : vector<1x16xi32> to vector<16xi32>
    %swap3A_406 = vector.shape_cast %add3A_400 : vector<16xi32> to vector<1x16xi32>
    tpu.vector_store %arg9[%swap3A_402, %swap3A_403], %swap3A_406 {strides = array<i32>} : memref<8x128xi32, #tpu.memory_space<vmem>>, vector<1x16xi32>,
    %get3A_407 = arith.constant 160 : index
    %get3A_408 = tpu.vector_load %arg6[%get3A_407] {strides = array<i32>} : memref<1024xi32, #tpu.memory_space<vmem>>, vector<16xi32>,
    %get3A_409 = vector.shape_cast %get3A_408 : vector<16xi32> to vector<16xi32>
    %get3A_410 = arith.constant 160 : index
    %get3A_411 = tpu.vector_load %arg7[%get3A_410] {strides = array<i32>} : memref<1024xi32, #tpu.memory_space<vmem>>, vector<16xi32>,
    %get3A_412 = vector.shape_cast %get3A_411 : vector<16xi32> to vector<16xi32>
    %mul3A_413 = arith.constant 16384 : i32
    %mul3A_414 = vector.broadcast %mul3A_413 : i32 to vector<16xi32>
    %mul3A_415 = arith.muli %get3A_412, %mul3A_414 : vector<16xi32>
    %mul3A_416 = arith.constant 2048 : i32
    %mul3A_417 = arith.muli %select_n3A, %mul3A_416 : i32
    %add3A_418 = vector.broadcast %mul3A_417 : i32 to vector<16xi32>
    %add3A_419 = arith.addi %mul3A_415, %add3A_418 : vector<16xi32>
    %add3A_420 = arith.addi %add3A_419, %get3A_409 : vector<16xi32>
    %swap3A_421 = arith.constant 1 : i32
    %swap3A_422 = arith.index_cast %swap3A_421 : i32 to index
    %swap3A_423 = arith.constant 32 : index
    %swap3A_424 = tpu.vector_load %arg8[%swap3A_422, %swap3A_423] {strides = array<i32>} : memref<8x128xi32, #tpu.memory_space<vmem>>, vector<1x16xi32>,
    %swap3A_425 = vector.shape_cast %swap3A_424 : vector<1x16xi32> to vector<16xi32>
    %swap3A_426 = vector.shape_cast %add3A_420 : vector<16xi32> to vector<1x16xi32>
    tpu.vector_store %arg8[%swap3A_422, %swap3A_423], %swap3A_426 {strides = array<i32>} : memref<8x128xi32, #tpu.memory_space<vmem>>, vector<1x16xi32>,
    %add3A_427 = arith.constant 128 : i32
    %add3A_428 = arith.addi %mul3A_32, %add3A_427 : i32
    %add3A_429 = arith.constant 32 : i32
    %add3A_430 = arith.addi %add3A_428, %add3A_429 : i32
    %add3A_431 = vector.broadcast %add3A_430 : i32 to vector<16xi32>
    %add3A_432 = arith.addi %add3A_431, %iota3A : vector<16xi32>
    %mul3A_433 = arith.constant 8 : i32
    %mul3A_434 = vector.broadcast %mul3A_433 : i32 to vector<16xi32>
    %mul3A_435 = arith.muli %add3A_432, %mul3A_434 : vector<16xi32>
    %add3A_436 = vector.broadcast %select_n3A : i32 to vector<16xi32>
    %add3A_437 = arith.addi %mul3A_435, %add3A_436 : vector<16xi32>
    %swap3A_438 = arith.constant 1 : i32
    %swap3A_439 = arith.index_cast %swap3A_438 : i32 to index
    %swap3A_440 = arith.constant 32 : index
    %swap3A_441 = tpu.vector_load %arg9[%swap3A_439, %swap3A_440] {strides = array<i32>} : memref<8x128xi32, #tpu.memory_space<vmem>>, vector<1x16xi32>,
    %swap3A_442 = vector.shape_cast %swap3A_441 : vector<1x16xi32> to vector<16xi32>
    %swap3A_443 = vector.shape_cast %add3A_437 : vector<16xi32> to vector<1x16xi32>
    tpu.vector_store %arg9[%swap3A_439, %swap3A_440], %swap3A_443 {strides = array<i32>} : memref<8x128xi32, #tpu.memory_space<vmem>>, vector<1x16xi32>,
    %get3A_444 = arith.constant 176 : index
    %get3A_445 = tpu.vector_load %arg6[%get3A_444] {strides = array<i32>} : memref<1024xi32, #tpu.memory_space<vmem>>, vector<16xi32>,
    %get3A_446 = vector.shape_cast %get3A_445 : vector<16xi32> to vector<16xi32>
    %get3A_447 = arith.constant 176 : index
    %get3A_448 = tpu.vector_load %arg7[%get3A_447] {strides = array<i32>} : memref<1024xi32, #tpu.memory_space<vmem>>, vector<16xi32>,
    %get3A_449 = vector.shape_cast %get3A_448 : vector<16xi32> to vector<16xi32>
    %mul3A_450 = arith.constant 16384 : i32
    %mul3A_451 = vector.broadcast %mul3A_450 : i32 to vector<16xi32>
    %mul3A_452 = arith.muli %get3A_449, %mul3A_451 : vector<16xi32>
    %mul3A_453 = arith.constant 2048 : i32
    %mul3A_454 = arith.muli %select_n3A, %mul3A_453 : i32
    %add3A_455 = vector.broadcast %mul3A_454 : i32 to vector<16xi32>
    %add3A_456 = arith.addi %mul3A_452, %add3A_455 : vector<16xi32>
    %add3A_457 = arith.addi %add3A_456, %get3A_446 : vector<16xi32>
    %swap3A_458 = arith.constant 1 : i32
    %swap3A_459 = arith.index_cast %swap3A_458 : i32 to index
    %swap3A_460 = arith.constant 48 : index
    %swap3A_461 = tpu.vector_load %arg8[%swap3A_459, %swap3A_460] {strides = array<i32>} : memref<8x128xi32, #tpu.memory_space<vmem>>, vector<1x16xi32>,
    %swap3A_462 = vector.shape_cast %swap3A_461 : vector<1x16xi32> to vector<16xi32>
    %swap3A_463 = vector.shape_cast %add3A_457 : vector<16xi32> to vector<1x16xi32>
    tpu.vector_store %arg8[%swap3A_459, %swap3A_460], %swap3A_463 {strides = array<i32>} : memref<8x128xi32, #tpu.memory_space<vmem>>, vector<1x16xi32>,
    %add3A_464 = arith.constant 128 : i32
    %add3A_465 = arith.addi %mul3A_32, %add3A_464 : i32
    %add3A_466 = arith.constant 48 : i32
    %add3A_467 = arith.addi %add3A_465, %add3A_466 : i32
    %add3A_468 = vector.broadcast %add3A_467 : i32 to vector<16xi32>
    %add3A_469 = arith.addi %add3A_468, %iota3A : vector<16xi32>
    %mul3A_470 = arith.constant 8 : i32
    %mul3A_471 = vector.broadcast %mul3A_470 : i32 to vector<16xi32>
    %mul3A_472 = arith.muli %add3A_469, %mul3A_471 : vector<16xi32>
    %add3A_473 = vector.broadcast %select_n3A : i32 to vector<16xi32>
    %add3A_474 = arith.addi %mul3A_472, %add3A_473 : vector<16xi32>
    %swap3A_475 = arith.constant 1 : i32
    %swap3A_476 = arith.index_cast %swap3A_475 : i32 to index
    %swap3A_477 = arith.constant 48 : index
    %swap3A_478 = tpu.vector_load %arg9[%swap3A_476, %swap3A_477] {strides = array<i32>} : memref<8x128xi32, #tpu.memory_space<vmem>>, vector<1x16xi32>,
    %swap3A_479 = vector.shape_cast %swap3A_478 : vector<1x16xi32> to vector<16xi32>
    %swap3A_480 = vector.shape_cast %add3A_474 : vector<16xi32> to vector<1x16xi32>
    tpu.vector_store %arg9[%swap3A_476, %swap3A_477], %swap3A_480 {strides = array<i32>} : memref<8x128xi32, #tpu.memory_space<vmem>>, vector<1x16xi32>,
    %get3A_481 = arith.constant 192 : index
    %get3A_482 = tpu.vector_load %arg6[%get3A_481] {strides = array<i32>} : memref<1024xi32, #tpu.memory_space<vmem>>, vector<16xi32>,
    %get3A_483 = vector.shape_cast %get3A_482 : vector<16xi32> to vector<16xi32>
    %get3A_484 = arith.constant 192 : index
    %get3A_485 = tpu.vector_load %arg7[%get3A_484] {strides = array<i32>} : memref<1024xi32, #tpu.memory_space<vmem>>, vector<16xi32>,
    %get3A_486 = vector.shape_cast %get3A_485 : vector<16xi32> to vector<16xi32>
    %mul3A_487 = arith.constant 16384 : i32
    %mul3A_488 = vector.broadcast %mul3A_487 : i32 to vector<16xi32>
    %mul3A_489 = arith.muli %get3A_486, %mul3A_488 : vector<16xi32>
    %mul3A_490 = arith.constant 2048 : i32
    %mul3A_491 = arith.muli %select_n3A, %mul3A_490 : i32
    %add3A_492 = vector.broadcast %mul3A_491 : i32 to vector<16xi32>
    %add3A_493 = arith.addi %mul3A_489, %add3A_492 : vector<16xi32>
    %add3A_494 = arith.addi %add3A_493, %get3A_483 : vector<16xi32>
    %swap3A_495 = arith.constant 1 : i32
    %swap3A_496 = arith.index_cast %swap3A_495 : i32 to index
    %swap3A_497 = arith.constant 64 : index
    %swap3A_498 = tpu.vector_load %arg8[%swap3A_496, %swap3A_497] {strides = array<i32>} : memref<8x128xi32, #tpu.memory_space<vmem>>, vector<1x16xi32>,
    %swap3A_499 = vector.shape_cast %swap3A_498 : vector<1x16xi32> to vector<16xi32>
    %swap3A_500 = vector.shape_cast %add3A_494 : vector<16xi32> to vector<1x16xi32>
    tpu.vector_store %arg8[%swap3A_496, %swap3A_497], %swap3A_500 {strides = array<i32>} : memref<8x128xi32, #tpu.memory_space<vmem>>, vector<1x16xi32>,
    %add3A_501 = arith.constant 128 : i32
    %add3A_502 = arith.addi %mul3A_32, %add3A_501 : i32
    %add3A_503 = arith.constant 64 : i32
    %add3A_504 = arith.addi %add3A_502, %add3A_503 : i32
    %add3A_505 = vector.broadcast %add3A_504 : i32 to vector<16xi32>
    %add3A_506 = arith.addi %add3A_505, %iota3A : vector<16xi32>
    %mul3A_507 = arith.constant 8 : i32
    %mul3A_508 = vector.broadcast %mul3A_507 : i32 to vector<16xi32>
    %mul3A_509 = arith.muli %add3A_506, %mul3A_508 : vector<16xi32>
    %add3A_510 = vector.broadcast %select_n3A : i32 to vector<16xi32>
    %add3A_511 = arith.addi %mul3A_509, %add3A_510 : vector<16xi32>
    %swap3A_512 = arith.constant 1 : i32
    %swap3A_513 = arith.index_cast %swap3A_512 : i32 to index
    %swap3A_514 = arith.constant 64 : index
    %swap3A_515 = tpu.vector_load %arg9[%swap3A_513, %swap3A_514] {strides = array<i32>} : memref<8x128xi32, #tpu.memory_space<vmem>>, vector<1x16xi32>,
    %swap3A_516 = vector.shape_cast %swap3A_515 : vector<1x16xi32> to vector<16xi32>
    %swap3A_517 = vector.shape_cast %add3A_511 : vector<16xi32> to vector<1x16xi32>
    tpu.vector_store %arg9[%swap3A_513, %swap3A_514], %swap3A_517 {strides = array<i32>} : memref<8x128xi32, #tpu.memory_space<vmem>>, vector<1x16xi32>,
    %get3A_518 = arith.constant 208 : index
    %get3A_519 = tpu.vector_load %arg6[%get3A_518] {strides = array<i32>} : memref<1024xi32, #tpu.memory_space<vmem>>, vector<16xi32>,
    %get3A_520 = vector.shape_cast %get3A_519 : vector<16xi32> to vector<16xi32>
    %get3A_521 = arith.constant 208 : index
    %get3A_522 = tpu.vector_load %arg7[%get3A_521] {strides = array<i32>} : memref<1024xi32, #tpu.memory_space<vmem>>, vector<16xi32>,
    %get3A_523 = vector.shape_cast %get3A_522 : vector<16xi32> to vector<16xi32>
    %mul3A_524 = arith.constant 16384 : i32
    %mul3A_525 = vector.broadcast %mul3A_524 : i32 to vector<16xi32>
    %mul3A_526 = arith.muli %get3A_523, %mul3A_525 : vector<16xi32>
    %mul3A_527 = arith.constant 2048 : i32
    %mul3A_528 = arith.muli %select_n3A, %mul3A_527 : i32
    %add3A_529 = vector.broadcast %mul3A_528 : i32 to vector<16xi32>
    %add3A_530 = arith.addi %mul3A_526, %add3A_529 : vector<16xi32>
    %add3A_531 = arith.addi %add3A_530, %get3A_520 : vector<16xi32>
    %swap3A_532 = arith.constant 1 : i32
    %swap3A_533 = arith.index_cast %swap3A_532 : i32 to index
    %swap3A_534 = arith.constant 80 : index
    %swap3A_535 = tpu.vector_load %arg8[%swap3A_533, %swap3A_534] {strides = array<i32>} : memref<8x128xi32, #tpu.memory_space<vmem>>, vector<1x16xi32>,
    %swap3A_536 = vector.shape_cast %swap3A_535 : vector<1x16xi32> to vector<16xi32>
    %swap3A_537 = vector.shape_cast %add3A_531 : vector<16xi32> to vector<1x16xi32>
    tpu.vector_store %arg8[%swap3A_533, %swap3A_534], %swap3A_537 {strides = array<i32>} : memref<8x128xi32, #tpu.memory_space<vmem>>, vector<1x16xi32>,
    %add3A_538 = arith.constant 128 : i32
    %add3A_539 = arith.addi %mul3A_32, %add3A_538 : i32
    %add3A_540 = arith.constant 80 : i32
    %add3A_541 = arith.addi %add3A_539, %add3A_540 : i32
    %add3A_542 = vector.broadcast %add3A_541 : i32 to vector<16xi32>
    %add3A_543 = arith.addi %add3A_542, %iota3A : vector<16xi32>
    %mul3A_544 = arith.constant 8 : i32
    %mul3A_545 = vector.broadcast %mul3A_544 : i32 to vector<16xi32>
    %mul3A_546 = arith.muli %add3A_543, %mul3A_545 : vector<16xi32>
    %add3A_547 = vector.broadcast %select_n3A : i32 to vector<16xi32>
    %add3A_548 = arith.addi %mul3A_546, %add3A_547 : vector<16xi32>
    %swap3A_549 = arith.constant 1 : i32
    %swap3A_550 = arith.index_cast %swap3A_549 : i32 to index
    %swap3A_551 = arith.constant 80 : index
    %swap3A_552 = tpu.vector_load %arg9[%swap3A_550, %swap3A_551] {strides = array<i32>} : memref<8x128xi32, #tpu.memory_space<vmem>>, vector<1x16xi32>,
    %swap3A_553 = vector.shape_cast %swap3A_552 : vector<1x16xi32> to vector<16xi32>
    %swap3A_554 = vector.shape_cast %add3A_548 : vector<16xi32> to vector<1x16xi32>
    tpu.vector_store %arg9[%swap3A_550, %swap3A_551], %swap3A_554 {strides = array<i32>} : memref<8x128xi32, #tpu.memory_space<vmem>>, vector<1x16xi32>,
    %get3A_555 = arith.constant 224 : index
    %get3A_556 = tpu.vector_load %arg6[%get3A_555] {strides = array<i32>} : memref<1024xi32, #tpu.memory_space<vmem>>, vector<16xi32>,
    %get3A_557 = vector.shape_cast %get3A_556 : vector<16xi32> to vector<16xi32>
    %get3A_558 = arith.constant 224 : index
    %get3A_559 = tpu.vector_load %arg7[%get3A_558] {strides = array<i32>} : memref<1024xi32, #tpu.memory_space<vmem>>, vector<16xi32>,
    %get3A_560 = vector.shape_cast %get3A_559 : vector<16xi32> to vector<16xi32>
    %mul3A_561 = arith.constant 16384 : i32
    %mul3A_562 = vector.broadcast %mul3A_561 : i32 to vector<16xi32>
    %mul3A_563 = arith.muli %get3A_560, %mul3A_562 : vector<16xi32>
    %mul3A_564 = arith.constant 2048 : i32
    %mul3A_565 = arith.muli %select_n3A, %mul3A_564 : i32
    %add3A_566 = vector.broadcast %mul3A_565 : i32 to vector<16xi32>
    %add3A_567 = arith.addi %mul3A_563, %add3A_566 : vector<16xi32>
    %add3A_568 = arith.addi %add3A_567, %get3A_557 : vector<16xi32>
    %swap3A_569 = arith.constant 1 : i32
    %swap3A_570 = arith.index_cast %swap3A_569 : i32 to index
    %swap3A_571 = arith.constant 96 : index
    %swap3A_572 = tpu.vector_load %arg8[%swap3A_570, %swap3A_571] {strides = array<i32>} : memref<8x128xi32, #tpu.memory_space<vmem>>, vector<1x16xi32>,
    %swap3A_573 = vector.shape_cast %swap3A_572 : vector<1x16xi32> to vector<16xi32>
    %swap3A_574 = vector.shape_cast %add3A_568 : vector<16xi32> to vector<1x16xi32>
    tpu.vector_store %arg8[%swap3A_570, %swap3A_571], %swap3A_574 {strides = array<i32>} : memref<8x128xi32, #tpu.memory_space<vmem>>, vector<1x16xi32>,
    %add3A_575 = arith.constant 128 : i32
    %add3A_576 = arith.addi %mul3A_32, %add3A_575 : i32
    %add3A_577 = arith.constant 96 : i32
    %add3A_578 = arith.addi %add3A_576, %add3A_577 : i32
    %add3A_579 = vector.broadcast %add3A_578 : i32 to vector<16xi32>
    %add3A_580 = arith.addi %add3A_579, %iota3A : vector<16xi32>
    %mul3A_581 = arith.constant 8 : i32
    %mul3A_582 = vector.broadcast %mul3A_581 : i32 to vector<16xi32>
    %mul3A_583 = arith.muli %add3A_580, %mul3A_582 : vector<16xi32>
    %add3A_584 = vector.broadcast %select_n3A : i32 to vector<16xi32>
    %add3A_585 = arith.addi %mul3A_583, %add3A_584 : vector<16xi32>
    %swap3A_586 = arith.constant 1 : i32
    %swap3A_587 = arith.index_cast %swap3A_586 : i32 to index
    %swap3A_588 = arith.constant 96 : index
    %swap3A_589 = tpu.vector_load %arg9[%swap3A_587, %swap3A_588] {strides = array<i32>} : memref<8x128xi32, #tpu.memory_space<vmem>>, vector<1x16xi32>,
    %swap3A_590 = vector.shape_cast %swap3A_589 : vector<1x16xi32> to vector<16xi32>
    %swap3A_591 = vector.shape_cast %add3A_585 : vector<16xi32> to vector<1x16xi32>
    tpu.vector_store %arg9[%swap3A_587, %swap3A_588], %swap3A_591 {strides = array<i32>} : memref<8x128xi32, #tpu.memory_space<vmem>>, vector<1x16xi32>,
    %get3A_592 = arith.constant 240 : index
    %get3A_593 = tpu.vector_load %arg6[%get3A_592] {strides = array<i32>} : memref<1024xi32, #tpu.memory_space<vmem>>, vector<16xi32>,
    %get3A_594 = vector.shape_cast %get3A_593 : vector<16xi32> to vector<16xi32>
    %get3A_595 = arith.constant 240 : index
    %get3A_596 = tpu.vector_load %arg7[%get3A_595] {strides = array<i32>} : memref<1024xi32, #tpu.memory_space<vmem>>, vector<16xi32>,
    %get3A_597 = vector.shape_cast %get3A_596 : vector<16xi32> to vector<16xi32>
    %mul3A_598 = arith.constant 16384 : i32
    %mul3A_599 = vector.broadcast %mul3A_598 : i32 to vector<16xi32>
    %mul3A_600 = arith.muli %get3A_597, %mul3A_599 : vector<16xi32>
    %mul3A_601 = arith.constant 2048 : i32
    %mul3A_602 = arith.muli %select_n3A, %mul3A_601 : i32
    %add3A_603 = vector.broadcast %mul3A_602 : i32 to vector<16xi32>
    %add3A_604 = arith.addi %mul3A_600, %add3A_603 : vector<16xi32>
    %add3A_605 = arith.addi %add3A_604, %get3A_594 : vector<16xi32>
    %swap3A_606 = arith.constant 1 : i32
    %swap3A_607 = arith.index_cast %swap3A_606 : i32 to index
    %swap3A_608 = arith.constant 112 : index
    %swap3A_609 = tpu.vector_load %arg8[%swap3A_607, %swap3A_608] {strides = array<i32>} : memref<8x128xi32, #tpu.memory_space<vmem>>, vector<1x16xi32>,
    %swap3A_610 = vector.shape_cast %swap3A_609 : vector<1x16xi32> to vector<16xi32>
    %swap3A_611 = vector.shape_cast %add3A_605 : vector<16xi32> to vector<1x16xi32>
    tpu.vector_store %arg8[%swap3A_607, %swap3A_608], %swap3A_611 {strides = array<i32>} : memref<8x128xi32, #tpu.memory_space<vmem>>, vector<1x16xi32>,
    %add3A_612 = arith.constant 128 : i32
    %add3A_613 = arith.addi %mul3A_32, %add3A_612 : i32
    %add3A_614 = arith.constant 112 : i32
    %add3A_615 = arith.addi %add3A_613, %add3A_614 : i32
    %add3A_616 = vector.broadcast %add3A_615 : i32 to vector<16xi32>
    %add3A_617 = arith.addi %add3A_616, %iota3A : vector<16xi32>
    %mul3A_618 = arith.constant 8 : i32
    %mul3A_619 = vector.broadcast %mul3A_618 : i32 to vector<16xi32>
    %mul3A_620 = arith.muli %add3A_617, %mul3A_619 : vector<16xi32>
    %add3A_621 = vector.broadcast %select_n3A : i32 to vector<16xi32>
    %add3A_622 = arith.addi %mul3A_620, %add3A_621 : vector<16xi32>
    %swap3A_623 = arith.constant 1 : i32
    %swap3A_624 = arith.index_cast %swap3A_623 : i32 to index
    %swap3A_625 = arith.constant 112 : index
    %swap3A_626 = tpu.vector_load %arg9[%swap3A_624, %swap3A_625] {strides = array<i32>} : memref<8x128xi32, #tpu.memory_space<vmem>>, vector<1x16xi32>,
    %swap3A_627 = vector.shape_cast %swap3A_626 : vector<1x16xi32> to vector<16xi32>
    %swap3A_628 = vector.shape_cast %add3A_622 : vector<16xi32> to vector<1x16xi32>
    tpu.vector_store %arg9[%swap3A_624, %swap3A_625], %swap3A_628 {strides = array<i32>} : memref<8x128xi32, #tpu.memory_space<vmem>>, vector<1x16xi32>,
    %get3A_629 = arith.constant 256 : index
    %get3A_630 = tpu.vector_load %arg6[%get3A_629] {strides = array<i32>} : memref<1024xi32, #tpu.memory_space<vmem>>, vector<16xi32>,
    %get3A_631 = vector.shape_cast %get3A_630 : vector<16xi32> to vector<16xi32>
    %get3A_632 = arith.constant 256 : index
    %get3A_633 = tpu.vector_load %arg7[%get3A_632] {strides = array<i32>} : memref<1024xi32, #tpu.memory_space<vmem>>, vector<16xi32>,
    %get3A_634 = vector.shape_cast %get3A_633 : vector<16xi32> to vector<16xi32>
    %mul3A_635 = arith.constant 16384 : i32
    %mul3A_636 = vector.broadcast %mul3A_635 : i32 to vector<16xi32>
    %mul3A_637 = arith.muli %get3A_634, %mul3A_636 : vector<16xi32>
    %mul3A_638 = arith.constant 2048 : i32
    %mul3A_639 = arith.muli %select_n3A, %mul3A_638 : i32
    %add3A_640 = vector.broadcast %mul3A_639 : i32 to vector<16xi32>
    %add3A_641 = arith.addi %mul3A_637, %add3A_640 : vector<16xi32>
    %add3A_642 = arith.addi %add3A_641, %get3A_631 : vector<16xi32>
    %swap3A_643 = arith.constant 2 : i32
    %swap3A_644 = arith.index_cast %swap3A_643 : i32 to index
    %swap3A_645 = arith.constant 0 : index
    %swap3A_646 = tpu.vector_load %arg8[%swap3A_644, %swap3A_645] {strides = array<i32>} : memref<8x128xi32, #tpu.memory_space<vmem>>, vector<1x16xi32>,
    %swap3A_647 = vector.shape_cast %swap3A_646 : vector<1x16xi32> to vector<16xi32>
    %swap3A_648 = vector.shape_cast %add3A_642 : vector<16xi32> to vector<1x16xi32>
    tpu.vector_store %arg8[%swap3A_644, %swap3A_645], %swap3A_648 {strides = array<i32>} : memref<8x128xi32, #tpu.memory_space<vmem>>, vector<1x16xi32>,
    %add3A_649 = arith.constant 256 : i32
    %add3A_650 = arith.addi %mul3A_32, %add3A_649 : i32
    %add3A_651 = arith.constant 0 : i32
    %add3A_652 = arith.addi %add3A_650, %add3A_651 : i32
    %add3A_653 = vector.broadcast %add3A_652 : i32 to vector<16xi32>
    %add3A_654 = arith.addi %add3A_653, %iota3A : vector<16xi32>
    %mul3A_655 = arith.constant 8 : i32
    %mul3A_656 = vector.broadcast %mul3A_655 : i32 to vector<16xi32>
    %mul3A_657 = arith.muli %add3A_654, %mul3A_656 : vector<16xi32>
    %add3A_658 = vector.broadcast %select_n3A : i32 to vector<16xi32>
    %add3A_659 = arith.addi %mul3A_657, %add3A_658 : vector<16xi32>
    %swap3A_660 = arith.constant 2 : i32
    %swap3A_661 = arith.index_cast %swap3A_660 : i32 to index
    %swap3A_662 = arith.constant 0 : index
    %swap3A_663 = tpu.vector_load %arg9[%swap3A_661, %swap3A_662] {strides = array<i32>} : memref<8x128xi32, #tpu.memory_space<vmem>>, vector<1x16xi32>,
    %swap3A_664 = vector.shape_cast %swap3A_663 : vector<1x16xi32> to vector<16xi32>
    %swap3A_665 = vector.shape_cast %add3A_659 : vector<16xi32> to vector<1x16xi32>
    tpu.vector_store %arg9[%swap3A_661, %swap3A_662], %swap3A_665 {strides = array<i32>} : memref<8x128xi32, #tpu.memory_space<vmem>>, vector<1x16xi32>,
    %get3A_666 = arith.constant 272 : index
    %get3A_667 = tpu.vector_load %arg6[%get3A_666] {strides = array<i32>} : memref<1024xi32, #tpu.memory_space<vmem>>, vector<16xi32>,
    %get3A_668 = vector.shape_cast %get3A_667 : vector<16xi32> to vector<16xi32>
    %get3A_669 = arith.constant 272 : index
    %get3A_670 = tpu.vector_load %arg7[%get3A_669] {strides = array<i32>} : memref<1024xi32, #tpu.memory_space<vmem>>, vector<16xi32>,
    %get3A_671 = vector.shape_cast %get3A_670 : vector<16xi32> to vector<16xi32>
    %mul3A_672 = arith.constant 16384 : i32
    %mul3A_673 = vector.broadcast %mul3A_672 : i32 to vector<16xi32>
    %mul3A_674 = arith.muli %get3A_671, %mul3A_673 : vector<16xi32>
    %mul3A_675 = arith.constant 2048 : i32
    %mul3A_676 = arith.muli %select_n3A, %mul3A_675 : i32
    %add3A_677 = vector.broadcast %mul3A_676 : i32 to vector<16xi32>
    %add3A_678 = arith.addi %mul3A_674, %add3A_677 : vector<16xi32>
    %add3A_679 = arith.addi %add3A_678, %get3A_668 : vector<16xi32>
    %swap3A_680 = arith.constant 2 : i32
    %swap3A_681 = arith.index_cast %swap3A_680 : i32 to index
    %swap3A_682 = arith.constant 16 : index
    %swap3A_683 = tpu.vector_load %arg8[%swap3A_681, %swap3A_682] {strides = array<i32>} : memref<8x128xi32, #tpu.memory_space<vmem>>, vector<1x16xi32>,
    %swap3A_684 = vector.shape_cast %swap3A_683 : vector<1x16xi32> to vector<16xi32>
    %swap3A_685 = vector.shape_cast %add3A_679 : vector<16xi32> to vector<1x16xi32>
    tpu.vector_store %arg8[%swap3A_681, %swap3A_682], %swap3A_685 {strides = array<i32>} : memref<8x128xi32, #tpu.memory_space<vmem>>, vector<1x16xi32>,
    %add3A_686 = arith.constant 256 : i32
    %add3A_687 = arith.addi %mul3A_32, %add3A_686 : i32
    %add3A_688 = arith.constant 16 : i32
    %add3A_689 = arith.addi %add3A_687, %add3A_688 : i32
    %add3A_690 = vector.broadcast %add3A_689 : i32 to vector<16xi32>
    %add3A_691 = arith.addi %add3A_690, %iota3A : vector<16xi32>
    %mul3A_692 = arith.constant 8 : i32
    %mul3A_693 = vector.broadcast %mul3A_692 : i32 to vector<16xi32>
    %mul3A_694 = arith.muli %add3A_691, %mul3A_693 : vector<16xi32>
    %add3A_695 = vector.broadcast %select_n3A : i32 to vector<16xi32>
    %add3A_696 = arith.addi %mul3A_694, %add3A_695 : vector<16xi32>
    %swap3A_697 = arith.constant 2 : i32
    %swap3A_698 = arith.index_cast %swap3A_697 : i32 to index
    %swap3A_699 = arith.constant 16 : index
    %swap3A_700 = tpu.vector_load %arg9[%swap3A_698, %swap3A_699] {strides = array<i32>} : memref<8x128xi32, #tpu.memory_space<vmem>>, vector<1x16xi32>,
    %swap3A_701 = vector.shape_cast %swap3A_700 : vector<1x16xi32> to vector<16xi32>
    %swap3A_702 = vector.shape_cast %add3A_696 : vector<16xi32> to vector<1x16xi32>
    tpu.vector_store %arg9[%swap3A_698, %swap3A_699], %swap3A_702 {strides = array<i32>} : memref<8x128xi32, #tpu.memory_space<vmem>>, vector<1x16xi32>,
    %get3A_703 = arith.constant 288 : index
    %get3A_704 = tpu.vector_load %arg6[%get3A_703] {strides = array<i32>} : memref<1024xi32, #tpu.memory_space<vmem>>, vector<16xi32>,
    %get3A_705 = vector.shape_cast %get3A_704 : vector<16xi32> to vector<16xi32>
    %get3A_706 = arith.constant 288 : index
    %get3A_707 = tpu.vector_load %arg7[%get3A_706] {strides = array<i32>} : memref<1024xi32, #tpu.memory_space<vmem>>, vector<16xi32>,
    %get3A_708 = vector.shape_cast %get3A_707 : vector<16xi32> to vector<16xi32>
    %mul3A_709 = arith.constant 16384 : i32
    %mul3A_710 = vector.broadcast %mul3A_709 : i32 to vector<16xi32>
    %mul3A_711 = arith.muli %get3A_708, %mul3A_710 : vector<16xi32>
    %mul3A_712 = arith.constant 2048 : i32
    %mul3A_713 = arith.muli %select_n3A, %mul3A_712 : i32
    %add3A_714 = vector.broadcast %mul3A_713 : i32 to vector<16xi32>
    %add3A_715 = arith.addi %mul3A_711, %add3A_714 : vector<16xi32>
    %add3A_716 = arith.addi %add3A_715, %get3A_705 : vector<16xi32>
    %swap3A_717 = arith.constant 2 : i32
    %swap3A_718 = arith.index_cast %swap3A_717 : i32 to index
    %swap3A_719 = arith.constant 32 : index
    %swap3A_720 = tpu.vector_load %arg8[%swap3A_718, %swap3A_719] {strides = array<i32>} : memref<8x128xi32, #tpu.memory_space<vmem>>, vector<1x16xi32>,
    %swap3A_721 = vector.shape_cast %swap3A_720 : vector<1x16xi32> to vector<16xi32>
    %swap3A_722 = vector.shape_cast %add3A_716 : vector<16xi32> to vector<1x16xi32>
    tpu.vector_store %arg8[%swap3A_718, %swap3A_719], %swap3A_722 {strides = array<i32>} : memref<8x128xi32, #tpu.memory_space<vmem>>, vector<1x16xi32>,
    %add3A_723 = arith.constant 256 : i32
    %add3A_724 = arith.addi %mul3A_32, %add3A_723 : i32
    %add3A_725 = arith.constant 32 : i32
    %add3A_726 = arith.addi %add3A_724, %add3A_725 : i32
    %add3A_727 = vector.broadcast %add3A_726 : i32 to vector<16xi32>
    %add3A_728 = arith.addi %add3A_727, %iota3A : vector<16xi32>
    %mul3A_729 = arith.constant 8 : i32
    %mul3A_730 = vector.broadcast %mul3A_729 : i32 to vector<16xi32>
    %mul3A_731 = arith.muli %add3A_728, %mul3A_730 : vector<16xi32>
    %add3A_732 = vector.broadcast %select_n3A : i32 to vector<16xi32>
    %add3A_733 = arith.addi %mul3A_731, %add3A_732 : vector<16xi32>
    %swap3A_734 = arith.constant 2 : i32
    %swap3A_735 = arith.index_cast %swap3A_734 : i32 to index
    %swap3A_736 = arith.constant 32 : index
    %swap3A_737 = tpu.vector_load %arg9[%swap3A_735, %swap3A_736] {strides = array<i32>} : memref<8x128xi32, #tpu.memory_space<vmem>>, vector<1x16xi32>,
    %swap3A_738 = vector.shape_cast %swap3A_737 : vector<1x16xi32> to vector<16xi32>
    %swap3A_739 = vector.shape_cast %add3A_733 : vector<16xi32> to vector<1x16xi32>
    tpu.vector_store %arg9[%swap3A_735, %swap3A_736], %swap3A_739 {strides = array<i32>} : memref<8x128xi32, #tpu.memory_space<vmem>>, vector<1x16xi32>,
    %get3A_740 = arith.constant 304 : index
    %get3A_741 = tpu.vector_load %arg6[%get3A_740] {strides = array<i32>} : memref<1024xi32, #tpu.memory_space<vmem>>, vector<16xi32>,
    %get3A_742 = vector.shape_cast %get3A_741 : vector<16xi32> to vector<16xi32>
    %get3A_743 = arith.constant 304 : index
    %get3A_744 = tpu.vector_load %arg7[%get3A_743] {strides = array<i32>} : memref<1024xi32, #tpu.memory_space<vmem>>, vector<16xi32>,
    %get3A_745 = vector.shape_cast %get3A_744 : vector<16xi32> to vector<16xi32>
    %mul3A_746 = arith.constant 16384 : i32
    %mul3A_747 = vector.broadcast %mul3A_746 : i32 to vector<16xi32>
    %mul3A_748 = arith.muli %get3A_745, %mul3A_747 : vector<16xi32>
    %mul3A_749 = arith.constant 2048 : i32
    %mul3A_750 = arith.muli %select_n3A, %mul3A_749 : i32
    %add3A_751 = vector.broadcast %mul3A_750 : i32 to vector<16xi32>
    %add3A_752 = arith.addi %mul3A_748, %add3A_751 : vector<16xi32>
    %add3A_753 = arith.addi %add3A_752, %get3A_742 : vector<16xi32>
    %swap3A_754 = arith.constant 2 : i32
    %swap3A_755 = arith.index_cast %swap3A_754 : i32 to index
    %swap3A_756 = arith.constant 48 : index
    %swap3A_757 = tpu.vector_load %arg8[%swap3A_755, %swap3A_756] {strides = array<i32>} : memref<8x128xi32, #tpu.memory_space<vmem>>, vector<1x16xi32>,
    %swap3A_758 = vector.shape_cast %swap3A_757 : vector<1x16xi32> to vector<16xi32>
    %swap3A_759 = vector.shape_cast %add3A_753 : vector<16xi32> to vector<1x16xi32>
    tpu.vector_store %arg8[%swap3A_755, %swap3A_756], %swap3A_759 {strides = array<i32>} : memref<8x128xi32, #tpu.memory_space<vmem>>, vector<1x16xi32>,
    %add3A_760 = arith.constant 256 : i32
    %add3A_761 = arith.addi %mul3A_32, %add3A_760 : i32
    %add3A_762 = arith.constant 48 : i32
    %add3A_763 = arith.addi %add3A_761, %add3A_762 : i32
    %add3A_764 = vector.broadcast %add3A_763 : i32 to vector<16xi32>
    %add3A_765 = arith.addi %add3A_764, %iota3A : vector<16xi32>
    %mul3A_766 = arith.constant 8 : i32
    %mul3A_767 = vector.broadcast %mul3A_766 : i32 to vector<16xi32>
    %mul3A_768 = arith.muli %add3A_765, %mul3A_767 : vector<16xi32>
    %add3A_769 = vector.broadcast %select_n3A : i32 to vector<16xi32>
    %add3A_770 = arith.addi %mul3A_768, %add3A_769 : vector<16xi32>
    %swap3A_771 = arith.constant 2 : i32
    %swap3A_772 = arith.index_cast %swap3A_771 : i32 to index
    %swap3A_773 = arith.constant 48 : index
    %swap3A_774 = tpu.vector_load %arg9[%swap3A_772, %swap3A_773] {strides = array<i32>} : memref<8x128xi32, #tpu.memory_space<vmem>>, vector<1x16xi32>,
    %swap3A_775 = vector.shape_cast %swap3A_774 : vector<1x16xi32> to vector<16xi32>
    %swap3A_776 = vector.shape_cast %add3A_770 : vector<16xi32> to vector<1x16xi32>
    tpu.vector_store %arg9[%swap3A_772, %swap3A_773], %swap3A_776 {strides = array<i32>} : memref<8x128xi32, #tpu.memory_space<vmem>>, vector<1x16xi32>,
    %get3A_777 = arith.constant 320 : index
    %get3A_778 = tpu.vector_load %arg6[%get3A_777] {strides = array<i32>} : memref<1024xi32, #tpu.memory_space<vmem>>, vector<16xi32>,
    %get3A_779 = vector.shape_cast %get3A_778 : vector<16xi32> to vector<16xi32>
    %get3A_780 = arith.constant 320 : index
    %get3A_781 = tpu.vector_load %arg7[%get3A_780] {strides = array<i32>} : memref<1024xi32, #tpu.memory_space<vmem>>, vector<16xi32>,
    %get3A_782 = vector.shape_cast %get3A_781 : vector<16xi32> to vector<16xi32>
    %mul3A_783 = arith.constant 16384 : i32
    %mul3A_784 = vector.broadcast %mul3A_783 : i32 to vector<16xi32>
    %mul3A_785 = arith.muli %get3A_782, %mul3A_784 : vector<16xi32>
    %mul3A_786 = arith.constant 2048 : i32
    %mul3A_787 = arith.muli %select_n3A, %mul3A_786 : i32
    %add3A_788 = vector.broadcast %mul3A_787 : i32 to vector<16xi32>
    %add3A_789 = arith.addi %mul3A_785, %add3A_788 : vector<16xi32>
    %add3A_790 = arith.addi %add3A_789, %get3A_779 : vector<16xi32>
    %swap3A_791 = arith.constant 2 : i32
    %swap3A_792 = arith.index_cast %swap3A_791 : i32 to index
    %swap3A_793 = arith.constant 64 : index
    %swap3A_794 = tpu.vector_load %arg8[%swap3A_792, %swap3A_793] {strides = array<i32>} : memref<8x128xi32, #tpu.memory_space<vmem>>, vector<1x16xi32>,
    %swap3A_795 = vector.shape_cast %swap3A_794 : vector<1x16xi32> to vector<16xi32>
    %swap3A_796 = vector.shape_cast %add3A_790 : vector<16xi32> to vector<1x16xi32>
    tpu.vector_store %arg8[%swap3A_792, %swap3A_793], %swap3A_796 {strides = array<i32>} : memref<8x128xi32, #tpu.memory_space<vmem>>, vector<1x16xi32>,
    %add3A_797 = arith.constant 256 : i32
    %add3A_798 = arith.addi %mul3A_32, %add3A_797 : i32
    %add3A_799 = arith.constant 64 : i32
    %add3A_800 = arith.addi %add3A_798, %add3A_799 : i32
    %add3A_801 = vector.broadcast %add3A_800 : i32 to vector<16xi32>
    %add3A_802 = arith.addi %add3A_801, %iota3A : vector<16xi32>
    %mul3A_803 = arith.constant 8 : i32
    %mul3A_804 = vector.broadcast %mul3A_803 : i32 to vector<16xi32>
    %mul3A_805 = arith.muli %add3A_802, %mul3A_804 : vector<16xi32>
    %add3A_806 = vector.broadcast %select_n3A : i32 to vector<16xi32>
    %add3A_807 = arith.addi %mul3A_805, %add3A_806 : vector<16xi32>
    %swap3A_808 = arith.constant 2 : i32
    %swap3A_809 = arith.index_cast %swap3A_808 : i32 to index
    %swap3A_810 = arith.constant 64 : index
    %swap3A_811 = tpu.vector_load %arg9[%swap3A_809, %swap3A_810] {strides = array<i32>} : memref<8x128xi32, #tpu.memory_space<vmem>>, vector<1x16xi32>,
    %swap3A_812 = vector.shape_cast %swap3A_811 : vector<1x16xi32> to vector<16xi32>
    %swap3A_813 = vector.shape_cast %add3A_807 : vector<16xi32> to vector<1x16xi32>
    tpu.vector_store %arg9[%swap3A_809, %swap3A_810], %swap3A_813 {strides = array<i32>} : memref<8x128xi32, #tpu.memory_space<vmem>>, vector<1x16xi32>,
    %get3A_814 = arith.constant 336 : index
    %get3A_815 = tpu.vector_load %arg6[%get3A_814] {strides = array<i32>} : memref<1024xi32, #tpu.memory_space<vmem>>, vector<16xi32>,
    %get3A_816 = vector.shape_cast %get3A_815 : vector<16xi32> to vector<16xi32>
    %get3A_817 = arith.constant 336 : index
    %get3A_818 = tpu.vector_load %arg7[%get3A_817] {strides = array<i32>} : memref<1024xi32, #tpu.memory_space<vmem>>, vector<16xi32>,
    %get3A_819 = vector.shape_cast %get3A_818 : vector<16xi32> to vector<16xi32>
    %mul3A_820 = arith.constant 16384 : i32
    %mul3A_821 = vector.broadcast %mul3A_820 : i32 to vector<16xi32>
    %mul3A_822 = arith.muli %get3A_819, %mul3A_821 : vector<16xi32>
    %mul3A_823 = arith.constant 2048 : i32
    %mul3A_824 = arith.muli %select_n3A, %mul3A_823 : i32
    %add3A_825 = vector.broadcast %mul3A_824 : i32 to vector<16xi32>
    %add3A_826 = arith.addi %mul3A_822, %add3A_825 : vector<16xi32>
    %add3A_827 = arith.addi %add3A_826, %get3A_816 : vector<16xi32>
    %swap3A_828 = arith.constant 2 : i32
    %swap3A_829 = arith.index_cast %swap3A_828 : i32 to index
    %swap3A_830 = arith.constant 80 : index
    %swap3A_831 = tpu.vector_load %arg8[%swap3A_829, %swap3A_830] {strides = array<i32>} : memref<8x128xi32, #tpu.memory_space<vmem>>, vector<1x16xi32>,
    %swap3A_832 = vector.shape_cast %swap3A_831 : vector<1x16xi32> to vector<16xi32>
    %swap3A_833 = vector.shape_cast %add3A_827 : vector<16xi32> to vector<1x16xi32>
    tpu.vector_store %arg8[%swap3A_829, %swap3A_830], %swap3A_833 {strides = array<i32>} : memref<8x128xi32, #tpu.memory_space<vmem>>, vector<1x16xi32>,
    %add3A_834 = arith.constant 256 : i32
    %add3A_835 = arith.addi %mul3A_32, %add3A_834 : i32
    %add3A_836 = arith.constant 80 : i32
    %add3A_837 = arith.addi %add3A_835, %add3A_836 : i32
    %add3A_838 = vector.broadcast %add3A_837 : i32 to vector<16xi32>
    %add3A_839 = arith.addi %add3A_838, %iota3A : vector<16xi32>
    %mul3A_840 = arith.constant 8 : i32
    %mul3A_841 = vector.broadcast %mul3A_840 : i32 to vector<16xi32>
    %mul3A_842 = arith.muli %add3A_839, %mul3A_841 : vector<16xi32>
    %add3A_843 = vector.broadcast %select_n3A : i32 to vector<16xi32>
    %add3A_844 = arith.addi %mul3A_842, %add3A_843 : vector<16xi32>
    %swap3A_845 = arith.constant 2 : i32
    %swap3A_846 = arith.index_cast %swap3A_845 : i32 to index
    %swap3A_847 = arith.constant 80 : index
    %swap3A_848 = tpu.vector_load %arg9[%swap3A_846, %swap3A_847] {strides = array<i32>} : memref<8x128xi32, #tpu.memory_space<vmem>>, vector<1x16xi32>,
    %swap3A_849 = vector.shape_cast %swap3A_848 : vector<1x16xi32> to vector<16xi32>
    %swap3A_850 = vector.shape_cast %add3A_844 : vector<16xi32> to vector<1x16xi32>
    tpu.vector_store %arg9[%swap3A_846, %swap3A_847], %swap3A_850 {strides = array<i32>} : memref<8x128xi32, #tpu.memory_space<vmem>>, vector<1x16xi32>,
    %get3A_851 = arith.constant 352 : index
    %get3A_852 = tpu.vector_load %arg6[%get3A_851] {strides = array<i32>} : memref<1024xi32, #tpu.memory_space<vmem>>, vector<16xi32>,
    %get3A_853 = vector.shape_cast %get3A_852 : vector<16xi32> to vector<16xi32>
    %get3A_854 = arith.constant 352 : index
    %get3A_855 = tpu.vector_load %arg7[%get3A_854] {strides = array<i32>} : memref<1024xi32, #tpu.memory_space<vmem>>, vector<16xi32>,
    %get3A_856 = vector.shape_cast %get3A_855 : vector<16xi32> to vector<16xi32>
    %mul3A_857 = arith.constant 16384 : i32
    %mul3A_858 = vector.broadcast %mul3A_857 : i32 to vector<16xi32>
    %mul3A_859 = arith.muli %get3A_856, %mul3A_858 : vector<16xi32>
    %mul3A_860 = arith.constant 2048 : i32
    %mul3A_861 = arith.muli %select_n3A, %mul3A_860 : i32
    %add3A_862 = vector.broadcast %mul3A_861 : i32 to vector<16xi32>
    %add3A_863 = arith.addi %mul3A_859, %add3A_862 : vector<16xi32>
    %add3A_864 = arith.addi %add3A_863, %get3A_853 : vector<16xi32>
    %swap3A_865 = arith.constant 2 : i32
    %swap3A_866 = arith.index_cast %swap3A_865 : i32 to index
    %swap3A_867 = arith.constant 96 : index
    %swap3A_868 = tpu.vector_load %arg8[%swap3A_866, %swap3A_867] {strides = array<i32>} : memref<8x128xi32, #tpu.memory_space<vmem>>, vector<1x16xi32>,
    %swap3A_869 = vector.shape_cast %swap3A_868 : vector<1x16xi32> to vector<16xi32>
    %swap3A_870 = vector.shape_cast %add3A_864 : vector<16xi32> to vector<1x16xi32>
    tpu.vector_store %arg8[%swap3A_866, %swap3A_867], %swap3A_870 {strides = array<i32>} : memref<8x128xi32, #tpu.memory_space<vmem>>, vector<1x16xi32>,
    %add3A_871 = arith.constant 256 : i32
    %add3A_872 = arith.addi %mul3A_32, %add3A_871 : i32
    %add3A_873 = arith.constant 96 : i32
    %add3A_874 = arith.addi %add3A_872, %add3A_873 : i32
    %add3A_875 = vector.broadcast %add3A_874 : i32 to vector<16xi32>
    %add3A_876 = arith.addi %add3A_875, %iota3A : vector<16xi32>
    %mul3A_877 = arith.constant 8 : i32
    %mul3A_878 = vector.broadcast %mul3A_877 : i32 to vector<16xi32>
    %mul3A_879 = arith.muli %add3A_876, %mul3A_878 : vector<16xi32>
    %add3A_880 = vector.broadcast %select_n3A : i32 to vector<16xi32>
    %add3A_881 = arith.addi %mul3A_879, %add3A_880 : vector<16xi32>
    %swap3A_882 = arith.constant 2 : i32
    %swap3A_883 = arith.index_cast %swap3A_882 : i32 to index
    %swap3A_884 = arith.constant 96 : index
    %swap3A_885 = tpu.vector_load %arg9[%swap3A_883, %swap3A_884] {strides = array<i32>} : memref<8x128xi32, #tpu.memory_space<vmem>>, vector<1x16xi32>,
    %swap3A_886 = vector.shape_cast %swap3A_885 : vector<1x16xi32> to vector<16xi32>
    %swap3A_887 = vector.shape_cast %add3A_881 : vector<16xi32> to vector<1x16xi32>
    tpu.vector_store %arg9[%swap3A_883, %swap3A_884], %swap3A_887 {strides = array<i32>} : memref<8x128xi32, #tpu.memory_space<vmem>>, vector<1x16xi32>,
    %get3A_888 = arith.constant 368 : index
    %get3A_889 = tpu.vector_load %arg6[%get3A_888] {strides = array<i32>} : memref<1024xi32, #tpu.memory_space<vmem>>, vector<16xi32>,
    %get3A_890 = vector.shape_cast %get3A_889 : vector<16xi32> to vector<16xi32>
    %get3A_891 = arith.constant 368 : index
    %get3A_892 = tpu.vector_load %arg7[%get3A_891] {strides = array<i32>} : memref<1024xi32, #tpu.memory_space<vmem>>, vector<16xi32>,
    %get3A_893 = vector.shape_cast %get3A_892 : vector<16xi32> to vector<16xi32>
    %mul3A_894 = arith.constant 16384 : i32
    %mul3A_895 = vector.broadcast %mul3A_894 : i32 to vector<16xi32>
    %mul3A_896 = arith.muli %get3A_893, %mul3A_895 : vector<16xi32>
    %mul3A_897 = arith.constant 2048 : i32
    %mul3A_898 = arith.muli %select_n3A, %mul3A_897 : i32
    %add3A_899 = vector.broadcast %mul3A_898 : i32 to vector<16xi32>
    %add3A_900 = arith.addi %mul3A_896, %add3A_899 : vector<16xi32>
    %add3A_901 = arith.addi %add3A_900, %get3A_890 : vector<16xi32>
    %swap3A_902 = arith.constant 2 : i32
    %swap3A_903 = arith.index_cast %swap3A_902 : i32 to index
    %swap3A_904 = arith.constant 112 : index
    %swap3A_905 = tpu.vector_load %arg8[%swap3A_903, %swap3A_904] {strides = array<i32>} : memref<8x128xi32, #tpu.memory_space<vmem>>, vector<1x16xi32>,
    %swap3A_906 = vector.shape_cast %swap3A_905 : vector<1x16xi32> to vector<16xi32>
    %swap3A_907 = vector.shape_cast %add3A_901 : vector<16xi32> to vector<1x16xi32>
    tpu.vector_store %arg8[%swap3A_903, %swap3A_904], %swap3A_907 {strides = array<i32>} : memref<8x128xi32, #tpu.memory_space<vmem>>, vector<1x16xi32>,
    %add3A_908 = arith.constant 256 : i32
    %add3A_909 = arith.addi %mul3A_32, %add3A_908 : i32
    %add3A_910 = arith.constant 112 : i32
    %add3A_911 = arith.addi %add3A_909, %add3A_910 : i32
    %add3A_912 = vector.broadcast %add3A_911 : i32 to vector<16xi32>
    %add3A_913 = arith.addi %add3A_912, %iota3A : vector<16xi32>
    %mul3A_914 = arith.constant 8 : i32
    %mul3A_915 = vector.broadcast %mul3A_914 : i32 to vector<16xi32>
    %mul3A_916 = arith.muli %add3A_913, %mul3A_915 : vector<16xi32>
    %add3A_917 = vector.broadcast %select_n3A : i32 to vector<16xi32>
    %add3A_918 = arith.addi %mul3A_916, %add3A_917 : vector<16xi32>
    %swap3A_919 = arith.constant 2 : i32
    %swap3A_920 = arith.index_cast %swap3A_919 : i32 to index
    %swap3A_921 = arith.constant 112 : index
    %swap3A_922 = tpu.vector_load %arg9[%swap3A_920, %swap3A_921] {strides = array<i32>} : memref<8x128xi32, #tpu.memory_space<vmem>>, vector<1x16xi32>,
    %swap3A_923 = vector.shape_cast %swap3A_922 : vector<1x16xi32> to vector<16xi32>
    %swap3A_924 = vector.shape_cast %add3A_918 : vector<16xi32> to vector<1x16xi32>
    tpu.vector_store %arg9[%swap3A_920, %swap3A_921], %swap3A_924 {strides = array<i32>} : memref<8x128xi32, #tpu.memory_space<vmem>>, vector<1x16xi32>,
    %get3A_925 = arith.constant 384 : index
    %get3A_926 = tpu.vector_load %arg6[%get3A_925] {strides = array<i32>} : memref<1024xi32, #tpu.memory_space<vmem>>, vector<16xi32>,
    %get3A_927 = vector.shape_cast %get3A_926 : vector<16xi32> to vector<16xi32>
    %get3A_928 = arith.constant 384 : index
    %get3A_929 = tpu.vector_load %arg7[%get3A_928] {strides = array<i32>} : memref<1024xi32, #tpu.memory_space<vmem>>, vector<16xi32>,
    %get3A_930 = vector.shape_cast %get3A_929 : vector<16xi32> to vector<16xi32>
    %mul3A_931 = arith.constant 16384 : i32
    %mul3A_932 = vector.broadcast %mul3A_931 : i32 to vector<16xi32>
    %mul3A_933 = arith.muli %get3A_930, %mul3A_932 : vector<16xi32>
    %mul3A_934 = arith.constant 2048 : i32
    %mul3A_935 = arith.muli %select_n3A, %mul3A_934 : i32
    %add3A_936 = vector.broadcast %mul3A_935 : i32 to vector<16xi32>
    %add3A_937 = arith.addi %mul3A_933, %add3A_936 : vector<16xi32>
    %add3A_938 = arith.addi %add3A_937, %get3A_927 : vector<16xi32>
    %swap3A_939 = arith.constant 3 : i32
    %swap3A_940 = arith.index_cast %swap3A_939 : i32 to index
    %swap3A_941 = arith.constant 0 : index
    %swap3A_942 = tpu.vector_load %arg8[%swap3A_940, %swap3A_941] {strides = array<i32>} : memref<8x128xi32, #tpu.memory_space<vmem>>, vector<1x16xi32>,
    %swap3A_943 = vector.shape_cast %swap3A_942 : vector<1x16xi32> to vector<16xi32>
    %swap3A_944 = vector.shape_cast %add3A_938 : vector<16xi32> to vector<1x16xi32>
    tpu.vector_store %arg8[%swap3A_940, %swap3A_941], %swap3A_944 {strides = array<i32>} : memref<8x128xi32, #tpu.memory_space<vmem>>, vector<1x16xi32>,
    %add3A_945 = arith.constant 384 : i32
    %add3A_946 = arith.addi %mul3A_32, %add3A_945 : i32
    %add3A_947 = arith.constant 0 : i32
    %add3A_948 = arith.addi %add3A_946, %add3A_947 : i32
    %add3A_949 = vector.broadcast %add3A_948 : i32 to vector<16xi32>
    %add3A_950 = arith.addi %add3A_949, %iota3A : vector<16xi32>
    %mul3A_951 = arith.constant 8 : i32
    %mul3A_952 = vector.broadcast %mul3A_951 : i32 to vector<16xi32>
    %mul3A_953 = arith.muli %add3A_950, %mul3A_952 : vector<16xi32>
    %add3A_954 = vector.broadcast %select_n3A : i32 to vector<16xi32>
    %add3A_955 = arith.addi %mul3A_953, %add3A_954 : vector<16xi32>
    %swap3A_956 = arith.constant 3 : i32
    %swap3A_957 = arith.index_cast %swap3A_956 : i32 to index
    %swap3A_958 = arith.constant 0 : index
    %swap3A_959 = tpu.vector_load %arg9[%swap3A_957, %swap3A_958] {strides = array<i32>} : memref<8x128xi32, #tpu.memory_space<vmem>>, vector<1x16xi32>,
    %swap3A_960 = vector.shape_cast %swap3A_959 : vector<1x16xi32> to vector<16xi32>
    %swap3A_961 = vector.shape_cast %add3A_955 : vector<16xi32> to vector<1x16xi32>
    tpu.vector_store %arg9[%swap3A_957, %swap3A_958], %swap3A_961 {strides = array<i32>} : memref<8x128xi32, #tpu.memory_space<vmem>>, vector<1x16xi32>,
    %get3A_962 = arith.constant 400 : index
    %get3A_963 = tpu.vector_load %arg6[%get3A_962] {strides = array<i32>} : memref<1024xi32, #tpu.memory_space<vmem>>, vector<16xi32>,
    %get3A_964 = vector.shape_cast %get3A_963 : vector<16xi32> to vector<16xi32>
    %get3A_965 = arith.constant 400 : index
    %get3A_966 = tpu.vector_load %arg7[%get3A_965] {strides = array<i32>} : memref<1024xi32, #tpu.memory_space<vmem>>, vector<16xi32>,
    %get3A_967 = vector.shape_cast %get3A_966 : vector<16xi32> to vector<16xi32>
    %mul3A_968 = arith.constant 16384 : i32
    %mul3A_969 = vector.broadcast %mul3A_968 : i32 to vector<16xi32>
    %mul3A_970 = arith.muli %get3A_967, %mul3A_969 : vector<16xi32>
    %mul3A_971 = arith.constant 2048 : i32
    %mul3A_972 = arith.muli %select_n3A, %mul3A_971 : i32
    %add3A_973 = vector.broadcast %mul3A_972 : i32 to vector<16xi32>
    %add3A_974 = arith.addi %mul3A_970, %add3A_973 : vector<16xi32>
    %add3A_975 = arith.addi %add3A_974, %get3A_964 : vector<16xi32>
    %swap3A_976 = arith.constant 3 : i32
    %swap3A_977 = arith.index_cast %swap3A_976 : i32 to index
    %swap3A_978 = arith.constant 16 : index
    %swap3A_979 = tpu.vector_load %arg8[%swap3A_977, %swap3A_978] {strides = array<i32>} : memref<8x128xi32, #tpu.memory_space<vmem>>, vector<1x16xi32>,
    %swap3A_980 = vector.shape_cast %swap3A_979 : vector<1x16xi32> to vector<16xi32>
    %swap3A_981 = vector.shape_cast %add3A_975 : vector<16xi32> to vector<1x16xi32>
    tpu.vector_store %arg8[%swap3A_977, %swap3A_978], %swap3A_981 {strides = array<i32>} : memref<8x128xi32, #tpu.memory_space<vmem>>, vector<1x16xi32>,
    %add3A_982 = arith.constant 384 : i32
    %add3A_983 = arith.addi %mul3A_32, %add3A_982 : i32
    %add3A_984 = arith.constant 16 : i32
    %add3A_985 = arith.addi %add3A_983, %add3A_984 : i32
    %add3A_986 = vector.broadcast %add3A_985 : i32 to vector<16xi32>
    %add3A_987 = arith.addi %add3A_986, %iota3A : vector<16xi32>
    %mul3A_988 = arith.constant 8 : i32
    %mul3A_989 = vector.broadcast %mul3A_988 : i32 to vector<16xi32>
    %mul3A_990 = arith.muli %add3A_987, %mul3A_989 : vector<16xi32>
    %add3A_991 = vector.broadcast %select_n3A : i32 to vector<16xi32>
    %add3A_992 = arith.addi %mul3A_990, %add3A_991 : vector<16xi32>
    %swap3A_993 = arith.constant 3 : i32
    %swap3A_994 = arith.index_cast %swap3A_993 : i32 to index
    %swap3A_995 = arith.constant 16 : index
    %swap3A_996 = tpu.vector_load %arg9[%swap3A_994, %swap3A_995] {strides = array<i32>} : memref<8x128xi32, #tpu.memory_space<vmem>>, vector<1x16xi32>,
    %swap3A_997 = vector.shape_cast %swap3A_996 : vector<1x16xi32> to vector<16xi32>
    %swap3A_998 = vector.shape_cast %add3A_992 : vector<16xi32> to vector<1x16xi32>
    tpu.vector_store %arg9[%swap3A_994, %swap3A_995], %swap3A_998 {strides = array<i32>} : memref<8x128xi32, #tpu.memory_space<vmem>>, vector<1x16xi32>,
    %get3A_999 = arith.constant 416 : index
    %get3A_1000 = tpu.vector_load %arg6[%get3A_999] {strides = array<i32>} : memref<1024xi32, #tpu.memory_space<vmem>>, vector<16xi32>,
    %get3A_1001 = vector.shape_cast %get3A_1000 : vector<16xi32> to vector<16xi32>
    %get3A_1002 = arith.constant 416 : index
    %get3A_1003 = tpu.vector_load %arg7[%get3A_1002] {strides = array<i32>} : memref<1024xi32, #tpu.memory_space<vmem>>, vector<16xi32>,
    %get3A_1004 = vector.shape_cast %get3A_1003 : vector<16xi32> to vector<16xi32>
    %mul3A_1005 = arith.constant 16384 : i32
    %mul3A_1006 = vector.broadcast %mul3A_1005 : i32 to vector<16xi32>
    %mul3A_1007 = arith.muli %get3A_1004, %mul3A_1006 : vector<16xi32>
    %mul3A_1008 = arith.constant 2048 : i32
    %mul3A_1009 = arith.muli %select_n3A, %mul3A_1008 : i32
    %add3A_1010 = vector.broadcast %mul3A_1009 : i32 to vector<16xi32>
    %add3A_1011 = arith.addi %mul3A_1007, %add3A_1010 : vector<16xi32>
    %add3A_1012 = arith.addi %add3A_1011, %get3A_1001 : vector<16xi32>
    %swap3A_1013 = arith.constant 3 : i32
    %swap3A_1014 = arith.index_cast %swap3A_1013 : i32 to index
    %swap3A_1015 = arith.constant 32 : index
    %swap3A_1016 = tpu.vector_load %arg8[%swap3A_1014, %swap3A_1015] {strides = array<i32>} : memref<8x128xi32, #tpu.memory_space<vmem>>, vector<1x16xi32>,
    %swap3A_1017 = vector.shape_cast %swap3A_1016 : vector<1x16xi32> to vector<16xi32>
    %swap3A_1018 = vector.shape_cast %add3A_1012 : vector<16xi32> to vector<1x16xi32>
    tpu.vector_store %arg8[%swap3A_1014, %swap3A_1015], %swap3A_1018 {strides = array<i32>} : memref<8x128xi32, #tpu.memory_space<vmem>>, vector<1x16xi32>,
    %add3A_1019 = arith.constant 384 : i32
    %add3A_1020 = arith.addi %mul3A_32, %add3A_1019 : i32
    %add3A_1021 = arith.constant 32 : i32
    %add3A_1022 = arith.addi %add3A_1020, %add3A_1021 : i32
    %add3A_1023 = vector.broadcast %add3A_1022 : i32 to vector<16xi32>
    %add3A_1024 = arith.addi %add3A_1023, %iota3A : vector<16xi32>
    %mul3A_1025 = arith.constant 8 : i32
    %mul3A_1026 = vector.broadcast %mul3A_1025 : i32 to vector<16xi32>
    %mul3A_1027 = arith.muli %add3A_1024, %mul3A_1026 : vector<16xi32>
    %add3A_1028 = vector.broadcast %select_n3A : i32 to vector<16xi32>
    %add3A_1029 = arith.addi %mul3A_1027, %add3A_1028 : vector<16xi32>
    %swap3A_1030 = arith.constant 3 : i32
    %swap3A_1031 = arith.index_cast %swap3A_1030 : i32 to index
    %swap3A_1032 = arith.constant 32 : index
    %swap3A_1033 = tpu.vector_load %arg9[%swap3A_1031, %swap3A_1032] {strides = array<i32>} : memref<8x128xi32, #tpu.memory_space<vmem>>, vector<1x16xi32>,
    %swap3A_1034 = vector.shape_cast %swap3A_1033 : vector<1x16xi32> to vector<16xi32>
    %swap3A_1035 = vector.shape_cast %add3A_1029 : vector<16xi32> to vector<1x16xi32>
    tpu.vector_store %arg9[%swap3A_1031, %swap3A_1032], %swap3A_1035 {strides = array<i32>} : memref<8x128xi32, #tpu.memory_space<vmem>>, vector<1x16xi32>,
    %get3A_1036 = arith.constant 432 : index
    %get3A_1037 = tpu.vector_load %arg6[%get3A_1036] {strides = array<i32>} : memref<1024xi32, #tpu.memory_space<vmem>>, vector<16xi32>,
    %get3A_1038 = vector.shape_cast %get3A_1037 : vector<16xi32> to vector<16xi32>
    %get3A_1039 = arith.constant 432 : index
    %get3A_1040 = tpu.vector_load %arg7[%get3A_1039] {strides = array<i32>} : memref<1024xi32, #tpu.memory_space<vmem>>, vector<16xi32>,
    %get3A_1041 = vector.shape_cast %get3A_1040 : vector<16xi32> to vector<16xi32>
    %mul3A_1042 = arith.constant 16384 : i32
    %mul3A_1043 = vector.broadcast %mul3A_1042 : i32 to vector<16xi32>
    %mul3A_1044 = arith.muli %get3A_1041, %mul3A_1043 : vector<16xi32>
    %mul3A_1045 = arith.constant 2048 : i32
    %mul3A_1046 = arith.muli %select_n3A, %mul3A_1045 : i32
    %add3A_1047 = vector.broadcast %mul3A_1046 : i32 to vector<16xi32>
    %add3A_1048 = arith.addi %mul3A_1044, %add3A_1047 : vector<16xi32>
    %add3A_1049 = arith.addi %add3A_1048, %get3A_1038 : vector<16xi32>
    %swap3A_1050 = arith.constant 3 : i32
    %swap3A_1051 = arith.index_cast %swap3A_1050 : i32 to index
    %swap3A_1052 = arith.constant 48 : index
    %swap3A_1053 = tpu.vector_load %arg8[%swap3A_1051, %swap3A_1052] {strides = array<i32>} : memref<8x128xi32, #tpu.memory_space<vmem>>, vector<1x16xi32>,
    %swap3A_1054 = vector.shape_cast %swap3A_1053 : vector<1x16xi32> to vector<16xi32>
    %swap3A_1055 = vector.shape_cast %add3A_1049 : vector<16xi32> to vector<1x16xi32>
    tpu.vector_store %arg8[%swap3A_1051, %swap3A_1052], %swap3A_1055 {strides = array<i32>} : memref<8x128xi32, #tpu.memory_space<vmem>>, vector<1x16xi32>,
    %add3A_1056 = arith.constant 384 : i32
    %add3A_1057 = arith.addi %mul3A_32, %add3A_1056 : i32
    %add3A_1058 = arith.constant 48 : i32
    %add3A_1059 = arith.addi %add3A_1057, %add3A_1058 : i32
    %add3A_1060 = vector.broadcast %add3A_1059 : i32 to vector<16xi32>
    %add3A_1061 = arith.addi %add3A_1060, %iota3A : vector<16xi32>
    %mul3A_1062 = arith.constant 8 : i32
    %mul3A_1063 = vector.broadcast %mul3A_1062 : i32 to vector<16xi32>
    %mul3A_1064 = arith.muli %add3A_1061, %mul3A_1063 : vector<16xi32>
    %add3A_1065 = vector.broadcast %select_n3A : i32 to vector<16xi32>
    %add3A_1066 = arith.addi %mul3A_1064, %add3A_1065 : vector<16xi32>
    %swap3A_1067 = arith.constant 3 : i32
    %swap3A_1068 = arith.index_cast %swap3A_1067 : i32 to index
    %swap3A_1069 = arith.constant 48 : index
    %swap3A_1070 = tpu.vector_load %arg9[%swap3A_1068, %swap3A_1069] {strides = array<i32>} : memref<8x128xi32, #tpu.memory_space<vmem>>, vector<1x16xi32>,
    %swap3A_1071 = vector.shape_cast %swap3A_1070 : vector<1x16xi32> to vector<16xi32>
    %swap3A_1072 = vector.shape_cast %add3A_1066 : vector<16xi32> to vector<1x16xi32>
    tpu.vector_store %arg9[%swap3A_1068, %swap3A_1069], %swap3A_1072 {strides = array<i32>} : memref<8x128xi32, #tpu.memory_space<vmem>>, vector<1x16xi32>,
    %get3A_1073 = arith.constant 448 : index
    %get3A_1074 = tpu.vector_load %arg6[%get3A_1073] {strides = array<i32>} : memref<1024xi32, #tpu.memory_space<vmem>>, vector<16xi32>,
    %get3A_1075 = vector.shape_cast %get3A_1074 : vector<16xi32> to vector<16xi32>
    %get3A_1076 = arith.constant 448 : index
    %get3A_1077 = tpu.vector_load %arg7[%get3A_1076] {strides = array<i32>} : memref<1024xi32, #tpu.memory_space<vmem>>, vector<16xi32>,
    %get3A_1078 = vector.shape_cast %get3A_1077 : vector<16xi32> to vector<16xi32>
    %mul3A_1079 = arith.constant 16384 : i32
    %mul3A_1080 = vector.broadcast %mul3A_1079 : i32 to vector<16xi32>
    %mul3A_1081 = arith.muli %get3A_1078, %mul3A_1080 : vector<16xi32>
    %mul3A_1082 = arith.constant 2048 : i32
    %mul3A_1083 = arith.muli %select_n3A, %mul3A_1082 : i32
    %add3A_1084 = vector.broadcast %mul3A_1083 : i32 to vector<16xi32>
    %add3A_1085 = arith.addi %mul3A_1081, %add3A_1084 : vector<16xi32>
    %add3A_1086 = arith.addi %add3A_1085, %get3A_1075 : vector<16xi32>
    %swap3A_1087 = arith.constant 3 : i32
    %swap3A_1088 = arith.index_cast %swap3A_1087 : i32 to index
    %swap3A_1089 = arith.constant 64 : index
    %swap3A_1090 = tpu.vector_load %arg8[%swap3A_1088, %swap3A_1089] {strides = array<i32>} : memref<8x128xi32, #tpu.memory_space<vmem>>, vector<1x16xi32>,
    %swap3A_1091 = vector.shape_cast %swap3A_1090 : vector<1x16xi32> to vector<16xi32>
    %swap3A_1092 = vector.shape_cast %add3A_1086 : vector<16xi32> to vector<1x16xi32>
    tpu.vector_store %arg8[%swap3A_1088, %swap3A_1089], %swap3A_1092 {strides = array<i32>} : memref<8x128xi32, #tpu.memory_space<vmem>>, vector<1x16xi32>,
    %add3A_1093 = arith.constant 384 : i32
    %add3A_1094 = arith.addi %mul3A_32, %add3A_1093 : i32
    %add3A_1095 = arith.constant 64 : i32
    %add3A_1096 = arith.addi %add3A_1094, %add3A_1095 : i32
    %add3A_1097 = vector.broadcast %add3A_1096 : i32 to vector<16xi32>
    %add3A_1098 = arith.addi %add3A_1097, %iota3A : vector<16xi32>
    %mul3A_1099 = arith.constant 8 : i32
    %mul3A_1100 = vector.broadcast %mul3A_1099 : i32 to vector<16xi32>
    %mul3A_1101 = arith.muli %add3A_1098, %mul3A_1100 : vector<16xi32>
    %add3A_1102 = vector.broadcast %select_n3A : i32 to vector<16xi32>
    %add3A_1103 = arith.addi %mul3A_1101, %add3A_1102 : vector<16xi32>
    %swap3A_1104 = arith.constant 3 : i32
    %swap3A_1105 = arith.index_cast %swap3A_1104 : i32 to index
    %swap3A_1106 = arith.constant 64 : index
    %swap3A_1107 = tpu.vector_load %arg9[%swap3A_1105, %swap3A_1106] {strides = array<i32>} : memref<8x128xi32, #tpu.memory_space<vmem>>, vector<1x16xi32>,
    %swap3A_1108 = vector.shape_cast %swap3A_1107 : vector<1x16xi32> to vector<16xi32>
    %swap3A_1109 = vector.shape_cast %add3A_1103 : vector<16xi32> to vector<1x16xi32>
    tpu.vector_store %arg9[%swap3A_1105, %swap3A_1106], %swap3A_1109 {strides = array<i32>} : memref<8x128xi32, #tpu.memory_space<vmem>>, vector<1x16xi32>,
    %get3A_1110 = arith.constant 464 : index
    %get3A_1111 = tpu.vector_load %arg6[%get3A_1110] {strides = array<i32>} : memref<1024xi32, #tpu.memory_space<vmem>>, vector<16xi32>,
    %get3A_1112 = vector.shape_cast %get3A_1111 : vector<16xi32> to vector<16xi32>
    %get3A_1113 = arith.constant 464 : index
    %get3A_1114 = tpu.vector_load %arg7[%get3A_1113] {strides = array<i32>} : memref<1024xi32, #tpu.memory_space<vmem>>, vector<16xi32>,
    %get3A_1115 = vector.shape_cast %get3A_1114 : vector<16xi32> to vector<16xi32>
    %mul3A_1116 = arith.constant 16384 : i32
    %mul3A_1117 = vector.broadcast %mul3A_1116 : i32 to vector<16xi32>
    %mul3A_1118 = arith.muli %get3A_1115, %mul3A_1117 : vector<16xi32>
    %mul3A_1119 = arith.constant 2048 : i32
    %mul3A_1120 = arith.muli %select_n3A, %mul3A_1119 : i32
    %add3A_1121 = vector.broadcast %mul3A_1120 : i32 to vector<16xi32>
    %add3A_1122 = arith.addi %mul3A_1118, %add3A_1121 : vector<16xi32>
    %add3A_1123 = arith.addi %add3A_1122, %get3A_1112 : vector<16xi32>
    %swap3A_1124 = arith.constant 3 : i32
    %swap3A_1125 = arith.index_cast %swap3A_1124 : i32 to index
    %swap3A_1126 = arith.constant 80 : index
    %swap3A_1127 = tpu.vector_load %arg8[%swap3A_1125, %swap3A_1126] {strides = array<i32>} : memref<8x128xi32, #tpu.memory_space<vmem>>, vector<1x16xi32>,
    %swap3A_1128 = vector.shape_cast %swap3A_1127 : vector<1x16xi32> to vector<16xi32>
    %swap3A_1129 = vector.shape_cast %add3A_1123 : vector<16xi32> to vector<1x16xi32>
    tpu.vector_store %arg8[%swap3A_1125, %swap3A_1126], %swap3A_1129 {strides = array<i32>} : memref<8x128xi32, #tpu.memory_space<vmem>>, vector<1x16xi32>,
    %add3A_1130 = arith.constant 384 : i32
    %add3A_1131 = arith.addi %mul3A_32, %add3A_1130 : i32
    %add3A_1132 = arith.constant 80 : i32
    %add3A_1133 = arith.addi %add3A_1131, %add3A_1132 : i32
    %add3A_1134 = vector.broadcast %add3A_1133 : i32 to vector<16xi32>
    %add3A_1135 = arith.addi %add3A_1134, %iota3A : vector<16xi32>
    %mul3A_1136 = arith.constant 8 : i32
    %mul3A_1137 = vector.broadcast %mul3A_1136 : i32 to vector<16xi32>
    %mul3A_1138 = arith.muli %add3A_1135, %mul3A_1137 : vector<16xi32>
    %add3A_1139 = vector.broadcast %select_n3A : i32 to vector<16xi32>
    %add3A_1140 = arith.addi %mul3A_1138, %add3A_1139 : vector<16xi32>
    %swap3A_1141 = arith.constant 3 : i32
    %swap3A_1142 = arith.index_cast %swap3A_1141 : i32 to index
    %swap3A_1143 = arith.constant 80 : index
    %swap3A_1144 = tpu.vector_load %arg9[%swap3A_1142, %swap3A_1143] {strides = array<i32>} : memref<8x128xi32, #tpu.memory_space<vmem>>, vector<1x16xi32>,
    %swap3A_1145 = vector.shape_cast %swap3A_1144 : vector<1x16xi32> to vector<16xi32>
    %swap3A_1146 = vector.shape_cast %add3A_1140 : vector<16xi32> to vector<1x16xi32>
    tpu.vector_store %arg9[%swap3A_1142, %swap3A_1143], %swap3A_1146 {strides = array<i32>} : memref<8x128xi32, #tpu.memory_space<vmem>>, vector<1x16xi32>,
    %get3A_1147 = arith.constant 480 : index
    %get3A_1148 = tpu.vector_load %arg6[%get3A_1147] {strides = array<i32>} : memref<1024xi32, #tpu.memory_space<vmem>>, vector<16xi32>,
    %get3A_1149 = vector.shape_cast %get3A_1148 : vector<16xi32> to vector<16xi32>
    %get3A_1150 = arith.constant 480 : index
    %get3A_1151 = tpu.vector_load %arg7[%get3A_1150] {strides = array<i32>} : memref<1024xi32, #tpu.memory_space<vmem>>, vector<16xi32>,
    %get3A_1152 = vector.shape_cast %get3A_1151 : vector<16xi32> to vector<16xi32>
    %mul3A_1153 = arith.constant 16384 : i32
    %mul3A_1154 = vector.broadcast %mul3A_1153 : i32 to vector<16xi32>
    %mul3A_1155 = arith.muli %get3A_1152, %mul3A_1154 : vector<16xi32>
    %mul3A_1156 = arith.constant 2048 : i32
    %mul3A_1157 = arith.muli %select_n3A, %mul3A_1156 : i32
    %add3A_1158 = vector.broadcast %mul3A_1157 : i32 to vector<16xi32>
    %add3A_1159 = arith.addi %mul3A_1155, %add3A_1158 : vector<16xi32>
    %add3A_1160 = arith.addi %add3A_1159, %get3A_1149 : vector<16xi32>
    %swap3A_1161 = arith.constant 3 : i32
    %swap3A_1162 = arith.index_cast %swap3A_1161 : i32 to index
    %swap3A_1163 = arith.constant 96 : index
    %swap3A_1164 = tpu.vector_load %arg8[%swap3A_1162, %swap3A_1163] {strides = array<i32>} : memref<8x128xi32, #tpu.memory_space<vmem>>, vector<1x16xi32>,
    %swap3A_1165 = vector.shape_cast %swap3A_1164 : vector<1x16xi32> to vector<16xi32>
    %swap3A_1166 = vector.shape_cast %add3A_1160 : vector<16xi32> to vector<1x16xi32>
    tpu.vector_store %arg8[%swap3A_1162, %swap3A_1163], %swap3A_1166 {strides = array<i32>} : memref<8x128xi32, #tpu.memory_space<vmem>>, vector<1x16xi32>,
    %add3A_1167 = arith.constant 384 : i32
    %add3A_1168 = arith.addi %mul3A_32, %add3A_1167 : i32
    %add3A_1169 = arith.constant 96 : i32
    %add3A_1170 = arith.addi %add3A_1168, %add3A_1169 : i32
    %add3A_1171 = vector.broadcast %add3A_1170 : i32 to vector<16xi32>
    %add3A_1172 = arith.addi %add3A_1171, %iota3A : vector<16xi32>
    %mul3A_1173 = arith.constant 8 : i32
    %mul3A_1174 = vector.broadcast %mul3A_1173 : i32 to vector<16xi32>
    %mul3A_1175 = arith.muli %add3A_1172, %mul3A_1174 : vector<16xi32>
    %add3A_1176 = vector.broadcast %select_n3A : i32 to vector<16xi32>
    %add3A_1177 = arith.addi %mul3A_1175, %add3A_1176 : vector<16xi32>
    %swap3A_1178 = arith.constant 3 : i32
    %swap3A_1179 = arith.index_cast %swap3A_1178 : i32 to index
    %swap3A_1180 = arith.constant 96 : index
    %swap3A_1181 = tpu.vector_load %arg9[%swap3A_1179, %swap3A_1180] {strides = array<i32>} : memref<8x128xi32, #tpu.memory_space<vmem>>, vector<1x16xi32>,
    %swap3A_1182 = vector.shape_cast %swap3A_1181 : vector<1x16xi32> to vector<16xi32>
    %swap3A_1183 = vector.shape_cast %add3A_1177 : vector<16xi32> to vector<1x16xi32>
    tpu.vector_store %arg9[%swap3A_1179, %swap3A_1180], %swap3A_1183 {strides = array<i32>} : memref<8x128xi32, #tpu.memory_space<vmem>>, vector<1x16xi32>,
    %get3A_1184 = arith.constant 496 : index
    %get3A_1185 = tpu.vector_load %arg6[%get3A_1184] {strides = array<i32>} : memref<1024xi32, #tpu.memory_space<vmem>>, vector<16xi32>,
    %get3A_1186 = vector.shape_cast %get3A_1185 : vector<16xi32> to vector<16xi32>
    %get3A_1187 = arith.constant 496 : index
    %get3A_1188 = tpu.vector_load %arg7[%get3A_1187] {strides = array<i32>} : memref<1024xi32, #tpu.memory_space<vmem>>, vector<16xi32>,
    %get3A_1189 = vector.shape_cast %get3A_1188 : vector<16xi32> to vector<16xi32>
    %mul3A_1190 = arith.constant 16384 : i32
    %mul3A_1191 = vector.broadcast %mul3A_1190 : i32 to vector<16xi32>
    %mul3A_1192 = arith.muli %get3A_1189, %mul3A_1191 : vector<16xi32>
    %mul3A_1193 = arith.constant 2048 : i32
    %mul3A_1194 = arith.muli %select_n3A, %mul3A_1193 : i32
    %add3A_1195 = vector.broadcast %mul3A_1194 : i32 to vector<16xi32>
    %add3A_1196 = arith.addi %mul3A_1192, %add3A_1195 : vector<16xi32>
    %add3A_1197 = arith.addi %add3A_1196, %get3A_1186 : vector<16xi32>
    %swap3A_1198 = arith.constant 3 : i32
    %swap3A_1199 = arith.index_cast %swap3A_1198 : i32 to index
    %swap3A_1200 = arith.constant 112 : index
    %swap3A_1201 = tpu.vector_load %arg8[%swap3A_1199, %swap3A_1200] {strides = array<i32>} : memref<8x128xi32, #tpu.memory_space<vmem>>, vector<1x16xi32>,
    %swap3A_1202 = vector.shape_cast %swap3A_1201 : vector<1x16xi32> to vector<16xi32>
    %swap3A_1203 = vector.shape_cast %add3A_1197 : vector<16xi32> to vector<1x16xi32>
    tpu.vector_store %arg8[%swap3A_1199, %swap3A_1200], %swap3A_1203 {strides = array<i32>} : memref<8x128xi32, #tpu.memory_space<vmem>>, vector<1x16xi32>,
    %add3A_1204 = arith.constant 384 : i32
    %add3A_1205 = arith.addi %mul3A_32, %add3A_1204 : i32
    %add3A_1206 = arith.constant 112 : i32
    %add3A_1207 = arith.addi %add3A_1205, %add3A_1206 : i32
    %add3A_1208 = vector.broadcast %add3A_1207 : i32 to vector<16xi32>
    %add3A_1209 = arith.addi %add3A_1208, %iota3A : vector<16xi32>
    %mul3A_1210 = arith.constant 8 : i32
    %mul3A_1211 = vector.broadcast %mul3A_1210 : i32 to vector<16xi32>
    %mul3A_1212 = arith.muli %add3A_1209, %mul3A_1211 : vector<16xi32>
    %add3A_1213 = vector.broadcast %select_n3A : i32 to vector<16xi32>
    %add3A_1214 = arith.addi %mul3A_1212, %add3A_1213 : vector<16xi32>
    %swap3A_1215 = arith.constant 3 : i32
    %swap3A_1216 = arith.index_cast %swap3A_1215 : i32 to index
    %swap3A_1217 = arith.constant 112 : index
    %swap3A_1218 = tpu.vector_load %arg9[%swap3A_1216, %swap3A_1217] {strides = array<i32>} : memref<8x128xi32, #tpu.memory_space<vmem>>, vector<1x16xi32>,
    %swap3A_1219 = vector.shape_cast %swap3A_1218 : vector<1x16xi32> to vector<16xi32>
    %swap3A_1220 = vector.shape_cast %add3A_1214 : vector<16xi32> to vector<1x16xi32>
    tpu.vector_store %arg9[%swap3A_1216, %swap3A_1217], %swap3A_1220 {strides = array<i32>} : memref<8x128xi32, #tpu.memory_space<vmem>>, vector<1x16xi32>,
    %get3A_1221 = arith.constant 512 : index
    %get3A_1222 = tpu.vector_load %arg6[%get3A_1221] {strides = array<i32>} : memref<1024xi32, #tpu.memory_space<vmem>>, vector<16xi32>,
    %get3A_1223 = vector.shape_cast %get3A_1222 : vector<16xi32> to vector<16xi32>
    %get3A_1224 = arith.constant 512 : index
    %get3A_1225 = tpu.vector_load %arg7[%get3A_1224] {strides = array<i32>} : memref<1024xi32, #tpu.memory_space<vmem>>, vector<16xi32>,
    %get3A_1226 = vector.shape_cast %get3A_1225 : vector<16xi32> to vector<16xi32>
    %mul3A_1227 = arith.constant 16384 : i32
    %mul3A_1228 = vector.broadcast %mul3A_1227 : i32 to vector<16xi32>
    %mul3A_1229 = arith.muli %get3A_1226, %mul3A_1228 : vector<16xi32>
    %mul3A_1230 = arith.constant 2048 : i32
    %mul3A_1231 = arith.muli %select_n3A, %mul3A_1230 : i32
    %add3A_1232 = vector.broadcast %mul3A_1231 : i32 to vector<16xi32>
    %add3A_1233 = arith.addi %mul3A_1229, %add3A_1232 : vector<16xi32>
    %add3A_1234 = arith.addi %add3A_1233, %get3A_1223 : vector<16xi32>
    %swap3A_1235 = arith.constant 4 : i32
    %swap3A_1236 = arith.index_cast %swap3A_1235 : i32 to index
    %swap3A_1237 = arith.constant 0 : index
    %swap3A_1238 = tpu.vector_load %arg8[%swap3A_1236, %swap3A_1237] {strides = array<i32>} : memref<8x128xi32, #tpu.memory_space<vmem>>, vector<1x16xi32>,
    %swap3A_1239 = vector.shape_cast %swap3A_1238 : vector<1x16xi32> to vector<16xi32>
    %swap3A_1240 = vector.shape_cast %add3A_1234 : vector<16xi32> to vector<1x16xi32>
    tpu.vector_store %arg8[%swap3A_1236, %swap3A_1237], %swap3A_1240 {strides = array<i32>} : memref<8x128xi32, #tpu.memory_space<vmem>>, vector<1x16xi32>,
    %add3A_1241 = arith.constant 512 : i32
    %add3A_1242 = arith.addi %mul3A_32, %add3A_1241 : i32
    %add3A_1243 = arith.constant 0 : i32
    %add3A_1244 = arith.addi %add3A_1242, %add3A_1243 : i32
    %add3A_1245 = vector.broadcast %add3A_1244 : i32 to vector<16xi32>
    %add3A_1246 = arith.addi %add3A_1245, %iota3A : vector<16xi32>
    %mul3A_1247 = arith.constant 8 : i32
    %mul3A_1248 = vector.broadcast %mul3A_1247 : i32 to vector<16xi32>
    %mul3A_1249 = arith.muli %add3A_1246, %mul3A_1248 : vector<16xi32>
    %add3A_1250 = vector.broadcast %select_n3A : i32 to vector<16xi32>
    %add3A_1251 = arith.addi %mul3A_1249, %add3A_1250 : vector<16xi32>
    %swap3A_1252 = arith.constant 4 : i32
    %swap3A_1253 = arith.index_cast %swap3A_1252 : i32 to index
    %swap3A_1254 = arith.constant 0 : index
    %swap3A_1255 = tpu.vector_load %arg9[%swap3A_1253, %swap3A_1254] {strides = array<i32>} : memref<8x128xi32, #tpu.memory_space<vmem>>, vector<1x16xi32>,
    %swap3A_1256 = vector.shape_cast %swap3A_1255 : vector<1x16xi32> to vector<16xi32>
    %swap3A_1257 = vector.shape_cast %add3A_1251 : vector<16xi32> to vector<1x16xi32>
    tpu.vector_store %arg9[%swap3A_1253, %swap3A_1254], %swap3A_1257 {strides = array<i32>} : memref<8x128xi32, #tpu.memory_space<vmem>>, vector<1x16xi32>,
    %get3A_1258 = arith.constant 528 : index
    %get3A_1259 = tpu.vector_load %arg6[%get3A_1258] {strides = array<i32>} : memref<1024xi32, #tpu.memory_space<vmem>>, vector<16xi32>,
    %get3A_1260 = vector.shape_cast %get3A_1259 : vector<16xi32> to vector<16xi32>
    %get3A_1261 = arith.constant 528 : index
    %get3A_1262 = tpu.vector_load %arg7[%get3A_1261] {strides = array<i32>} : memref<1024xi32, #tpu.memory_space<vmem>>, vector<16xi32>,
    %get3A_1263 = vector.shape_cast %get3A_1262 : vector<16xi32> to vector<16xi32>
    %mul3A_1264 = arith.constant 16384 : i32
    %mul3A_1265 = vector.broadcast %mul3A_1264 : i32 to vector<16xi32>
    %mul3A_1266 = arith.muli %get3A_1263, %mul3A_1265 : vector<16xi32>
    %mul3A_1267 = arith.constant 2048 : i32
    %mul3A_1268 = arith.muli %select_n3A, %mul3A_1267 : i32
    %add3A_1269 = vector.broadcast %mul3A_1268 : i32 to vector<16xi32>
    %add3A_1270 = arith.addi %mul3A_1266, %add3A_1269 : vector<16xi32>
    %add3A_1271 = arith.addi %add3A_1270, %get3A_1260 : vector<16xi32>
    %swap3A_1272 = arith.constant 4 : i32
    %swap3A_1273 = arith.index_cast %swap3A_1272 : i32 to index
    %swap3A_1274 = arith.constant 16 : index
    %swap3A_1275 = tpu.vector_load %arg8[%swap3A_1273, %swap3A_1274] {strides = array<i32>} : memref<8x128xi32, #tpu.memory_space<vmem>>, vector<1x16xi32>,
    %swap3A_1276 = vector.shape_cast %swap3A_1275 : vector<1x16xi32> to vector<16xi32>
    %swap3A_1277 = vector.shape_cast %add3A_1271 : vector<16xi32> to vector<1x16xi32>
    tpu.vector_store %arg8[%swap3A_1273, %swap3A_1274], %swap3A_1277 {strides = array<i32>} : memref<8x128xi32, #tpu.memory_space<vmem>>, vector<1x16xi32>,
    %add3A_1278 = arith.constant 512 : i32
    %add3A_1279 = arith.addi %mul3A_32, %add3A_1278 : i32
    %add3A_1280 = arith.constant 16 : i32
    %add3A_1281 = arith.addi %add3A_1279, %add3A_1280 : i32
    %add3A_1282 = vector.broadcast %add3A_1281 : i32 to vector<16xi32>
    %add3A_1283 = arith.addi %add3A_1282, %iota3A : vector<16xi32>
    %mul3A_1284 = arith.constant 8 : i32
    %mul3A_1285 = vector.broadcast %mul3A_1284 : i32 to vector<16xi32>
    %mul3A_1286 = arith.muli %add3A_1283, %mul3A_1285 : vector<16xi32>
    %add3A_1287 = vector.broadcast %select_n3A : i32 to vector<16xi32>
    %add3A_1288 = arith.addi %mul3A_1286, %add3A_1287 : vector<16xi32>
    %swap3A_1289 = arith.constant 4 : i32
    %swap3A_1290 = arith.index_cast %swap3A_1289 : i32 to index
    %swap3A_1291 = arith.constant 16 : index
    %swap3A_1292 = tpu.vector_load %arg9[%swap3A_1290, %swap3A_1291] {strides = array<i32>} : memref<8x128xi32, #tpu.memory_space<vmem>>, vector<1x16xi32>,
    %swap3A_1293 = vector.shape_cast %swap3A_1292 : vector<1x16xi32> to vector<16xi32>
    %swap3A_1294 = vector.shape_cast %add3A_1288 : vector<16xi32> to vector<1x16xi32>
    tpu.vector_store %arg9[%swap3A_1290, %swap3A_1291], %swap3A_1294 {strides = array<i32>} : memref<8x128xi32, #tpu.memory_space<vmem>>, vector<1x16xi32>,
    %get3A_1295 = arith.constant 544 : index
    %get3A_1296 = tpu.vector_load %arg6[%get3A_1295] {strides = array<i32>} : memref<1024xi32, #tpu.memory_space<vmem>>, vector<16xi32>,
    %get3A_1297 = vector.shape_cast %get3A_1296 : vector<16xi32> to vector<16xi32>
    %get3A_1298 = arith.constant 544 : index
    %get3A_1299 = tpu.vector_load %arg7[%get3A_1298] {strides = array<i32>} : memref<1024xi32, #tpu.memory_space<vmem>>, vector<16xi32>,
    %get3A_1300 = vector.shape_cast %get3A_1299 : vector<16xi32> to vector<16xi32>
    %mul3A_1301 = arith.constant 16384 : i32
    %mul3A_1302 = vector.broadcast %mul3A_1301 : i32 to vector<16xi32>
    %mul3A_1303 = arith.muli %get3A_1300, %mul3A_1302 : vector<16xi32>
    %mul3A_1304 = arith.constant 2048 : i32
    %mul3A_1305 = arith.muli %select_n3A, %mul3A_1304 : i32
    %add3A_1306 = vector.broadcast %mul3A_1305 : i32 to vector<16xi32>
    %add3A_1307 = arith.addi %mul3A_1303, %add3A_1306 : vector<16xi32>
    %add3A_1308 = arith.addi %add3A_1307, %get3A_1297 : vector<16xi32>
    %swap3A_1309 = arith.constant 4 : i32
    %swap3A_1310 = arith.index_cast %swap3A_1309 : i32 to index
    %swap3A_1311 = arith.constant 32 : index
    %swap3A_1312 = tpu.vector_load %arg8[%swap3A_1310, %swap3A_1311] {strides = array<i32>} : memref<8x128xi32, #tpu.memory_space<vmem>>, vector<1x16xi32>,
    %swap3A_1313 = vector.shape_cast %swap3A_1312 : vector<1x16xi32> to vector<16xi32>
    %swap3A_1314 = vector.shape_cast %add3A_1308 : vector<16xi32> to vector<1x16xi32>
    tpu.vector_store %arg8[%swap3A_1310, %swap3A_1311], %swap3A_1314 {strides = array<i32>} : memref<8x128xi32, #tpu.memory_space<vmem>>, vector<1x16xi32>,
    %add3A_1315 = arith.constant 512 : i32
    %add3A_1316 = arith.addi %mul3A_32, %add3A_1315 : i32
    %add3A_1317 = arith.constant 32 : i32
    %add3A_1318 = arith.addi %add3A_1316, %add3A_1317 : i32
    %add3A_1319 = vector.broadcast %add3A_1318 : i32 to vector<16xi32>
    %add3A_1320 = arith.addi %add3A_1319, %iota3A : vector<16xi32>
    %mul3A_1321 = arith.constant 8 : i32
    %mul3A_1322 = vector.broadcast %mul3A_1321 : i32 to vector<16xi32>
    %mul3A_1323 = arith.muli %add3A_1320, %mul3A_1322 : vector<16xi32>
    %add3A_1324 = vector.broadcast %select_n3A : i32 to vector<16xi32>
    %add3A_1325 = arith.addi %mul3A_1323, %add3A_1324 : vector<16xi32>
    %swap3A_1326 = arith.constant 4 : i32
    %swap3A_1327 = arith.index_cast %swap3A_1326 : i32 to index
    %swap3A_1328 = arith.constant 32 : index
    %swap3A_1329 = tpu.vector_load %arg9[%swap3A_1327, %swap3A_1328] {strides = array<i32>} : memref<8x128xi32, #tpu.memory_space<vmem>>, vector<1x16xi32>,
    %swap3A_1330 = vector.shape_cast %swap3A_1329 : vector<1x16xi32> to vector<16xi32>
    %swap3A_1331 = vector.shape_cast %add3A_1325 : vector<16xi32> to vector<1x16xi32>
    tpu.vector_store %arg9[%swap3A_1327, %swap3A_1328], %swap3A_1331 {strides = array<i32>} : memref<8x128xi32, #tpu.memory_space<vmem>>, vector<1x16xi32>,
    %get3A_1332 = arith.constant 560 : index
    %get3A_1333 = tpu.vector_load %arg6[%get3A_1332] {strides = array<i32>} : memref<1024xi32, #tpu.memory_space<vmem>>, vector<16xi32>,
    %get3A_1334 = vector.shape_cast %get3A_1333 : vector<16xi32> to vector<16xi32>
    %get3A_1335 = arith.constant 560 : index
    %get3A_1336 = tpu.vector_load %arg7[%get3A_1335] {strides = array<i32>} : memref<1024xi32, #tpu.memory_space<vmem>>, vector<16xi32>,
    %get3A_1337 = vector.shape_cast %get3A_1336 : vector<16xi32> to vector<16xi32>
    %mul3A_1338 = arith.constant 16384 : i32
    %mul3A_1339 = vector.broadcast %mul3A_1338 : i32 to vector<16xi32>
    %mul3A_1340 = arith.muli %get3A_1337, %mul3A_1339 : vector<16xi32>
    %mul3A_1341 = arith.constant 2048 : i32
    %mul3A_1342 = arith.muli %select_n3A, %mul3A_1341 : i32
    %add3A_1343 = vector.broadcast %mul3A_1342 : i32 to vector<16xi32>
    %add3A_1344 = arith.addi %mul3A_1340, %add3A_1343 : vector<16xi32>
    %add3A_1345 = arith.addi %add3A_1344, %get3A_1334 : vector<16xi32>
    %swap3A_1346 = arith.constant 4 : i32
    %swap3A_1347 = arith.index_cast %swap3A_1346 : i32 to index
    %swap3A_1348 = arith.constant 48 : index
    %swap3A_1349 = tpu.vector_load %arg8[%swap3A_1347, %swap3A_1348] {strides = array<i32>} : memref<8x128xi32, #tpu.memory_space<vmem>>, vector<1x16xi32>,
    %swap3A_1350 = vector.shape_cast %swap3A_1349 : vector<1x16xi32> to vector<16xi32>
    %swap3A_1351 = vector.shape_cast %add3A_1345 : vector<16xi32> to vector<1x16xi32>
    tpu.vector_store %arg8[%swap3A_1347, %swap3A_1348], %swap3A_1351 {strides = array<i32>} : memref<8x128xi32, #tpu.memory_space<vmem>>, vector<1x16xi32>,
    %add3A_1352 = arith.constant 512 : i32
    %add3A_1353 = arith.addi %mul3A_32, %add3A_1352 : i32
    %add3A_1354 = arith.constant 48 : i32
    %add3A_1355 = arith.addi %add3A_1353, %add3A_1354 : i32
    %add3A_1356 = vector.broadcast %add3A_1355 : i32 to vector<16xi32>
    %add3A_1357 = arith.addi %add3A_1356, %iota3A : vector<16xi32>
    %mul3A_1358 = arith.constant 8 : i32
    %mul3A_1359 = vector.broadcast %mul3A_1358 : i32 to vector<16xi32>
    %mul3A_1360 = arith.muli %add3A_1357, %mul3A_1359 : vector<16xi32>
    %add3A_1361 = vector.broadcast %select_n3A : i32 to vector<16xi32>
    %add3A_1362 = arith.addi %mul3A_1360, %add3A_1361 : vector<16xi32>
    %swap3A_1363 = arith.constant 4 : i32
    %swap3A_1364 = arith.index_cast %swap3A_1363 : i32 to index
    %swap3A_1365 = arith.constant 48 : index
    %swap3A_1366 = tpu.vector_load %arg9[%swap3A_1364, %swap3A_1365] {strides = array<i32>} : memref<8x128xi32, #tpu.memory_space<vmem>>, vector<1x16xi32>,
    %swap3A_1367 = vector.shape_cast %swap3A_1366 : vector<1x16xi32> to vector<16xi32>
    %swap3A_1368 = vector.shape_cast %add3A_1362 : vector<16xi32> to vector<1x16xi32>
    tpu.vector_store %arg9[%swap3A_1364, %swap3A_1365], %swap3A_1368 {strides = array<i32>} : memref<8x128xi32, #tpu.memory_space<vmem>>, vector<1x16xi32>,
    %get3A_1369 = arith.constant 576 : index
    %get3A_1370 = tpu.vector_load %arg6[%get3A_1369] {strides = array<i32>} : memref<1024xi32, #tpu.memory_space<vmem>>, vector<16xi32>,
    %get3A_1371 = vector.shape_cast %get3A_1370 : vector<16xi32> to vector<16xi32>
    %get3A_1372 = arith.constant 576 : index
    %get3A_1373 = tpu.vector_load %arg7[%get3A_1372] {strides = array<i32>} : memref<1024xi32, #tpu.memory_space<vmem>>, vector<16xi32>,
    %get3A_1374 = vector.shape_cast %get3A_1373 : vector<16xi32> to vector<16xi32>
    %mul3A_1375 = arith.constant 16384 : i32
    %mul3A_1376 = vector.broadcast %mul3A_1375 : i32 to vector<16xi32>
    %mul3A_1377 = arith.muli %get3A_1374, %mul3A_1376 : vector<16xi32>
    %mul3A_1378 = arith.constant 2048 : i32
    %mul3A_1379 = arith.muli %select_n3A, %mul3A_1378 : i32
    %add3A_1380 = vector.broadcast %mul3A_1379 : i32 to vector<16xi32>
    %add3A_1381 = arith.addi %mul3A_1377, %add3A_1380 : vector<16xi32>
    %add3A_1382 = arith.addi %add3A_1381, %get3A_1371 : vector<16xi32>
    %swap3A_1383 = arith.constant 4 : i32
    %swap3A_1384 = arith.index_cast %swap3A_1383 : i32 to index
    %swap3A_1385 = arith.constant 64 : index
    %swap3A_1386 = tpu.vector_load %arg8[%swap3A_1384, %swap3A_1385] {strides = array<i32>} : memref<8x128xi32, #tpu.memory_space<vmem>>, vector<1x16xi32>,
    %swap3A_1387 = vector.shape_cast %swap3A_1386 : vector<1x16xi32> to vector<16xi32>
    %swap3A_1388 = vector.shape_cast %add3A_1382 : vector<16xi32> to vector<1x16xi32>
    tpu.vector_store %arg8[%swap3A_1384, %swap3A_1385], %swap3A_1388 {strides = array<i32>} : memref<8x128xi32, #tpu.memory_space<vmem>>, vector<1x16xi32>,
    %add3A_1389 = arith.constant 512 : i32
    %add3A_1390 = arith.addi %mul3A_32, %add3A_1389 : i32
    %add3A_1391 = arith.constant 64 : i32
    %add3A_1392 = arith.addi %add3A_1390, %add3A_1391 : i32
    %add3A_1393 = vector.broadcast %add3A_1392 : i32 to vector<16xi32>
    %add3A_1394 = arith.addi %add3A_1393, %iota3A : vector<16xi32>
    %mul3A_1395 = arith.constant 8 : i32
    %mul3A_1396 = vector.broadcast %mul3A_1395 : i32 to vector<16xi32>
    %mul3A_1397 = arith.muli %add3A_1394, %mul3A_1396 : vector<16xi32>
    %add3A_1398 = vector.broadcast %select_n3A : i32 to vector<16xi32>
    %add3A_1399 = arith.addi %mul3A_1397, %add3A_1398 : vector<16xi32>
    %swap3A_1400 = arith.constant 4 : i32
    %swap3A_1401 = arith.index_cast %swap3A_1400 : i32 to index
    %swap3A_1402 = arith.constant 64 : index
    %swap3A_1403 = tpu.vector_load %arg9[%swap3A_1401, %swap3A_1402] {strides = array<i32>} : memref<8x128xi32, #tpu.memory_space<vmem>>, vector<1x16xi32>,
    %swap3A_1404 = vector.shape_cast %swap3A_1403 : vector<1x16xi32> to vector<16xi32>
    %swap3A_1405 = vector.shape_cast %add3A_1399 : vector<16xi32> to vector<1x16xi32>
    tpu.vector_store %arg9[%swap3A_1401, %swap3A_1402], %swap3A_1405 {strides = array<i32>} : memref<8x128xi32, #tpu.memory_space<vmem>>, vector<1x16xi32>,
    %get3A_1406 = arith.constant 592 : index
    %get3A_1407 = tpu.vector_load %arg6[%get3A_1406] {strides = array<i32>} : memref<1024xi32, #tpu.memory_space<vmem>>, vector<16xi32>,
    %get3A_1408 = vector.shape_cast %get3A_1407 : vector<16xi32> to vector<16xi32>
    %get3A_1409 = arith.constant 592 : index
    %get3A_1410 = tpu.vector_load %arg7[%get3A_1409] {strides = array<i32>} : memref<1024xi32, #tpu.memory_space<vmem>>, vector<16xi32>,
    %get3A_1411 = vector.shape_cast %get3A_1410 : vector<16xi32> to vector<16xi32>
    %mul3A_1412 = arith.constant 16384 : i32
    %mul3A_1413 = vector.broadcast %mul3A_1412 : i32 to vector<16xi32>
    %mul3A_1414 = arith.muli %get3A_1411, %mul3A_1413 : vector<16xi32>
    %mul3A_1415 = arith.constant 2048 : i32
    %mul3A_1416 = arith.muli %select_n3A, %mul3A_1415 : i32
    %add3A_1417 = vector.broadcast %mul3A_1416 : i32 to vector<16xi32>
    %add3A_1418 = arith.addi %mul3A_1414, %add3A_1417 : vector<16xi32>
    %add3A_1419 = arith.addi %add3A_1418, %get3A_1408 : vector<16xi32>
    %swap3A_1420 = arith.constant 4 : i32
    %swap3A_1421 = arith.index_cast %swap3A_1420 : i32 to index
    %swap3A_1422 = arith.constant 80 : index
    %swap3A_1423 = tpu.vector_load %arg8[%swap3A_1421, %swap3A_1422] {strides = array<i32>} : memref<8x128xi32, #tpu.memory_space<vmem>>, vector<1x16xi32>,
    %swap3A_1424 = vector.shape_cast %swap3A_1423 : vector<1x16xi32> to vector<16xi32>
    %swap3A_1425 = vector.shape_cast %add3A_1419 : vector<16xi32> to vector<1x16xi32>
    tpu.vector_store %arg8[%swap3A_1421, %swap3A_1422], %swap3A_1425 {strides = array<i32>} : memref<8x128xi32, #tpu.memory_space<vmem>>, vector<1x16xi32>,
    %add3A_1426 = arith.constant 512 : i32
    %add3A_1427 = arith.addi %mul3A_32, %add3A_1426 : i32
    %add3A_1428 = arith.constant 80 : i32
    %add3A_1429 = arith.addi %add3A_1427, %add3A_1428 : i32
    %add3A_1430 = vector.broadcast %add3A_1429 : i32 to vector<16xi32>
    %add3A_1431 = arith.addi %add3A_1430, %iota3A : vector<16xi32>
    %mul3A_1432 = arith.constant 8 : i32
    %mul3A_1433 = vector.broadcast %mul3A_1432 : i32 to vector<16xi32>
    %mul3A_1434 = arith.muli %add3A_1431, %mul3A_1433 : vector<16xi32>
    %add3A_1435 = vector.broadcast %select_n3A : i32 to vector<16xi32>
    %add3A_1436 = arith.addi %mul3A_1434, %add3A_1435 : vector<16xi32>
    %swap3A_1437 = arith.constant 4 : i32
    %swap3A_1438 = arith.index_cast %swap3A_1437 : i32 to index
    %swap3A_1439 = arith.constant 80 : index
    %swap3A_1440 = tpu.vector_load %arg9[%swap3A_1438, %swap3A_1439] {strides = array<i32>} : memref<8x128xi32, #tpu.memory_space<vmem>>, vector<1x16xi32>,
    %swap3A_1441 = vector.shape_cast %swap3A_1440 : vector<1x16xi32> to vector<16xi32>
    %swap3A_1442 = vector.shape_cast %add3A_1436 : vector<16xi32> to vector<1x16xi32>
    tpu.vector_store %arg9[%swap3A_1438, %swap3A_1439], %swap3A_1442 {strides = array<i32>} : memref<8x128xi32, #tpu.memory_space<vmem>>, vector<1x16xi32>,
    %get3A_1443 = arith.constant 608 : index
    %get3A_1444 = tpu.vector_load %arg6[%get3A_1443] {strides = array<i32>} : memref<1024xi32, #tpu.memory_space<vmem>>, vector<16xi32>,
    %get3A_1445 = vector.shape_cast %get3A_1444 : vector<16xi32> to vector<16xi32>
    %get3A_1446 = arith.constant 608 : index
    %get3A_1447 = tpu.vector_load %arg7[%get3A_1446] {strides = array<i32>} : memref<1024xi32, #tpu.memory_space<vmem>>, vector<16xi32>,
    %get3A_1448 = vector.shape_cast %get3A_1447 : vector<16xi32> to vector<16xi32>
    %mul3A_1449 = arith.constant 16384 : i32
    %mul3A_1450 = vector.broadcast %mul3A_1449 : i32 to vector<16xi32>
    %mul3A_1451 = arith.muli %get3A_1448, %mul3A_1450 : vector<16xi32>
    %mul3A_1452 = arith.constant 2048 : i32
    %mul3A_1453 = arith.muli %select_n3A, %mul3A_1452 : i32
    %add3A_1454 = vector.broadcast %mul3A_1453 : i32 to vector<16xi32>
    %add3A_1455 = arith.addi %mul3A_1451, %add3A_1454 : vector<16xi32>
    %add3A_1456 = arith.addi %add3A_1455, %get3A_1445 : vector<16xi32>
    %swap3A_1457 = arith.constant 4 : i32
    %swap3A_1458 = arith.index_cast %swap3A_1457 : i32 to index
    %swap3A_1459 = arith.constant 96 : index
    %swap3A_1460 = tpu.vector_load %arg8[%swap3A_1458, %swap3A_1459] {strides = array<i32>} : memref<8x128xi32, #tpu.memory_space<vmem>>, vector<1x16xi32>,
    %swap3A_1461 = vector.shape_cast %swap3A_1460 : vector<1x16xi32> to vector<16xi32>
    %swap3A_1462 = vector.shape_cast %add3A_1456 : vector<16xi32> to vector<1x16xi32>
    tpu.vector_store %arg8[%swap3A_1458, %swap3A_1459], %swap3A_1462 {strides = array<i32>} : memref<8x128xi32, #tpu.memory_space<vmem>>, vector<1x16xi32>,
    %add3A_1463 = arith.constant 512 : i32
    %add3A_1464 = arith.addi %mul3A_32, %add3A_1463 : i32
    %add3A_1465 = arith.constant 96 : i32
    %add3A_1466 = arith.addi %add3A_1464, %add3A_1465 : i32
    %add3A_1467 = vector.broadcast %add3A_1466 : i32 to vector<16xi32>
    %add3A_1468 = arith.addi %add3A_1467, %iota3A : vector<16xi32>
    %mul3A_1469 = arith.constant 8 : i32
    %mul3A_1470 = vector.broadcast %mul3A_1469 : i32 to vector<16xi32>
    %mul3A_1471 = arith.muli %add3A_1468, %mul3A_1470 : vector<16xi32>
    %add3A_1472 = vector.broadcast %select_n3A : i32 to vector<16xi32>
    %add3A_1473 = arith.addi %mul3A_1471, %add3A_1472 : vector<16xi32>
    %swap3A_1474 = arith.constant 4 : i32
    %swap3A_1475 = arith.index_cast %swap3A_1474 : i32 to index
    %swap3A_1476 = arith.constant 96 : index
    %swap3A_1477 = tpu.vector_load %arg9[%swap3A_1475, %swap3A_1476] {strides = array<i32>} : memref<8x128xi32, #tpu.memory_space<vmem>>, vector<1x16xi32>,
    %swap3A_1478 = vector.shape_cast %swap3A_1477 : vector<1x16xi32> to vector<16xi32>
    %swap3A_1479 = vector.shape_cast %add3A_1473 : vector<16xi32> to vector<1x16xi32>
    tpu.vector_store %arg9[%swap3A_1475, %swap3A_1476], %swap3A_1479 {strides = array<i32>} : memref<8x128xi32, #tpu.memory_space<vmem>>, vector<1x16xi32>,
    %get3A_1480 = arith.constant 624 : index
    %get3A_1481 = tpu.vector_load %arg6[%get3A_1480] {strides = array<i32>} : memref<1024xi32, #tpu.memory_space<vmem>>, vector<16xi32>,
    %get3A_1482 = vector.shape_cast %get3A_1481 : vector<16xi32> to vector<16xi32>
    %get3A_1483 = arith.constant 624 : index
    %get3A_1484 = tpu.vector_load %arg7[%get3A_1483] {strides = array<i32>} : memref<1024xi32, #tpu.memory_space<vmem>>, vector<16xi32>,
    %get3A_1485 = vector.shape_cast %get3A_1484 : vector<16xi32> to vector<16xi32>
    %mul3A_1486 = arith.constant 16384 : i32
    %mul3A_1487 = vector.broadcast %mul3A_1486 : i32 to vector<16xi32>
    %mul3A_1488 = arith.muli %get3A_1485, %mul3A_1487 : vector<16xi32>
    %mul3A_1489 = arith.constant 2048 : i32
    %mul3A_1490 = arith.muli %select_n3A, %mul3A_1489 : i32
    %add3A_1491 = vector.broadcast %mul3A_1490 : i32 to vector<16xi32>
    %add3A_1492 = arith.addi %mul3A_1488, %add3A_1491 : vector<16xi32>
    %add3A_1493 = arith.addi %add3A_1492, %get3A_1482 : vector<16xi32>
    %swap3A_1494 = arith.constant 4 : i32
    %swap3A_1495 = arith.index_cast %swap3A_1494 : i32 to index
    %swap3A_1496 = arith.constant 112 : index
    %swap3A_1497 = tpu.vector_load %arg8[%swap3A_1495, %swap3A_1496] {strides = array<i32>} : memref<8x128xi32, #tpu.memory_space<vmem>>, vector<1x16xi32>,
    %swap3A_1498 = vector.shape_cast %swap3A_1497 : vector<1x16xi32> to vector<16xi32>
    %swap3A_1499 = vector.shape_cast %add3A_1493 : vector<16xi32> to vector<1x16xi32>
    tpu.vector_store %arg8[%swap3A_1495, %swap3A_1496], %swap3A_1499 {strides = array<i32>} : memref<8x128xi32, #tpu.memory_space<vmem>>, vector<1x16xi32>,
    %add3A_1500 = arith.constant 512 : i32
    %add3A_1501 = arith.addi %mul3A_32, %add3A_1500 : i32
    %add3A_1502 = arith.constant 112 : i32
    %add3A_1503 = arith.addi %add3A_1501, %add3A_1502 : i32
    %add3A_1504 = vector.broadcast %add3A_1503 : i32 to vector<16xi32>
    %add3A_1505 = arith.addi %add3A_1504, %iota3A : vector<16xi32>
    %mul3A_1506 = arith.constant 8 : i32
    %mul3A_1507 = vector.broadcast %mul3A_1506 : i32 to vector<16xi32>
    %mul3A_1508 = arith.muli %add3A_1505, %mul3A_1507 : vector<16xi32>
    %add3A_1509 = vector.broadcast %select_n3A : i32 to vector<16xi32>
    %add3A_1510 = arith.addi %mul3A_1508, %add3A_1509 : vector<16xi32>
    %swap3A_1511 = arith.constant 4 : i32
    %swap3A_1512 = arith.index_cast %swap3A_1511 : i32 to index
    %swap3A_1513 = arith.constant 112 : index
    %swap3A_1514 = tpu.vector_load %arg9[%swap3A_1512, %swap3A_1513] {strides = array<i32>} : memref<8x128xi32, #tpu.memory_space<vmem>>, vector<1x16xi32>,
    %swap3A_1515 = vector.shape_cast %swap3A_1514 : vector<1x16xi32> to vector<16xi32>
    %swap3A_1516 = vector.shape_cast %add3A_1510 : vector<16xi32> to vector<1x16xi32>
    tpu.vector_store %arg9[%swap3A_1512, %swap3A_1513], %swap3A_1516 {strides = array<i32>} : memref<8x128xi32, #tpu.memory_space<vmem>>, vector<1x16xi32>,
    %get3A_1517 = arith.constant 640 : index
    %get3A_1518 = tpu.vector_load %arg6[%get3A_1517] {strides = array<i32>} : memref<1024xi32, #tpu.memory_space<vmem>>, vector<16xi32>,
    %get3A_1519 = vector.shape_cast %get3A_1518 : vector<16xi32> to vector<16xi32>
    %get3A_1520 = arith.constant 640 : index
    %get3A_1521 = tpu.vector_load %arg7[%get3A_1520] {strides = array<i32>} : memref<1024xi32, #tpu.memory_space<vmem>>, vector<16xi32>,
    %get3A_1522 = vector.shape_cast %get3A_1521 : vector<16xi32> to vector<16xi32>
    %mul3A_1523 = arith.constant 16384 : i32
    %mul3A_1524 = vector.broadcast %mul3A_1523 : i32 to vector<16xi32>
    %mul3A_1525 = arith.muli %get3A_1522, %mul3A_1524 : vector<16xi32>
    %mul3A_1526 = arith.constant 2048 : i32
    %mul3A_1527 = arith.muli %select_n3A, %mul3A_1526 : i32
    %add3A_1528 = vector.broadcast %mul3A_1527 : i32 to vector<16xi32>
    %add3A_1529 = arith.addi %mul3A_1525, %add3A_1528 : vector<16xi32>
    %add3A_1530 = arith.addi %add3A_1529, %get3A_1519 : vector<16xi32>
    %swap3A_1531 = arith.constant 5 : i32
    %swap3A_1532 = arith.index_cast %swap3A_1531 : i32 to index
    %swap3A_1533 = arith.constant 0 : index
    %swap3A_1534 = tpu.vector_load %arg8[%swap3A_1532, %swap3A_1533] {strides = array<i32>} : memref<8x128xi32, #tpu.memory_space<vmem>>, vector<1x16xi32>,
    %swap3A_1535 = vector.shape_cast %swap3A_1534 : vector<1x16xi32> to vector<16xi32>
    %swap3A_1536 = vector.shape_cast %add3A_1530 : vector<16xi32> to vector<1x16xi32>
    tpu.vector_store %arg8[%swap3A_1532, %swap3A_1533], %swap3A_1536 {strides = array<i32>} : memref<8x128xi32, #tpu.memory_space<vmem>>, vector<1x16xi32>,
    %add3A_1537 = arith.constant 640 : i32
    %add3A_1538 = arith.addi %mul3A_32, %add3A_1537 : i32
    %add3A_1539 = arith.constant 0 : i32
    %add3A_1540 = arith.addi %add3A_1538, %add3A_1539 : i32
    %add3A_1541 = vector.broadcast %add3A_1540 : i32 to vector<16xi32>
    %add3A_1542 = arith.addi %add3A_1541, %iota3A : vector<16xi32>
    %mul3A_1543 = arith.constant 8 : i32
    %mul3A_1544 = vector.broadcast %mul3A_1543 : i32 to vector<16xi32>
    %mul3A_1545 = arith.muli %add3A_1542, %mul3A_1544 : vector<16xi32>
    %add3A_1546 = vector.broadcast %select_n3A : i32 to vector<16xi32>
    %add3A_1547 = arith.addi %mul3A_1545, %add3A_1546 : vector<16xi32>
    %swap3A_1548 = arith.constant 5 : i32
    %swap3A_1549 = arith.index_cast %swap3A_1548 : i32 to index
    %swap3A_1550 = arith.constant 0 : index
    %swap3A_1551 = tpu.vector_load %arg9[%swap3A_1549, %swap3A_1550] {strides = array<i32>} : memref<8x128xi32, #tpu.memory_space<vmem>>, vector<1x16xi32>,
    %swap3A_1552 = vector.shape_cast %swap3A_1551 : vector<1x16xi32> to vector<16xi32>
    %swap3A_1553 = vector.shape_cast %add3A_1547 : vector<16xi32> to vector<1x16xi32>
    tpu.vector_store %arg9[%swap3A_1549, %swap3A_1550], %swap3A_1553 {strides = array<i32>} : memref<8x128xi32, #tpu.memory_space<vmem>>, vector<1x16xi32>,
    %get3A_1554 = arith.constant 656 : index
    %get3A_1555 = tpu.vector_load %arg6[%get3A_1554] {strides = array<i32>} : memref<1024xi32, #tpu.memory_space<vmem>>, vector<16xi32>,
    %get3A_1556 = vector.shape_cast %get3A_1555 : vector<16xi32> to vector<16xi32>
    %get3A_1557 = arith.constant 656 : index
    %get3A_1558 = tpu.vector_load %arg7[%get3A_1557] {strides = array<i32>} : memref<1024xi32, #tpu.memory_space<vmem>>, vector<16xi32>,
    %get3A_1559 = vector.shape_cast %get3A_1558 : vector<16xi32> to vector<16xi32>
    %mul3A_1560 = arith.constant 16384 : i32
    %mul3A_1561 = vector.broadcast %mul3A_1560 : i32 to vector<16xi32>
    %mul3A_1562 = arith.muli %get3A_1559, %mul3A_1561 : vector<16xi32>
    %mul3A_1563 = arith.constant 2048 : i32
    %mul3A_1564 = arith.muli %select_n3A, %mul3A_1563 : i32
    %add3A_1565 = vector.broadcast %mul3A_1564 : i32 to vector<16xi32>
    %add3A_1566 = arith.addi %mul3A_1562, %add3A_1565 : vector<16xi32>
    %add3A_1567 = arith.addi %add3A_1566, %get3A_1556 : vector<16xi32>
    %swap3A_1568 = arith.constant 5 : i32
    %swap3A_1569 = arith.index_cast %swap3A_1568 : i32 to index
    %swap3A_1570 = arith.constant 16 : index
    %swap3A_1571 = tpu.vector_load %arg8[%swap3A_1569, %swap3A_1570] {strides = array<i32>} : memref<8x128xi32, #tpu.memory_space<vmem>>, vector<1x16xi32>,
    %swap3A_1572 = vector.shape_cast %swap3A_1571 : vector<1x16xi32> to vector<16xi32>
    %swap3A_1573 = vector.shape_cast %add3A_1567 : vector<16xi32> to vector<1x16xi32>
    tpu.vector_store %arg8[%swap3A_1569, %swap3A_1570], %swap3A_1573 {strides = array<i32>} : memref<8x128xi32, #tpu.memory_space<vmem>>, vector<1x16xi32>,
    %add3A_1574 = arith.constant 640 : i32
    %add3A_1575 = arith.addi %mul3A_32, %add3A_1574 : i32
    %add3A_1576 = arith.constant 16 : i32
    %add3A_1577 = arith.addi %add3A_1575, %add3A_1576 : i32
    %add3A_1578 = vector.broadcast %add3A_1577 : i32 to vector<16xi32>
    %add3A_1579 = arith.addi %add3A_1578, %iota3A : vector<16xi32>
    %mul3A_1580 = arith.constant 8 : i32
    %mul3A_1581 = vector.broadcast %mul3A_1580 : i32 to vector<16xi32>
    %mul3A_1582 = arith.muli %add3A_1579, %mul3A_1581 : vector<16xi32>
    %add3A_1583 = vector.broadcast %select_n3A : i32 to vector<16xi32>
    %add3A_1584 = arith.addi %mul3A_1582, %add3A_1583 : vector<16xi32>
    %swap3A_1585 = arith.constant 5 : i32
    %swap3A_1586 = arith.index_cast %swap3A_1585 : i32 to index
    %swap3A_1587 = arith.constant 16 : index
    %swap3A_1588 = tpu.vector_load %arg9[%swap3A_1586, %swap3A_1587] {strides = array<i32>} : memref<8x128xi32, #tpu.memory_space<vmem>>, vector<1x16xi32>,
    %swap3A_1589 = vector.shape_cast %swap3A_1588 : vector<1x16xi32> to vector<16xi32>
    %swap3A_1590 = vector.shape_cast %add3A_1584 : vector<16xi32> to vector<1x16xi32>
    tpu.vector_store %arg9[%swap3A_1586, %swap3A_1587], %swap3A_1590 {strides = array<i32>} : memref<8x128xi32, #tpu.memory_space<vmem>>, vector<1x16xi32>,
    %get3A_1591 = arith.constant 672 : index
    %get3A_1592 = tpu.vector_load %arg6[%get3A_1591] {strides = array<i32>} : memref<1024xi32, #tpu.memory_space<vmem>>, vector<16xi32>,
    %get3A_1593 = vector.shape_cast %get3A_1592 : vector<16xi32> to vector<16xi32>
    %get3A_1594 = arith.constant 672 : index
    %get3A_1595 = tpu.vector_load %arg7[%get3A_1594] {strides = array<i32>} : memref<1024xi32, #tpu.memory_space<vmem>>, vector<16xi32>,
    %get3A_1596 = vector.shape_cast %get3A_1595 : vector<16xi32> to vector<16xi32>
    %mul3A_1597 = arith.constant 16384 : i32
    %mul3A_1598 = vector.broadcast %mul3A_1597 : i32 to vector<16xi32>
    %mul3A_1599 = arith.muli %get3A_1596, %mul3A_1598 : vector<16xi32>
    %mul3A_1600 = arith.constant 2048 : i32
    %mul3A_1601 = arith.muli %select_n3A, %mul3A_1600 : i32
    %add3A_1602 = vector.broadcast %mul3A_1601 : i32 to vector<16xi32>
    %add3A_1603 = arith.addi %mul3A_1599, %add3A_1602 : vector<16xi32>
    %add3A_1604 = arith.addi %add3A_1603, %get3A_1593 : vector<16xi32>
    %swap3A_1605 = arith.constant 5 : i32
    %swap3A_1606 = arith.index_cast %swap3A_1605 : i32 to index
    %swap3A_1607 = arith.constant 32 : index
    %swap3A_1608 = tpu.vector_load %arg8[%swap3A_1606, %swap3A_1607] {strides = array<i32>} : memref<8x128xi32, #tpu.memory_space<vmem>>, vector<1x16xi32>,
    %swap3A_1609 = vector.shape_cast %swap3A_1608 : vector<1x16xi32> to vector<16xi32>
    %swap3A_1610 = vector.shape_cast %add3A_1604 : vector<16xi32> to vector<1x16xi32>
    tpu.vector_store %arg8[%swap3A_1606, %swap3A_1607], %swap3A_1610 {strides = array<i32>} : memref<8x128xi32, #tpu.memory_space<vmem>>, vector<1x16xi32>,
    %add3A_1611 = arith.constant 640 : i32
    %add3A_1612 = arith.addi %mul3A_32, %add3A_1611 : i32
    %add3A_1613 = arith.constant 32 : i32
    %add3A_1614 = arith.addi %add3A_1612, %add3A_1613 : i32
    %add3A_1615 = vector.broadcast %add3A_1614 : i32 to vector<16xi32>
    %add3A_1616 = arith.addi %add3A_1615, %iota3A : vector<16xi32>
    %mul3A_1617 = arith.constant 8 : i32
    %mul3A_1618 = vector.broadcast %mul3A_1617 : i32 to vector<16xi32>
    %mul3A_1619 = arith.muli %add3A_1616, %mul3A_1618 : vector<16xi32>
    %add3A_1620 = vector.broadcast %select_n3A : i32 to vector<16xi32>
    %add3A_1621 = arith.addi %mul3A_1619, %add3A_1620 : vector<16xi32>
    %swap3A_1622 = arith.constant 5 : i32
    %swap3A_1623 = arith.index_cast %swap3A_1622 : i32 to index
    %swap3A_1624 = arith.constant 32 : index
    %swap3A_1625 = tpu.vector_load %arg9[%swap3A_1623, %swap3A_1624] {strides = array<i32>} : memref<8x128xi32, #tpu.memory_space<vmem>>, vector<1x16xi32>,
    %swap3A_1626 = vector.shape_cast %swap3A_1625 : vector<1x16xi32> to vector<16xi32>
    %swap3A_1627 = vector.shape_cast %add3A_1621 : vector<16xi32> to vector<1x16xi32>
    tpu.vector_store %arg9[%swap3A_1623, %swap3A_1624], %swap3A_1627 {strides = array<i32>} : memref<8x128xi32, #tpu.memory_space<vmem>>, vector<1x16xi32>,
    %get3A_1628 = arith.constant 688 : index
    %get3A_1629 = tpu.vector_load %arg6[%get3A_1628] {strides = array<i32>} : memref<1024xi32, #tpu.memory_space<vmem>>, vector<16xi32>,
    %get3A_1630 = vector.shape_cast %get3A_1629 : vector<16xi32> to vector<16xi32>
    %get3A_1631 = arith.constant 688 : index
    %get3A_1632 = tpu.vector_load %arg7[%get3A_1631] {strides = array<i32>} : memref<1024xi32, #tpu.memory_space<vmem>>, vector<16xi32>,
    %get3A_1633 = vector.shape_cast %get3A_1632 : vector<16xi32> to vector<16xi32>
    %mul3A_1634 = arith.constant 16384 : i32
    %mul3A_1635 = vector.broadcast %mul3A_1634 : i32 to vector<16xi32>
    %mul3A_1636 = arith.muli %get3A_1633, %mul3A_1635 : vector<16xi32>
    %mul3A_1637 = arith.constant 2048 : i32
    %mul3A_1638 = arith.muli %select_n3A, %mul3A_1637 : i32
    %add3A_1639 = vector.broadcast %mul3A_1638 : i32 to vector<16xi32>
    %add3A_1640 = arith.addi %mul3A_1636, %add3A_1639 : vector<16xi32>
    %add3A_1641 = arith.addi %add3A_1640, %get3A_1630 : vector<16xi32>
    %swap3A_1642 = arith.constant 5 : i32
    %swap3A_1643 = arith.index_cast %swap3A_1642 : i32 to index
    %swap3A_1644 = arith.constant 48 : index
    %swap3A_1645 = tpu.vector_load %arg8[%swap3A_1643, %swap3A_1644] {strides = array<i32>} : memref<8x128xi32, #tpu.memory_space<vmem>>, vector<1x16xi32>,
    %swap3A_1646 = vector.shape_cast %swap3A_1645 : vector<1x16xi32> to vector<16xi32>
    %swap3A_1647 = vector.shape_cast %add3A_1641 : vector<16xi32> to vector<1x16xi32>
    tpu.vector_store %arg8[%swap3A_1643, %swap3A_1644], %swap3A_1647 {strides = array<i32>} : memref<8x128xi32, #tpu.memory_space<vmem>>, vector<1x16xi32>,
    %add3A_1648 = arith.constant 640 : i32
    %add3A_1649 = arith.addi %mul3A_32, %add3A_1648 : i32
    %add3A_1650 = arith.constant 48 : i32
    %add3A_1651 = arith.addi %add3A_1649, %add3A_1650 : i32
    %add3A_1652 = vector.broadcast %add3A_1651 : i32 to vector<16xi32>
    %add3A_1653 = arith.addi %add3A_1652, %iota3A : vector<16xi32>
    %mul3A_1654 = arith.constant 8 : i32
    %mul3A_1655 = vector.broadcast %mul3A_1654 : i32 to vector<16xi32>
    %mul3A_1656 = arith.muli %add3A_1653, %mul3A_1655 : vector<16xi32>
    %add3A_1657 = vector.broadcast %select_n3A : i32 to vector<16xi32>
    %add3A_1658 = arith.addi %mul3A_1656, %add3A_1657 : vector<16xi32>
    %swap3A_1659 = arith.constant 5 : i32
    %swap3A_1660 = arith.index_cast %swap3A_1659 : i32 to index
    %swap3A_1661 = arith.constant 48 : index
    %swap3A_1662 = tpu.vector_load %arg9[%swap3A_1660, %swap3A_1661] {strides = array<i32>} : memref<8x128xi32, #tpu.memory_space<vmem>>, vector<1x16xi32>,
    %swap3A_1663 = vector.shape_cast %swap3A_1662 : vector<1x16xi32> to vector<16xi32>
    %swap3A_1664 = vector.shape_cast %add3A_1658 : vector<16xi32> to vector<1x16xi32>
    tpu.vector_store %arg9[%swap3A_1660, %swap3A_1661], %swap3A_1664 {strides = array<i32>} : memref<8x128xi32, #tpu.memory_space<vmem>>, vector<1x16xi32>,
    %get3A_1665 = arith.constant 704 : index
    %get3A_1666 = tpu.vector_load %arg6[%get3A_1665] {strides = array<i32>} : memref<1024xi32, #tpu.memory_space<vmem>>, vector<16xi32>,
    %get3A_1667 = vector.shape_cast %get3A_1666 : vector<16xi32> to vector<16xi32>
    %get3A_1668 = arith.constant 704 : index
    %get3A_1669 = tpu.vector_load %arg7[%get3A_1668] {strides = array<i32>} : memref<1024xi32, #tpu.memory_space<vmem>>, vector<16xi32>,
    %get3A_1670 = vector.shape_cast %get3A_1669 : vector<16xi32> to vector<16xi32>
    %mul3A_1671 = arith.constant 16384 : i32
    %mul3A_1672 = vector.broadcast %mul3A_1671 : i32 to vector<16xi32>
    %mul3A_1673 = arith.muli %get3A_1670, %mul3A_1672 : vector<16xi32>
    %mul3A_1674 = arith.constant 2048 : i32
    %mul3A_1675 = arith.muli %select_n3A, %mul3A_1674 : i32
    %add3A_1676 = vector.broadcast %mul3A_1675 : i32 to vector<16xi32>
    %add3A_1677 = arith.addi %mul3A_1673, %add3A_1676 : vector<16xi32>
    %add3A_1678 = arith.addi %add3A_1677, %get3A_1667 : vector<16xi32>
    %swap3A_1679 = arith.constant 5 : i32
    %swap3A_1680 = arith.index_cast %swap3A_1679 : i32 to index
    %swap3A_1681 = arith.constant 64 : index
    %swap3A_1682 = tpu.vector_load %arg8[%swap3A_1680, %swap3A_1681] {strides = array<i32>} : memref<8x128xi32, #tpu.memory_space<vmem>>, vector<1x16xi32>,
    %swap3A_1683 = vector.shape_cast %swap3A_1682 : vector<1x16xi32> to vector<16xi32>
    %swap3A_1684 = vector.shape_cast %add3A_1678 : vector<16xi32> to vector<1x16xi32>
    tpu.vector_store %arg8[%swap3A_1680, %swap3A_1681], %swap3A_1684 {strides = array<i32>} : memref<8x128xi32, #tpu.memory_space<vmem>>, vector<1x16xi32>,
    %add3A_1685 = arith.constant 640 : i32
    %add3A_1686 = arith.addi %mul3A_32, %add3A_1685 : i32
    %add3A_1687 = arith.constant 64 : i32
    %add3A_1688 = arith.addi %add3A_1686, %add3A_1687 : i32
    %add3A_1689 = vector.broadcast %add3A_1688 : i32 to vector<16xi32>
    %add3A_1690 = arith.addi %add3A_1689, %iota3A : vector<16xi32>
    %mul3A_1691 = arith.constant 8 : i32
    %mul3A_1692 = vector.broadcast %mul3A_1691 : i32 to vector<16xi32>
    %mul3A_1693 = arith.muli %add3A_1690, %mul3A_1692 : vector<16xi32>
    %add3A_1694 = vector.broadcast %select_n3A : i32 to vector<16xi32>
    %add3A_1695 = arith.addi %mul3A_1693, %add3A_1694 : vector<16xi32>
    %swap3A_1696 = arith.constant 5 : i32
    %swap3A_1697 = arith.index_cast %swap3A_1696 : i32 to index
    %swap3A_1698 = arith.constant 64 : index
    %swap3A_1699 = tpu.vector_load %arg9[%swap3A_1697, %swap3A_1698] {strides = array<i32>} : memref<8x128xi32, #tpu.memory_space<vmem>>, vector<1x16xi32>,
    %swap3A_1700 = vector.shape_cast %swap3A_1699 : vector<1x16xi32> to vector<16xi32>
    %swap3A_1701 = vector.shape_cast %add3A_1695 : vector<16xi32> to vector<1x16xi32>
    tpu.vector_store %arg9[%swap3A_1697, %swap3A_1698], %swap3A_1701 {strides = array<i32>} : memref<8x128xi32, #tpu.memory_space<vmem>>, vector<1x16xi32>,
    %get3A_1702 = arith.constant 720 : index
    %get3A_1703 = tpu.vector_load %arg6[%get3A_1702] {strides = array<i32>} : memref<1024xi32, #tpu.memory_space<vmem>>, vector<16xi32>,
    %get3A_1704 = vector.shape_cast %get3A_1703 : vector<16xi32> to vector<16xi32>
    %get3A_1705 = arith.constant 720 : index
    %get3A_1706 = tpu.vector_load %arg7[%get3A_1705] {strides = array<i32>} : memref<1024xi32, #tpu.memory_space<vmem>>, vector<16xi32>,
    %get3A_1707 = vector.shape_cast %get3A_1706 : vector<16xi32> to vector<16xi32>
    %mul3A_1708 = arith.constant 16384 : i32
    %mul3A_1709 = vector.broadcast %mul3A_1708 : i32 to vector<16xi32>
    %mul3A_1710 = arith.muli %get3A_1707, %mul3A_1709 : vector<16xi32>
    %mul3A_1711 = arith.constant 2048 : i32
    %mul3A_1712 = arith.muli %select_n3A, %mul3A_1711 : i32
    %add3A_1713 = vector.broadcast %mul3A_1712 : i32 to vector<16xi32>
    %add3A_1714 = arith.addi %mul3A_1710, %add3A_1713 : vector<16xi32>
    %add3A_1715 = arith.addi %add3A_1714, %get3A_1704 : vector<16xi32>
    %swap3A_1716 = arith.constant 5 : i32
    %swap3A_1717 = arith.index_cast %swap3A_1716 : i32 to index
    %swap3A_1718 = arith.constant 80 : index
    %swap3A_1719 = tpu.vector_load %arg8[%swap3A_1717, %swap3A_1718] {strides = array<i32>} : memref<8x128xi32, #tpu.memory_space<vmem>>, vector<1x16xi32>,
    %swap3A_1720 = vector.shape_cast %swap3A_1719 : vector<1x16xi32> to vector<16xi32>
    %swap3A_1721 = vector.shape_cast %add3A_1715 : vector<16xi32> to vector<1x16xi32>
    tpu.vector_store %arg8[%swap3A_1717, %swap3A_1718], %swap3A_1721 {strides = array<i32>} : memref<8x128xi32, #tpu.memory_space<vmem>>, vector<1x16xi32>,
    %add3A_1722 = arith.constant 640 : i32
    %add3A_1723 = arith.addi %mul3A_32, %add3A_1722 : i32
    %add3A_1724 = arith.constant 80 : i32
    %add3A_1725 = arith.addi %add3A_1723, %add3A_1724 : i32
    %add3A_1726 = vector.broadcast %add3A_1725 : i32 to vector<16xi32>
    %add3A_1727 = arith.addi %add3A_1726, %iota3A : vector<16xi32>
    %mul3A_1728 = arith.constant 8 : i32
    %mul3A_1729 = vector.broadcast %mul3A_1728 : i32 to vector<16xi32>
    %mul3A_1730 = arith.muli %add3A_1727, %mul3A_1729 : vector<16xi32>
    %add3A_1731 = vector.broadcast %select_n3A : i32 to vector<16xi32>
    %add3A_1732 = arith.addi %mul3A_1730, %add3A_1731 : vector<16xi32>
    %swap3A_1733 = arith.constant 5 : i32
    %swap3A_1734 = arith.index_cast %swap3A_1733 : i32 to index
    %swap3A_1735 = arith.constant 80 : index
    %swap3A_1736 = tpu.vector_load %arg9[%swap3A_1734, %swap3A_1735] {strides = array<i32>} : memref<8x128xi32, #tpu.memory_space<vmem>>, vector<1x16xi32>,
    %swap3A_1737 = vector.shape_cast %swap3A_1736 : vector<1x16xi32> to vector<16xi32>
    %swap3A_1738 = vector.shape_cast %add3A_1732 : vector<16xi32> to vector<1x16xi32>
    tpu.vector_store %arg9[%swap3A_1734, %swap3A_1735], %swap3A_1738 {strides = array<i32>} : memref<8x128xi32, #tpu.memory_space<vmem>>, vector<1x16xi32>,
    %get3A_1739 = arith.constant 736 : index
    %get3A_1740 = tpu.vector_load %arg6[%get3A_1739] {strides = array<i32>} : memref<1024xi32, #tpu.memory_space<vmem>>, vector<16xi32>,
    %get3A_1741 = vector.shape_cast %get3A_1740 : vector<16xi32> to vector<16xi32>
    %get3A_1742 = arith.constant 736 : index
    %get3A_1743 = tpu.vector_load %arg7[%get3A_1742] {strides = array<i32>} : memref<1024xi32, #tpu.memory_space<vmem>>, vector<16xi32>,
    %get3A_1744 = vector.shape_cast %get3A_1743 : vector<16xi32> to vector<16xi32>
    %mul3A_1745 = arith.constant 16384 : i32
    %mul3A_1746 = vector.broadcast %mul3A_1745 : i32 to vector<16xi32>
    %mul3A_1747 = arith.muli %get3A_1744, %mul3A_1746 : vector<16xi32>
    %mul3A_1748 = arith.constant 2048 : i32
    %mul3A_1749 = arith.muli %select_n3A, %mul3A_1748 : i32
    %add3A_1750 = vector.broadcast %mul3A_1749 : i32 to vector<16xi32>
    %add3A_1751 = arith.addi %mul3A_1747, %add3A_1750 : vector<16xi32>
    %add3A_1752 = arith.addi %add3A_1751, %get3A_1741 : vector<16xi32>
    %swap3A_1753 = arith.constant 5 : i32
    %swap3A_1754 = arith.index_cast %swap3A_1753 : i32 to index
    %swap3A_1755 = arith.constant 96 : index
    %swap3A_1756 = tpu.vector_load %arg8[%swap3A_1754, %swap3A_1755] {strides = array<i32>} : memref<8x128xi32, #tpu.memory_space<vmem>>, vector<1x16xi32>,
    %swap3A_1757 = vector.shape_cast %swap3A_1756 : vector<1x16xi32> to vector<16xi32>
    %swap3A_1758 = vector.shape_cast %add3A_1752 : vector<16xi32> to vector<1x16xi32>
    tpu.vector_store %arg8[%swap3A_1754, %swap3A_1755], %swap3A_1758 {strides = array<i32>} : memref<8x128xi32, #tpu.memory_space<vmem>>, vector<1x16xi32>,
    %add3A_1759 = arith.constant 640 : i32
    %add3A_1760 = arith.addi %mul3A_32, %add3A_1759 : i32
    %add3A_1761 = arith.constant 96 : i32
    %add3A_1762 = arith.addi %add3A_1760, %add3A_1761 : i32
    %add3A_1763 = vector.broadcast %add3A_1762 : i32 to vector<16xi32>
    %add3A_1764 = arith.addi %add3A_1763, %iota3A : vector<16xi32>
    %mul3A_1765 = arith.constant 8 : i32
    %mul3A_1766 = vector.broadcast %mul3A_1765 : i32 to vector<16xi32>
    %mul3A_1767 = arith.muli %add3A_1764, %mul3A_1766 : vector<16xi32>
    %add3A_1768 = vector.broadcast %select_n3A : i32 to vector<16xi32>
    %add3A_1769 = arith.addi %mul3A_1767, %add3A_1768 : vector<16xi32>
    %swap3A_1770 = arith.constant 5 : i32
    %swap3A_1771 = arith.index_cast %swap3A_1770 : i32 to index
    %swap3A_1772 = arith.constant 96 : index
    %swap3A_1773 = tpu.vector_load %arg9[%swap3A_1771, %swap3A_1772] {strides = array<i32>} : memref<8x128xi32, #tpu.memory_space<vmem>>, vector<1x16xi32>,
    %swap3A_1774 = vector.shape_cast %swap3A_1773 : vector<1x16xi32> to vector<16xi32>
    %swap3A_1775 = vector.shape_cast %add3A_1769 : vector<16xi32> to vector<1x16xi32>
    tpu.vector_store %arg9[%swap3A_1771, %swap3A_1772], %swap3A_1775 {strides = array<i32>} : memref<8x128xi32, #tpu.memory_space<vmem>>, vector<1x16xi32>,
    %get3A_1776 = arith.constant 752 : index
    %get3A_1777 = tpu.vector_load %arg6[%get3A_1776] {strides = array<i32>} : memref<1024xi32, #tpu.memory_space<vmem>>, vector<16xi32>,
    %get3A_1778 = vector.shape_cast %get3A_1777 : vector<16xi32> to vector<16xi32>
    %get3A_1779 = arith.constant 752 : index
    %get3A_1780 = tpu.vector_load %arg7[%get3A_1779] {strides = array<i32>} : memref<1024xi32, #tpu.memory_space<vmem>>, vector<16xi32>,
    %get3A_1781 = vector.shape_cast %get3A_1780 : vector<16xi32> to vector<16xi32>
    %mul3A_1782 = arith.constant 16384 : i32
    %mul3A_1783 = vector.broadcast %mul3A_1782 : i32 to vector<16xi32>
    %mul3A_1784 = arith.muli %get3A_1781, %mul3A_1783 : vector<16xi32>
    %mul3A_1785 = arith.constant 2048 : i32
    %mul3A_1786 = arith.muli %select_n3A, %mul3A_1785 : i32
    %add3A_1787 = vector.broadcast %mul3A_1786 : i32 to vector<16xi32>
    %add3A_1788 = arith.addi %mul3A_1784, %add3A_1787 : vector<16xi32>
    %add3A_1789 = arith.addi %add3A_1788, %get3A_1778 : vector<16xi32>
    %swap3A_1790 = arith.constant 5 : i32
    %swap3A_1791 = arith.index_cast %swap3A_1790 : i32 to index
    %swap3A_1792 = arith.constant 112 : index
    %swap3A_1793 = tpu.vector_load %arg8[%swap3A_1791, %swap3A_1792] {strides = array<i32>} : memref<8x128xi32, #tpu.memory_space<vmem>>, vector<1x16xi32>,
    %swap3A_1794 = vector.shape_cast %swap3A_1793 : vector<1x16xi32> to vector<16xi32>
    %swap3A_1795 = vector.shape_cast %add3A_1789 : vector<16xi32> to vector<1x16xi32>
    tpu.vector_store %arg8[%swap3A_1791, %swap3A_1792], %swap3A_1795 {strides = array<i32>} : memref<8x128xi32, #tpu.memory_space<vmem>>, vector<1x16xi32>,
    %add3A_1796 = arith.constant 640 : i32
    %add3A_1797 = arith.addi %mul3A_32, %add3A_1796 : i32
    %add3A_1798 = arith.constant 112 : i32
    %add3A_1799 = arith.addi %add3A_1797, %add3A_1798 : i32
    %add3A_1800 = vector.broadcast %add3A_1799 : i32 to vector<16xi32>
    %add3A_1801 = arith.addi %add3A_1800, %iota3A : vector<16xi32>
    %mul3A_1802 = arith.constant 8 : i32
    %mul3A_1803 = vector.broadcast %mul3A_1802 : i32 to vector<16xi32>
    %mul3A_1804 = arith.muli %add3A_1801, %mul3A_1803 : vector<16xi32>
    %add3A_1805 = vector.broadcast %select_n3A : i32 to vector<16xi32>
    %add3A_1806 = arith.addi %mul3A_1804, %add3A_1805 : vector<16xi32>
    %swap3A_1807 = arith.constant 5 : i32
    %swap3A_1808 = arith.index_cast %swap3A_1807 : i32 to index
    %swap3A_1809 = arith.constant 112 : index
    %swap3A_1810 = tpu.vector_load %arg9[%swap3A_1808, %swap3A_1809] {strides = array<i32>} : memref<8x128xi32, #tpu.memory_space<vmem>>, vector<1x16xi32>,
    %swap3A_1811 = vector.shape_cast %swap3A_1810 : vector<1x16xi32> to vector<16xi32>
    %swap3A_1812 = vector.shape_cast %add3A_1806 : vector<16xi32> to vector<1x16xi32>
    tpu.vector_store %arg9[%swap3A_1808, %swap3A_1809], %swap3A_1812 {strides = array<i32>} : memref<8x128xi32, #tpu.memory_space<vmem>>, vector<1x16xi32>,
    %get3A_1813 = arith.constant 768 : index
    %get3A_1814 = tpu.vector_load %arg6[%get3A_1813] {strides = array<i32>} : memref<1024xi32, #tpu.memory_space<vmem>>, vector<16xi32>,
    %get3A_1815 = vector.shape_cast %get3A_1814 : vector<16xi32> to vector<16xi32>
    %get3A_1816 = arith.constant 768 : index
    %get3A_1817 = tpu.vector_load %arg7[%get3A_1816] {strides = array<i32>} : memref<1024xi32, #tpu.memory_space<vmem>>, vector<16xi32>,
    %get3A_1818 = vector.shape_cast %get3A_1817 : vector<16xi32> to vector<16xi32>
    %mul3A_1819 = arith.constant 16384 : i32
    %mul3A_1820 = vector.broadcast %mul3A_1819 : i32 to vector<16xi32>
    %mul3A_1821 = arith.muli %get3A_1818, %mul3A_1820 : vector<16xi32>
    %mul3A_1822 = arith.constant 2048 : i32
    %mul3A_1823 = arith.muli %select_n3A, %mul3A_1822 : i32
    %add3A_1824 = vector.broadcast %mul3A_1823 : i32 to vector<16xi32>
    %add3A_1825 = arith.addi %mul3A_1821, %add3A_1824 : vector<16xi32>
    %add3A_1826 = arith.addi %add3A_1825, %get3A_1815 : vector<16xi32>
    %swap3A_1827 = arith.constant 6 : i32
    %swap3A_1828 = arith.index_cast %swap3A_1827 : i32 to index
    %swap3A_1829 = arith.constant 0 : index
    %swap3A_1830 = tpu.vector_load %arg8[%swap3A_1828, %swap3A_1829] {strides = array<i32>} : memref<8x128xi32, #tpu.memory_space<vmem>>, vector<1x16xi32>,
    %swap3A_1831 = vector.shape_cast %swap3A_1830 : vector<1x16xi32> to vector<16xi32>
    %swap3A_1832 = vector.shape_cast %add3A_1826 : vector<16xi32> to vector<1x16xi32>
    tpu.vector_store %arg8[%swap3A_1828, %swap3A_1829], %swap3A_1832 {strides = array<i32>} : memref<8x128xi32, #tpu.memory_space<vmem>>, vector<1x16xi32>,
    %add3A_1833 = arith.constant 768 : i32
    %add3A_1834 = arith.addi %mul3A_32, %add3A_1833 : i32
    %add3A_1835 = arith.constant 0 : i32
    %add3A_1836 = arith.addi %add3A_1834, %add3A_1835 : i32
    %add3A_1837 = vector.broadcast %add3A_1836 : i32 to vector<16xi32>
    %add3A_1838 = arith.addi %add3A_1837, %iota3A : vector<16xi32>
    %mul3A_1839 = arith.constant 8 : i32
    %mul3A_1840 = vector.broadcast %mul3A_1839 : i32 to vector<16xi32>
    %mul3A_1841 = arith.muli %add3A_1838, %mul3A_1840 : vector<16xi32>
    %add3A_1842 = vector.broadcast %select_n3A : i32 to vector<16xi32>
    %add3A_1843 = arith.addi %mul3A_1841, %add3A_1842 : vector<16xi32>
    %swap3A_1844 = arith.constant 6 : i32
    %swap3A_1845 = arith.index_cast %swap3A_1844 : i32 to index
    %swap3A_1846 = arith.constant 0 : index
    %swap3A_1847 = tpu.vector_load %arg9[%swap3A_1845, %swap3A_1846] {strides = array<i32>} : memref<8x128xi32, #tpu.memory_space<vmem>>, vector<1x16xi32>,
    %swap3A_1848 = vector.shape_cast %swap3A_1847 : vector<1x16xi32> to vector<16xi32>
    %swap3A_1849 = vector.shape_cast %add3A_1843 : vector<16xi32> to vector<1x16xi32>
    tpu.vector_store %arg9[%swap3A_1845, %swap3A_1846], %swap3A_1849 {strides = array<i32>} : memref<8x128xi32, #tpu.memory_space<vmem>>, vector<1x16xi32>,
    %get3A_1850 = arith.constant 784 : index
    %get3A_1851 = tpu.vector_load %arg6[%get3A_1850] {strides = array<i32>} : memref<1024xi32, #tpu.memory_space<vmem>>, vector<16xi32>,
    %get3A_1852 = vector.shape_cast %get3A_1851 : vector<16xi32> to vector<16xi32>
    %get3A_1853 = arith.constant 784 : index
    %get3A_1854 = tpu.vector_load %arg7[%get3A_1853] {strides = array<i32>} : memref<1024xi32, #tpu.memory_space<vmem>>, vector<16xi32>,
    %get3A_1855 = vector.shape_cast %get3A_1854 : vector<16xi32> to vector<16xi32>
    %mul3A_1856 = arith.constant 16384 : i32
    %mul3A_1857 = vector.broadcast %mul3A_1856 : i32 to vector<16xi32>
    %mul3A_1858 = arith.muli %get3A_1855, %mul3A_1857 : vector<16xi32>
    %mul3A_1859 = arith.constant 2048 : i32
    %mul3A_1860 = arith.muli %select_n3A, %mul3A_1859 : i32
    %add3A_1861 = vector.broadcast %mul3A_1860 : i32 to vector<16xi32>
    %add3A_1862 = arith.addi %mul3A_1858, %add3A_1861 : vector<16xi32>
    %add3A_1863 = arith.addi %add3A_1862, %get3A_1852 : vector<16xi32>
    %swap3A_1864 = arith.constant 6 : i32
    %swap3A_1865 = arith.index_cast %swap3A_1864 : i32 to index
    %swap3A_1866 = arith.constant 16 : index
    %swap3A_1867 = tpu.vector_load %arg8[%swap3A_1865, %swap3A_1866] {strides = array<i32>} : memref<8x128xi32, #tpu.memory_space<vmem>>, vector<1x16xi32>,
    %swap3A_1868 = vector.shape_cast %swap3A_1867 : vector<1x16xi32> to vector<16xi32>
    %swap3A_1869 = vector.shape_cast %add3A_1863 : vector<16xi32> to vector<1x16xi32>
    tpu.vector_store %arg8[%swap3A_1865, %swap3A_1866], %swap3A_1869 {strides = array<i32>} : memref<8x128xi32, #tpu.memory_space<vmem>>, vector<1x16xi32>,
    %add3A_1870 = arith.constant 768 : i32
    %add3A_1871 = arith.addi %mul3A_32, %add3A_1870 : i32
    %add3A_1872 = arith.constant 16 : i32
    %add3A_1873 = arith.addi %add3A_1871, %add3A_1872 : i32
    %add3A_1874 = vector.broadcast %add3A_1873 : i32 to vector<16xi32>
    %add3A_1875 = arith.addi %add3A_1874, %iota3A : vector<16xi32>
    %mul3A_1876 = arith.constant 8 : i32
    %mul3A_1877 = vector.broadcast %mul3A_1876 : i32 to vector<16xi32>
    %mul3A_1878 = arith.muli %add3A_1875, %mul3A_1877 : vector<16xi32>
    %add3A_1879 = vector.broadcast %select_n3A : i32 to vector<16xi32>
    %add3A_1880 = arith.addi %mul3A_1878, %add3A_1879 : vector<16xi32>
    %swap3A_1881 = arith.constant 6 : i32
    %swap3A_1882 = arith.index_cast %swap3A_1881 : i32 to index
    %swap3A_1883 = arith.constant 16 : index
    %swap3A_1884 = tpu.vector_load %arg9[%swap3A_1882, %swap3A_1883] {strides = array<i32>} : memref<8x128xi32, #tpu.memory_space<vmem>>, vector<1x16xi32>,
    %swap3A_1885 = vector.shape_cast %swap3A_1884 : vector<1x16xi32> to vector<16xi32>
    %swap3A_1886 = vector.shape_cast %add3A_1880 : vector<16xi32> to vector<1x16xi32>
    tpu.vector_store %arg9[%swap3A_1882, %swap3A_1883], %swap3A_1886 {strides = array<i32>} : memref<8x128xi32, #tpu.memory_space<vmem>>, vector<1x16xi32>,
    %get3A_1887 = arith.constant 800 : index
    %get3A_1888 = tpu.vector_load %arg6[%get3A_1887] {strides = array<i32>} : memref<1024xi32, #tpu.memory_space<vmem>>, vector<16xi32>,
    %get3A_1889 = vector.shape_cast %get3A_1888 : vector<16xi32> to vector<16xi32>
    %get3A_1890 = arith.constant 800 : index
    %get3A_1891 = tpu.vector_load %arg7[%get3A_1890] {strides = array<i32>} : memref<1024xi32, #tpu.memory_space<vmem>>, vector<16xi32>,
    %get3A_1892 = vector.shape_cast %get3A_1891 : vector<16xi32> to vector<16xi32>
    %mul3A_1893 = arith.constant 16384 : i32
    %mul3A_1894 = vector.broadcast %mul3A_1893 : i32 to vector<16xi32>
    %mul3A_1895 = arith.muli %get3A_1892, %mul3A_1894 : vector<16xi32>
    %mul3A_1896 = arith.constant 2048 : i32
    %mul3A_1897 = arith.muli %select_n3A, %mul3A_1896 : i32
    %add3A_1898 = vector.broadcast %mul3A_1897 : i32 to vector<16xi32>
    %add3A_1899 = arith.addi %mul3A_1895, %add3A_1898 : vector<16xi32>
    %add3A_1900 = arith.addi %add3A_1899, %get3A_1889 : vector<16xi32>
    %swap3A_1901 = arith.constant 6 : i32
    %swap3A_1902 = arith.index_cast %swap3A_1901 : i32 to index
    %swap3A_1903 = arith.constant 32 : index
    %swap3A_1904 = tpu.vector_load %arg8[%swap3A_1902, %swap3A_1903] {strides = array<i32>} : memref<8x128xi32, #tpu.memory_space<vmem>>, vector<1x16xi32>,
    %swap3A_1905 = vector.shape_cast %swap3A_1904 : vector<1x16xi32> to vector<16xi32>
    %swap3A_1906 = vector.shape_cast %add3A_1900 : vector<16xi32> to vector<1x16xi32>
    tpu.vector_store %arg8[%swap3A_1902, %swap3A_1903], %swap3A_1906 {strides = array<i32>} : memref<8x128xi32, #tpu.memory_space<vmem>>, vector<1x16xi32>,
    %add3A_1907 = arith.constant 768 : i32
    %add3A_1908 = arith.addi %mul3A_32, %add3A_1907 : i32
    %add3A_1909 = arith.constant 32 : i32
    %add3A_1910 = arith.addi %add3A_1908, %add3A_1909 : i32
    %add3A_1911 = vector.broadcast %add3A_1910 : i32 to vector<16xi32>
    %add3A_1912 = arith.addi %add3A_1911, %iota3A : vector<16xi32>
    %mul3A_1913 = arith.constant 8 : i32
    %mul3A_1914 = vector.broadcast %mul3A_1913 : i32 to vector<16xi32>
    %mul3A_1915 = arith.muli %add3A_1912, %mul3A_1914 : vector<16xi32>
    %add3A_1916 = vector.broadcast %select_n3A : i32 to vector<16xi32>
    %add3A_1917 = arith.addi %mul3A_1915, %add3A_1916 : vector<16xi32>
    %swap3A_1918 = arith.constant 6 : i32
    %swap3A_1919 = arith.index_cast %swap3A_1918 : i32 to index
    %swap3A_1920 = arith.constant 32 : index
    %swap3A_1921 = tpu.vector_load %arg9[%swap3A_1919, %swap3A_1920] {strides = array<i32>} : memref<8x128xi32, #tpu.memory_space<vmem>>, vector<1x16xi32>,
    %swap3A_1922 = vector.shape_cast %swap3A_1921 : vector<1x16xi32> to vector<16xi32>
    %swap3A_1923 = vector.shape_cast %add3A_1917 : vector<16xi32> to vector<1x16xi32>
    tpu.vector_store %arg9[%swap3A_1919, %swap3A_1920], %swap3A_1923 {strides = array<i32>} : memref<8x128xi32, #tpu.memory_space<vmem>>, vector<1x16xi32>,
    %get3A_1924 = arith.constant 816 : index
    %get3A_1925 = tpu.vector_load %arg6[%get3A_1924] {strides = array<i32>} : memref<1024xi32, #tpu.memory_space<vmem>>, vector<16xi32>,
    %get3A_1926 = vector.shape_cast %get3A_1925 : vector<16xi32> to vector<16xi32>
    %get3A_1927 = arith.constant 816 : index
    %get3A_1928 = tpu.vector_load %arg7[%get3A_1927] {strides = array<i32>} : memref<1024xi32, #tpu.memory_space<vmem>>, vector<16xi32>,
    %get3A_1929 = vector.shape_cast %get3A_1928 : vector<16xi32> to vector<16xi32>
    %mul3A_1930 = arith.constant 16384 : i32
    %mul3A_1931 = vector.broadcast %mul3A_1930 : i32 to vector<16xi32>
    %mul3A_1932 = arith.muli %get3A_1929, %mul3A_1931 : vector<16xi32>
    %mul3A_1933 = arith.constant 2048 : i32
    %mul3A_1934 = arith.muli %select_n3A, %mul3A_1933 : i32
    %add3A_1935 = vector.broadcast %mul3A_1934 : i32 to vector<16xi32>
    %add3A_1936 = arith.addi %mul3A_1932, %add3A_1935 : vector<16xi32>
    %add3A_1937 = arith.addi %add3A_1936, %get3A_1926 : vector<16xi32>
    %swap3A_1938 = arith.constant 6 : i32
    %swap3A_1939 = arith.index_cast %swap3A_1938 : i32 to index
    %swap3A_1940 = arith.constant 48 : index
    %swap3A_1941 = tpu.vector_load %arg8[%swap3A_1939, %swap3A_1940] {strides = array<i32>} : memref<8x128xi32, #tpu.memory_space<vmem>>, vector<1x16xi32>,
    %swap3A_1942 = vector.shape_cast %swap3A_1941 : vector<1x16xi32> to vector<16xi32>
    %swap3A_1943 = vector.shape_cast %add3A_1937 : vector<16xi32> to vector<1x16xi32>
    tpu.vector_store %arg8[%swap3A_1939, %swap3A_1940], %swap3A_1943 {strides = array<i32>} : memref<8x128xi32, #tpu.memory_space<vmem>>, vector<1x16xi32>,
    %add3A_1944 = arith.constant 768 : i32
    %add3A_1945 = arith.addi %mul3A_32, %add3A_1944 : i32
    %add3A_1946 = arith.constant 48 : i32
    %add3A_1947 = arith.addi %add3A_1945, %add3A_1946 : i32
    %add3A_1948 = vector.broadcast %add3A_1947 : i32 to vector<16xi32>
    %add3A_1949 = arith.addi %add3A_1948, %iota3A : vector<16xi32>
    %mul3A_1950 = arith.constant 8 : i32
    %mul3A_1951 = vector.broadcast %mul3A_1950 : i32 to vector<16xi32>
    %mul3A_1952 = arith.muli %add3A_1949, %mul3A_1951 : vector<16xi32>
    %add3A_1953 = vector.broadcast %select_n3A : i32 to vector<16xi32>
    %add3A_1954 = arith.addi %mul3A_1952, %add3A_1953 : vector<16xi32>
    %swap3A_1955 = arith.constant 6 : i32
    %swap3A_1956 = arith.index_cast %swap3A_1955 : i32 to index
    %swap3A_1957 = arith.constant 48 : index
    %swap3A_1958 = tpu.vector_load %arg9[%swap3A_1956, %swap3A_1957] {strides = array<i32>} : memref<8x128xi32, #tpu.memory_space<vmem>>, vector<1x16xi32>,
    %swap3A_1959 = vector.shape_cast %swap3A_1958 : vector<1x16xi32> to vector<16xi32>
    %swap3A_1960 = vector.shape_cast %add3A_1954 : vector<16xi32> to vector<1x16xi32>
    tpu.vector_store %arg9[%swap3A_1956, %swap3A_1957], %swap3A_1960 {strides = array<i32>} : memref<8x128xi32, #tpu.memory_space<vmem>>, vector<1x16xi32>,
    %get3A_1961 = arith.constant 832 : index
    %get3A_1962 = tpu.vector_load %arg6[%get3A_1961] {strides = array<i32>} : memref<1024xi32, #tpu.memory_space<vmem>>, vector<16xi32>,
    %get3A_1963 = vector.shape_cast %get3A_1962 : vector<16xi32> to vector<16xi32>
    %get3A_1964 = arith.constant 832 : index
    %get3A_1965 = tpu.vector_load %arg7[%get3A_1964] {strides = array<i32>} : memref<1024xi32, #tpu.memory_space<vmem>>, vector<16xi32>,
    %get3A_1966 = vector.shape_cast %get3A_1965 : vector<16xi32> to vector<16xi32>
    %mul3A_1967 = arith.constant 16384 : i32
    %mul3A_1968 = vector.broadcast %mul3A_1967 : i32 to vector<16xi32>
    %mul3A_1969 = arith.muli %get3A_1966, %mul3A_1968 : vector<16xi32>
    %mul3A_1970 = arith.constant 2048 : i32
    %mul3A_1971 = arith.muli %select_n3A, %mul3A_1970 : i32
    %add3A_1972 = vector.broadcast %mul3A_1971 : i32 to vector<16xi32>
    %add3A_1973 = arith.addi %mul3A_1969, %add3A_1972 : vector<16xi32>
    %add3A_1974 = arith.addi %add3A_1973, %get3A_1963 : vector<16xi32>
    %swap3A_1975 = arith.constant 6 : i32
    %swap3A_1976 = arith.index_cast %swap3A_1975 : i32 to index
    %swap3A_1977 = arith.constant 64 : index
    %swap3A_1978 = tpu.vector_load %arg8[%swap3A_1976, %swap3A_1977] {strides = array<i32>} : memref<8x128xi32, #tpu.memory_space<vmem>>, vector<1x16xi32>,
    %swap3A_1979 = vector.shape_cast %swap3A_1978 : vector<1x16xi32> to vector<16xi32>
    %swap3A_1980 = vector.shape_cast %add3A_1974 : vector<16xi32> to vector<1x16xi32>
    tpu.vector_store %arg8[%swap3A_1976, %swap3A_1977], %swap3A_1980 {strides = array<i32>} : memref<8x128xi32, #tpu.memory_space<vmem>>, vector<1x16xi32>,
    %add3A_1981 = arith.constant 768 : i32
    %add3A_1982 = arith.addi %mul3A_32, %add3A_1981 : i32
    %add3A_1983 = arith.constant 64 : i32
    %add3A_1984 = arith.addi %add3A_1982, %add3A_1983 : i32
    %add3A_1985 = vector.broadcast %add3A_1984 : i32 to vector<16xi32>
    %add3A_1986 = arith.addi %add3A_1985, %iota3A : vector<16xi32>
    %mul3A_1987 = arith.constant 8 : i32
    %mul3A_1988 = vector.broadcast %mul3A_1987 : i32 to vector<16xi32>
    %mul3A_1989 = arith.muli %add3A_1986, %mul3A_1988 : vector<16xi32>
    %add3A_1990 = vector.broadcast %select_n3A : i32 to vector<16xi32>
    %add3A_1991 = arith.addi %mul3A_1989, %add3A_1990 : vector<16xi32>
    %swap3A_1992 = arith.constant 6 : i32
    %swap3A_1993 = arith.index_cast %swap3A_1992 : i32 to index
    %swap3A_1994 = arith.constant 64 : index
    %swap3A_1995 = tpu.vector_load %arg9[%swap3A_1993, %swap3A_1994] {strides = array<i32>} : memref<8x128xi32, #tpu.memory_space<vmem>>, vector<1x16xi32>,
    %swap3A_1996 = vector.shape_cast %swap3A_1995 : vector<1x16xi32> to vector<16xi32>
    %swap3A_1997 = vector.shape_cast %add3A_1991 : vector<16xi32> to vector<1x16xi32>
    tpu.vector_store %arg9[%swap3A_1993, %swap3A_1994], %swap3A_1997 {strides = array<i32>} : memref<8x128xi32, #tpu.memory_space<vmem>>, vector<1x16xi32>,
    %get3A_1998 = arith.constant 848 : index
    %get3A_1999 = tpu.vector_load %arg6[%get3A_1998] {strides = array<i32>} : memref<1024xi32, #tpu.memory_space<vmem>>, vector<16xi32>,
    %get3A_2000 = vector.shape_cast %get3A_1999 : vector<16xi32> to vector<16xi32>
    %get3A_2001 = arith.constant 848 : index
    %get3A_2002 = tpu.vector_load %arg7[%get3A_2001] {strides = array<i32>} : memref<1024xi32, #tpu.memory_space<vmem>>, vector<16xi32>,
    %get3A_2003 = vector.shape_cast %get3A_2002 : vector<16xi32> to vector<16xi32>
    %mul3A_2004 = arith.constant 16384 : i32
    %mul3A_2005 = vector.broadcast %mul3A_2004 : i32 to vector<16xi32>
    %mul3A_2006 = arith.muli %get3A_2003, %mul3A_2005 : vector<16xi32>
    %mul3A_2007 = arith.constant 2048 : i32
    %mul3A_2008 = arith.muli %select_n3A, %mul3A_2007 : i32
    %add3A_2009 = vector.broadcast %mul3A_2008 : i32 to vector<16xi32>
    %add3A_2010 = arith.addi %mul3A_2006, %add3A_2009 : vector<16xi32>
    %add3A_2011 = arith.addi %add3A_2010, %get3A_2000 : vector<16xi32>
    %swap3A_2012 = arith.constant 6 : i32
    %swap3A_2013 = arith.index_cast %swap3A_2012 : i32 to index
    %swap3A_2014 = arith.constant 80 : index
    %swap3A_2015 = tpu.vector_load %arg8[%swap3A_2013, %swap3A_2014] {strides = array<i32>} : memref<8x128xi32, #tpu.memory_space<vmem>>, vector<1x16xi32>,
    %swap3A_2016 = vector.shape_cast %swap3A_2015 : vector<1x16xi32> to vector<16xi32>
    %swap3A_2017 = vector.shape_cast %add3A_2011 : vector<16xi32> to vector<1x16xi32>
    tpu.vector_store %arg8[%swap3A_2013, %swap3A_2014], %swap3A_2017 {strides = array<i32>} : memref<8x128xi32, #tpu.memory_space<vmem>>, vector<1x16xi32>,
    %add3A_2018 = arith.constant 768 : i32
    %add3A_2019 = arith.addi %mul3A_32, %add3A_2018 : i32
    %add3A_2020 = arith.constant 80 : i32
    %add3A_2021 = arith.addi %add3A_2019, %add3A_2020 : i32
    %add3A_2022 = vector.broadcast %add3A_2021 : i32 to vector<16xi32>
    %add3A_2023 = arith.addi %add3A_2022, %iota3A : vector<16xi32>
    %mul3A_2024 = arith.constant 8 : i32
    %mul3A_2025 = vector.broadcast %mul3A_2024 : i32 to vector<16xi32>
    %mul3A_2026 = arith.muli %add3A_2023, %mul3A_2025 : vector<16xi32>
    %add3A_2027 = vector.broadcast %select_n3A : i32 to vector<16xi32>
    %add3A_2028 = arith.addi %mul3A_2026, %add3A_2027 : vector<16xi32>
    %swap3A_2029 = arith.constant 6 : i32
    %swap3A_2030 = arith.index_cast %swap3A_2029 : i32 to index
    %swap3A_2031 = arith.constant 80 : index
    %swap3A_2032 = tpu.vector_load %arg9[%swap3A_2030, %swap3A_2031] {strides = array<i32>} : memref<8x128xi32, #tpu.memory_space<vmem>>, vector<1x16xi32>,
    %swap3A_2033 = vector.shape_cast %swap3A_2032 : vector<1x16xi32> to vector<16xi32>
    %swap3A_2034 = vector.shape_cast %add3A_2028 : vector<16xi32> to vector<1x16xi32>
    tpu.vector_store %arg9[%swap3A_2030, %swap3A_2031], %swap3A_2034 {strides = array<i32>} : memref<8x128xi32, #tpu.memory_space<vmem>>, vector<1x16xi32>,
    %get3A_2035 = arith.constant 864 : index
    %get3A_2036 = tpu.vector_load %arg6[%get3A_2035] {strides = array<i32>} : memref<1024xi32, #tpu.memory_space<vmem>>, vector<16xi32>,
    %get3A_2037 = vector.shape_cast %get3A_2036 : vector<16xi32> to vector<16xi32>
    %get3A_2038 = arith.constant 864 : index
    %get3A_2039 = tpu.vector_load %arg7[%get3A_2038] {strides = array<i32>} : memref<1024xi32, #tpu.memory_space<vmem>>, vector<16xi32>,
    %get3A_2040 = vector.shape_cast %get3A_2039 : vector<16xi32> to vector<16xi32>
    %mul3A_2041 = arith.constant 16384 : i32
    %mul3A_2042 = vector.broadcast %mul3A_2041 : i32 to vector<16xi32>
    %mul3A_2043 = arith.muli %get3A_2040, %mul3A_2042 : vector<16xi32>
    %mul3A_2044 = arith.constant 2048 : i32
    %mul3A_2045 = arith.muli %select_n3A, %mul3A_2044 : i32
    %add3A_2046 = vector.broadcast %mul3A_2045 : i32 to vector<16xi32>
    %add3A_2047 = arith.addi %mul3A_2043, %add3A_2046 : vector<16xi32>
    %add3A_2048 = arith.addi %add3A_2047, %get3A_2037 : vector<16xi32>
    %swap3A_2049 = arith.constant 6 : i32
    %swap3A_2050 = arith.index_cast %swap3A_2049 : i32 to index
    %swap3A_2051 = arith.constant 96 : index
    %swap3A_2052 = tpu.vector_load %arg8[%swap3A_2050, %swap3A_2051] {strides = array<i32>} : memref<8x128xi32, #tpu.memory_space<vmem>>, vector<1x16xi32>,
    %swap3A_2053 = vector.shape_cast %swap3A_2052 : vector<1x16xi32> to vector<16xi32>
    %swap3A_2054 = vector.shape_cast %add3A_2048 : vector<16xi32> to vector<1x16xi32>
    tpu.vector_store %arg8[%swap3A_2050, %swap3A_2051], %swap3A_2054 {strides = array<i32>} : memref<8x128xi32, #tpu.memory_space<vmem>>, vector<1x16xi32>,
    %add3A_2055 = arith.constant 768 : i32
    %add3A_2056 = arith.addi %mul3A_32, %add3A_2055 : i32
    %add3A_2057 = arith.constant 96 : i32
    %add3A_2058 = arith.addi %add3A_2056, %add3A_2057 : i32
    %add3A_2059 = vector.broadcast %add3A_2058 : i32 to vector<16xi32>
    %add3A_2060 = arith.addi %add3A_2059, %iota3A : vector<16xi32>
    %mul3A_2061 = arith.constant 8 : i32
    %mul3A_2062 = vector.broadcast %mul3A_2061 : i32 to vector<16xi32>
    %mul3A_2063 = arith.muli %add3A_2060, %mul3A_2062 : vector<16xi32>
    %add3A_2064 = vector.broadcast %select_n3A : i32 to vector<16xi32>
    %add3A_2065 = arith.addi %mul3A_2063, %add3A_2064 : vector<16xi32>
    %swap3A_2066 = arith.constant 6 : i32
    %swap3A_2067 = arith.index_cast %swap3A_2066 : i32 to index
    %swap3A_2068 = arith.constant 96 : index
    %swap3A_2069 = tpu.vector_load %arg9[%swap3A_2067, %swap3A_2068] {strides = array<i32>} : memref<8x128xi32, #tpu.memory_space<vmem>>, vector<1x16xi32>,
    %swap3A_2070 = vector.shape_cast %swap3A_2069 : vector<1x16xi32> to vector<16xi32>
    %swap3A_2071 = vector.shape_cast %add3A_2065 : vector<16xi32> to vector<1x16xi32>
    tpu.vector_store %arg9[%swap3A_2067, %swap3A_2068], %swap3A_2071 {strides = array<i32>} : memref<8x128xi32, #tpu.memory_space<vmem>>, vector<1x16xi32>,
    %get3A_2072 = arith.constant 880 : index
    %get3A_2073 = tpu.vector_load %arg6[%get3A_2072] {strides = array<i32>} : memref<1024xi32, #tpu.memory_space<vmem>>, vector<16xi32>,
    %get3A_2074 = vector.shape_cast %get3A_2073 : vector<16xi32> to vector<16xi32>
    %get3A_2075 = arith.constant 880 : index
    %get3A_2076 = tpu.vector_load %arg7[%get3A_2075] {strides = array<i32>} : memref<1024xi32, #tpu.memory_space<vmem>>, vector<16xi32>,
    %get3A_2077 = vector.shape_cast %get3A_2076 : vector<16xi32> to vector<16xi32>
    %mul3A_2078 = arith.constant 16384 : i32
    %mul3A_2079 = vector.broadcast %mul3A_2078 : i32 to vector<16xi32>
    %mul3A_2080 = arith.muli %get3A_2077, %mul3A_2079 : vector<16xi32>
    %mul3A_2081 = arith.constant 2048 : i32
    %mul3A_2082 = arith.muli %select_n3A, %mul3A_2081 : i32
    %add3A_2083 = vector.broadcast %mul3A_2082 : i32 to vector<16xi32>
    %add3A_2084 = arith.addi %mul3A_2080, %add3A_2083 : vector<16xi32>
    %add3A_2085 = arith.addi %add3A_2084, %get3A_2074 : vector<16xi32>
    %swap3A_2086 = arith.constant 6 : i32
    %swap3A_2087 = arith.index_cast %swap3A_2086 : i32 to index
    %swap3A_2088 = arith.constant 112 : index
    %swap3A_2089 = tpu.vector_load %arg8[%swap3A_2087, %swap3A_2088] {strides = array<i32>} : memref<8x128xi32, #tpu.memory_space<vmem>>, vector<1x16xi32>,
    %swap3A_2090 = vector.shape_cast %swap3A_2089 : vector<1x16xi32> to vector<16xi32>
    %swap3A_2091 = vector.shape_cast %add3A_2085 : vector<16xi32> to vector<1x16xi32>
    tpu.vector_store %arg8[%swap3A_2087, %swap3A_2088], %swap3A_2091 {strides = array<i32>} : memref<8x128xi32, #tpu.memory_space<vmem>>, vector<1x16xi32>,
    %add3A_2092 = arith.constant 768 : i32
    %add3A_2093 = arith.addi %mul3A_32, %add3A_2092 : i32
    %add3A_2094 = arith.constant 112 : i32
    %add3A_2095 = arith.addi %add3A_2093, %add3A_2094 : i32
    %add3A_2096 = vector.broadcast %add3A_2095 : i32 to vector<16xi32>
    %add3A_2097 = arith.addi %add3A_2096, %iota3A : vector<16xi32>
    %mul3A_2098 = arith.constant 8 : i32
    %mul3A_2099 = vector.broadcast %mul3A_2098 : i32 to vector<16xi32>
    %mul3A_2100 = arith.muli %add3A_2097, %mul3A_2099 : vector<16xi32>
    %add3A_2101 = vector.broadcast %select_n3A : i32 to vector<16xi32>
    %add3A_2102 = arith.addi %mul3A_2100, %add3A_2101 : vector<16xi32>
    %swap3A_2103 = arith.constant 6 : i32
    %swap3A_2104 = arith.index_cast %swap3A_2103 : i32 to index
    %swap3A_2105 = arith.constant 112 : index
    %swap3A_2106 = tpu.vector_load %arg9[%swap3A_2104, %swap3A_2105] {strides = array<i32>} : memref<8x128xi32, #tpu.memory_space<vmem>>, vector<1x16xi32>,
    %swap3A_2107 = vector.shape_cast %swap3A_2106 : vector<1x16xi32> to vector<16xi32>
    %swap3A_2108 = vector.shape_cast %add3A_2102 : vector<16xi32> to vector<1x16xi32>
    tpu.vector_store %arg9[%swap3A_2104, %swap3A_2105], %swap3A_2108 {strides = array<i32>} : memref<8x128xi32, #tpu.memory_space<vmem>>, vector<1x16xi32>,
    %get3A_2109 = arith.constant 896 : index
    %get3A_2110 = tpu.vector_load %arg6[%get3A_2109] {strides = array<i32>} : memref<1024xi32, #tpu.memory_space<vmem>>, vector<16xi32>,
    %get3A_2111 = vector.shape_cast %get3A_2110 : vector<16xi32> to vector<16xi32>
    %get3A_2112 = arith.constant 896 : index
    %get3A_2113 = tpu.vector_load %arg7[%get3A_2112] {strides = array<i32>} : memref<1024xi32, #tpu.memory_space<vmem>>, vector<16xi32>,
    %get3A_2114 = vector.shape_cast %get3A_2113 : vector<16xi32> to vector<16xi32>
    %mul3A_2115 = arith.constant 16384 : i32
    %mul3A_2116 = vector.broadcast %mul3A_2115 : i32 to vector<16xi32>
    %mul3A_2117 = arith.muli %get3A_2114, %mul3A_2116 : vector<16xi32>
    %mul3A_2118 = arith.constant 2048 : i32
    %mul3A_2119 = arith.muli %select_n3A, %mul3A_2118 : i32
    %add3A_2120 = vector.broadcast %mul3A_2119 : i32 to vector<16xi32>
    %add3A_2121 = arith.addi %mul3A_2117, %add3A_2120 : vector<16xi32>
    %add3A_2122 = arith.addi %add3A_2121, %get3A_2111 : vector<16xi32>
    %swap3A_2123 = arith.constant 7 : i32
    %swap3A_2124 = arith.index_cast %swap3A_2123 : i32 to index
    %swap3A_2125 = arith.constant 0 : index
    %swap3A_2126 = tpu.vector_load %arg8[%swap3A_2124, %swap3A_2125] {strides = array<i32>} : memref<8x128xi32, #tpu.memory_space<vmem>>, vector<1x16xi32>,
    %swap3A_2127 = vector.shape_cast %swap3A_2126 : vector<1x16xi32> to vector<16xi32>
    %swap3A_2128 = vector.shape_cast %add3A_2122 : vector<16xi32> to vector<1x16xi32>
    tpu.vector_store %arg8[%swap3A_2124, %swap3A_2125], %swap3A_2128 {strides = array<i32>} : memref<8x128xi32, #tpu.memory_space<vmem>>, vector<1x16xi32>,
    %add3A_2129 = arith.constant 896 : i32
    %add3A_2130 = arith.addi %mul3A_32, %add3A_2129 : i32
    %add3A_2131 = arith.constant 0 : i32
    %add3A_2132 = arith.addi %add3A_2130, %add3A_2131 : i32
    %add3A_2133 = vector.broadcast %add3A_2132 : i32 to vector<16xi32>
    %add3A_2134 = arith.addi %add3A_2133, %iota3A : vector<16xi32>
    %mul3A_2135 = arith.constant 8 : i32
    %mul3A_2136 = vector.broadcast %mul3A_2135 : i32 to vector<16xi32>
    %mul3A_2137 = arith.muli %add3A_2134, %mul3A_2136 : vector<16xi32>
    %add3A_2138 = vector.broadcast %select_n3A : i32 to vector<16xi32>
    %add3A_2139 = arith.addi %mul3A_2137, %add3A_2138 : vector<16xi32>
    %swap3A_2140 = arith.constant 7 : i32
    %swap3A_2141 = arith.index_cast %swap3A_2140 : i32 to index
    %swap3A_2142 = arith.constant 0 : index
    %swap3A_2143 = tpu.vector_load %arg9[%swap3A_2141, %swap3A_2142] {strides = array<i32>} : memref<8x128xi32, #tpu.memory_space<vmem>>, vector<1x16xi32>,
    %swap3A_2144 = vector.shape_cast %swap3A_2143 : vector<1x16xi32> to vector<16xi32>
    %swap3A_2145 = vector.shape_cast %add3A_2139 : vector<16xi32> to vector<1x16xi32>
    tpu.vector_store %arg9[%swap3A_2141, %swap3A_2142], %swap3A_2145 {strides = array<i32>} : memref<8x128xi32, #tpu.memory_space<vmem>>, vector<1x16xi32>,
    %get3A_2146 = arith.constant 912 : index
    %get3A_2147 = tpu.vector_load %arg6[%get3A_2146] {strides = array<i32>} : memref<1024xi32, #tpu.memory_space<vmem>>, vector<16xi32>,
    %get3A_2148 = vector.shape_cast %get3A_2147 : vector<16xi32> to vector<16xi32>
    %get3A_2149 = arith.constant 912 : index
    %get3A_2150 = tpu.vector_load %arg7[%get3A_2149] {strides = array<i32>} : memref<1024xi32, #tpu.memory_space<vmem>>, vector<16xi32>,
    %get3A_2151 = vector.shape_cast %get3A_2150 : vector<16xi32> to vector<16xi32>
    %mul3A_2152 = arith.constant 16384 : i32
    %mul3A_2153 = vector.broadcast %mul3A_2152 : i32 to vector<16xi32>
    %mul3A_2154 = arith.muli %get3A_2151, %mul3A_2153 : vector<16xi32>
    %mul3A_2155 = arith.constant 2048 : i32
    %mul3A_2156 = arith.muli %select_n3A, %mul3A_2155 : i32
    %add3A_2157 = vector.broadcast %mul3A_2156 : i32 to vector<16xi32>
    %add3A_2158 = arith.addi %mul3A_2154, %add3A_2157 : vector<16xi32>
    %add3A_2159 = arith.addi %add3A_2158, %get3A_2148 : vector<16xi32>
    %swap3A_2160 = arith.constant 7 : i32
    %swap3A_2161 = arith.index_cast %swap3A_2160 : i32 to index
    %swap3A_2162 = arith.constant 16 : index
    %swap3A_2163 = tpu.vector_load %arg8[%swap3A_2161, %swap3A_2162] {strides = array<i32>} : memref<8x128xi32, #tpu.memory_space<vmem>>, vector<1x16xi32>,
    %swap3A_2164 = vector.shape_cast %swap3A_2163 : vector<1x16xi32> to vector<16xi32>
    %swap3A_2165 = vector.shape_cast %add3A_2159 : vector<16xi32> to vector<1x16xi32>
    tpu.vector_store %arg8[%swap3A_2161, %swap3A_2162], %swap3A_2165 {strides = array<i32>} : memref<8x128xi32, #tpu.memory_space<vmem>>, vector<1x16xi32>,
    %add3A_2166 = arith.constant 896 : i32
    %add3A_2167 = arith.addi %mul3A_32, %add3A_2166 : i32
    %add3A_2168 = arith.constant 16 : i32
    %add3A_2169 = arith.addi %add3A_2167, %add3A_2168 : i32
    %add3A_2170 = vector.broadcast %add3A_2169 : i32 to vector<16xi32>
    %add3A_2171 = arith.addi %add3A_2170, %iota3A : vector<16xi32>
    %mul3A_2172 = arith.constant 8 : i32
    %mul3A_2173 = vector.broadcast %mul3A_2172 : i32 to vector<16xi32>
    %mul3A_2174 = arith.muli %add3A_2171, %mul3A_2173 : vector<16xi32>
    %add3A_2175 = vector.broadcast %select_n3A : i32 to vector<16xi32>
    %add3A_2176 = arith.addi %mul3A_2174, %add3A_2175 : vector<16xi32>
    %swap3A_2177 = arith.constant 7 : i32
    %swap3A_2178 = arith.index_cast %swap3A_2177 : i32 to index
    %swap3A_2179 = arith.constant 16 : index
    %swap3A_2180 = tpu.vector_load %arg9[%swap3A_2178, %swap3A_2179] {strides = array<i32>} : memref<8x128xi32, #tpu.memory_space<vmem>>, vector<1x16xi32>,
    %swap3A_2181 = vector.shape_cast %swap3A_2180 : vector<1x16xi32> to vector<16xi32>
    %swap3A_2182 = vector.shape_cast %add3A_2176 : vector<16xi32> to vector<1x16xi32>
    tpu.vector_store %arg9[%swap3A_2178, %swap3A_2179], %swap3A_2182 {strides = array<i32>} : memref<8x128xi32, #tpu.memory_space<vmem>>, vector<1x16xi32>,
    %get3A_2183 = arith.constant 928 : index
    %get3A_2184 = tpu.vector_load %arg6[%get3A_2183] {strides = array<i32>} : memref<1024xi32, #tpu.memory_space<vmem>>, vector<16xi32>,
    %get3A_2185 = vector.shape_cast %get3A_2184 : vector<16xi32> to vector<16xi32>
    %get3A_2186 = arith.constant 928 : index
    %get3A_2187 = tpu.vector_load %arg7[%get3A_2186] {strides = array<i32>} : memref<1024xi32, #tpu.memory_space<vmem>>, vector<16xi32>,
    %get3A_2188 = vector.shape_cast %get3A_2187 : vector<16xi32> to vector<16xi32>
    %mul3A_2189 = arith.constant 16384 : i32
    %mul3A_2190 = vector.broadcast %mul3A_2189 : i32 to vector<16xi32>
    %mul3A_2191 = arith.muli %get3A_2188, %mul3A_2190 : vector<16xi32>
    %mul3A_2192 = arith.constant 2048 : i32
    %mul3A_2193 = arith.muli %select_n3A, %mul3A_2192 : i32
    %add3A_2194 = vector.broadcast %mul3A_2193 : i32 to vector<16xi32>
    %add3A_2195 = arith.addi %mul3A_2191, %add3A_2194 : vector<16xi32>
    %add3A_2196 = arith.addi %add3A_2195, %get3A_2185 : vector<16xi32>
    %swap3A_2197 = arith.constant 7 : i32
    %swap3A_2198 = arith.index_cast %swap3A_2197 : i32 to index
    %swap3A_2199 = arith.constant 32 : index
    %swap3A_2200 = tpu.vector_load %arg8[%swap3A_2198, %swap3A_2199] {strides = array<i32>} : memref<8x128xi32, #tpu.memory_space<vmem>>, vector<1x16xi32>,
    %swap3A_2201 = vector.shape_cast %swap3A_2200 : vector<1x16xi32> to vector<16xi32>
    %swap3A_2202 = vector.shape_cast %add3A_2196 : vector<16xi32> to vector<1x16xi32>
    tpu.vector_store %arg8[%swap3A_2198, %swap3A_2199], %swap3A_2202 {strides = array<i32>} : memref<8x128xi32, #tpu.memory_space<vmem>>, vector<1x16xi32>,
    %add3A_2203 = arith.constant 896 : i32
    %add3A_2204 = arith.addi %mul3A_32, %add3A_2203 : i32
    %add3A_2205 = arith.constant 32 : i32
    %add3A_2206 = arith.addi %add3A_2204, %add3A_2205 : i32
    %add3A_2207 = vector.broadcast %add3A_2206 : i32 to vector<16xi32>
    %add3A_2208 = arith.addi %add3A_2207, %iota3A : vector<16xi32>
    %mul3A_2209 = arith.constant 8 : i32
    %mul3A_2210 = vector.broadcast %mul3A_2209 : i32 to vector<16xi32>
    %mul3A_2211 = arith.muli %add3A_2208, %mul3A_2210 : vector<16xi32>
    %add3A_2212 = vector.broadcast %select_n3A : i32 to vector<16xi32>
    %add3A_2213 = arith.addi %mul3A_2211, %add3A_2212 : vector<16xi32>
    %swap3A_2214 = arith.constant 7 : i32
    %swap3A_2215 = arith.index_cast %swap3A_2214 : i32 to index
    %swap3A_2216 = arith.constant 32 : index
    %swap3A_2217 = tpu.vector_load %arg9[%swap3A_2215, %swap3A_2216] {strides = array<i32>} : memref<8x128xi32, #tpu.memory_space<vmem>>, vector<1x16xi32>,
    %swap3A_2218 = vector.shape_cast %swap3A_2217 : vector<1x16xi32> to vector<16xi32>
    %swap3A_2219 = vector.shape_cast %add3A_2213 : vector<16xi32> to vector<1x16xi32>
    tpu.vector_store %arg9[%swap3A_2215, %swap3A_2216], %swap3A_2219 {strides = array<i32>} : memref<8x128xi32, #tpu.memory_space<vmem>>, vector<1x16xi32>,
    %get3A_2220 = arith.constant 944 : index
    %get3A_2221 = tpu.vector_load %arg6[%get3A_2220] {strides = array<i32>} : memref<1024xi32, #tpu.memory_space<vmem>>, vector<16xi32>,
    %get3A_2222 = vector.shape_cast %get3A_2221 : vector<16xi32> to vector<16xi32>
    %get3A_2223 = arith.constant 944 : index
    %get3A_2224 = tpu.vector_load %arg7[%get3A_2223] {strides = array<i32>} : memref<1024xi32, #tpu.memory_space<vmem>>, vector<16xi32>,
    %get3A_2225 = vector.shape_cast %get3A_2224 : vector<16xi32> to vector<16xi32>
    %mul3A_2226 = arith.constant 16384 : i32
    %mul3A_2227 = vector.broadcast %mul3A_2226 : i32 to vector<16xi32>
    %mul3A_2228 = arith.muli %get3A_2225, %mul3A_2227 : vector<16xi32>
    %mul3A_2229 = arith.constant 2048 : i32
    %mul3A_2230 = arith.muli %select_n3A, %mul3A_2229 : i32
    %add3A_2231 = vector.broadcast %mul3A_2230 : i32 to vector<16xi32>
    %add3A_2232 = arith.addi %mul3A_2228, %add3A_2231 : vector<16xi32>
    %add3A_2233 = arith.addi %add3A_2232, %get3A_2222 : vector<16xi32>
    %swap3A_2234 = arith.constant 7 : i32
    %swap3A_2235 = arith.index_cast %swap3A_2234 : i32 to index
    %swap3A_2236 = arith.constant 48 : index
    %swap3A_2237 = tpu.vector_load %arg8[%swap3A_2235, %swap3A_2236] {strides = array<i32>} : memref<8x128xi32, #tpu.memory_space<vmem>>, vector<1x16xi32>,
    %swap3A_2238 = vector.shape_cast %swap3A_2237 : vector<1x16xi32> to vector<16xi32>
    %swap3A_2239 = vector.shape_cast %add3A_2233 : vector<16xi32> to vector<1x16xi32>
    tpu.vector_store %arg8[%swap3A_2235, %swap3A_2236], %swap3A_2239 {strides = array<i32>} : memref<8x128xi32, #tpu.memory_space<vmem>>, vector<1x16xi32>,
    %add3A_2240 = arith.constant 896 : i32
    %add3A_2241 = arith.addi %mul3A_32, %add3A_2240 : i32
    %add3A_2242 = arith.constant 48 : i32
    %add3A_2243 = arith.addi %add3A_2241, %add3A_2242 : i32
    %add3A_2244 = vector.broadcast %add3A_2243 : i32 to vector<16xi32>
    %add3A_2245 = arith.addi %add3A_2244, %iota3A : vector<16xi32>
    %mul3A_2246 = arith.constant 8 : i32
    %mul3A_2247 = vector.broadcast %mul3A_2246 : i32 to vector<16xi32>
    %mul3A_2248 = arith.muli %add3A_2245, %mul3A_2247 : vector<16xi32>
    %add3A_2249 = vector.broadcast %select_n3A : i32 to vector<16xi32>
    %add3A_2250 = arith.addi %mul3A_2248, %add3A_2249 : vector<16xi32>
    %swap3A_2251 = arith.constant 7 : i32
    %swap3A_2252 = arith.index_cast %swap3A_2251 : i32 to index
    %swap3A_2253 = arith.constant 48 : index
    %swap3A_2254 = tpu.vector_load %arg9[%swap3A_2252, %swap3A_2253] {strides = array<i32>} : memref<8x128xi32, #tpu.memory_space<vmem>>, vector<1x16xi32>,
    %swap3A_2255 = vector.shape_cast %swap3A_2254 : vector<1x16xi32> to vector<16xi32>
    %swap3A_2256 = vector.shape_cast %add3A_2250 : vector<16xi32> to vector<1x16xi32>
    tpu.vector_store %arg9[%swap3A_2252, %swap3A_2253], %swap3A_2256 {strides = array<i32>} : memref<8x128xi32, #tpu.memory_space<vmem>>, vector<1x16xi32>,
    %get3A_2257 = arith.constant 960 : index
    %get3A_2258 = tpu.vector_load %arg6[%get3A_2257] {strides = array<i32>} : memref<1024xi32, #tpu.memory_space<vmem>>, vector<16xi32>,
    %get3A_2259 = vector.shape_cast %get3A_2258 : vector<16xi32> to vector<16xi32>
    %get3A_2260 = arith.constant 960 : index
    %get3A_2261 = tpu.vector_load %arg7[%get3A_2260] {strides = array<i32>} : memref<1024xi32, #tpu.memory_space<vmem>>, vector<16xi32>,
    %get3A_2262 = vector.shape_cast %get3A_2261 : vector<16xi32> to vector<16xi32>
    %mul3A_2263 = arith.constant 16384 : i32
    %mul3A_2264 = vector.broadcast %mul3A_2263 : i32 to vector<16xi32>
    %mul3A_2265 = arith.muli %get3A_2262, %mul3A_2264 : vector<16xi32>
    %mul3A_2266 = arith.constant 2048 : i32
    %mul3A_2267 = arith.muli %select_n3A, %mul3A_2266 : i32
    %add3A_2268 = vector.broadcast %mul3A_2267 : i32 to vector<16xi32>
    %add3A_2269 = arith.addi %mul3A_2265, %add3A_2268 : vector<16xi32>
    %add3A_2270 = arith.addi %add3A_2269, %get3A_2259 : vector<16xi32>
    %swap3A_2271 = arith.constant 7 : i32
    %swap3A_2272 = arith.index_cast %swap3A_2271 : i32 to index
    %swap3A_2273 = arith.constant 64 : index
    %swap3A_2274 = tpu.vector_load %arg8[%swap3A_2272, %swap3A_2273] {strides = array<i32>} : memref<8x128xi32, #tpu.memory_space<vmem>>, vector<1x16xi32>,
    %swap3A_2275 = vector.shape_cast %swap3A_2274 : vector<1x16xi32> to vector<16xi32>
    %swap3A_2276 = vector.shape_cast %add3A_2270 : vector<16xi32> to vector<1x16xi32>
    tpu.vector_store %arg8[%swap3A_2272, %swap3A_2273], %swap3A_2276 {strides = array<i32>} : memref<8x128xi32, #tpu.memory_space<vmem>>, vector<1x16xi32>,
    %add3A_2277 = arith.constant 896 : i32
    %add3A_2278 = arith.addi %mul3A_32, %add3A_2277 : i32
    %add3A_2279 = arith.constant 64 : i32
    %add3A_2280 = arith.addi %add3A_2278, %add3A_2279 : i32
    %add3A_2281 = vector.broadcast %add3A_2280 : i32 to vector<16xi32>
    %add3A_2282 = arith.addi %add3A_2281, %iota3A : vector<16xi32>
    %mul3A_2283 = arith.constant 8 : i32
    %mul3A_2284 = vector.broadcast %mul3A_2283 : i32 to vector<16xi32>
    %mul3A_2285 = arith.muli %add3A_2282, %mul3A_2284 : vector<16xi32>
    %add3A_2286 = vector.broadcast %select_n3A : i32 to vector<16xi32>
    %add3A_2287 = arith.addi %mul3A_2285, %add3A_2286 : vector<16xi32>
    %swap3A_2288 = arith.constant 7 : i32
    %swap3A_2289 = arith.index_cast %swap3A_2288 : i32 to index
    %swap3A_2290 = arith.constant 64 : index
    %swap3A_2291 = tpu.vector_load %arg9[%swap3A_2289, %swap3A_2290] {strides = array<i32>} : memref<8x128xi32, #tpu.memory_space<vmem>>, vector<1x16xi32>,
    %swap3A_2292 = vector.shape_cast %swap3A_2291 : vector<1x16xi32> to vector<16xi32>
    %swap3A_2293 = vector.shape_cast %add3A_2287 : vector<16xi32> to vector<1x16xi32>
    tpu.vector_store %arg9[%swap3A_2289, %swap3A_2290], %swap3A_2293 {strides = array<i32>} : memref<8x128xi32, #tpu.memory_space<vmem>>, vector<1x16xi32>,
    %get3A_2294 = arith.constant 976 : index
    %get3A_2295 = tpu.vector_load %arg6[%get3A_2294] {strides = array<i32>} : memref<1024xi32, #tpu.memory_space<vmem>>, vector<16xi32>,
    %get3A_2296 = vector.shape_cast %get3A_2295 : vector<16xi32> to vector<16xi32>
    %get3A_2297 = arith.constant 976 : index
    %get3A_2298 = tpu.vector_load %arg7[%get3A_2297] {strides = array<i32>} : memref<1024xi32, #tpu.memory_space<vmem>>, vector<16xi32>,
    %get3A_2299 = vector.shape_cast %get3A_2298 : vector<16xi32> to vector<16xi32>
    %mul3A_2300 = arith.constant 16384 : i32
    %mul3A_2301 = vector.broadcast %mul3A_2300 : i32 to vector<16xi32>
    %mul3A_2302 = arith.muli %get3A_2299, %mul3A_2301 : vector<16xi32>
    %mul3A_2303 = arith.constant 2048 : i32
    %mul3A_2304 = arith.muli %select_n3A, %mul3A_2303 : i32
    %add3A_2305 = vector.broadcast %mul3A_2304 : i32 to vector<16xi32>
    %add3A_2306 = arith.addi %mul3A_2302, %add3A_2305 : vector<16xi32>
    %add3A_2307 = arith.addi %add3A_2306, %get3A_2296 : vector<16xi32>
    %swap3A_2308 = arith.constant 7 : i32
    %swap3A_2309 = arith.index_cast %swap3A_2308 : i32 to index
    %swap3A_2310 = arith.constant 80 : index
    %swap3A_2311 = tpu.vector_load %arg8[%swap3A_2309, %swap3A_2310] {strides = array<i32>} : memref<8x128xi32, #tpu.memory_space<vmem>>, vector<1x16xi32>,
    %swap3A_2312 = vector.shape_cast %swap3A_2311 : vector<1x16xi32> to vector<16xi32>
    %swap3A_2313 = vector.shape_cast %add3A_2307 : vector<16xi32> to vector<1x16xi32>
    tpu.vector_store %arg8[%swap3A_2309, %swap3A_2310], %swap3A_2313 {strides = array<i32>} : memref<8x128xi32, #tpu.memory_space<vmem>>, vector<1x16xi32>,
    %add3A_2314 = arith.constant 896 : i32
    %add3A_2315 = arith.addi %mul3A_32, %add3A_2314 : i32
    %add3A_2316 = arith.constant 80 : i32
    %add3A_2317 = arith.addi %add3A_2315, %add3A_2316 : i32
    %add3A_2318 = vector.broadcast %add3A_2317 : i32 to vector<16xi32>
    %add3A_2319 = arith.addi %add3A_2318, %iota3A : vector<16xi32>
    %mul3A_2320 = arith.constant 8 : i32
    %mul3A_2321 = vector.broadcast %mul3A_2320 : i32 to vector<16xi32>
    %mul3A_2322 = arith.muli %add3A_2319, %mul3A_2321 : vector<16xi32>
    %add3A_2323 = vector.broadcast %select_n3A : i32 to vector<16xi32>
    %add3A_2324 = arith.addi %mul3A_2322, %add3A_2323 : vector<16xi32>
    %swap3A_2325 = arith.constant 7 : i32
    %swap3A_2326 = arith.index_cast %swap3A_2325 : i32 to index
    %swap3A_2327 = arith.constant 80 : index
    %swap3A_2328 = tpu.vector_load %arg9[%swap3A_2326, %swap3A_2327] {strides = array<i32>} : memref<8x128xi32, #tpu.memory_space<vmem>>, vector<1x16xi32>,
    %swap3A_2329 = vector.shape_cast %swap3A_2328 : vector<1x16xi32> to vector<16xi32>
    %swap3A_2330 = vector.shape_cast %add3A_2324 : vector<16xi32> to vector<1x16xi32>
    tpu.vector_store %arg9[%swap3A_2326, %swap3A_2327], %swap3A_2330 {strides = array<i32>} : memref<8x128xi32, #tpu.memory_space<vmem>>, vector<1x16xi32>,
    %get3A_2331 = arith.constant 992 : index
    %get3A_2332 = tpu.vector_load %arg6[%get3A_2331] {strides = array<i32>} : memref<1024xi32, #tpu.memory_space<vmem>>, vector<16xi32>,
    %get3A_2333 = vector.shape_cast %get3A_2332 : vector<16xi32> to vector<16xi32>
    %get3A_2334 = arith.constant 992 : index
    %get3A_2335 = tpu.vector_load %arg7[%get3A_2334] {strides = array<i32>} : memref<1024xi32, #tpu.memory_space<vmem>>, vector<16xi32>,
    %get3A_2336 = vector.shape_cast %get3A_2335 : vector<16xi32> to vector<16xi32>
    %mul3A_2337 = arith.constant 16384 : i32
    %mul3A_2338 = vector.broadcast %mul3A_2337 : i32 to vector<16xi32>
    %mul3A_2339 = arith.muli %get3A_2336, %mul3A_2338 : vector<16xi32>
    %mul3A_2340 = arith.constant 2048 : i32
    %mul3A_2341 = arith.muli %select_n3A, %mul3A_2340 : i32
    %add3A_2342 = vector.broadcast %mul3A_2341 : i32 to vector<16xi32>
    %add3A_2343 = arith.addi %mul3A_2339, %add3A_2342 : vector<16xi32>
    %add3A_2344 = arith.addi %add3A_2343, %get3A_2333 : vector<16xi32>
    %swap3A_2345 = arith.constant 7 : i32
    %swap3A_2346 = arith.index_cast %swap3A_2345 : i32 to index
    %swap3A_2347 = arith.constant 96 : index
    %swap3A_2348 = tpu.vector_load %arg8[%swap3A_2346, %swap3A_2347] {strides = array<i32>} : memref<8x128xi32, #tpu.memory_space<vmem>>, vector<1x16xi32>,
    %swap3A_2349 = vector.shape_cast %swap3A_2348 : vector<1x16xi32> to vector<16xi32>
    %swap3A_2350 = vector.shape_cast %add3A_2344 : vector<16xi32> to vector<1x16xi32>
    tpu.vector_store %arg8[%swap3A_2346, %swap3A_2347], %swap3A_2350 {strides = array<i32>} : memref<8x128xi32, #tpu.memory_space<vmem>>, vector<1x16xi32>,
    %add3A_2351 = arith.constant 896 : i32
    %add3A_2352 = arith.addi %mul3A_32, %add3A_2351 : i32
    %add3A_2353 = arith.constant 96 : i32
    %add3A_2354 = arith.addi %add3A_2352, %add3A_2353 : i32
    %add3A_2355 = vector.broadcast %add3A_2354 : i32 to vector<16xi32>
    %add3A_2356 = arith.addi %add3A_2355, %iota3A : vector<16xi32>
    %mul3A_2357 = arith.constant 8 : i32
    %mul3A_2358 = vector.broadcast %mul3A_2357 : i32 to vector<16xi32>
    %mul3A_2359 = arith.muli %add3A_2356, %mul3A_2358 : vector<16xi32>
    %add3A_2360 = vector.broadcast %select_n3A : i32 to vector<16xi32>
    %add3A_2361 = arith.addi %mul3A_2359, %add3A_2360 : vector<16xi32>
    %swap3A_2362 = arith.constant 7 : i32
    %swap3A_2363 = arith.index_cast %swap3A_2362 : i32 to index
    %swap3A_2364 = arith.constant 96 : index
    %swap3A_2365 = tpu.vector_load %arg9[%swap3A_2363, %swap3A_2364] {strides = array<i32>} : memref<8x128xi32, #tpu.memory_space<vmem>>, vector<1x16xi32>,
    %swap3A_2366 = vector.shape_cast %swap3A_2365 : vector<1x16xi32> to vector<16xi32>
    %swap3A_2367 = vector.shape_cast %add3A_2361 : vector<16xi32> to vector<1x16xi32>
    tpu.vector_store %arg9[%swap3A_2363, %swap3A_2364], %swap3A_2367 {strides = array<i32>} : memref<8x128xi32, #tpu.memory_space<vmem>>, vector<1x16xi32>,
    %get3A_2368 = arith.constant 1008 : index
    %get3A_2369 = tpu.vector_load %arg6[%get3A_2368] {strides = array<i32>} : memref<1024xi32, #tpu.memory_space<vmem>>, vector<16xi32>,
    %get3A_2370 = vector.shape_cast %get3A_2369 : vector<16xi32> to vector<16xi32>
    %get3A_2371 = arith.constant 1008 : index
    %get3A_2372 = tpu.vector_load %arg7[%get3A_2371] {strides = array<i32>} : memref<1024xi32, #tpu.memory_space<vmem>>, vector<16xi32>,
    %get3A_2373 = vector.shape_cast %get3A_2372 : vector<16xi32> to vector<16xi32>
    %mul3A_2374 = arith.constant 16384 : i32
    %mul3A_2375 = vector.broadcast %mul3A_2374 : i32 to vector<16xi32>
    %mul3A_2376 = arith.muli %get3A_2373, %mul3A_2375 : vector<16xi32>
    %mul3A_2377 = arith.constant 2048 : i32
    %mul3A_2378 = arith.muli %select_n3A, %mul3A_2377 : i32
    %add3A_2379 = vector.broadcast %mul3A_2378 : i32 to vector<16xi32>
    %add3A_2380 = arith.addi %mul3A_2376, %add3A_2379 : vector<16xi32>
    %add3A_2381 = arith.addi %add3A_2380, %get3A_2370 : vector<16xi32>
    %swap3A_2382 = arith.constant 7 : i32
    %swap3A_2383 = arith.index_cast %swap3A_2382 : i32 to index
    %swap3A_2384 = arith.constant 112 : index
    %swap3A_2385 = tpu.vector_load %arg8[%swap3A_2383, %swap3A_2384] {strides = array<i32>} : memref<8x128xi32, #tpu.memory_space<vmem>>, vector<1x16xi32>,
    %swap3A_2386 = vector.shape_cast %swap3A_2385 : vector<1x16xi32> to vector<16xi32>
    %swap3A_2387 = vector.shape_cast %add3A_2381 : vector<16xi32> to vector<1x16xi32>
    tpu.vector_store %arg8[%swap3A_2383, %swap3A_2384], %swap3A_2387 {strides = array<i32>} : memref<8x128xi32, #tpu.memory_space<vmem>>, vector<1x16xi32>,
    %add3A_2388 = arith.constant 896 : i32
    %add3A_2389 = arith.addi %mul3A_32, %add3A_2388 : i32
    %add3A_2390 = arith.constant 112 : i32
    %add3A_2391 = arith.addi %add3A_2389, %add3A_2390 : i32
    %add3A_2392 = vector.broadcast %add3A_2391 : i32 to vector<16xi32>
    %add3A_2393 = arith.addi %add3A_2392, %iota3A : vector<16xi32>
    %mul3A_2394 = arith.constant 8 : i32
    %mul3A_2395 = vector.broadcast %mul3A_2394 : i32 to vector<16xi32>
    %mul3A_2396 = arith.muli %add3A_2393, %mul3A_2395 : vector<16xi32>
    %add3A_2397 = vector.broadcast %select_n3A : i32 to vector<16xi32>
    %add3A_2398 = arith.addi %mul3A_2396, %add3A_2397 : vector<16xi32>
    %swap3A_2399 = arith.constant 7 : i32
    %swap3A_2400 = arith.index_cast %swap3A_2399 : i32 to index
    %swap3A_2401 = arith.constant 112 : index
    %swap3A_2402 = tpu.vector_load %arg9[%swap3A_2400, %swap3A_2401] {strides = array<i32>} : memref<8x128xi32, #tpu.memory_space<vmem>>, vector<1x16xi32>,
    %swap3A_2403 = vector.shape_cast %swap3A_2402 : vector<1x16xi32> to vector<16xi32>
    %swap3A_2404 = vector.shape_cast %add3A_2398 : vector<16xi32> to vector<1x16xi32>
    tpu.vector_store %arg9[%swap3A_2400, %swap3A_2401], %swap3A_2404 {strides = array<i32>} : memref<8x128xi32, #tpu.memory_space<vmem>>, vector<1x16xi32>,
    %dma_start3A = arith.constant 0 : i32
    %dma_start3A_2405 = arith.constant 0 : i32
    %dma_start3A_2406 = tpu.memref_slice %arg8[%dma_start3A, %dma_start3A_2405] : memref<8x128xi32, #tpu.memory_space<vmem>> -> memref<1x128xi32, #tpu.memory_space<vmem>>
    %dma_start3A_2407 = tpu.memref_squeeze %dma_start3A_2406 : memref<1x128xi32, #tpu.memory_space<vmem>> -> memref<128xi32, #tpu.memory_space<vmem>>
    %dma_start3A_2408 = arith.constant 0 : i32
    %dma_start3A_2409 = arith.constant 0 : i32
    %dma_start3A_2410 = tpu.memref_slice %arg2[%dma_start3A_2408, %dma_start3A_2409] : memref<32768x384xf32, #tpu.memory_space<hbm>> -> memref<32768x384xf32, #tpu.memory_space<hbm>>
    tpu.enqueue_indirect_dma source(%dma_start3A_2410 : memref<32768x384xf32, #tpu.memory_space<hbm>>) target(%arg10 : memref<128x384xf32, #tpu.memory_space<vmem>>) offsets(%dma_start3A_2407 : memref<128xi32, #tpu.memory_space<vmem>>) semaphore(%arg12 : memref<!tpu.dma_semaphore, #tpu.memory_space<semaphore_mem>>)
    %dma_wait3A = arith.constant 0 : i32
    %dma_wait3A_2411 = arith.constant 0 : i32
    %dma_wait3A_2412 = tpu.memref_slice %arg8[%dma_wait3A, %dma_wait3A_2411] : memref<8x128xi32, #tpu.memory_space<vmem>> -> memref<1x128xi32, #tpu.memory_space<vmem>>
    %dma_wait3A_2413 = tpu.memref_squeeze %dma_wait3A_2412 : memref<1x128xi32, #tpu.memory_space<vmem>> -> memref<128xi32, #tpu.memory_space<vmem>>
    %dma_wait3A_2414 = arith.constant 0 : i32
    %dma_wait3A_2415 = arith.constant 0 : i32
    %dma_wait3A_2416 = tpu.memref_slice %arg2[%dma_wait3A_2414, %dma_wait3A_2415] : memref<32768x384xf32, #tpu.memory_space<hbm>> -> memref<32768x384xf32, #tpu.memory_space<hbm>>
    tpu.wait_indirect_dma semaphore(%arg12 : memref<!tpu.dma_semaphore, #tpu.memory_space<semaphore_mem>>) src(%dma_wait3A_2416 : memref<32768x384xf32, #tpu.memory_space<hbm>>) dst(%arg10 : memref<128x384xf32, #tpu.memory_space<vmem>>)
    %dma_start3A_2417 = arith.constant 1 : i32
    %dma_start3A_2418 = arith.constant 0 : i32
    %dma_start3A_2419 = tpu.memref_slice %arg8[%dma_start3A_2417, %dma_start3A_2418] : memref<8x128xi32, #tpu.memory_space<vmem>> -> memref<1x128xi32, #tpu.memory_space<vmem>>
    %dma_start3A_2420 = tpu.memref_squeeze %dma_start3A_2419 : memref<1x128xi32, #tpu.memory_space<vmem>> -> memref<128xi32, #tpu.memory_space<vmem>>
    %dma_start3A_2421 = arith.constant 0 : i32
    %dma_start3A_2422 = arith.constant 0 : i32
    %dma_start3A_2423 = tpu.memref_slice %arg2[%dma_start3A_2421, %dma_start3A_2422] : memref<32768x384xf32, #tpu.memory_space<hbm>> -> memref<32768x384xf32, #tpu.memory_space<hbm>>
    tpu.enqueue_indirect_dma source(%dma_start3A_2423 : memref<32768x384xf32, #tpu.memory_space<hbm>>) target(%arg11 : memref<128x384xf32, #tpu.memory_space<vmem>>) offsets(%dma_start3A_2420 : memref<128xi32, #tpu.memory_space<vmem>>) semaphore(%arg12 : memref<!tpu.dma_semaphore, #tpu.memory_space<semaphore_mem>>)
    %dma_start3A_2424 = arith.constant 0 : i32
    %dma_start3A_2425 = arith.constant 0 : i32
    %dma_start3A_2426 = tpu.memref_slice %arg9[%dma_start3A_2424, %dma_start3A_2425] : memref<8x128xi32, #tpu.memory_space<vmem>> -> memref<1x128xi32, #tpu.memory_space<vmem>>
    %dma_start3A_2427 = tpu.memref_squeeze %dma_start3A_2426 : memref<1x128xi32, #tpu.memory_space<vmem>> -> memref<128xi32, #tpu.memory_space<vmem>>
    %dma_start3A_2428 = arith.constant 0 : i32
    %dma_start3A_2429 = arith.constant 0 : i32
    %dma_start3A_2430 = tpu.memref_slice %arg5[%dma_start3A_2428, %dma_start3A_2429] : memref<32768x384xf32, #tpu.memory_space<hbm>> -> memref<32768x384xf32, #tpu.memory_space<hbm>>
    tpu.enqueue_indirect_dma source(%arg10 : memref<128x384xf32, #tpu.memory_space<vmem>>) target(%dma_start3A_2430 : memref<32768x384xf32, #tpu.memory_space<hbm>>) offsets(%dma_start3A_2427 : memref<128xi32, #tpu.memory_space<vmem>>) semaphore(%arg13 : memref<!tpu.dma_semaphore, #tpu.memory_space<semaphore_mem>>)
    %dma_wait3A_2431 = arith.constant 0 : i32
    %dma_wait3A_2432 = arith.constant 0 : i32
    %dma_wait3A_2433 = tpu.memref_slice %arg9[%dma_wait3A_2431, %dma_wait3A_2432] : memref<8x128xi32, #tpu.memory_space<vmem>> -> memref<1x128xi32, #tpu.memory_space<vmem>>
    %dma_wait3A_2434 = tpu.memref_squeeze %dma_wait3A_2433 : memref<1x128xi32, #tpu.memory_space<vmem>> -> memref<128xi32, #tpu.memory_space<vmem>>
    %dma_wait3A_2435 = arith.constant 0 : i32
    %dma_wait3A_2436 = arith.constant 0 : i32
    %dma_wait3A_2437 = tpu.memref_slice %arg5[%dma_wait3A_2435, %dma_wait3A_2436] : memref<32768x384xf32, #tpu.memory_space<hbm>> -> memref<32768x384xf32, #tpu.memory_space<hbm>>
    tpu.wait_indirect_dma semaphore(%arg13 : memref<!tpu.dma_semaphore, #tpu.memory_space<semaphore_mem>>) src(%arg10 : memref<128x384xf32, #tpu.memory_space<vmem>>) dst(%dma_wait3A_2437 : memref<32768x384xf32, #tpu.memory_space<hbm>>)
    %dma_wait3A_2438 = arith.constant 1 : i32
    %dma_wait3A_2439 = arith.constant 0 : i32
    %dma_wait3A_2440 = tpu.memref_slice %arg8[%dma_wait3A_2438, %dma_wait3A_2439] : memref<8x128xi32, #tpu.memory_space<vmem>> -> memref<1x128xi32, #tpu.memory_space<vmem>>
    %dma_wait3A_2441 = tpu.memref_squeeze %dma_wait3A_2440 : memref<1x128xi32, #tpu.memory_space<vmem>> -> memref<128xi32, #tpu.memory_space<vmem>>
    %dma_wait3A_2442 = arith.constant 0 : i32
    %dma_wait3A_2443 = arith.constant 0 : i32
    %dma_wait3A_2444 = tpu.memref_slice %arg2[%dma_wait3A_2442, %dma_wait3A_2443] : memref<32768x384xf32, #tpu.memory_space<hbm>> -> memref<32768x384xf32, #tpu.memory_space<hbm>>
    tpu.wait_indirect_dma semaphore(%arg12 : memref<!tpu.dma_semaphore, #tpu.memory_space<semaphore_mem>>) src(%dma_wait3A_2444 : memref<32768x384xf32, #tpu.memory_space<hbm>>) dst(%arg11 : memref<128x384xf32, #tpu.memory_space<vmem>>)
    %dma_start3A_2445 = arith.constant 2 : i32
    %dma_start3A_2446 = arith.constant 0 : i32
    %dma_start3A_2447 = tpu.memref_slice %arg8[%dma_start3A_2445, %dma_start3A_2446] : memref<8x128xi32, #tpu.memory_space<vmem>> -> memref<1x128xi32, #tpu.memory_space<vmem>>
    %dma_start3A_2448 = tpu.memref_squeeze %dma_start3A_2447 : memref<1x128xi32, #tpu.memory_space<vmem>> -> memref<128xi32, #tpu.memory_space<vmem>>
    %dma_start3A_2449 = arith.constant 0 : i32
    %dma_start3A_2450 = arith.constant 0 : i32
    %dma_start3A_2451 = tpu.memref_slice %arg2[%dma_start3A_2449, %dma_start3A_2450] : memref<32768x384xf32, #tpu.memory_space<hbm>> -> memref<32768x384xf32, #tpu.memory_space<hbm>>
    tpu.enqueue_indirect_dma source(%dma_start3A_2451 : memref<32768x384xf32, #tpu.memory_space<hbm>>) target(%arg10 : memref<128x384xf32, #tpu.memory_space<vmem>>) offsets(%dma_start3A_2448 : memref<128xi32, #tpu.memory_space<vmem>>) semaphore(%arg12 : memref<!tpu.dma_semaphore, #tpu.memory_space<semaphore_mem>>)
    %dma_start3A_2452 = arith.constant 1 : i32
    %dma_start3A_2453 = arith.constant 0 : i32
    %dma_start3A_2454 = tpu.memref_slice %arg9[%dma_start3A_2452, %dma_start3A_2453] : memref<8x128xi32, #tpu.memory_space<vmem>> -> memref<1x128xi32, #tpu.memory_space<vmem>>
    %dma_start3A_2455 = tpu.memref_squeeze %dma_start3A_2454 : memref<1x128xi32, #tpu.memory_space<vmem>> -> memref<128xi32, #tpu.memory_space<vmem>>
    %dma_start3A_2456 = arith.constant 0 : i32
    %dma_start3A_2457 = arith.constant 0 : i32
    %dma_start3A_2458 = tpu.memref_slice %arg5[%dma_start3A_2456, %dma_start3A_2457] : memref<32768x384xf32, #tpu.memory_space<hbm>> -> memref<32768x384xf32, #tpu.memory_space<hbm>>
    tpu.enqueue_indirect_dma source(%arg11 : memref<128x384xf32, #tpu.memory_space<vmem>>) target(%dma_start3A_2458 : memref<32768x384xf32, #tpu.memory_space<hbm>>) offsets(%dma_start3A_2455 : memref<128xi32, #tpu.memory_space<vmem>>) semaphore(%arg13 : memref<!tpu.dma_semaphore, #tpu.memory_space<semaphore_mem>>)
    %dma_wait3A_2459 = arith.constant 1 : i32
    %dma_wait3A_2460 = arith.constant 0 : i32
    %dma_wait3A_2461 = tpu.memref_slice %arg9[%dma_wait3A_2459, %dma_wait3A_2460] : memref<8x128xi32, #tpu.memory_space<vmem>> -> memref<1x128xi32, #tpu.memory_space<vmem>>
    %dma_wait3A_2462 = tpu.memref_squeeze %dma_wait3A_2461 : memref<1x128xi32, #tpu.memory_space<vmem>> -> memref<128xi32, #tpu.memory_space<vmem>>
    %dma_wait3A_2463 = arith.constant 0 : i32
    %dma_wait3A_2464 = arith.constant 0 : i32
    %dma_wait3A_2465 = tpu.memref_slice %arg5[%dma_wait3A_2463, %dma_wait3A_2464] : memref<32768x384xf32, #tpu.memory_space<hbm>> -> memref<32768x384xf32, #tpu.memory_space<hbm>>
    tpu.wait_indirect_dma semaphore(%arg13 : memref<!tpu.dma_semaphore, #tpu.memory_space<semaphore_mem>>) src(%arg11 : memref<128x384xf32, #tpu.memory_space<vmem>>) dst(%dma_wait3A_2465 : memref<32768x384xf32, #tpu.memory_space<hbm>>)
    %dma_wait3A_2466 = arith.constant 2 : i32
    %dma_wait3A_2467 = arith.constant 0 : i32
    %dma_wait3A_2468 = tpu.memref_slice %arg8[%dma_wait3A_2466, %dma_wait3A_2467] : memref<8x128xi32, #tpu.memory_space<vmem>> -> memref<1x128xi32, #tpu.memory_space<vmem>>
    %dma_wait3A_2469 = tpu.memref_squeeze %dma_wait3A_2468 : memref<1x128xi32, #tpu.memory_space<vmem>> -> memref<128xi32, #tpu.memory_space<vmem>>
    %dma_wait3A_2470 = arith.constant 0 : i32
    %dma_wait3A_2471 = arith.constant 0 : i32
    %dma_wait3A_2472 = tpu.memref_slice %arg2[%dma_wait3A_2470, %dma_wait3A_2471] : memref<32768x384xf32, #tpu.memory_space<hbm>> -> memref<32768x384xf32, #tpu.memory_space<hbm>>
    tpu.wait_indirect_dma semaphore(%arg12 : memref<!tpu.dma_semaphore, #tpu.memory_space<semaphore_mem>>) src(%dma_wait3A_2472 : memref<32768x384xf32, #tpu.memory_space<hbm>>) dst(%arg10 : memref<128x384xf32, #tpu.memory_space<vmem>>)
    %dma_start3A_2473 = arith.constant 3 : i32
    %dma_start3A_2474 = arith.constant 0 : i32
    %dma_start3A_2475 = tpu.memref_slice %arg8[%dma_start3A_2473, %dma_start3A_2474] : memref<8x128xi32, #tpu.memory_space<vmem>> -> memref<1x128xi32, #tpu.memory_space<vmem>>
    %dma_start3A_2476 = tpu.memref_squeeze %dma_start3A_2475 : memref<1x128xi32, #tpu.memory_space<vmem>> -> memref<128xi32, #tpu.memory_space<vmem>>
    %dma_start3A_2477 = arith.constant 0 : i32
    %dma_start3A_2478 = arith.constant 0 : i32
    %dma_start3A_2479 = tpu.memref_slice %arg2[%dma_start3A_2477, %dma_start3A_2478] : memref<32768x384xf32, #tpu.memory_space<hbm>> -> memref<32768x384xf32, #tpu.memory_space<hbm>>
    tpu.enqueue_indirect_dma source(%dma_start3A_2479 : memref<32768x384xf32, #tpu.memory_space<hbm>>) target(%arg11 : memref<128x384xf32, #tpu.memory_space<vmem>>) offsets(%dma_start3A_2476 : memref<128xi32, #tpu.memory_space<vmem>>) semaphore(%arg12 : memref<!tpu.dma_semaphore, #tpu.memory_space<semaphore_mem>>)
    %dma_start3A_2480 = arith.constant 2 : i32
    %dma_start3A_2481 = arith.constant 0 : i32
    %dma_start3A_2482 = tpu.memref_slice %arg9[%dma_start3A_2480, %dma_start3A_2481] : memref<8x128xi32, #tpu.memory_space<vmem>> -> memref<1x128xi32, #tpu.memory_space<vmem>>
    %dma_start3A_2483 = tpu.memref_squeeze %dma_start3A_2482 : memref<1x128xi32, #tpu.memory_space<vmem>> -> memref<128xi32, #tpu.memory_space<vmem>>
    %dma_start3A_2484 = arith.constant 0 : i32
    %dma_start3A_2485 = arith.constant 0 : i32
    %dma_start3A_2486 = tpu.memref_slice %arg5[%dma_start3A_2484, %dma_start3A_2485] : memref<32768x384xf32, #tpu.memory_space<hbm>> -> memref<32768x384xf32, #tpu.memory_space<hbm>>
    tpu.enqueue_indirect_dma source(%arg10 : memref<128x384xf32, #tpu.memory_space<vmem>>) target(%dma_start3A_2486 : memref<32768x384xf32, #tpu.memory_space<hbm>>) offsets(%dma_start3A_2483 : memref<128xi32, #tpu.memory_space<vmem>>) semaphore(%arg13 : memref<!tpu.dma_semaphore, #tpu.memory_space<semaphore_mem>>)
    %dma_wait3A_2487 = arith.constant 2 : i32
    %dma_wait3A_2488 = arith.constant 0 : i32
    %dma_wait3A_2489 = tpu.memref_slice %arg9[%dma_wait3A_2487, %dma_wait3A_2488] : memref<8x128xi32, #tpu.memory_space<vmem>> -> memref<1x128xi32, #tpu.memory_space<vmem>>
    %dma_wait3A_2490 = tpu.memref_squeeze %dma_wait3A_2489 : memref<1x128xi32, #tpu.memory_space<vmem>> -> memref<128xi32, #tpu.memory_space<vmem>>
    %dma_wait3A_2491 = arith.constant 0 : i32
    %dma_wait3A_2492 = arith.constant 0 : i32
    %dma_wait3A_2493 = tpu.memref_slice %arg5[%dma_wait3A_2491, %dma_wait3A_2492] : memref<32768x384xf32, #tpu.memory_space<hbm>> -> memref<32768x384xf32, #tpu.memory_space<hbm>>
    tpu.wait_indirect_dma semaphore(%arg13 : memref<!tpu.dma_semaphore, #tpu.memory_space<semaphore_mem>>) src(%arg10 : memref<128x384xf32, #tpu.memory_space<vmem>>) dst(%dma_wait3A_2493 : memref<32768x384xf32, #tpu.memory_space<hbm>>)
    %dma_wait3A_2494 = arith.constant 3 : i32
    %dma_wait3A_2495 = arith.constant 0 : i32
    %dma_wait3A_2496 = tpu.memref_slice %arg8[%dma_wait3A_2494, %dma_wait3A_2495] : memref<8x128xi32, #tpu.memory_space<vmem>> -> memref<1x128xi32, #tpu.memory_space<vmem>>
    %dma_wait3A_2497 = tpu.memref_squeeze %dma_wait3A_2496 : memref<1x128xi32, #tpu.memory_space<vmem>> -> memref<128xi32, #tpu.memory_space<vmem>>
    %dma_wait3A_2498 = arith.constant 0 : i32
    %dma_wait3A_2499 = arith.constant 0 : i32
    %dma_wait3A_2500 = tpu.memref_slice %arg2[%dma_wait3A_2498, %dma_wait3A_2499] : memref<32768x384xf32, #tpu.memory_space<hbm>> -> memref<32768x384xf32, #tpu.memory_space<hbm>>
    tpu.wait_indirect_dma semaphore(%arg12 : memref<!tpu.dma_semaphore, #tpu.memory_space<semaphore_mem>>) src(%dma_wait3A_2500 : memref<32768x384xf32, #tpu.memory_space<hbm>>) dst(%arg11 : memref<128x384xf32, #tpu.memory_space<vmem>>)
    %dma_start3A_2501 = arith.constant 4 : i32
    %dma_start3A_2502 = arith.constant 0 : i32
    %dma_start3A_2503 = tpu.memref_slice %arg8[%dma_start3A_2501, %dma_start3A_2502] : memref<8x128xi32, #tpu.memory_space<vmem>> -> memref<1x128xi32, #tpu.memory_space<vmem>>
    %dma_start3A_2504 = tpu.memref_squeeze %dma_start3A_2503 : memref<1x128xi32, #tpu.memory_space<vmem>> -> memref<128xi32, #tpu.memory_space<vmem>>
    %dma_start3A_2505 = arith.constant 0 : i32
    %dma_start3A_2506 = arith.constant 0 : i32
    %dma_start3A_2507 = tpu.memref_slice %arg2[%dma_start3A_2505, %dma_start3A_2506] : memref<32768x384xf32, #tpu.memory_space<hbm>> -> memref<32768x384xf32, #tpu.memory_space<hbm>>
    tpu.enqueue_indirect_dma source(%dma_start3A_2507 : memref<32768x384xf32, #tpu.memory_space<hbm>>) target(%arg10 : memref<128x384xf32, #tpu.memory_space<vmem>>) offsets(%dma_start3A_2504 : memref<128xi32, #tpu.memory_space<vmem>>) semaphore(%arg12 : memref<!tpu.dma_semaphore, #tpu.memory_space<semaphore_mem>>)
    %dma_start3A_2508 = arith.constant 3 : i32
    %dma_start3A_2509 = arith.constant 0 : i32
    %dma_start3A_2510 = tpu.memref_slice %arg9[%dma_start3A_2508, %dma_start3A_2509] : memref<8x128xi32, #tpu.memory_space<vmem>> -> memref<1x128xi32, #tpu.memory_space<vmem>>
    %dma_start3A_2511 = tpu.memref_squeeze %dma_start3A_2510 : memref<1x128xi32, #tpu.memory_space<vmem>> -> memref<128xi32, #tpu.memory_space<vmem>>
    %dma_start3A_2512 = arith.constant 0 : i32
    %dma_start3A_2513 = arith.constant 0 : i32
    %dma_start3A_2514 = tpu.memref_slice %arg5[%dma_start3A_2512, %dma_start3A_2513] : memref<32768x384xf32, #tpu.memory_space<hbm>> -> memref<32768x384xf32, #tpu.memory_space<hbm>>
    tpu.enqueue_indirect_dma source(%arg11 : memref<128x384xf32, #tpu.memory_space<vmem>>) target(%dma_start3A_2514 : memref<32768x384xf32, #tpu.memory_space<hbm>>) offsets(%dma_start3A_2511 : memref<128xi32, #tpu.memory_space<vmem>>) semaphore(%arg13 : memref<!tpu.dma_semaphore, #tpu.memory_space<semaphore_mem>>)
    %dma_wait3A_2515 = arith.constant 3 : i32
    %dma_wait3A_2516 = arith.constant 0 : i32
    %dma_wait3A_2517 = tpu.memref_slice %arg9[%dma_wait3A_2515, %dma_wait3A_2516] : memref<8x128xi32, #tpu.memory_space<vmem>> -> memref<1x128xi32, #tpu.memory_space<vmem>>
    %dma_wait3A_2518 = tpu.memref_squeeze %dma_wait3A_2517 : memref<1x128xi32, #tpu.memory_space<vmem>> -> memref<128xi32, #tpu.memory_space<vmem>>
    %dma_wait3A_2519 = arith.constant 0 : i32
    %dma_wait3A_2520 = arith.constant 0 : i32
    %dma_wait3A_2521 = tpu.memref_slice %arg5[%dma_wait3A_2519, %dma_wait3A_2520] : memref<32768x384xf32, #tpu.memory_space<hbm>> -> memref<32768x384xf32, #tpu.memory_space<hbm>>
    tpu.wait_indirect_dma semaphore(%arg13 : memref<!tpu.dma_semaphore, #tpu.memory_space<semaphore_mem>>) src(%arg11 : memref<128x384xf32, #tpu.memory_space<vmem>>) dst(%dma_wait3A_2521 : memref<32768x384xf32, #tpu.memory_space<hbm>>)
    %dma_wait3A_2522 = arith.constant 4 : i32
    %dma_wait3A_2523 = arith.constant 0 : i32
    %dma_wait3A_2524 = tpu.memref_slice %arg8[%dma_wait3A_2522, %dma_wait3A_2523] : memref<8x128xi32, #tpu.memory_space<vmem>> -> memref<1x128xi32, #tpu.memory_space<vmem>>
    %dma_wait3A_2525 = tpu.memref_squeeze %dma_wait3A_2524 : memref<1x128xi32, #tpu.memory_space<vmem>> -> memref<128xi32, #tpu.memory_space<vmem>>
    %dma_wait3A_2526 = arith.constant 0 : i32
    %dma_wait3A_2527 = arith.constant 0 : i32
    %dma_wait3A_2528 = tpu.memref_slice %arg2[%dma_wait3A_2526, %dma_wait3A_2527] : memref<32768x384xf32, #tpu.memory_space<hbm>> -> memref<32768x384xf32, #tpu.memory_space<hbm>>
    tpu.wait_indirect_dma semaphore(%arg12 : memref<!tpu.dma_semaphore, #tpu.memory_space<semaphore_mem>>) src(%dma_wait3A_2528 : memref<32768x384xf32, #tpu.memory_space<hbm>>) dst(%arg10 : memref<128x384xf32, #tpu.memory_space<vmem>>)
    %dma_start3A_2529 = arith.constant 5 : i32
    %dma_start3A_2530 = arith.constant 0 : i32
    %dma_start3A_2531 = tpu.memref_slice %arg8[%dma_start3A_2529, %dma_start3A_2530] : memref<8x128xi32, #tpu.memory_space<vmem>> -> memref<1x128xi32, #tpu.memory_space<vmem>>
    %dma_start3A_2532 = tpu.memref_squeeze %dma_start3A_2531 : memref<1x128xi32, #tpu.memory_space<vmem>> -> memref<128xi32, #tpu.memory_space<vmem>>
    %dma_start3A_2533 = arith.constant 0 : i32
    %dma_start3A_2534 = arith.constant 0 : i32
    %dma_start3A_2535 = tpu.memref_slice %arg2[%dma_start3A_2533, %dma_start3A_2534] : memref<32768x384xf32, #tpu.memory_space<hbm>> -> memref<32768x384xf32, #tpu.memory_space<hbm>>
    tpu.enqueue_indirect_dma source(%dma_start3A_2535 : memref<32768x384xf32, #tpu.memory_space<hbm>>) target(%arg11 : memref<128x384xf32, #tpu.memory_space<vmem>>) offsets(%dma_start3A_2532 : memref<128xi32, #tpu.memory_space<vmem>>) semaphore(%arg12 : memref<!tpu.dma_semaphore, #tpu.memory_space<semaphore_mem>>)
    %dma_start3A_2536 = arith.constant 4 : i32
    %dma_start3A_2537 = arith.constant 0 : i32
    %dma_start3A_2538 = tpu.memref_slice %arg9[%dma_start3A_2536, %dma_start3A_2537] : memref<8x128xi32, #tpu.memory_space<vmem>> -> memref<1x128xi32, #tpu.memory_space<vmem>>
    %dma_start3A_2539 = tpu.memref_squeeze %dma_start3A_2538 : memref<1x128xi32, #tpu.memory_space<vmem>> -> memref<128xi32, #tpu.memory_space<vmem>>
    %dma_start3A_2540 = arith.constant 0 : i32
    %dma_start3A_2541 = arith.constant 0 : i32
    %dma_start3A_2542 = tpu.memref_slice %arg5[%dma_start3A_2540, %dma_start3A_2541] : memref<32768x384xf32, #tpu.memory_space<hbm>> -> memref<32768x384xf32, #tpu.memory_space<hbm>>
    tpu.enqueue_indirect_dma source(%arg10 : memref<128x384xf32, #tpu.memory_space<vmem>>) target(%dma_start3A_2542 : memref<32768x384xf32, #tpu.memory_space<hbm>>) offsets(%dma_start3A_2539 : memref<128xi32, #tpu.memory_space<vmem>>) semaphore(%arg13 : memref<!tpu.dma_semaphore, #tpu.memory_space<semaphore_mem>>)
    %dma_wait3A_2543 = arith.constant 4 : i32
    %dma_wait3A_2544 = arith.constant 0 : i32
    %dma_wait3A_2545 = tpu.memref_slice %arg9[%dma_wait3A_2543, %dma_wait3A_2544] : memref<8x128xi32, #tpu.memory_space<vmem>> -> memref<1x128xi32, #tpu.memory_space<vmem>>
    %dma_wait3A_2546 = tpu.memref_squeeze %dma_wait3A_2545 : memref<1x128xi32, #tpu.memory_space<vmem>> -> memref<128xi32, #tpu.memory_space<vmem>>
    %dma_wait3A_2547 = arith.constant 0 : i32
    %dma_wait3A_2548 = arith.constant 0 : i32
    %dma_wait3A_2549 = tpu.memref_slice %arg5[%dma_wait3A_2547, %dma_wait3A_2548] : memref<32768x384xf32, #tpu.memory_space<hbm>> -> memref<32768x384xf32, #tpu.memory_space<hbm>>
    tpu.wait_indirect_dma semaphore(%arg13 : memref<!tpu.dma_semaphore, #tpu.memory_space<semaphore_mem>>) src(%arg10 : memref<128x384xf32, #tpu.memory_space<vmem>>) dst(%dma_wait3A_2549 : memref<32768x384xf32, #tpu.memory_space<hbm>>)
    %dma_wait3A_2550 = arith.constant 5 : i32
    %dma_wait3A_2551 = arith.constant 0 : i32
    %dma_wait3A_2552 = tpu.memref_slice %arg8[%dma_wait3A_2550, %dma_wait3A_2551] : memref<8x128xi32, #tpu.memory_space<vmem>> -> memref<1x128xi32, #tpu.memory_space<vmem>>
    %dma_wait3A_2553 = tpu.memref_squeeze %dma_wait3A_2552 : memref<1x128xi32, #tpu.memory_space<vmem>> -> memref<128xi32, #tpu.memory_space<vmem>>
    %dma_wait3A_2554 = arith.constant 0 : i32
    %dma_wait3A_2555 = arith.constant 0 : i32
    %dma_wait3A_2556 = tpu.memref_slice %arg2[%dma_wait3A_2554, %dma_wait3A_2555] : memref<32768x384xf32, #tpu.memory_space<hbm>> -> memref<32768x384xf32, #tpu.memory_space<hbm>>
    tpu.wait_indirect_dma semaphore(%arg12 : memref<!tpu.dma_semaphore, #tpu.memory_space<semaphore_mem>>) src(%dma_wait3A_2556 : memref<32768x384xf32, #tpu.memory_space<hbm>>) dst(%arg11 : memref<128x384xf32, #tpu.memory_space<vmem>>)
    %dma_start3A_2557 = arith.constant 6 : i32
    %dma_start3A_2558 = arith.constant 0 : i32
    %dma_start3A_2559 = tpu.memref_slice %arg8[%dma_start3A_2557, %dma_start3A_2558] : memref<8x128xi32, #tpu.memory_space<vmem>> -> memref<1x128xi32, #tpu.memory_space<vmem>>
    %dma_start3A_2560 = tpu.memref_squeeze %dma_start3A_2559 : memref<1x128xi32, #tpu.memory_space<vmem>> -> memref<128xi32, #tpu.memory_space<vmem>>
    %dma_start3A_2561 = arith.constant 0 : i32
    %dma_start3A_2562 = arith.constant 0 : i32
    %dma_start3A_2563 = tpu.memref_slice %arg2[%dma_start3A_2561, %dma_start3A_2562] : memref<32768x384xf32, #tpu.memory_space<hbm>> -> memref<32768x384xf32, #tpu.memory_space<hbm>>
    tpu.enqueue_indirect_dma source(%dma_start3A_2563 : memref<32768x384xf32, #tpu.memory_space<hbm>>) target(%arg10 : memref<128x384xf32, #tpu.memory_space<vmem>>) offsets(%dma_start3A_2560 : memref<128xi32, #tpu.memory_space<vmem>>) semaphore(%arg12 : memref<!tpu.dma_semaphore, #tpu.memory_space<semaphore_mem>>)
    %dma_start3A_2564 = arith.constant 5 : i32
    %dma_start3A_2565 = arith.constant 0 : i32
    %dma_start3A_2566 = tpu.memref_slice %arg9[%dma_start3A_2564, %dma_start3A_2565] : memref<8x128xi32, #tpu.memory_space<vmem>> -> memref<1x128xi32, #tpu.memory_space<vmem>>
    %dma_start3A_2567 = tpu.memref_squeeze %dma_start3A_2566 : memref<1x128xi32, #tpu.memory_space<vmem>> -> memref<128xi32, #tpu.memory_space<vmem>>
    %dma_start3A_2568 = arith.constant 0 : i32
    %dma_start3A_2569 = arith.constant 0 : i32
    %dma_start3A_2570 = tpu.memref_slice %arg5[%dma_start3A_2568, %dma_start3A_2569] : memref<32768x384xf32, #tpu.memory_space<hbm>> -> memref<32768x384xf32, #tpu.memory_space<hbm>>
    tpu.enqueue_indirect_dma source(%arg11 : memref<128x384xf32, #tpu.memory_space<vmem>>) target(%dma_start3A_2570 : memref<32768x384xf32, #tpu.memory_space<hbm>>) offsets(%dma_start3A_2567 : memref<128xi32, #tpu.memory_space<vmem>>) semaphore(%arg13 : memref<!tpu.dma_semaphore, #tpu.memory_space<semaphore_mem>>)
    %dma_wait3A_2571 = arith.constant 5 : i32
    %dma_wait3A_2572 = arith.constant 0 : i32
    %dma_wait3A_2573 = tpu.memref_slice %arg9[%dma_wait3A_2571, %dma_wait3A_2572] : memref<8x128xi32, #tpu.memory_space<vmem>> -> memref<1x128xi32, #tpu.memory_space<vmem>>
    %dma_wait3A_2574 = tpu.memref_squeeze %dma_wait3A_2573 : memref<1x128xi32, #tpu.memory_space<vmem>> -> memref<128xi32, #tpu.memory_space<vmem>>
    %dma_wait3A_2575 = arith.constant 0 : i32
    %dma_wait3A_2576 = arith.constant 0 : i32
    %dma_wait3A_2577 = tpu.memref_slice %arg5[%dma_wait3A_2575, %dma_wait3A_2576] : memref<32768x384xf32, #tpu.memory_space<hbm>> -> memref<32768x384xf32, #tpu.memory_space<hbm>>
    tpu.wait_indirect_dma semaphore(%arg13 : memref<!tpu.dma_semaphore, #tpu.memory_space<semaphore_mem>>) src(%arg11 : memref<128x384xf32, #tpu.memory_space<vmem>>) dst(%dma_wait3A_2577 : memref<32768x384xf32, #tpu.memory_space<hbm>>)
    %dma_wait3A_2578 = arith.constant 6 : i32
    %dma_wait3A_2579 = arith.constant 0 : i32
    %dma_wait3A_2580 = tpu.memref_slice %arg8[%dma_wait3A_2578, %dma_wait3A_2579] : memref<8x128xi32, #tpu.memory_space<vmem>> -> memref<1x128xi32, #tpu.memory_space<vmem>>
    %dma_wait3A_2581 = tpu.memref_squeeze %dma_wait3A_2580 : memref<1x128xi32, #tpu.memory_space<vmem>> -> memref<128xi32, #tpu.memory_space<vmem>>
    %dma_wait3A_2582 = arith.constant 0 : i32
    %dma_wait3A_2583 = arith.constant 0 : i32
    %dma_wait3A_2584 = tpu.memref_slice %arg2[%dma_wait3A_2582, %dma_wait3A_2583] : memref<32768x384xf32, #tpu.memory_space<hbm>> -> memref<32768x384xf32, #tpu.memory_space<hbm>>
    tpu.wait_indirect_dma semaphore(%arg12 : memref<!tpu.dma_semaphore, #tpu.memory_space<semaphore_mem>>) src(%dma_wait3A_2584 : memref<32768x384xf32, #tpu.memory_space<hbm>>) dst(%arg10 : memref<128x384xf32, #tpu.memory_space<vmem>>)
    %dma_start3A_2585 = arith.constant 7 : i32
    %dma_start3A_2586 = arith.constant 0 : i32
    %dma_start3A_2587 = tpu.memref_slice %arg8[%dma_start3A_2585, %dma_start3A_2586] : memref<8x128xi32, #tpu.memory_space<vmem>> -> memref<1x128xi32, #tpu.memory_space<vmem>>
    %dma_start3A_2588 = tpu.memref_squeeze %dma_start3A_2587 : memref<1x128xi32, #tpu.memory_space<vmem>> -> memref<128xi32, #tpu.memory_space<vmem>>
    %dma_start3A_2589 = arith.constant 0 : i32
    %dma_start3A_2590 = arith.constant 0 : i32
    %dma_start3A_2591 = tpu.memref_slice %arg2[%dma_start3A_2589, %dma_start3A_2590] : memref<32768x384xf32, #tpu.memory_space<hbm>> -> memref<32768x384xf32, #tpu.memory_space<hbm>>
    tpu.enqueue_indirect_dma source(%dma_start3A_2591 : memref<32768x384xf32, #tpu.memory_space<hbm>>) target(%arg11 : memref<128x384xf32, #tpu.memory_space<vmem>>) offsets(%dma_start3A_2588 : memref<128xi32, #tpu.memory_space<vmem>>) semaphore(%arg12 : memref<!tpu.dma_semaphore, #tpu.memory_space<semaphore_mem>>)
    %dma_start3A_2592 = arith.constant 6 : i32
    %dma_start3A_2593 = arith.constant 0 : i32
    %dma_start3A_2594 = tpu.memref_slice %arg9[%dma_start3A_2592, %dma_start3A_2593] : memref<8x128xi32, #tpu.memory_space<vmem>> -> memref<1x128xi32, #tpu.memory_space<vmem>>
    %dma_start3A_2595 = tpu.memref_squeeze %dma_start3A_2594 : memref<1x128xi32, #tpu.memory_space<vmem>> -> memref<128xi32, #tpu.memory_space<vmem>>
    %dma_start3A_2596 = arith.constant 0 : i32
    %dma_start3A_2597 = arith.constant 0 : i32
    %dma_start3A_2598 = tpu.memref_slice %arg5[%dma_start3A_2596, %dma_start3A_2597] : memref<32768x384xf32, #tpu.memory_space<hbm>> -> memref<32768x384xf32, #tpu.memory_space<hbm>>
    tpu.enqueue_indirect_dma source(%arg10 : memref<128x384xf32, #tpu.memory_space<vmem>>) target(%dma_start3A_2598 : memref<32768x384xf32, #tpu.memory_space<hbm>>) offsets(%dma_start3A_2595 : memref<128xi32, #tpu.memory_space<vmem>>) semaphore(%arg13 : memref<!tpu.dma_semaphore, #tpu.memory_space<semaphore_mem>>)
    %dma_wait3A_2599 = arith.constant 6 : i32
    %dma_wait3A_2600 = arith.constant 0 : i32
    %dma_wait3A_2601 = tpu.memref_slice %arg9[%dma_wait3A_2599, %dma_wait3A_2600] : memref<8x128xi32, #tpu.memory_space<vmem>> -> memref<1x128xi32, #tpu.memory_space<vmem>>
    %dma_wait3A_2602 = tpu.memref_squeeze %dma_wait3A_2601 : memref<1x128xi32, #tpu.memory_space<vmem>> -> memref<128xi32, #tpu.memory_space<vmem>>
    %dma_wait3A_2603 = arith.constant 0 : i32
    %dma_wait3A_2604 = arith.constant 0 : i32
    %dma_wait3A_2605 = tpu.memref_slice %arg5[%dma_wait3A_2603, %dma_wait3A_2604] : memref<32768x384xf32, #tpu.memory_space<hbm>> -> memref<32768x384xf32, #tpu.memory_space<hbm>>
    tpu.wait_indirect_dma semaphore(%arg13 : memref<!tpu.dma_semaphore, #tpu.memory_space<semaphore_mem>>) src(%arg10 : memref<128x384xf32, #tpu.memory_space<vmem>>) dst(%dma_wait3A_2605 : memref<32768x384xf32, #tpu.memory_space<hbm>>)
    %dma_wait3A_2606 = arith.constant 7 : i32
    %dma_wait3A_2607 = arith.constant 0 : i32
    %dma_wait3A_2608 = tpu.memref_slice %arg8[%dma_wait3A_2606, %dma_wait3A_2607] : memref<8x128xi32, #tpu.memory_space<vmem>> -> memref<1x128xi32, #tpu.memory_space<vmem>>
    %dma_wait3A_2609 = tpu.memref_squeeze %dma_wait3A_2608 : memref<1x128xi32, #tpu.memory_space<vmem>> -> memref<128xi32, #tpu.memory_space<vmem>>
    %dma_wait3A_2610 = arith.constant 0 : i32
    %dma_wait3A_2611 = arith.constant 0 : i32
    %dma_wait3A_2612 = tpu.memref_slice %arg2[%dma_wait3A_2610, %dma_wait3A_2611] : memref<32768x384xf32, #tpu.memory_space<hbm>> -> memref<32768x384xf32, #tpu.memory_space<hbm>>
    tpu.wait_indirect_dma semaphore(%arg12 : memref<!tpu.dma_semaphore, #tpu.memory_space<semaphore_mem>>) src(%dma_wait3A_2612 : memref<32768x384xf32, #tpu.memory_space<hbm>>) dst(%arg11 : memref<128x384xf32, #tpu.memory_space<vmem>>)
    %dma_start3A_2613 = arith.constant 7 : i32
    %dma_start3A_2614 = arith.constant 0 : i32
    %dma_start3A_2615 = tpu.memref_slice %arg9[%dma_start3A_2613, %dma_start3A_2614] : memref<8x128xi32, #tpu.memory_space<vmem>> -> memref<1x128xi32, #tpu.memory_space<vmem>>
    %dma_start3A_2616 = tpu.memref_squeeze %dma_start3A_2615 : memref<1x128xi32, #tpu.memory_space<vmem>> -> memref<128xi32, #tpu.memory_space<vmem>>
    %dma_start3A_2617 = arith.constant 0 : i32
    %dma_start3A_2618 = arith.constant 0 : i32
    %dma_start3A_2619 = tpu.memref_slice %arg5[%dma_start3A_2617, %dma_start3A_2618] : memref<32768x384xf32, #tpu.memory_space<hbm>> -> memref<32768x384xf32, #tpu.memory_space<hbm>>
    tpu.enqueue_indirect_dma source(%arg11 : memref<128x384xf32, #tpu.memory_space<vmem>>) target(%dma_start3A_2619 : memref<32768x384xf32, #tpu.memory_space<hbm>>) offsets(%dma_start3A_2616 : memref<128xi32, #tpu.memory_space<vmem>>) semaphore(%arg13 : memref<!tpu.dma_semaphore, #tpu.memory_space<semaphore_mem>>)
    %dma_wait3A_2620 = arith.constant 7 : i32
    %dma_wait3A_2621 = arith.constant 0 : i32
    %dma_wait3A_2622 = tpu.memref_slice %arg9[%dma_wait3A_2620, %dma_wait3A_2621] : memref<8x128xi32, #tpu.memory_space<vmem>> -> memref<1x128xi32, #tpu.memory_space<vmem>>
    %dma_wait3A_2623 = tpu.memref_squeeze %dma_wait3A_2622 : memref<1x128xi32, #tpu.memory_space<vmem>> -> memref<128xi32, #tpu.memory_space<vmem>>
    %dma_wait3A_2624 = arith.constant 0 : i32
    %dma_wait3A_2625 = arith.constant 0 : i32
    %dma_wait3A_2626 = tpu.memref_slice %arg5[%dma_wait3A_2624, %dma_wait3A_2625] : memref<32768x384xf32, #tpu.memory_space<hbm>> -> memref<32768x384xf32, #tpu.memory_space<hbm>>
    tpu.wait_indirect_dma semaphore(%arg13 : memref<!tpu.dma_semaphore, #tpu.memory_space<semaphore_mem>>) src(%arg11 : memref<128x384xf32, #tpu.memory_space<vmem>>) dst(%dma_wait3A_2626 : memref<32768x384xf32, #tpu.memory_space<hbm>>)
    return
  }
}

module attributes {stable_mosaic.version = 14 : i64} {
  func.func @_proj_body(%arg0: i32, %arg1: memref<1024x64xf32, #tpu.memory_space<vmem>>, %arg2: memref<1x64x384xf32, #tpu.memory_space<vmem>>, %arg3: memref<1x1x384xf32, #tpu.memory_space<vmem>>, %arg4: memref<1024x384xf32, #tpu.memory_space<vmem>>) attributes {dimension_semantics = [#tpu.dimension_semantics<arbitrary>], iteration_bounds = array<i64: 32>, scalar_prefetch = 0 : i64, scratch_operands = 0 : i64, tpu.core_type = #tpu.core_type<tc>, window_params = [{transform_indices = @transform_0, window_bounds = array<i64: 1024, 64>}, {transform_indices = @transform_1, window_bounds = array<i64: 1, 64, 384>}, {transform_indices = @transform_2, window_bounds = array<i64: 1, 1, 384>}, {transform_indices = @transform_3, window_bounds = array<i64: 1024, 384>}]} {
    %get3A = arith.constant 0 : index
    %get3A_0 = arith.constant 0 : index
    %get3A_1 = vector.load %arg1[%get3A, %get3A_0] : memref<1024x64xf32, #tpu.memory_space<vmem>>, vector<1024x64xf32>
    %get3A_2 = arith.constant 0 : index
    %get3A_3 = arith.constant 0 : index
    %get3A_4 = arith.constant 0 : index
    %get3A_5 = vector.load %arg2[%get3A_2, %get3A_3, %get3A_4] : memref<1x64x384xf32, #tpu.memory_space<vmem>>, vector<1x64x384xf32>
    %get3A_6 = vector.shape_cast %get3A_5 : vector<1x64x384xf32> to vector<64x384xf32>
    %dot_general3A = arith.constant dense<0.000000e+00> : vector<1024x384xf32>
    %dot_general3A_7 = tpu.matmul %get3A_1, %get3A_6, %dot_general3A {dimension_numbers = #tpu.dot_dimension_numbers<[1], [0], [0], [1], [0, 0, 1, 1], [], []>, transpose_lhs_hint = false} : vector<1024x64xf32>, vector<64x384xf32>, vector<1024x384xf32> -> vector<1024x384xf32>
    %get3A_8 = arith.constant 0 : index
    %get3A_9 = arith.constant 0 : index
    %get3A_10 = arith.constant 0 : index
    %get3A_11 = vector.load %arg3[%get3A_8, %get3A_9, %get3A_10] : memref<1x1x384xf32, #tpu.memory_space<vmem>>, vector<1x1x384xf32>
    %get3A_12 = vector.shape_cast %get3A_11 : vector<1x1x384xf32> to vector<1x384xf32>
    %add3A = vector.broadcast %get3A_12 : vector<1x384xf32> to vector<1024x384xf32>
    %add3A_13 = arith.addf %dot_general3A_7, %add3A : vector<1024x384xf32>
    %swap3A = arith.constant 0 : index
    %swap3A_14 = arith.constant 0 : index
    %swap3A_15 = vector.load %arg4[%swap3A, %swap3A_14] : memref<1024x384xf32, #tpu.memory_space<vmem>>, vector<1024x384xf32>
    tpu.vector_store %arg4[%swap3A, %swap3A_14], %add3A_13 {strides = array<i32>} : memref<1024x384xf32, #tpu.memory_space<vmem>>, vector<1024x384xf32>,
    return
  }
  func.func @transform_0(%arg0: i32) -> (i32, i32) {
    %c0_i32 = arith.constant 0 : i32
    %c0_i32_0 = arith.constant 0 : i32
    return %arg0, %c0_i32 : i32, i32
  }
  func.func @transform_1(%arg0: i32) -> (i32, i32, i32) {
    %jit3A = arith.constant 16 : i32
    %div3A = arith.divsi %arg0, %jit3A : i32
    %sign3A = arith.constant 0 : i32
    %sign3A_0 = arith.cmpi sgt, %arg0, %sign3A : i32
    %sign3A_1 = arith.extui %sign3A_0 : i1 to i32
    %sign3A_2 = arith.constant 0 : i32
    %sign3A_3 = arith.cmpi slt, %arg0, %sign3A_2 : i32
    %sign3A_4 = arith.extui %sign3A_3 : i1 to i32
    %sign3A_5 = arith.subi %sign3A_1, %sign3A_4 : i32
    %sign3A_6 = arith.constant 0 : i32
    %sign3A_7 = arith.cmpi sgt, %jit3A, %sign3A_6 : i32
    %sign3A_8 = arith.extui %sign3A_7 : i1 to i32
    %sign3A_9 = arith.constant 0 : i32
    %sign3A_10 = arith.cmpi slt, %jit3A, %sign3A_9 : i32
    %sign3A_11 = arith.extui %sign3A_10 : i1 to i32
    %sign3A_12 = arith.subi %sign3A_8, %sign3A_11 : i32
    %ne3A = arith.cmpi ne, %sign3A_5, %sign3A_12 : i32
    %rem3A = arith.remsi %arg0, %jit3A : i32
    %ne3A_13 = arith.constant 0 : i32
    %ne3A_14 = arith.cmpi ne, %rem3A, %ne3A_13 : i32
    %and3A = arith.andi %ne3A, %ne3A_14 : i1
    %sub3A = arith.constant 1 : i32
    %sub3A_15 = arith.subi %div3A, %sub3A : i32
    %select_n3A = arith.select %and3A, %sub3A_15, %div3A : i32
    %c0_i32 = arith.constant 0 : i32
    %c0_i32_16 = arith.constant 0 : i32
    %c0_i32_17 = arith.constant 0 : i32
    return %select_n3A, %c0_i32, %c0_i32_16 : i32, i32, i32
  }
  func.func @transform_2(%arg0: i32) -> (i32, i32, i32) {
    %jit3A = arith.constant 16 : i32
    %div3A = arith.divsi %arg0, %jit3A : i32
    %sign3A = arith.constant 0 : i32
    %sign3A_0 = arith.cmpi sgt, %arg0, %sign3A : i32
    %sign3A_1 = arith.extui %sign3A_0 : i1 to i32
    %sign3A_2 = arith.constant 0 : i32
    %sign3A_3 = arith.cmpi slt, %arg0, %sign3A_2 : i32
    %sign3A_4 = arith.extui %sign3A_3 : i1 to i32
    %sign3A_5 = arith.subi %sign3A_1, %sign3A_4 : i32
    %sign3A_6 = arith.constant 0 : i32
    %sign3A_7 = arith.cmpi sgt, %jit3A, %sign3A_6 : i32
    %sign3A_8 = arith.extui %sign3A_7 : i1 to i32
    %sign3A_9 = arith.constant 0 : i32
    %sign3A_10 = arith.cmpi slt, %jit3A, %sign3A_9 : i32
    %sign3A_11 = arith.extui %sign3A_10 : i1 to i32
    %sign3A_12 = arith.subi %sign3A_8, %sign3A_11 : i32
    %ne3A = arith.cmpi ne, %sign3A_5, %sign3A_12 : i32
    %rem3A = arith.remsi %arg0, %jit3A : i32
    %ne3A_13 = arith.constant 0 : i32
    %ne3A_14 = arith.cmpi ne, %rem3A, %ne3A_13 : i32
    %and3A = arith.andi %ne3A, %ne3A_14 : i1
    %sub3A = arith.constant 1 : i32
    %sub3A_15 = arith.subi %div3A, %sub3A : i32
    %select_n3A = arith.select %and3A, %sub3A_15, %div3A : i32
    %c0_i32 = arith.constant 0 : i32
    %c0_i32_16 = arith.constant 0 : i32
    %c0_i32_17 = arith.constant 0 : i32
    return %select_n3A, %c0_i32, %c0_i32_16 : i32, i32, i32
  }
  func.func @transform_3(%arg0: i32) -> (i32, i32) {
    %c0_i32 = arith.constant 0 : i32
    %c0_i32_0 = arith.constant 0 : i32
    return %arg0, %c0_i32 : i32, i32
  }
}

module attributes {stable_mosaic.version = 14 : i64} {
  func.func @_gru_body(%arg0: i32, %arg1: memref<256x8x384xf32, #tpu.memory_space<vmem>>, %arg2: memref<64x384xf32, #tpu.memory_space<vmem>>, %arg3: memref<1x384xf32, #tpu.memory_space<vmem>>, %arg4: memref<8x1xi32, #tpu.memory_space<vmem>>, %arg5: memref<1xi32, #tpu.memory_space<smem>>, %arg6: memref<8x64xf32, #tpu.memory_space<vmem>>, %arg7: memref<8x64xf32, #tpu.memory_space<vmem>>) attributes {dimension_semantics = [#tpu.dimension_semantics<arbitrary>], iteration_bounds = array<i64: 16>, scalar_prefetch = 0 : i64, scratch_operands = 1 : i64, tpu.core_type = #tpu.core_type<tc>, window_params = [{transform_indices = @transform_0, window_bounds = array<i64: 256, 8, 384>}, {pipeline_mode = #tpu.pipeline_mode<synchronous>, transform_indices = @transform_1, window_bounds = array<i64: 64, 384>}, {pipeline_mode = #tpu.pipeline_mode<synchronous>, transform_indices = @transform_2, window_bounds = array<i64: 1, 384>}, {pipeline_mode = #tpu.pipeline_mode<synchronous>, transform_indices = @transform_3, window_bounds = array<i64: 8, 1>}, {transform_indices = @transform_4, window_bounds = array<i64: 1>}, {pipeline_mode = #tpu.pipeline_mode<synchronous>, transform_indices = @transform_5, window_bounds = array<i64: 8, 64>}]} {
    %eq3A = arith.constant 0 : i32
    %eq3A_0 = arith.cmpi eq, %arg0, %eq3A : i32
    %convert_element_type3A = arith.extui %eq3A_0 : i1 to i32
    %cond3A = arith.constant 0 : i32
    %cond3A_1 = arith.cmpi ne, %convert_element_type3A, %cond3A : i32
    scf.if %cond3A_1 {
      %broadcast_in_dim3A = arith.constant 0.000000e+00 : f32
      %broadcast_in_dim3A_60 = vector.broadcast %broadcast_in_dim3A : f32 to vector<8x64xf32>
      %swap3A_61 = arith.constant 0 : index
      %swap3A_62 = arith.constant 0 : index
      %swap3A_63 = vector.load %arg7[%swap3A_61, %swap3A_62] : memref<8x64xf32, #tpu.memory_space<vmem>>, vector<8x64xf32>
      tpu.vector_store %arg7[%swap3A_61, %swap3A_62], %broadcast_in_dim3A_60 {strides = array<i32>} : memref<8x64xf32, #tpu.memory_space<vmem>>, vector<8x64xf32>,
      %broadcast_in_dim3A_64 = arith.constant 0.000000e+00 : f32
      %broadcast_in_dim3A_65 = vector.broadcast %broadcast_in_dim3A_64 : f32 to vector<8x64xf32>
      %swap3A_66 = arith.constant 0 : index
      %swap3A_67 = arith.constant 0 : index
      %swap3A_68 = vector.load %arg6[%swap3A_66, %swap3A_67] : memref<8x64xf32, #tpu.memory_space<vmem>>, vector<8x64xf32>
      tpu.vector_store %arg6[%swap3A_66, %swap3A_67], %broadcast_in_dim3A_65 {strides = array<i32>} : memref<8x64xf32, #tpu.memory_space<vmem>>, vector<8x64xf32>,
    } else {
    }
    %get3A = arith.constant 0 : index
    %get3A_2 = arith.constant 0 : index
    %get3A_3 = vector.load %arg2[%get3A, %get3A_2] : memref<64x384xf32, #tpu.memory_space<vmem>>, vector<64x384xf32>
    %convert_element_type3A_4 = arith.truncf %get3A_3 : vector<64x384xf32> to vector<64x384xbf16>
    %get3A_5 = arith.constant 0 : index
    %get3A_6 = arith.constant 0 : index
    %get3A_7 = vector.load %arg3[%get3A_5, %get3A_6] : memref<1x384xf32, #tpu.memory_space<vmem>>, vector<1x384xf32>
    %get3A_8 = arith.constant 0 : index
    %get3A_9 = arith.constant 0 : index
    %get3A_10 = vector.load %arg4[%get3A_8, %get3A_9] : memref<8x1xi32, #tpu.memory_space<vmem>>, vector<8x1xi32>
    %sub3A = arith.constant 1 : i32
    %sub3A_11 = vector.broadcast %sub3A : i32 to vector<8x1xi32>
    %sub3A_12 = arith.subi %get3A_10, %sub3A_11 : vector<8x1xi32>
    %get3A_13 = arith.constant 0 : index
    %get3A_14 = memref.load %arg5[%get3A_13] : memref<1xi32, #tpu.memory_space<smem>>
    %mul3A = arith.constant 256 : i32
    %mul3A_15 = arith.muli %arg0, %mul3A : i32
    %sub3A_16 = arith.subi %get3A_14, %mul3A_15 : i32
    %jit3A = arith.constant 0 : i32
    %jit3A_17 = arith.constant 256 : i32
    %max3A = arith.maxsi %jit3A, %sub3A_16 : i32
    %min3A = arith.minsi %jit3A_17, %max3A : i32
    %add3A = arith.constant 4 : i32
    %add3A_18 = arith.addi %min3A, %add3A : i32
    %sub3A_19 = arith.constant 1 : i32
    %sub3A_20 = arith.subi %add3A_18, %sub3A_19 : i32
    %jit3A_21 = arith.constant 4 : i32
    %div3A = arith.divsi %sub3A_20, %jit3A_21 : i32
    %sign3A = arith.constant 0 : i32
    %sign3A_22 = arith.cmpi sgt, %sub3A_20, %sign3A : i32
    %sign3A_23 = arith.extui %sign3A_22 : i1 to i32
    %sign3A_24 = arith.constant 0 : i32
    %sign3A_25 = arith.cmpi slt, %sub3A_20, %sign3A_24 : i32
    %sign3A_26 = arith.extui %sign3A_25 : i1 to i32
    %sign3A_27 = arith.subi %sign3A_23, %sign3A_26 : i32
    %sign3A_28 = arith.constant 0 : i32
    %sign3A_29 = arith.cmpi sgt, %jit3A_21, %sign3A_28 : i32
    %sign3A_30 = arith.extui %sign3A_29 : i1 to i32
    %sign3A_31 = arith.constant 0 : i32
    %sign3A_32 = arith.cmpi slt, %jit3A_21, %sign3A_31 : i32
    %sign3A_33 = arith.extui %sign3A_32 : i1 to i32
    %sign3A_34 = arith.subi %sign3A_30, %sign3A_33 : i32
    %ne3A = arith.cmpi ne, %sign3A_27, %sign3A_34 : i32
    %rem3A = arith.remsi %sub3A_20, %jit3A_21 : i32
    %ne3A_35 = arith.constant 0 : i32
    %ne3A_36 = arith.cmpi ne, %rem3A, %ne3A_35 : i32
    %and3A = arith.andi %ne3A, %ne3A_36 : i1
    %sub3A_37 = arith.constant 1 : i32
    %sub3A_38 = arith.subi %div3A, %sub3A_37 : i32
    %select_n3A = arith.select %and3A, %sub3A_38, %div3A : i32
    %get3A_39 = arith.constant 0 : index
    %get3A_40 = arith.constant 0 : index
    %get3A_41 = vector.load %arg7[%get3A_39, %get3A_40] : memref<8x64xf32, #tpu.memory_space<vmem>>, vector<8x64xf32>
    %get3A_42 = arith.constant 0 : index
    %get3A_43 = arith.constant 0 : index
    %get3A_44 = vector.load %arg6[%get3A_42, %get3A_43] : memref<8x64xf32, #tpu.memory_space<vmem>>, vector<8x64xf32>
    %while3A = arith.constant 0 : i32
    %while3A_45 = arith.subi %select_n3A, %while3A : i32
    %while3A_46 = arith.addi %while3A, %while3A_45 : i32
    %while3A_47 = arith.constant 1 : i32
    %while3A_48 = arith.divsi %while3A_45, %while3A_47 : i32
    %while3A_49 = arith.muli %while3A_48, %while3A_47 : i32
    %while3A_50 = arith.addi %while3A, %while3A_49 : i32
    %while3A_51 = arith.constant 1 : i32
    %while3A_52:2 = scf.for %while3A_60 = %while3A to %while3A_50 step %while3A_51 iter_args(%while3A_61 = %get3A_41, %while3A_62 = %get3A_44) -> (vector<8x64xf32>, vector<8x64xf32>)  : i32 {
      %mul3A_63 = arith.constant 4 : i32
      %mul3A_64 = arith.muli %while3A_60, %mul3A_63 : i32
      %add3A_65 = arith.constant 0 : i32
      %add3A_66 = arith.addi %mul3A_64, %add3A_65 : i32
      %get3A_67 = arith.index_cast %add3A_66 : i32 to index
      %get3A_68 = arith.constant 0 : index
      %get3A_69 = arith.constant 0 : index
      %get3A_70 = vector.load %arg1[%get3A_67, %get3A_68, %get3A_69] : memref<256x8x384xf32, #tpu.memory_space<vmem>>, vector<1x8x384xf32>
      %get3A_71 = vector.shape_cast %get3A_70 : vector<1x8x384xf32> to vector<8x384xf32>
      %convert_element_type3A_72 = arith.truncf %while3A_61 : vector<8x64xf32> to vector<8x64xbf16>
      %dot_general3A = arith.constant dense<0.000000e+00> : vector<8x384xf32>
      %dot_general3A_73 = tpu.matmul %convert_element_type3A_72, %convert_element_type3A_4, %dot_general3A {dimension_numbers = #tpu.dot_dimension_numbers<[1], [0], [0], [1], [0, 0, 1, 1], [], []>, transpose_lhs_hint = false} : vector<8x64xbf16>, vector<64x384xbf16>, vector<8x384xf32> -> vector<8x384xf32>
      %add3A_74 = vector.broadcast %get3A_7 : vector<1x384xf32> to vector<8x384xf32>
      %add3A_75 = arith.addf %dot_general3A_73, %add3A_74 : vector<8x384xf32>
      %slice3A = vector.extract_strided_slice %add3A_75 {offsets = [0, 256], sizes = [8, 64], strides = [1, 1]} : vector<8x384xf32> to vector<8x64xf32>
      %slice3A_76 = vector.extract_strided_slice %get3A_71 {offsets = [0, 0], sizes = [8, 64], strides = [1, 1]} : vector<8x384xf32> to vector<8x64xf32>
      %slice3A_77 = vector.extract_strided_slice %add3A_75 {offsets = [0, 0], sizes = [8, 64], strides = [1, 1]} : vector<8x384xf32> to vector<8x64xf32>
      %add3A_78 = arith.addf %slice3A_76, %slice3A_77 : vector<8x64xf32>
      %mul3A_79 = arith.constant 5.000000e-01 : f32
      %mul3A_80 = vector.broadcast %mul3A_79 : f32 to vector<8x64xf32>
      %mul3A_81 = arith.mulf %mul3A_80, %add3A_78 : vector<8x64xf32>
      %tanh3A = math.tanh %mul3A_81 : vector<8x64xf32>
      %slice3A_82 = vector.extract_strided_slice %get3A_71 {offsets = [0, 128], sizes = [8, 64], strides = [1, 1]} : vector<8x384xf32> to vector<8x64xf32>
      %slice3A_83 = vector.extract_strided_slice %add3A_75 {offsets = [0, 128], sizes = [8, 64], strides = [1, 1]} : vector<8x384xf32> to vector<8x64xf32>
      %add3A_84 = arith.addf %slice3A_82, %slice3A_83 : vector<8x64xf32>
      %mul3A_85 = arith.constant 5.000000e-01 : f32
      %mul3A_86 = vector.broadcast %mul3A_85 : f32 to vector<8x64xf32>
      %mul3A_87 = arith.mulf %mul3A_86, %add3A_84 : vector<8x64xf32>
      %tanh3A_88 = math.tanh %mul3A_87 : vector<8x64xf32>
      %mul3A_89 = arith.constant 5.000000e-01 : f32
      %mul3A_90 = vector.broadcast %mul3A_89 : f32 to vector<8x64xf32>
      %mul3A_91 = arith.mulf %mul3A_90, %slice3A : vector<8x64xf32>
      %slice3A_92 = vector.extract_strided_slice %get3A_71 {offsets = [0, 256], sizes = [8, 64], strides = [1, 1]} : vector<8x384xf32> to vector<8x64xf32>
      %add3A_93 = arith.addf %slice3A_92, %mul3A_91 : vector<8x64xf32>
      %mul3A_94 = arith.constant 5.000000e-01 : f32
      %mul3A_95 = vector.broadcast %mul3A_94 : f32 to vector<8x64xf32>
      %mul3A_96 = arith.mulf %mul3A_95, %tanh3A_88 : vector<8x64xf32>
      %add3A_97 = arith.constant 5.000000e-01 : f32
      %add3A_98 = vector.broadcast %add3A_97 : f32 to vector<8x64xf32>
      %add3A_99 = arith.addf %add3A_98, %mul3A_96 : vector<8x64xf32>
      %mul3A_100 = arith.mulf %add3A_99, %while3A_61 : vector<8x64xf32>
      %mul3A_101 = arith.mulf %tanh3A, %mul3A_91 : vector<8x64xf32>
      %add3A_102 = arith.addf %add3A_93, %mul3A_101 : vector<8x64xf32>
      %tanh3A_103 = math.tanh %add3A_102 : vector<8x64xf32>
      %sub3A_104 = arith.constant 1.000000e+00 : f32
      %sub3A_105 = vector.broadcast %sub3A_104 : f32 to vector<8x64xf32>
      %sub3A_106 = arith.subf %sub3A_105, %add3A_99 : vector<8x64xf32>
      %mul3A_107 = arith.mulf %sub3A_106, %tanh3A_103 : vector<8x64xf32>
      %add3A_108 = arith.addf %mul3A_107, %mul3A_100 : vector<8x64xf32>
      %mul3A_109 = arith.constant 256 : i32
      %mul3A_110 = arith.muli %arg0, %mul3A_109 : i32
      %add3A_111 = arith.addi %mul3A_110, %add3A_66 : i32
      %eq3A_112 = vector.broadcast %add3A_111 : i32 to vector<8x1xi32>
      %eq3A_113 = arith.cmpi eq, %sub3A_12, %eq3A_112 : vector<8x1xi32>
      %broadcast_in_dim3A = vector.shape_cast %eq3A_113 : vector<8x1xi1> to vector<8x1xi1>
      %broadcast_in_dim3A_114 = vector.broadcast %broadcast_in_dim3A : vector<8x1xi1> to vector<8x64xi1>
      %select_n3A_115 = arith.select %broadcast_in_dim3A_114, %add3A_108, %while3A_62 : vector<8x64xi1>, vector<8x64xf32>
      %mul3A_116 = arith.constant 4 : i32
      %mul3A_117 = arith.muli %while3A_60, %mul3A_116 : i32
      %add3A_118 = arith.constant 1 : i32
      %add3A_119 = arith.addi %mul3A_117, %add3A_118 : i32
      %get3A_120 = arith.index_cast %add3A_119 : i32 to index
      %get3A_121 = arith.constant 0 : index
      %get3A_122 = arith.constant 0 : index
      %get3A_123 = vector.load %arg1[%get3A_120, %get3A_121, %get3A_122] : memref<256x8x384xf32, #tpu.memory_space<vmem>>, vector<1x8x384xf32>
      %get3A_124 = vector.shape_cast %get3A_123 : vector<1x8x384xf32> to vector<8x384xf32>
      %convert_element_type3A_125 = arith.truncf %add3A_108 : vector<8x64xf32> to vector<8x64xbf16>
      %dot_general3A_126 = arith.constant dense<0.000000e+00> : vector<8x384xf32>
      %dot_general3A_127 = tpu.matmul %convert_element_type3A_125, %convert_element_type3A_4, %dot_general3A_126 {dimension_numbers = #tpu.dot_dimension_numbers<[1], [0], [0], [1], [0, 0, 1, 1], [], []>, transpose_lhs_hint = false} : vector<8x64xbf16>, vector<64x384xbf16>, vector<8x384xf32> -> vector<8x384xf32>
      %add3A_128 = vector.broadcast %get3A_7 : vector<1x384xf32> to vector<8x384xf32>
      %add3A_129 = arith.addf %dot_general3A_127, %add3A_128 : vector<8x384xf32>
      %slice3A_130 = vector.extract_strided_slice %add3A_129 {offsets = [0, 256], sizes = [8, 64], strides = [1, 1]} : vector<8x384xf32> to vector<8x64xf32>
      %slice3A_131 = vector.extract_strided_slice %get3A_124 {offsets = [0, 0], sizes = [8, 64], strides = [1, 1]} : vector<8x384xf32> to vector<8x64xf32>
      %slice3A_132 = vector.extract_strided_slice %add3A_129 {offsets = [0, 0], sizes = [8, 64], strides = [1, 1]} : vector<8x384xf32> to vector<8x64xf32>
      %add3A_133 = arith.addf %slice3A_131, %slice3A_132 : vector<8x64xf32>
      %mul3A_134 = arith.constant 5.000000e-01 : f32
      %mul3A_135 = vector.broadcast %mul3A_134 : f32 to vector<8x64xf32>
      %mul3A_136 = arith.mulf %mul3A_135, %add3A_133 : vector<8x64xf32>
      %tanh3A_137 = math.tanh %mul3A_136 : vector<8x64xf32>
      %slice3A_138 = vector.extract_strided_slice %get3A_124 {offsets = [0, 128], sizes = [8, 64], strides = [1, 1]} : vector<8x384xf32> to vector<8x64xf32>
      %slice3A_139 = vector.extract_strided_slice %add3A_129 {offsets = [0, 128], sizes = [8, 64], strides = [1, 1]} : vector<8x384xf32> to vector<8x64xf32>
      %add3A_140 = arith.addf %slice3A_138, %slice3A_139 : vector<8x64xf32>
      %mul3A_141 = arith.constant 5.000000e-01 : f32
      %mul3A_142 = vector.broadcast %mul3A_141 : f32 to vector<8x64xf32>
      %mul3A_143 = arith.mulf %mul3A_142, %add3A_140 : vector<8x64xf32>
      %tanh3A_144 = math.tanh %mul3A_143 : vector<8x64xf32>
      %mul3A_145 = arith.constant 5.000000e-01 : f32
      %mul3A_146 = vector.broadcast %mul3A_145 : f32 to vector<8x64xf32>
      %mul3A_147 = arith.mulf %mul3A_146, %slice3A_130 : vector<8x64xf32>
      %slice3A_148 = vector.extract_strided_slice %get3A_124 {offsets = [0, 256], sizes = [8, 64], strides = [1, 1]} : vector<8x384xf32> to vector<8x64xf32>
      %add3A_149 = arith.addf %slice3A_148, %mul3A_147 : vector<8x64xf32>
      %mul3A_150 = arith.constant 5.000000e-01 : f32
      %mul3A_151 = vector.broadcast %mul3A_150 : f32 to vector<8x64xf32>
      %mul3A_152 = arith.mulf %mul3A_151, %tanh3A_144 : vector<8x64xf32>
      %add3A_153 = arith.constant 5.000000e-01 : f32
      %add3A_154 = vector.broadcast %add3A_153 : f32 to vector<8x64xf32>
      %add3A_155 = arith.addf %add3A_154, %mul3A_152 : vector<8x64xf32>
      %mul3A_156 = arith.mulf %add3A_155, %add3A_108 : vector<8x64xf32>
      %mul3A_157 = arith.mulf %tanh3A_137, %mul3A_147 : vector<8x64xf32>
      %add3A_158 = arith.addf %add3A_149, %mul3A_157 : vector<8x64xf32>
      %tanh3A_159 = math.tanh %add3A_158 : vector<8x64xf32>
      %sub3A_160 = arith.constant 1.000000e+00 : f32
      %sub3A_161 = vector.broadcast %sub3A_160 : f32 to vector<8x64xf32>
      %sub3A_162 = arith.subf %sub3A_161, %add3A_155 : vector<8x64xf32>
      %mul3A_163 = arith.mulf %sub3A_162, %tanh3A_159 : vector<8x64xf32>
      %add3A_164 = arith.addf %mul3A_163, %mul3A_156 : vector<8x64xf32>
      %mul3A_165 = arith.constant 256 : i32
      %mul3A_166 = arith.muli %arg0, %mul3A_165 : i32
      %add3A_167 = arith.addi %mul3A_166, %add3A_119 : i32
      %eq3A_168 = vector.broadcast %add3A_167 : i32 to vector<8x1xi32>
      %eq3A_169 = arith.cmpi eq, %sub3A_12, %eq3A_168 : vector<8x1xi32>
      %broadcast_in_dim3A_170 = vector.shape_cast %eq3A_169 : vector<8x1xi1> to vector<8x1xi1>
      %broadcast_in_dim3A_171 = vector.broadcast %broadcast_in_dim3A_170 : vector<8x1xi1> to vector<8x64xi1>
      %select_n3A_172 = arith.select %broadcast_in_dim3A_171, %add3A_164, %select_n3A_115 : vector<8x64xi1>, vector<8x64xf32>
      %mul3A_173 = arith.constant 4 : i32
      %mul3A_174 = arith.muli %while3A_60, %mul3A_173 : i32
      %add3A_175 = arith.constant 2 : i32
      %add3A_176 = arith.addi %mul3A_174, %add3A_175 : i32
      %get3A_177 = arith.index_cast %add3A_176 : i32 to index
      %get3A_178 = arith.constant 0 : index
      %get3A_179 = arith.constant 0 : index
      %get3A_180 = vector.load %arg1[%get3A_177, %get3A_178, %get3A_179] : memref<256x8x384xf32, #tpu.memory_space<vmem>>, vector<1x8x384xf32>
      %get3A_181 = vector.shape_cast %get3A_180 : vector<1x8x384xf32> to vector<8x384xf32>
      %convert_element_type3A_182 = arith.truncf %add3A_164 : vector<8x64xf32> to vector<8x64xbf16>
      %dot_general3A_183 = arith.constant dense<0.000000e+00> : vector<8x384xf32>
      %dot_general3A_184 = tpu.matmul %convert_element_type3A_182, %convert_element_type3A_4, %dot_general3A_183 {dimension_numbers = #tpu.dot_dimension_numbers<[1], [0], [0], [1], [0, 0, 1, 1], [], []>, transpose_lhs_hint = false} : vector<8x64xbf16>, vector<64x384xbf16>, vector<8x384xf32> -> vector<8x384xf32>
      %add3A_185 = vector.broadcast %get3A_7 : vector<1x384xf32> to vector<8x384xf32>
      %add3A_186 = arith.addf %dot_general3A_184, %add3A_185 : vector<8x384xf32>
      %slice3A_187 = vector.extract_strided_slice %add3A_186 {offsets = [0, 256], sizes = [8, 64], strides = [1, 1]} : vector<8x384xf32> to vector<8x64xf32>
      %slice3A_188 = vector.extract_strided_slice %get3A_181 {offsets = [0, 0], sizes = [8, 64], strides = [1, 1]} : vector<8x384xf32> to vector<8x64xf32>
      %slice3A_189 = vector.extract_strided_slice %add3A_186 {offsets = [0, 0], sizes = [8, 64], strides = [1, 1]} : vector<8x384xf32> to vector<8x64xf32>
      %add3A_190 = arith.addf %slice3A_188, %slice3A_189 : vector<8x64xf32>
      %mul3A_191 = arith.constant 5.000000e-01 : f32
      %mul3A_192 = vector.broadcast %mul3A_191 : f32 to vector<8x64xf32>
      %mul3A_193 = arith.mulf %mul3A_192, %add3A_190 : vector<8x64xf32>
      %tanh3A_194 = math.tanh %mul3A_193 : vector<8x64xf32>
      %slice3A_195 = vector.extract_strided_slice %get3A_181 {offsets = [0, 128], sizes = [8, 64], strides = [1, 1]} : vector<8x384xf32> to vector<8x64xf32>
      %slice3A_196 = vector.extract_strided_slice %add3A_186 {offsets = [0, 128], sizes = [8, 64], strides = [1, 1]} : vector<8x384xf32> to vector<8x64xf32>
      %add3A_197 = arith.addf %slice3A_195, %slice3A_196 : vector<8x64xf32>
      %mul3A_198 = arith.constant 5.000000e-01 : f32
      %mul3A_199 = vector.broadcast %mul3A_198 : f32 to vector<8x64xf32>
      %mul3A_200 = arith.mulf %mul3A_199, %add3A_197 : vector<8x64xf32>
      %tanh3A_201 = math.tanh %mul3A_200 : vector<8x64xf32>
      %mul3A_202 = arith.constant 5.000000e-01 : f32
      %mul3A_203 = vector.broadcast %mul3A_202 : f32 to vector<8x64xf32>
      %mul3A_204 = arith.mulf %mul3A_203, %slice3A_187 : vector<8x64xf32>
      %slice3A_205 = vector.extract_strided_slice %get3A_181 {offsets = [0, 256], sizes = [8, 64], strides = [1, 1]} : vector<8x384xf32> to vector<8x64xf32>
      %add3A_206 = arith.addf %slice3A_205, %mul3A_204 : vector<8x64xf32>
      %mul3A_207 = arith.constant 5.000000e-01 : f32
      %mul3A_208 = vector.broadcast %mul3A_207 : f32 to vector<8x64xf32>
      %mul3A_209 = arith.mulf %mul3A_208, %tanh3A_201 : vector<8x64xf32>
      %add3A_210 = arith.constant 5.000000e-01 : f32
      %add3A_211 = vector.broadcast %add3A_210 : f32 to vector<8x64xf32>
      %add3A_212 = arith.addf %add3A_211, %mul3A_209 : vector<8x64xf32>
      %mul3A_213 = arith.mulf %add3A_212, %add3A_164 : vector<8x64xf32>
      %mul3A_214 = arith.mulf %tanh3A_194, %mul3A_204 : vector<8x64xf32>
      %add3A_215 = arith.addf %add3A_206, %mul3A_214 : vector<8x64xf32>
      %tanh3A_216 = math.tanh %add3A_215 : vector<8x64xf32>
      %sub3A_217 = arith.constant 1.000000e+00 : f32
      %sub3A_218 = vector.broadcast %sub3A_217 : f32 to vector<8x64xf32>
      %sub3A_219 = arith.subf %sub3A_218, %add3A_212 : vector<8x64xf32>
      %mul3A_220 = arith.mulf %sub3A_219, %tanh3A_216 : vector<8x64xf32>
      %add3A_221 = arith.addf %mul3A_220, %mul3A_213 : vector<8x64xf32>
      %mul3A_222 = arith.constant 256 : i32
      %mul3A_223 = arith.muli %arg0, %mul3A_222 : i32
      %add3A_224 = arith.addi %mul3A_223, %add3A_176 : i32
      %eq3A_225 = vector.broadcast %add3A_224 : i32 to vector<8x1xi32>
      %eq3A_226 = arith.cmpi eq, %sub3A_12, %eq3A_225 : vector<8x1xi32>
      %broadcast_in_dim3A_227 = vector.shape_cast %eq3A_226 : vector<8x1xi1> to vector<8x1xi1>
      %broadcast_in_dim3A_228 = vector.broadcast %broadcast_in_dim3A_227 : vector<8x1xi1> to vector<8x64xi1>
      %select_n3A_229 = arith.select %broadcast_in_dim3A_228, %add3A_221, %select_n3A_172 : vector<8x64xi1>, vector<8x64xf32>
      %mul3A_230 = arith.constant 4 : i32
      %mul3A_231 = arith.muli %while3A_60, %mul3A_230 : i32
      %add3A_232 = arith.constant 3 : i32
      %add3A_233 = arith.addi %mul3A_231, %add3A_232 : i32
      %get3A_234 = arith.index_cast %add3A_233 : i32 to index
      %get3A_235 = arith.constant 0 : index
      %get3A_236 = arith.constant 0 : index
      %get3A_237 = vector.load %arg1[%get3A_234, %get3A_235, %get3A_236] : memref<256x8x384xf32, #tpu.memory_space<vmem>>, vector<1x8x384xf32>
      %get3A_238 = vector.shape_cast %get3A_237 : vector<1x8x384xf32> to vector<8x384xf32>
      %convert_element_type3A_239 = arith.truncf %add3A_221 : vector<8x64xf32> to vector<8x64xbf16>
      %dot_general3A_240 = arith.constant dense<0.000000e+00> : vector<8x384xf32>
      %dot_general3A_241 = tpu.matmul %convert_element_type3A_239, %convert_element_type3A_4, %dot_general3A_240 {dimension_numbers = #tpu.dot_dimension_numbers<[1], [0], [0], [1], [0, 0, 1, 1], [], []>, transpose_lhs_hint = false} : vector<8x64xbf16>, vector<64x384xbf16>, vector<8x384xf32> -> vector<8x384xf32>
      %add3A_242 = vector.broadcast %get3A_7 : vector<1x384xf32> to vector<8x384xf32>
      %add3A_243 = arith.addf %dot_general3A_241, %add3A_242 : vector<8x384xf32>
      %slice3A_244 = vector.extract_strided_slice %add3A_243 {offsets = [0, 256], sizes = [8, 64], strides = [1, 1]} : vector<8x384xf32> to vector<8x64xf32>
      %slice3A_245 = vector.extract_strided_slice %get3A_238 {offsets = [0, 0], sizes = [8, 64], strides = [1, 1]} : vector<8x384xf32> to vector<8x64xf32>
      %slice3A_246 = vector.extract_strided_slice %add3A_243 {offsets = [0, 0], sizes = [8, 64], strides = [1, 1]} : vector<8x384xf32> to vector<8x64xf32>
      %add3A_247 = arith.addf %slice3A_245, %slice3A_246 : vector<8x64xf32>
      %mul3A_248 = arith.constant 5.000000e-01 : f32
      %mul3A_249 = vector.broadcast %mul3A_248 : f32 to vector<8x64xf32>
      %mul3A_250 = arith.mulf %mul3A_249, %add3A_247 : vector<8x64xf32>
      %tanh3A_251 = math.tanh %mul3A_250 : vector<8x64xf32>
      %slice3A_252 = vector.extract_strided_slice %get3A_238 {offsets = [0, 128], sizes = [8, 64], strides = [1, 1]} : vector<8x384xf32> to vector<8x64xf32>
      %slice3A_253 = vector.extract_strided_slice %add3A_243 {offsets = [0, 128], sizes = [8, 64], strides = [1, 1]} : vector<8x384xf32> to vector<8x64xf32>
      %add3A_254 = arith.addf %slice3A_252, %slice3A_253 : vector<8x64xf32>
      %mul3A_255 = arith.constant 5.000000e-01 : f32
      %mul3A_256 = vector.broadcast %mul3A_255 : f32 to vector<8x64xf32>
      %mul3A_257 = arith.mulf %mul3A_256, %add3A_254 : vector<8x64xf32>
      %tanh3A_258 = math.tanh %mul3A_257 : vector<8x64xf32>
      %mul3A_259 = arith.constant 5.000000e-01 : f32
      %mul3A_260 = vector.broadcast %mul3A_259 : f32 to vector<8x64xf32>
      %mul3A_261 = arith.mulf %mul3A_260, %slice3A_244 : vector<8x64xf32>
      %slice3A_262 = vector.extract_strided_slice %get3A_238 {offsets = [0, 256], sizes = [8, 64], strides = [1, 1]} : vector<8x384xf32> to vector<8x64xf32>
      %add3A_263 = arith.addf %slice3A_262, %mul3A_261 : vector<8x64xf32>
      %mul3A_264 = arith.constant 5.000000e-01 : f32
      %mul3A_265 = vector.broadcast %mul3A_264 : f32 to vector<8x64xf32>
      %mul3A_266 = arith.mulf %mul3A_265, %tanh3A_258 : vector<8x64xf32>
      %add3A_267 = arith.constant 5.000000e-01 : f32
      %add3A_268 = vector.broadcast %add3A_267 : f32 to vector<8x64xf32>
      %add3A_269 = arith.addf %add3A_268, %mul3A_266 : vector<8x64xf32>
      %mul3A_270 = arith.mulf %add3A_269, %add3A_221 : vector<8x64xf32>
      %mul3A_271 = arith.mulf %tanh3A_251, %mul3A_261 : vector<8x64xf32>
      %add3A_272 = arith.addf %add3A_263, %mul3A_271 : vector<8x64xf32>
      %tanh3A_273 = math.tanh %add3A_272 : vector<8x64xf32>
      %sub3A_274 = arith.constant 1.000000e+00 : f32
      %sub3A_275 = vector.broadcast %sub3A_274 : f32 to vector<8x64xf32>
      %sub3A_276 = arith.subf %sub3A_275, %add3A_269 : vector<8x64xf32>
      %mul3A_277 = arith.mulf %sub3A_276, %tanh3A_273 : vector<8x64xf32>
      %add3A_278 = arith.addf %mul3A_277, %mul3A_270 : vector<8x64xf32>
      %mul3A_279 = arith.constant 256 : i32
      %mul3A_280 = arith.muli %arg0, %mul3A_279 : i32
      %add3A_281 = arith.addi %mul3A_280, %add3A_233 : i32
      %eq3A_282 = vector.broadcast %add3A_281 : i32 to vector<8x1xi32>
      %eq3A_283 = arith.cmpi eq, %sub3A_12, %eq3A_282 : vector<8x1xi32>
      %broadcast_in_dim3A_284 = vector.shape_cast %eq3A_283 : vector<8x1xi1> to vector<8x1xi1>
      %broadcast_in_dim3A_285 = vector.broadcast %broadcast_in_dim3A_284 : vector<8x1xi1> to vector<8x64xi1>
      %select_n3A_286 = arith.select %broadcast_in_dim3A_285, %add3A_278, %select_n3A_229 : vector<8x64xi1>, vector<8x64xf32>
      scf.yield %add3A_278, %select_n3A_286 : vector<8x64xf32>, vector<8x64xf32>
    }
    %while3A_53 = arith.constant 1 : i32
    %while3A_54:2 = scf.for %while3A_60 = %while3A_50 to %while3A_46 step %while3A_53 iter_args(%while3A_61 = %while3A_52#0, %while3A_62 = %while3A_52#1) -> (vector<8x64xf32>, vector<8x64xf32>)  : i32 {
      %mul3A_63 = arith.constant 4 : i32
      %mul3A_64 = arith.muli %while3A_60, %mul3A_63 : i32
      %add3A_65 = arith.constant 0 : i32
      %add3A_66 = arith.addi %mul3A_64, %add3A_65 : i32
      %get3A_67 = arith.index_cast %add3A_66 : i32 to index
      %get3A_68 = arith.constant 0 : index
      %get3A_69 = arith.constant 0 : index
      %get3A_70 = vector.load %arg1[%get3A_67, %get3A_68, %get3A_69] : memref<256x8x384xf32, #tpu.memory_space<vmem>>, vector<1x8x384xf32>
      %get3A_71 = vector.shape_cast %get3A_70 : vector<1x8x384xf32> to vector<8x384xf32>
      %convert_element_type3A_72 = arith.truncf %while3A_61 : vector<8x64xf32> to vector<8x64xbf16>
      %dot_general3A = arith.constant dense<0.000000e+00> : vector<8x384xf32>
      %dot_general3A_73 = tpu.matmul %convert_element_type3A_72, %convert_element_type3A_4, %dot_general3A {dimension_numbers = #tpu.dot_dimension_numbers<[1], [0], [0], [1], [0, 0, 1, 1], [], []>, transpose_lhs_hint = false} : vector<8x64xbf16>, vector<64x384xbf16>, vector<8x384xf32> -> vector<8x384xf32>
      %add3A_74 = vector.broadcast %get3A_7 : vector<1x384xf32> to vector<8x384xf32>
      %add3A_75 = arith.addf %dot_general3A_73, %add3A_74 : vector<8x384xf32>
      %slice3A = vector.extract_strided_slice %add3A_75 {offsets = [0, 256], sizes = [8, 64], strides = [1, 1]} : vector<8x384xf32> to vector<8x64xf32>
      %slice3A_76 = vector.extract_strided_slice %get3A_71 {offsets = [0, 0], sizes = [8, 64], strides = [1, 1]} : vector<8x384xf32> to vector<8x64xf32>
      %slice3A_77 = vector.extract_strided_slice %add3A_75 {offsets = [0, 0], sizes = [8, 64], strides = [1, 1]} : vector<8x384xf32> to vector<8x64xf32>
      %add3A_78 = arith.addf %slice3A_76, %slice3A_77 : vector<8x64xf32>
      %mul3A_79 = arith.constant 5.000000e-01 : f32
      %mul3A_80 = vector.broadcast %mul3A_79 : f32 to vector<8x64xf32>
      %mul3A_81 = arith.mulf %mul3A_80, %add3A_78 : vector<8x64xf32>
      %tanh3A = math.tanh %mul3A_81 : vector<8x64xf32>
      %slice3A_82 = vector.extract_strided_slice %get3A_71 {offsets = [0, 128], sizes = [8, 64], strides = [1, 1]} : vector<8x384xf32> to vector<8x64xf32>
      %slice3A_83 = vector.extract_strided_slice %add3A_75 {offsets = [0, 128], sizes = [8, 64], strides = [1, 1]} : vector<8x384xf32> to vector<8x64xf32>
      %add3A_84 = arith.addf %slice3A_82, %slice3A_83 : vector<8x64xf32>
      %mul3A_85 = arith.constant 5.000000e-01 : f32
      %mul3A_86 = vector.broadcast %mul3A_85 : f32 to vector<8x64xf32>
      %mul3A_87 = arith.mulf %mul3A_86, %add3A_84 : vector<8x64xf32>
      %tanh3A_88 = math.tanh %mul3A_87 : vector<8x64xf32>
      %mul3A_89 = arith.constant 5.000000e-01 : f32
      %mul3A_90 = vector.broadcast %mul3A_89 : f32 to vector<8x64xf32>
      %mul3A_91 = arith.mulf %mul3A_90, %slice3A : vector<8x64xf32>
      %slice3A_92 = vector.extract_strided_slice %get3A_71 {offsets = [0, 256], sizes = [8, 64], strides = [1, 1]} : vector<8x384xf32> to vector<8x64xf32>
      %add3A_93 = arith.addf %slice3A_92, %mul3A_91 : vector<8x64xf32>
      %mul3A_94 = arith.constant 5.000000e-01 : f32
      %mul3A_95 = vector.broadcast %mul3A_94 : f32 to vector<8x64xf32>
      %mul3A_96 = arith.mulf %mul3A_95, %tanh3A_88 : vector<8x64xf32>
      %add3A_97 = arith.constant 5.000000e-01 : f32
      %add3A_98 = vector.broadcast %add3A_97 : f32 to vector<8x64xf32>
      %add3A_99 = arith.addf %add3A_98, %mul3A_96 : vector<8x64xf32>
      %mul3A_100 = arith.mulf %add3A_99, %while3A_61 : vector<8x64xf32>
      %mul3A_101 = arith.mulf %tanh3A, %mul3A_91 : vector<8x64xf32>
      %add3A_102 = arith.addf %add3A_93, %mul3A_101 : vector<8x64xf32>
      %tanh3A_103 = math.tanh %add3A_102 : vector<8x64xf32>
      %sub3A_104 = arith.constant 1.000000e+00 : f32
      %sub3A_105 = vector.broadcast %sub3A_104 : f32 to vector<8x64xf32>
      %sub3A_106 = arith.subf %sub3A_105, %add3A_99 : vector<8x64xf32>
      %mul3A_107 = arith.mulf %sub3A_106, %tanh3A_103 : vector<8x64xf32>
      %add3A_108 = arith.addf %mul3A_107, %mul3A_100 : vector<8x64xf32>
      %mul3A_109 = arith.constant 256 : i32
      %mul3A_110 = arith.muli %arg0, %mul3A_109 : i32
      %add3A_111 = arith.addi %mul3A_110, %add3A_66 : i32
      %eq3A_112 = vector.broadcast %add3A_111 : i32 to vector<8x1xi32>
      %eq3A_113 = arith.cmpi eq, %sub3A_12, %eq3A_112 : vector<8x1xi32>
      %broadcast_in_dim3A = vector.shape_cast %eq3A_113 : vector<8x1xi1> to vector<8x1xi1>
      %broadcast_in_dim3A_114 = vector.broadcast %broadcast_in_dim3A : vector<8x1xi1> to vector<8x64xi1>
      %select_n3A_115 = arith.select %broadcast_in_dim3A_114, %add3A_108, %while3A_62 : vector<8x64xi1>, vector<8x64xf32>
      %mul3A_116 = arith.constant 4 : i32
      %mul3A_117 = arith.muli %while3A_60, %mul3A_116 : i32
      %add3A_118 = arith.constant 1 : i32
      %add3A_119 = arith.addi %mul3A_117, %add3A_118 : i32
      %get3A_120 = arith.index_cast %add3A_119 : i32 to index
      %get3A_121 = arith.constant 0 : index
      %get3A_122 = arith.constant 0 : index
      %get3A_123 = vector.load %arg1[%get3A_120, %get3A_121, %get3A_122] : memref<256x8x384xf32, #tpu.memory_space<vmem>>, vector<1x8x384xf32>
      %get3A_124 = vector.shape_cast %get3A_123 : vector<1x8x384xf32> to vector<8x384xf32>
      %convert_element_type3A_125 = arith.truncf %add3A_108 : vector<8x64xf32> to vector<8x64xbf16>
      %dot_general3A_126 = arith.constant dense<0.000000e+00> : vector<8x384xf32>
      %dot_general3A_127 = tpu.matmul %convert_element_type3A_125, %convert_element_type3A_4, %dot_general3A_126 {dimension_numbers = #tpu.dot_dimension_numbers<[1], [0], [0], [1], [0, 0, 1, 1], [], []>, transpose_lhs_hint = false} : vector<8x64xbf16>, vector<64x384xbf16>, vector<8x384xf32> -> vector<8x384xf32>
      %add3A_128 = vector.broadcast %get3A_7 : vector<1x384xf32> to vector<8x384xf32>
      %add3A_129 = arith.addf %dot_general3A_127, %add3A_128 : vector<8x384xf32>
      %slice3A_130 = vector.extract_strided_slice %add3A_129 {offsets = [0, 256], sizes = [8, 64], strides = [1, 1]} : vector<8x384xf32> to vector<8x64xf32>
      %slice3A_131 = vector.extract_strided_slice %get3A_124 {offsets = [0, 0], sizes = [8, 64], strides = [1, 1]} : vector<8x384xf32> to vector<8x64xf32>
      %slice3A_132 = vector.extract_strided_slice %add3A_129 {offsets = [0, 0], sizes = [8, 64], strides = [1, 1]} : vector<8x384xf32> to vector<8x64xf32>
      %add3A_133 = arith.addf %slice3A_131, %slice3A_132 : vector<8x64xf32>
      %mul3A_134 = arith.constant 5.000000e-01 : f32
      %mul3A_135 = vector.broadcast %mul3A_134 : f32 to vector<8x64xf32>
      %mul3A_136 = arith.mulf %mul3A_135, %add3A_133 : vector<8x64xf32>
      %tanh3A_137 = math.tanh %mul3A_136 : vector<8x64xf32>
      %slice3A_138 = vector.extract_strided_slice %get3A_124 {offsets = [0, 128], sizes = [8, 64], strides = [1, 1]} : vector<8x384xf32> to vector<8x64xf32>
      %slice3A_139 = vector.extract_strided_slice %add3A_129 {offsets = [0, 128], sizes = [8, 64], strides = [1, 1]} : vector<8x384xf32> to vector<8x64xf32>
      %add3A_140 = arith.addf %slice3A_138, %slice3A_139 : vector<8x64xf32>
      %mul3A_141 = arith.constant 5.000000e-01 : f32
      %mul3A_142 = vector.broadcast %mul3A_141 : f32 to vector<8x64xf32>
      %mul3A_143 = arith.mulf %mul3A_142, %add3A_140 : vector<8x64xf32>
      %tanh3A_144 = math.tanh %mul3A_143 : vector<8x64xf32>
      %mul3A_145 = arith.constant 5.000000e-01 : f32
      %mul3A_146 = vector.broadcast %mul3A_145 : f32 to vector<8x64xf32>
      %mul3A_147 = arith.mulf %mul3A_146, %slice3A_130 : vector<8x64xf32>
      %slice3A_148 = vector.extract_strided_slice %get3A_124 {offsets = [0, 256], sizes = [8, 64], strides = [1, 1]} : vector<8x384xf32> to vector<8x64xf32>
      %add3A_149 = arith.addf %slice3A_148, %mul3A_147 : vector<8x64xf32>
      %mul3A_150 = arith.constant 5.000000e-01 : f32
      %mul3A_151 = vector.broadcast %mul3A_150 : f32 to vector<8x64xf32>
      %mul3A_152 = arith.mulf %mul3A_151, %tanh3A_144 : vector<8x64xf32>
      %add3A_153 = arith.constant 5.000000e-01 : f32
      %add3A_154 = vector.broadcast %add3A_153 : f32 to vector<8x64xf32>
      %add3A_155 = arith.addf %add3A_154, %mul3A_152 : vector<8x64xf32>
      %mul3A_156 = arith.mulf %add3A_155, %add3A_108 : vector<8x64xf32>
      %mul3A_157 = arith.mulf %tanh3A_137, %mul3A_147 : vector<8x64xf32>
      %add3A_158 = arith.addf %add3A_149, %mul3A_157 : vector<8x64xf32>
      %tanh3A_159 = math.tanh %add3A_158 : vector<8x64xf32>
      %sub3A_160 = arith.constant 1.000000e+00 : f32
      %sub3A_161 = vector.broadcast %sub3A_160 : f32 to vector<8x64xf32>
      %sub3A_162 = arith.subf %sub3A_161, %add3A_155 : vector<8x64xf32>
      %mul3A_163 = arith.mulf %sub3A_162, %tanh3A_159 : vector<8x64xf32>
      %add3A_164 = arith.addf %mul3A_163, %mul3A_156 : vector<8x64xf32>
      %mul3A_165 = arith.constant 256 : i32
      %mul3A_166 = arith.muli %arg0, %mul3A_165 : i32
      %add3A_167 = arith.addi %mul3A_166, %add3A_119 : i32
      %eq3A_168 = vector.broadcast %add3A_167 : i32 to vector<8x1xi32>
      %eq3A_169 = arith.cmpi eq, %sub3A_12, %eq3A_168 : vector<8x1xi32>
      %broadcast_in_dim3A_170 = vector.shape_cast %eq3A_169 : vector<8x1xi1> to vector<8x1xi1>
      %broadcast_in_dim3A_171 = vector.broadcast %broadcast_in_dim3A_170 : vector<8x1xi1> to vector<8x64xi1>
      %select_n3A_172 = arith.select %broadcast_in_dim3A_171, %add3A_164, %select_n3A_115 : vector<8x64xi1>, vector<8x64xf32>
      %mul3A_173 = arith.constant 4 : i32
      %mul3A_174 = arith.muli %while3A_60, %mul3A_173 : i32
      %add3A_175 = arith.constant 2 : i32
      %add3A_176 = arith.addi %mul3A_174, %add3A_175 : i32
      %get3A_177 = arith.index_cast %add3A_176 : i32 to index
      %get3A_178 = arith.constant 0 : index
      %get3A_179 = arith.constant 0 : index
      %get3A_180 = vector.load %arg1[%get3A_177, %get3A_178, %get3A_179] : memref<256x8x384xf32, #tpu.memory_space<vmem>>, vector<1x8x384xf32>
      %get3A_181 = vector.shape_cast %get3A_180 : vector<1x8x384xf32> to vector<8x384xf32>
      %convert_element_type3A_182 = arith.truncf %add3A_164 : vector<8x64xf32> to vector<8x64xbf16>
      %dot_general3A_183 = arith.constant dense<0.000000e+00> : vector<8x384xf32>
      %dot_general3A_184 = tpu.matmul %convert_element_type3A_182, %convert_element_type3A_4, %dot_general3A_183 {dimension_numbers = #tpu.dot_dimension_numbers<[1], [0], [0], [1], [0, 0, 1, 1], [], []>, transpose_lhs_hint = false} : vector<8x64xbf16>, vector<64x384xbf16>, vector<8x384xf32> -> vector<8x384xf32>
      %add3A_185 = vector.broadcast %get3A_7 : vector<1x384xf32> to vector<8x384xf32>
      %add3A_186 = arith.addf %dot_general3A_184, %add3A_185 : vector<8x384xf32>
      %slice3A_187 = vector.extract_strided_slice %add3A_186 {offsets = [0, 256], sizes = [8, 64], strides = [1, 1]} : vector<8x384xf32> to vector<8x64xf32>
      %slice3A_188 = vector.extract_strided_slice %get3A_181 {offsets = [0, 0], sizes = [8, 64], strides = [1, 1]} : vector<8x384xf32> to vector<8x64xf32>
      %slice3A_189 = vector.extract_strided_slice %add3A_186 {offsets = [0, 0], sizes = [8, 64], strides = [1, 1]} : vector<8x384xf32> to vector<8x64xf32>
      %add3A_190 = arith.addf %slice3A_188, %slice3A_189 : vector<8x64xf32>
      %mul3A_191 = arith.constant 5.000000e-01 : f32
      %mul3A_192 = vector.broadcast %mul3A_191 : f32 to vector<8x64xf32>
      %mul3A_193 = arith.mulf %mul3A_192, %add3A_190 : vector<8x64xf32>
      %tanh3A_194 = math.tanh %mul3A_193 : vector<8x64xf32>
      %slice3A_195 = vector.extract_strided_slice %get3A_181 {offsets = [0, 128], sizes = [8, 64], strides = [1, 1]} : vector<8x384xf32> to vector<8x64xf32>
      %slice3A_196 = vector.extract_strided_slice %add3A_186 {offsets = [0, 128], sizes = [8, 64], strides = [1, 1]} : vector<8x384xf32> to vector<8x64xf32>
      %add3A_197 = arith.addf %slice3A_195, %slice3A_196 : vector<8x64xf32>
      %mul3A_198 = arith.constant 5.000000e-01 : f32
      %mul3A_199 = vector.broadcast %mul3A_198 : f32 to vector<8x64xf32>
      %mul3A_200 = arith.mulf %mul3A_199, %add3A_197 : vector<8x64xf32>
      %tanh3A_201 = math.tanh %mul3A_200 : vector<8x64xf32>
      %mul3A_202 = arith.constant 5.000000e-01 : f32
      %mul3A_203 = vector.broadcast %mul3A_202 : f32 to vector<8x64xf32>
      %mul3A_204 = arith.mulf %mul3A_203, %slice3A_187 : vector<8x64xf32>
      %slice3A_205 = vector.extract_strided_slice %get3A_181 {offsets = [0, 256], sizes = [8, 64], strides = [1, 1]} : vector<8x384xf32> to vector<8x64xf32>
      %add3A_206 = arith.addf %slice3A_205, %mul3A_204 : vector<8x64xf32>
      %mul3A_207 = arith.constant 5.000000e-01 : f32
      %mul3A_208 = vector.broadcast %mul3A_207 : f32 to vector<8x64xf32>
      %mul3A_209 = arith.mulf %mul3A_208, %tanh3A_201 : vector<8x64xf32>
      %add3A_210 = arith.constant 5.000000e-01 : f32
      %add3A_211 = vector.broadcast %add3A_210 : f32 to vector<8x64xf32>
      %add3A_212 = arith.addf %add3A_211, %mul3A_209 : vector<8x64xf32>
      %mul3A_213 = arith.mulf %add3A_212, %add3A_164 : vector<8x64xf32>
      %mul3A_214 = arith.mulf %tanh3A_194, %mul3A_204 : vector<8x64xf32>
      %add3A_215 = arith.addf %add3A_206, %mul3A_214 : vector<8x64xf32>
      %tanh3A_216 = math.tanh %add3A_215 : vector<8x64xf32>
      %sub3A_217 = arith.constant 1.000000e+00 : f32
      %sub3A_218 = vector.broadcast %sub3A_217 : f32 to vector<8x64xf32>
      %sub3A_219 = arith.subf %sub3A_218, %add3A_212 : vector<8x64xf32>
      %mul3A_220 = arith.mulf %sub3A_219, %tanh3A_216 : vector<8x64xf32>
      %add3A_221 = arith.addf %mul3A_220, %mul3A_213 : vector<8x64xf32>
      %mul3A_222 = arith.constant 256 : i32
      %mul3A_223 = arith.muli %arg0, %mul3A_222 : i32
      %add3A_224 = arith.addi %mul3A_223, %add3A_176 : i32
      %eq3A_225 = vector.broadcast %add3A_224 : i32 to vector<8x1xi32>
      %eq3A_226 = arith.cmpi eq, %sub3A_12, %eq3A_225 : vector<8x1xi32>
      %broadcast_in_dim3A_227 = vector.shape_cast %eq3A_226 : vector<8x1xi1> to vector<8x1xi1>
      %broadcast_in_dim3A_228 = vector.broadcast %broadcast_in_dim3A_227 : vector<8x1xi1> to vector<8x64xi1>
      %select_n3A_229 = arith.select %broadcast_in_dim3A_228, %add3A_221, %select_n3A_172 : vector<8x64xi1>, vector<8x64xf32>
      %mul3A_230 = arith.constant 4 : i32
      %mul3A_231 = arith.muli %while3A_60, %mul3A_230 : i32
      %add3A_232 = arith.constant 3 : i32
      %add3A_233 = arith.addi %mul3A_231, %add3A_232 : i32
      %get3A_234 = arith.index_cast %add3A_233 : i32 to index
      %get3A_235 = arith.constant 0 : index
      %get3A_236 = arith.constant 0 : index
      %get3A_237 = vector.load %arg1[%get3A_234, %get3A_235, %get3A_236] : memref<256x8x384xf32, #tpu.memory_space<vmem>>, vector<1x8x384xf32>
      %get3A_238 = vector.shape_cast %get3A_237 : vector<1x8x384xf32> to vector<8x384xf32>
      %convert_element_type3A_239 = arith.truncf %add3A_221 : vector<8x64xf32> to vector<8x64xbf16>
      %dot_general3A_240 = arith.constant dense<0.000000e+00> : vector<8x384xf32>
      %dot_general3A_241 = tpu.matmul %convert_element_type3A_239, %convert_element_type3A_4, %dot_general3A_240 {dimension_numbers = #tpu.dot_dimension_numbers<[1], [0], [0], [1], [0, 0, 1, 1], [], []>, transpose_lhs_hint = false} : vector<8x64xbf16>, vector<64x384xbf16>, vector<8x384xf32> -> vector<8x384xf32>
      %add3A_242 = vector.broadcast %get3A_7 : vector<1x384xf32> to vector<8x384xf32>
      %add3A_243 = arith.addf %dot_general3A_241, %add3A_242 : vector<8x384xf32>
      %slice3A_244 = vector.extract_strided_slice %add3A_243 {offsets = [0, 256], sizes = [8, 64], strides = [1, 1]} : vector<8x384xf32> to vector<8x64xf32>
      %slice3A_245 = vector.extract_strided_slice %get3A_238 {offsets = [0, 0], sizes = [8, 64], strides = [1, 1]} : vector<8x384xf32> to vector<8x64xf32>
      %slice3A_246 = vector.extract_strided_slice %add3A_243 {offsets = [0, 0], sizes = [8, 64], strides = [1, 1]} : vector<8x384xf32> to vector<8x64xf32>
      %add3A_247 = arith.addf %slice3A_245, %slice3A_246 : vector<8x64xf32>
      %mul3A_248 = arith.constant 5.000000e-01 : f32
      %mul3A_249 = vector.broadcast %mul3A_248 : f32 to vector<8x64xf32>
      %mul3A_250 = arith.mulf %mul3A_249, %add3A_247 : vector<8x64xf32>
      %tanh3A_251 = math.tanh %mul3A_250 : vector<8x64xf32>
      %slice3A_252 = vector.extract_strided_slice %get3A_238 {offsets = [0, 128], sizes = [8, 64], strides = [1, 1]} : vector<8x384xf32> to vector<8x64xf32>
      %slice3A_253 = vector.extract_strided_slice %add3A_243 {offsets = [0, 128], sizes = [8, 64], strides = [1, 1]} : vector<8x384xf32> to vector<8x64xf32>
      %add3A_254 = arith.addf %slice3A_252, %slice3A_253 : vector<8x64xf32>
      %mul3A_255 = arith.constant 5.000000e-01 : f32
      %mul3A_256 = vector.broadcast %mul3A_255 : f32 to vector<8x64xf32>
      %mul3A_257 = arith.mulf %mul3A_256, %add3A_254 : vector<8x64xf32>
      %tanh3A_258 = math.tanh %mul3A_257 : vector<8x64xf32>
      %mul3A_259 = arith.constant 5.000000e-01 : f32
      %mul3A_260 = vector.broadcast %mul3A_259 : f32 to vector<8x64xf32>
      %mul3A_261 = arith.mulf %mul3A_260, %slice3A_244 : vector<8x64xf32>
      %slice3A_262 = vector.extract_strided_slice %get3A_238 {offsets = [0, 256], sizes = [8, 64], strides = [1, 1]} : vector<8x384xf32> to vector<8x64xf32>
      %add3A_263 = arith.addf %slice3A_262, %mul3A_261 : vector<8x64xf32>
      %mul3A_264 = arith.constant 5.000000e-01 : f32
      %mul3A_265 = vector.broadcast %mul3A_264 : f32 to vector<8x64xf32>
      %mul3A_266 = arith.mulf %mul3A_265, %tanh3A_258 : vector<8x64xf32>
      %add3A_267 = arith.constant 5.000000e-01 : f32
      %add3A_268 = vector.broadcast %add3A_267 : f32 to vector<8x64xf32>
      %add3A_269 = arith.addf %add3A_268, %mul3A_266 : vector<8x64xf32>
      %mul3A_270 = arith.mulf %add3A_269, %add3A_221 : vector<8x64xf32>
      %mul3A_271 = arith.mulf %tanh3A_251, %mul3A_261 : vector<8x64xf32>
      %add3A_272 = arith.addf %add3A_263, %mul3A_271 : vector<8x64xf32>
      %tanh3A_273 = math.tanh %add3A_272 : vector<8x64xf32>
      %sub3A_274 = arith.constant 1.000000e+00 : f32
      %sub3A_275 = vector.broadcast %sub3A_274 : f32 to vector<8x64xf32>
      %sub3A_276 = arith.subf %sub3A_275, %add3A_269 : vector<8x64xf32>
      %mul3A_277 = arith.mulf %sub3A_276, %tanh3A_273 : vector<8x64xf32>
      %add3A_278 = arith.addf %mul3A_277, %mul3A_270 : vector<8x64xf32>
      %mul3A_279 = arith.constant 256 : i32
      %mul3A_280 = arith.muli %arg0, %mul3A_279 : i32
      %add3A_281 = arith.addi %mul3A_280, %add3A_233 : i32
      %eq3A_282 = vector.broadcast %add3A_281 : i32 to vector<8x1xi32>
      %eq3A_283 = arith.cmpi eq, %sub3A_12, %eq3A_282 : vector<8x1xi32>
      %broadcast_in_dim3A_284 = vector.shape_cast %eq3A_283 : vector<8x1xi1> to vector<8x1xi1>
      %broadcast_in_dim3A_285 = vector.broadcast %broadcast_in_dim3A_284 : vector<8x1xi1> to vector<8x64xi1>
      %select_n3A_286 = arith.select %broadcast_in_dim3A_285, %add3A_278, %select_n3A_229 : vector<8x64xi1>, vector<8x64xf32>
      scf.yield %add3A_278, %select_n3A_286 : vector<8x64xf32>, vector<8x64xf32>
    }
    %swap3A = arith.constant 0 : index
    %swap3A_55 = arith.constant 0 : index
    %swap3A_56 = vector.load %arg7[%swap3A, %swap3A_55] : memref<8x64xf32, #tpu.memory_space<vmem>>, vector<8x64xf32>
    tpu.vector_store %arg7[%swap3A, %swap3A_55], %while3A_54#0 {strides = array<i32>} : memref<8x64xf32, #tpu.memory_space<vmem>>, vector<8x64xf32>,
    %swap3A_57 = arith.constant 0 : index
    %swap3A_58 = arith.constant 0 : index
    %swap3A_59 = vector.load %arg6[%swap3A_57, %swap3A_58] : memref<8x64xf32, #tpu.memory_space<vmem>>, vector<8x64xf32>
    tpu.vector_store %arg6[%swap3A_57, %swap3A_58], %while3A_54#1 {strides = array<i32>} : memref<8x64xf32, #tpu.memory_space<vmem>>, vector<8x64xf32>,
    return
  }
  func.func @transform_0(%arg0: i32) -> (i32, i32, i32) {
    %c0_i32 = arith.constant 0 : i32
    %c0_i32_0 = arith.constant 0 : i32
    %c0_i32_1 = arith.constant 0 : i32
    return %arg0, %c0_i32, %c0_i32_0 : i32, i32, i32
  }
  func.func @transform_1(%arg0: i32) -> (i32, i32) {
    %c0_i32 = arith.constant 0 : i32
    %c0_i32_0 = arith.constant 0 : i32
    %c0_i32_1 = arith.constant 0 : i32
    return %c0_i32, %c0_i32_0 : i32, i32
  }
  func.func @transform_2(%arg0: i32) -> (i32, i32) {
    %c0_i32 = arith.constant 0 : i32
    %c0_i32_0 = arith.constant 0 : i32
    %c0_i32_1 = arith.constant 0 : i32
    return %c0_i32, %c0_i32_0 : i32, i32
  }
  func.func @transform_3(%arg0: i32) -> (i32, i32) {
    %c0_i32 = arith.constant 0 : i32
    %c0_i32_0 = arith.constant 0 : i32
    %c0_i32_1 = arith.constant 0 : i32
    return %c0_i32, %c0_i32_0 : i32, i32
  }
  func.func @transform_4(%arg0: i32) -> i32 {
    %c0_i32 = arith.constant 0 : i32
    %c0_i32_0 = arith.constant 0 : i32
    return %c0_i32 : i32
  }
  func.func @transform_5(%arg0: i32) -> (i32, i32) {
    %c0_i32 = arith.constant 0 : i32
    %c0_i32_0 = arith.constant 0 : i32
    %c0_i32_1 = arith.constant 0 : i32
    return %c0_i32, %c0_i32_0 : i32, i32
  }
}

</mosaic_0001>

<sc_bundles>
// kernel: kernel.5.cloned.1.call-start
scs
__scs_entry_jumppad:
0x0: {  	(pc) =	sbr.rel $0x88, $3  }
0x1: {  	(tag) =	ssettag $0x0;
	lr =	simm.s32 $0x1  }
0x2: {  	[smem:$0x3F94] =	sst lr;
	_ =	strace $0xD0000000  }
0x3: {  	_ = 	snop  }
0x4: {  	_ = 	snop  }
0x5: {  	_ = 	snop  }
0x6: {  	_ = 	snop  }
0x7: {  	_ = 	snop  }
__scs_overlays_trampoline_lowered:
0x8: {  	[smem:$0x3FA3] =	sst s0  }
0x9: {  	[smem:$0x3FA4] =	sst s1  }
0xa: {  	[smem:$0x3FA5] =	sst s2  }
0xb: {  	[smem:$0x3FA6] =	sst s3  }
0xc: {  	[smem:$0x3FA7] =	sst s4  }
0xd: {  	[smem:$0x3FA8] =	sst s5  }
0xe: {  	[smem:$0x3FA9] =	sst s6  }
0xf: {  	[smem:$0x3FAA] =	sst s7  }
0x10: {  	[smem:$0x3FAB] =	sst s8  }
0x11: {  	[smem:$0x3FAC] =	sst s9;
	s0 =	simm.s32 @!p0 $0x0  }
0x12: {  	s1 =	sld [smem:$0x3F92];
	s0 =	simm.s32 @p0 $0x1  }
0x13: {  	[smem:$0x3FAD] =	sst s0;
	s0 =	simm.s32 @!p1 $0x0  }
0x14: {  	s2 =	sld [smem:$0x3F91];
	s0 =	simm.s32 @p1 $0x1  }
0x15: {  	[smem:$0x3FAE] =	sst s0;
	s0 =	simm.s32 @!p2 $0x0  }
0x16: {  	s3 =	sld [smem:$0x3FDB];
	s0 =	simm.s32 @p2 $0x1  }
0x17: {  	s4 =	simm.s32 $0x1BF5;
	[smem:$0x3FB0] =	sst s0  }
0x18: {  	s0 =	sld [smem:$0x3F93];
	_ =	swait.ge [sflag:s4], $0x0  }
0x19: {  	s7 =	sld [smem:$0x3F94]  }
0x1a: {  	s8 =	sadd.s32 $0xFFFFE003, lr  }
0x1b: {  	s9 =	sadd.s32 $0xFFFFFEF7, lr;
	s5 =	simm.s32 $0xFFFFFFFF;
	p2 =	slt.u32 s8, $0xFFFFF086  }
0x1c: {  	p1 =	slt.u32 s9, $0xF7A;
	s5 =	simm.s32 @!p2 $0x0  }
0x1d: {  	s5 =	simm.s32 @p1 $0x1;
	p0 =	seq.s32 s7, s2  }
0x1e: {  	s7 =	smul.u32 @!p0 $0xF7A, s2;
	p2 =	seq.s32 @!p0 s5, $0x0  }
0x1f: {  	s9 =	smul.u32 $0xF7A, s1;
	s8 =	simm.s32 @!p0 $0x1BF5;
	p2 =	por !p2, p0  }
0x20: {  	[sflag:s8] =	ssyncset.s32 @!p0 $0xFFFFF086;
	s6 =	sadd.s32 @!p0 s3, s7;
	s7 =	simm.s32 @!p0 $0x108  }
0x21: {  	s3 =	sadd.s32 s3, s9;
	s6 =	sadd.s32 @!p0 $0x88, s6;
	s7 =	simm.s32 @p2 $0x1082  }
0x22: {  	[simem:s7], [sflag:s8] =	dma.local @!p0 [hbm:s6], $0xF7A  }
0x23: {  	s9 =	sor.u32 $0xD0000000, s2;
	s6 =	simm.s32 $0x108;
	_ =	swait.ge @!p0 [sflag:s8], $0x0  }
0x24: {  	s3 =	sadd.s32 $0x88, s3;
	s6 =	simm.s32 @!p1 $0x1082;
	[sflag:s4] =	ssyncset.s32 $0xFFFFF086  }
0x25: {  	[simem:s6], [sflag:s4] =	dma.local [hbm:s3], $0xF7A  }
0x26: {  	[smem:$0x3F94] =	sst s1;
	(tag) =	ssettag s2;
	_ =	strace s9  }
0x27: {  	s1 =	sld [smem:$0x3FA4]  }
0x28: {  	s2 =	sld [smem:$0x3FA5]  }
0x29: {  	s4 =	sld [smem:$0x3FA7]  }
0x2a: {  	p0 =	seq.s32 s5, $0x0;
	s5 =	sld [smem:$0x3FA8]  }
0x2b: {  	s6 =	sld [smem:$0x3FA9]  }
0x2c: {  	s7 =	sld [smem:$0x3FAA]  }
0x2d: {  	s3 =	simm.s32 $0x108;
	s8 =	sld [smem:$0x3FAB]  }
0x2e: {  	s3 =	simm.s32 @!p0 $0x1082;
	s9 =	sld [smem:$0x3FAC]  }
0x2f: {  	lr =	sadd.s32 s0, s3;
	s0 =	sld [smem:$0x3FA3]  }
0x30: {  	s3 =	sld [smem:$0x3FA6]  }
0x31: {  	[smem:$0x3FAF] =	sst s10  }
0x32: {  	s10 =	sld [smem:$0x3FAD];
	_ =	sdelay $0x3  }
0x33: {  	p0 =	seq.s32 s10, $0x1;
	s10 =	sld [smem:$0x3FAF];
	_ =	sdelay $0x3  }
0x34: {  	[smem:$0x3FAF] =	sst s10  }
0x35: {  	s10 =	sld [smem:$0x3FAE];
	_ =	sdelay $0x3  }
0x36: {  	p1 =	seq.s32 s10, $0x1;
	s10 =	sld [smem:$0x3FAF];
	_ =	sdelay $0x3  }
0x37: {  	[smem:$0x3FAF] =	sst s10  }
0x38: {  	s10 =	sld [smem:$0x3FB0]  }
0x39: {  	_ = 	snop;
	(pc) =	sbr.ind lr, $3  }
0x3a: {  	_ = 	snop  }
0x3b: {  	_ = 	snop  }
0x3c: {  	p2 =	seq.s32 s10, $0x1;
	s10 =	sld [smem:$0x3FAF]  }
0x3d: {  	_ =	shalt  }
0x3e: {  	_ =	shalt  }
0x3f: {  	_ =	shalt  }
0x40: {  	_ =	shalt  }
0x41: {  	_ =	shalt  }
0x42: {  	_ =	shalt  }
0x43: {  	_ =	shalt  }
0x44: {  	_ =	shalt  }
0x45: {  	_ =	shalt  }
0x46: {  	_ =	shalt  }
0x47: {  	_ =	shalt  }
0x48: {  	_ =	shalt  }
0x49: {  	_ =	shalt  }
0x4a: {  	_ =	shalt  }
0x4b: {  	_ =	shalt  }
0x4c: {  	_ =	shalt  }
0x4d: {  	_ =	shalt  }
0x4e: {  	_ =	shalt  }
0x4f: {  	_ =	shalt  }
0x50: {  	_ =	shalt  }
0x51: {  	_ =	shalt  }
0x52: {  	_ =	shalt  }
0x53: {  	_ =	shalt  }
0x54: {  	_ =	shalt  }
0x55: {  	_ =	shalt  }
0x56: {  	_ =	shalt  }
0x57: {  	_ =	shalt  }
0x58: {  	_ =	shalt  }
0x59: {  	_ =	shalt  }
0x5a: {  	_ =	shalt  }
0x5b: {  	_ =	shalt  }
0x5c: {  	_ =	shalt  }
0x5d: {  	_ =	shalt  }
0x5e: {  	_ =	shalt  }
0x5f: {  	_ =	shalt  }
0x60: {  	_ =	shalt  }
0x61: {  	_ =	shalt  }
0x62: {  	_ =	shalt  }
0x63: {  	_ =	shalt  }
0x64: {  	_ =	shalt  }
0x65: {  	_ =	shalt  }
0x66: {  	_ =	shalt  }
0x67: {  	_ =	shalt  }
0x68: {  	_ =	shalt  }
0x69: {  	_ =	shalt  }
0x6a: {  	_ =	shalt  }
0x6b: {  	_ =	shalt  }
0x6c: {  	_ =	shalt  }
0x6d: {  	_ =	shalt  }
0x6e: {  	_ =	shalt  }
0x6f: {  	_ =	shalt  }
0x70: {  	_ =	shalt  }
0x71: {  	_ =	shalt  }
0x72: {  	_ =	shalt  }
0x73: {  	_ =	shalt  }
0x74: {  	_ =	shalt  }
0x75: {  	_ =	shalt  }
0x76: {  	_ =	shalt  }
0x77: {  	_ =	shalt  }
0x78: {  	_ =	shalt  }
0x79: {  	_ =	shalt  }
0x7a: {  	_ =	shalt  }
0x7b: {  	_ =	shalt  }
0x7c: {  	_ =	shalt  }
0x7d: {  	_ =	shalt  }
0x7e: {  	_ =	shalt  }
0x7f: {  	_ =	shalt  }
0x80: {  	_ =	shalt  }
0x81: {  	_ =	shalt  }
0x82: {  	_ =	shalt  }
0x83: {  	_ =	shalt  }
0x84: {  	_ =	shalt  }
0x85: {  	_ =	shalt  }
0x86: {  	_ =	shalt  }
0x87: {  	_ =	shalt  }
.Lfunc_end0:
.L_simem_size_0:
called_computation_lowered:
.L_overlay_start_0:
0x88: {  	s2 =	sld [smem:$0x3FD9]  }
0x89: {  	s3 =	sld [smem:$0x3FFE];
	_ =	sdelay $0x1  }
0x8a: {  	s1 =	srdreg.scid  }
0x8b: {  	s0 =	sand.u32 $0x1, s1  }
0x8c: {  	s16 =	sshll.u32 s0, $0xA;
	s2 =	sadd.s32 s3, s2  }
0x8d: {  	s2 =	sadd.s32 s2, s16  }
0x8e: {  	[smem:$0x3FBB] =	sst s2  }
0x8f: {  	_ = 	snop  }
0x90: {  	(tm) =	ssettm $0x1  }
0x91: {  	s17 =	sld [smem:$0x3FFB];
	_ =	sdelay $0x3  }
0x92: {  	_ =	strace s17  }
0x93: {  	s2 =	sld [smem:$0x3FFC];
	_ =	sdelay $0x3  }
0x94: {  	_ =	strace s2  }
0x95: {  	s2 =	sld [smem:$0x3FFD];
	_ =	sdelay $0x3  }
0x96: {  	_ =	strace s2  }
0x97: {  	_ =	strace $0x8FFFFFFF  }
0x98: {  	s18 =	sld [smem:$0x3FDB];
	_ =	sdelay $0x1  }
0x99: {  	s19 =	simm.s32 $_scs_section_size  }
0x9a: {  	s4 =	simm.s32 $_size__tile_overlayer_lowered;
	s5 =	simm.s32 $_tile_overlayer_lowered  }
0x9b: {  	s22 =	simm.s32 $0x1BFF;
	s21 =	sshll.u32 s5, $0x1;
	s2 =	sadd.s32 s19, s18  }
0x9c: {  	s6 =	simm.s32 $0x0;
	s20 =	sshll.u32 s4, $0x1;
	s4 =	sadd.s32 s21, s2  }
0x9d: {  	[timem:s6], [sflag:s22] =	dma.local [hbm:s4], s20  }
0x9e: {  	_ =	swait.ge [sflag:s22], s20  }
0x9f: {  	s3 =	ssub.s32 $0x0, s20;
	[sflag:s22] =	ssyncset.done $0x0  }
0xa0: {  	[sflag:s22] =	ssyncadd.s32 s3;
	_ =	sdelay $0x1  }
0xa1: {  	s23 =	simm.s32 $0x1B8B  }
0xa2: {  	_ =	swait.ge [sflag:s23], $0x1  }
0xa3: {  	[sflag:s23] =	ssyncset.done $0x0  }
0xa4: {  	s25 =	simm.s32 $0x1B8E;
	s24 =	sld [smem:$0x3FFE];
	[sflag:s23] =	ssyncadd.s32 $0xFFFFFFFF  }
0xa5: {  	s26 =	simm.s32 $execute0_lowered;
	[smem:$0x3FD2] =	sst s25  }
0xa6: {  	s4 =	sshll.u32 s26, $0x1;
	_ =	strace $0x80000046;
	[dreg:$0x1] =	wrdreg $0xFFFFFFFF  }
0xa7: {  	s28 =	simm.s32 $_size_execute0_lowered;
	s2 =	sadd.s32 s2, s4;
	[dreg:$0x0] =	wrdreg $0x0  }
0xa8: {  	s4 =	sshll.u32 s28, $0x1;
	[dreg:$0x2] =	wrdreg s2  }
0xa9: {  	[dreg:$0x3] =	wrdreg s4  }
0xaa: {  	[dreg:$0x4] =	wrdreg $0xC0  }
0xab: {  	_ =	task [dreg:s6], $0x5FFFF  }
0xac: {  	[dreg:$0x1] =	wrdreg $0xFFFFFFFF  }
0xad: {  	[dreg:$0x0] =	wrdreg $0x60  }
0xae: {  	[dreg:$0x2] =	wrdreg s24  }
0xaf: {  	[dreg:$0x3] =	wrdreg $0x9  }
0xb0: {  	_ =	task.clear_ibuf [dreg:s6], $0x4FFFF;
	_ =	strace $0x90000046  }
0xb1: {  	s29 =	simm.s32 $0x9;
	_ =	strace $0x80000048  }
0xb2: {  	_ =	swait.ge [sflag:s29], $0x1  }
0xb3: {  	[sflag:s29] =	ssyncadd.s32 $0xFFFFFFFF  }
0xb4: {  	_ =	strace $0x90000048  }
0xb5: {  	_ =	sfence  }
0xb6: {  	s30 =	sld [smem:$0x0];
	_ =	sdelay $0x2  }
0xb7: {  	s31 =	sshll.u32 s1, $0xD;
	s1 =	sshrl.u32 s1, $0x2  }
0xb8: {  	s3 =	sand.u32 $0x4000, s31;
	s1 =	sadd.s32 s1, s30  }
0xb9: {  	s0 =	sor.u32 s3, s0;
	s1 =	sshll.u32 s1, $0x11  }
0xba: {  	s0 =	sor.u32 s1, s0  }
0xbb: {  	s0 =	sadd.s32 $0x8F2B, s0  }
0xbc: {  	[sflag:s0] =	ssyncadd.remote.s32 $0x1  }
0xbd: {  	_ =	sfence.sel $0xFFFF  }
0xbe: {  	[dreg:$0x0] =	wrdreg $0xFFFFFFFF;
	(pc) =	sbr.abs _section_cstart, $3  }
0xbf: {  	[dreg:$0x1] =	wrdreg $0xFFFFFFFF  }
0xc0: {  	_ =	task.clear_ibuf [dreg:s6], $0x2FFFF;
	_ =	strace $0x9FFFFFFF  }
0xc1: {  	(tm) =	ssettm $0x7FFFFFFF  }
tec
execute0_lowered:
.L_overlay_start_1:
0x0: {  	(tag) =	ssettag $0x1  }
0x1: {  	s6 =	stileid.u32  }
0x2: {  	s1 =	sand.u32 $0x3, s6  }
0x3: {  	v6 =	vlaneseq.u32;
	s0 =	sshll.u32 s1, $0xA  }
0x4: {  	v1 =	vmul.u32 $0x8, v6;
	v2 =	vmov s0  }
0x5: {  	s2 =	sor.u32 $0x10, s0;
	v2 =	vshll.u32 v2, $0x3  }
0x6: {  	s18 =	sor.u32 $0x20, s0;
	v0 =	vor.u32 v1, v2;
	v2 =	vmov s2  }
0x7: {  	v4 =	vmov s18;
	v2 =	vshll.u32 v2, $0x3  }
0x8: {  	s19 =	sor.u32 $0x40, s0;
	[tilespmem:$0x1FEF0] =	vst v0;
	v0 =	vor.u32 v1, v2;
	v2 =	vshll.u32 v4, $0x3  }
0x9: {  	s20 =	sor.u32 $0x50, s0;
	[tilespmem:$0x1FF10] =	vst v0;
	v0 =	vor.u32 v1, v2;
	v2 =	vmov s19  }
0xa: {  	v7 =	vmov s20;
	v2 =	vshll.u32 v2, $0x3  }
0xb: {  	s22 =	sor.u32 $0x70, s0;
	v4 =	vor.u32 v1, v2;
	v2 =	vshll.u32 v7, $0x3  }
0xc: {  	s23 =	sor.u32 $0x80, s0;
	v7 =	vor.u32 v1, v2;
	v2 =	vmov s22  }
0xd: {  	v10 =	vmov s23;
	v2 =	vshll.u32 v2, $0x3  }
0xe: {  	s25 =	sor.u32 $0xA0, s0;
	v9 =	vor.u32 v1, v2;
	v2 =	vshll.u32 v10, $0x3  }
0xf: {  	s26 =	sor.u32 $0xB0, s0;
	v10 =	vor.u32 v1, v2;
	v2 =	vmov s25  }
0x10: {  	v13 =	vmov s26;
	v2 =	vshll.u32 v2, $0x3  }
0x11: {  	s29 =	sor.u32 $0xD0, s0;
	v12 =	vor.u32 v1, v2;
	v2 =	vshll.u32 v13, $0x3  }
0x12: {  	s30 =	sor.u32 $0xE0, s0;
	v13 =	vor.u32 v1, v2;
	v2 =	vmov s29  }
0x13: {  	s3 =	sor.u32 $0x30, s0;
	v16 =	vmov s30;
	v2 =	vshll.u32 v2, $0x3  }
0x14: {  	v5 =	vmov s3;
	s3 =	sor.u32 $0x100, s0;
	v15 =	vor.u32 v1, v2;
	v2 =	vshll.u32 v16, $0x3  }
0x15: {  	s4 =	sor.u32 $0x110, s0;
	v16 =	vor.u32 v1, v2;
	v2 =	vmov s3  }
0x16: {  	v19 =	vmov s4;
	v2 =	vshll.u32 v2, $0x3  }
0x17: {  	s7 =	sor.u32 $0x130, s0;
	v18 =	vor.u32 v1, v2;
	v2 =	vshll.u32 v19, $0x3  }
0x18: {  	s8 =	sor.u32 $0x140, s0;
	v19 =	vor.u32 v1, v2;
	v2 =	vmov s7  }
0x19: {  	v22 =	vmov s8;
	v2 =	vshll.u32 v2, $0x3  }
0x1a: {  	vm0 =	vmmov $0xffff;
	s10 =	sor.u32 $0x160, s0;
	v21 =	vor.u32 v1, v2;
	v2 =	vshll.u32 v22, $0x3  }
0x1b: {  	vm1 =	vmmov $0xff;
	s21 =	sor.u32 $0x60, s0;
	s11 =	sor.u32 $0x170, s0;
	v22 =	vor.u32 v1, v2;
	v2 =	vmov s10  }
0x1c: {  	s24 =	sor.u32 $0x90, s0;
	v8 =	vmov s21;
	v25 =	vmov s11;
	v2 =	vshll.u32 v2, $0x3  }
0x1d: {  	s28 =	sor.u32 $0xC0, s0;
	s13 =	sor.u32 $0x190, s0;
	v11 =	vmov s24;
	v24 =	vor.u32 v1, v2;
	v2 =	vshll.u32 v25, $0x3  }
0x1e: {  	s31 =	sor.u32 $0xF0, s0;
	s14 =	sor.u32 $0x1A0, s0;
	v14 =	vmov s28;
	v25 =	vor.u32 v1, v2;
	v2 =	vmov s13  }
0x1f: {  	s5 =	sor.u32 $0x120, s0;
	v17 =	vmov s31;
	v28 =	vmov s14;
	v2 =	vshll.u32 v2, $0x3  }
0x20: {  	s9 =	sor.u32 $0x150, s0;
	s16 =	sor.u32 $0x1C0, s0;
	v20 =	vmov s5;
	v27 =	vor.u32 v1, v2;
	v2 =	vshll.u32 v28, $0x3  }
0x21: {  	s12 =	sor.u32 $0x180, s0;
	s17 =	sor.u32 $0x1D0, s0;
	v23 =	vmov s9;
	v28 =	vor.u32 v1, v2;
	v2 =	vmov s16  }
0x22: {  	s15 =	sor.u32 $0x1B0, s0;
	v26 =	vmov s12;
	v31 =	vmov s17;
	v2 =	vshll.u32 v2, $0x3  }
0x23: {  	v29 =	vmov s15;
	s19 =	sor.u32 $0x1F0, s0;
	v30 =	vor.u32 v1, v2;
	v2 =	vshll.u32 v31, $0x3  }
0x24: {  	s20 =	sor.u32 $0x200, s0;
	v5 =	vshll.u32 v5, $0x3;
	v31 =	vor.u32 v1, v2;
	v2 =	vmov s19  }
0x25: {  	v8 =	vshll.u32 v8, $0x3;
	v34 =	vmov s20;
	v2 =	vshll.u32 v2, $0x3  }
0x26: {  	v11 =	vshll.u32 v11, $0x3;
	s22 =	sor.u32 $0x220, s0;
	v33 =	vor.u32 v1, v2;
	v2 =	vshll.u32 v34, $0x3  }
0x27: {  	s23 =	sor.u32 $0x230, s0;
	v14 =	vshll.u32 v14, $0x3;
	v34 =	vor.u32 v1, v2;
	v2 =	vmov s22  }
0x28: {  	v17 =	vshll.u32 v17, $0x3;
	v37 =	vmov s23;
	v2 =	vshll.u32 v2, $0x3  }
0x29: {  	v20 =	vshll.u32 v20, $0x3;
	s25 =	sor.u32 $0x250, s0;
	v36 =	vor.u32 v1, v2;
	v2 =	vshll.u32 v37, $0x3  }
0x2a: {  	s26 =	sor.u32 $0x260, s0;
	v23 =	vshll.u32 v23, $0x3;
	v37 =	vor.u32 v1, v2;
	v2 =	vmov s25  }
0x2b: {  	v26 =	vshll.u32 v26, $0x3;
	v40 =	vmov s26;
	v2 =	vshll.u32 v2, $0x3  }
0x2c: {  	s18 =	sor.u32 $0x1E0, s0;
	v29 =	vshll.u32 v29, $0x3;
	s29 =	sor.u32 $0x280, s0;
	v39 =	vor.u32 v1, v2;
	v2 =	vshll.u32 v40, $0x3  }
0x2d: {  	s21 =	sor.u32 $0x210, s0;
	s30 =	sor.u32 $0x290, s0;
	v32 =	vmov s18;
	v40 =	vor.u32 v1, v2;
	v2 =	vmov s29  }
0x2e: {  	s24 =	sor.u32 $0x240, s0;
	v35 =	vmov s21;
	v43 =	vmov s30;
	v2 =	vshll.u32 v2, $0x3  }
0x2f: {  	s28 =	sor.u32 $0x270, s0;
	s4 =	sor.u32 $0x2B0, s0;
	v38 =	vmov s24;
	v42 =	vor.u32 v1, v2;
	v2 =	vshll.u32 v43, $0x3  }
0x30: {  	s31 =	sor.u32 $0x2A0, s0;
	s5 =	sor.u32 $0x2C0, s0;
	v41 =	vmov s28;
	v43 =	vor.u32 v1, v2;
	v2 =	vmov s4  }
0x31: {  	s11 =	sor.u32 $0x300, s0;
	v44 =	vmov s31;
	v46 =	vmov s5;
	v2 =	vshll.u32 v2, $0x3  }
0x32: {  	s8 =	sor.u32 $0x2E0, s0;
	s14 =	sor.u32 $0x330, s0;
	v50 =	vmov s11;
	v45 =	vor.u32 v1, v2;
	v2 =	vshll.u32 v46, $0x3  }
0x33: {  	s17 =	sor.u32 $0x350, s0;
	v53 =	vmov s14;
	s10 =	sor.u32 $0x2F0, s0;
	v46 =	vor.u32 v1, v2;
	v2 =	vmov s8  }
0x34: {  	v55 =	vmov s17;
	v49 =	vmov s10;
	v2 =	vshll.u32 v2, $0x3  }
0x35: {  	s12 =	sor.u32 $0x310, s0;
	v5 =	vor.u32 v1, v5;
	v48 =	vor.u32 v1, v2;
	v2 =	vshll.u32 v49, $0x3  }
0x36: {  	v8 =	vor.u32 v1, v8;
	s13 =	sor.u32 $0x320, s0;
	v49 =	vor.u32 v1, v2;
	v2 =	vmov s12  }
0x37: {  	v11 =	vor.u32 v1, v11;
	v52 =	vmov s13;
	v2 =	vshll.u32 v2, $0x3  }
0x38: {  	v14 =	vor.u32 v1, v14;
	s16 =	sor.u32 $0x340, s0;
	s4 =	srdreg.scid;
	v51 =	vor.u32 v1, v2;
	v2 =	vshll.u32 v52, $0x3  }
0x39: {  	v17 =	vor.u32 v1, v17;
	s5 =	sand.u32 $0x1, s4;
	v52 =	vor.u32 v1, v2;
	v2 =	vmov s16  }
0x3a: {  	v20 =	vor.u32 v1, v20;
	v23 =	vor.u32 v1, v23;
	s9 =	sshll.u32 s5, $0x4;
	v2 =	vshll.u32 v2, $0x3  }
0x3b: {  	p1 =	sne.s32 s1, $0x0;
	s18 =	sor.u32 $0x370, s0;
	v26 =	vor.u32 v1, v26;
	s3 =	sor.u32 s6, s9;
	v54 =	vor.u32 v1, v2;
	v2 =	vshll.u32 v55, $0x3  }
0x3c: {  	s2 =	simm.s32 $0x0;
	v29 =	vor.u32 v1, v29;
	s19 =	sor.u32 $0x380, s0;
	p0 =	seq.s32 s3, $0x0;
	v55 =	vor.u32 v1, v2;
	v2 =	vmov s18  }
0x3d: {  	s20 =	sor.u32 $0x390, s0;
	s21 =	sor.u32 $0x3A0, s0;
	v32 =	vshll.u32 v32, $0x3;
	v58 =	vmov s19;
	p0 =	por !p1, !p0;
	v2 =	vshll.u32 v2, $0x3  }
0x3e: {  	s23 =	sor.u32 $0x3B0, s0;
	v35 =	vshll.u32 v35, $0x3;
	s4 =	simm.s32 $0x1;
	p0 =	por !p0, !p0;
	v57 =	vor.u32 v1, v2;
	v2 =	vshll.u32 v58, $0x3  }
0x3f: {  	s28 =	sor.u32 $0x3D0, s0;
	v38 =	vshll.u32 v38, $0x3;
	s3 =	sshrl.u32 s3, $0x2;
	s4 =	simm.s32 @!p0 $0x0;
	v58 =	vor.u32 v1, v2;
	v2 =	vmov s21  }
0x40: {  	v41 =	vshll.u32 v41, $0x3;
	[smem:$0x7FF] =	sst s2;
	v61 =	vmov s23;
	s7 =	sor.u32 $0x2D0, s0;
	s24 =	ssub.s32 s3, s4;
	v2 =	vshll.u32 v2, $0x3  }
0x41: {  	v47 =	vmov s7;
	s7 =	sor.u32 $0x360, s0;
	s29 =	sor.u32 $0x3E0, s0;
	s4 =	sshll.u32 s24, $0xC;
	v60 =	vor.u32 v1, v2;
	v2 =	vshll.u32 v61, $0x3  }
0x42: {  	[tilespmem:$0x1FF30] =	vst v0;
	v0 =	vmov s29;
	s8 =	sor.u32 $0x3C0, s0;
	s4 =	sor.u32 s0, s4;
	s0 =	sor.u32 $0x3F0, s0;
	v61 =	vor.u32 v1, v2;
	v2 =	vmov s28  }
0x43: {  	s15 =	rddreg [dreg:$0x0];
	_ =	strace $0x80000047;
	v0 =	vshll.u32 v0, $0x3;
	v3 =	vmov s0;
	v2 =	vshll.u32 v2, $0x3  }
0x44: {  	v63 =	vor.u32 v1, v2;
	v2 =	vshll.u32 v3, $0x3;
	v3 =	vor.u32 v1, v0;
	v0 =	vld [tilespmem:$0x1FEF0]  }
0x45: {  	v44 =	vshll.u32 v44, $0x3;
	v50 =	vshll.u32 v50, $0x3;
	v53 =	vshll.u32 v53, $0x3  }
0x46: {  	v59 =	vmov s20;
	v32 =	vor.u32 v1, v32;
	v35 =	vor.u32 v1, v35  }
0x47: {  	v38 =	vor.u32 v1, v38;
	v41 =	vor.u32 v1, v41;
	v44 =	vor.u32 v1, v44  }
0x48: {  	v50 =	vor.u32 v1, v50;
	v53 =	vor.u32 v1, v53;
	v59 =	vshll.u32 v59, $0x3  }
0x49: {  	v59 =	vor.u32 v1, v59;
	v56 =	vmov s7;
	v0 =	vadd.s32 s24, v0  }
0x4a: {  	v47 =	vshll.u32 v47, $0x3;
	v56 =	vshll.u32 v56, $0x3;
	v62 =	vmov s8;
	[tilespmem:$0x1FF00] =	vst v0;
	v0 =	vld [tilespmem:$0x1FF10]  }
0x4b: {  	v47 =	vor.u32 v1, v47;
	v56 =	vor.u32 v1, v56;
	v62 =	vshll.u32 v62, $0x3  }
0x4c: {  	v62 =	vor.u32 v1, v62;
	v20 =	vadd.s32 s24, v20;
	v21 =	vadd.s32 s24, v21  }
0x4d: {  	v22 =	vadd.s32 s24, v22;
	v23 =	vadd.s32 s24, v23;
	v24 =	vadd.s32 s24, v24  }
0x4e: {  	v25 =	vadd.s32 s24, v25;
	v26 =	vadd.s32 s24, v26;
	v27 =	vadd.s32 s24, v27  }
0x4f: {  	v28 =	vadd.s32 s24, v28;
	v29 =	vadd.s32 s24, v29;
	v0 =	vadd.s32 s24, v0  }
0x50: {  	v30 =	vadd.s32 s24, v30;
	v31 =	vadd.s32 s24, v31;
	v32 =	vadd.s32 s24, v32;
	[tilespmem:$0x1FF20] =	vst v0;
	v0 =	vld [tilespmem:$0x1FF30]  }
0x51: {  	v33 =	vadd.s32 s24, v33;
	v34 =	vadd.s32 s24, v34;
	v35 =	vadd.s32 s24, v35  }
0x52: {  	v36 =	vadd.s32 s24, v36;
	v37 =	vadd.s32 s24, v37;
	v38 =	vadd.s32 s24, v38  }
0x53: {  	v39 =	vadd.s32 s24, v39;
	v40 =	vadd.s32 s24, v40;
	v41 =	vadd.s32 s24, v41  }
0x54: {  	v42 =	vadd.s32 s24, v42;
	v43 =	vadd.s32 s24, v43;
	v44 =	vadd.s32 s24, v44  }
0x55: {  	v45 =	vadd.s32 s24, v45;
	v46 =	vadd.s32 s24, v46;
	v0 =	vadd.s32 s24, v0  }
0x56: {  	v47 =	vadd.s32 s24, v47;
	v48 =	vadd.s32 s24, v48;
	[tilespmem:$0x1FF40] =	vst v0;
	v0 =	vadd.s32 s24, v5  }
0x57: {  	v49 =	vadd.s32 s24, v49;
	v50 =	vadd.s32 s24, v50;
	[tilespmem:$0x1FF50] =	vst v0;
	v0 =	vadd.s32 s24, v4  }
0x58: {  	v51 =	vadd.s32 s24, v51;
	v53 =	vadd.s32 s24, v53;
	[tilespmem:$0x1FF60] =	vst v0;
	v0 =	vadd.s32 s24, v7  }
0x59: {  	v56 =	vadd.s32 s24, v56;
	v59 =	vadd.s32 s24, v59;
	[tilespmem:$0x1FF70] =	vst v0;
	v0 =	vadd.s32 s24, v8  }
0x5a: {  	v62 =	vadd.s32 s24, v62;
	v52 =	vadd.s32 s24, v52;
	[tilespmem:$0x1FF80] =	vst v0;
	v0 =	vadd.s32 s24, v9  }
0x5b: {  	v54 =	vadd.s32 s24, v54;
	v55 =	vadd.s32 s24, v55;
	[tilespmem:$0x1FF90] =	vst v0;
	v0 =	vadd.s32 s24, v10  }
0x5c: {  	s31 =	simm.s32 $0x400;
	s9 =	ssub.s32 $0x2, s5;
	v57 =	vadd.s32 s24, v57;
	v58 =	vadd.s32 s24, v58;
	[tilespmem:$0x1FFA0] =	vst v0;
	v0 =	vadd.s32 s24, v11  }
0x5d: {  	[dreg:$0x4] =	wrdreg s31;
	s26 =	sshrl.u32 s9, $0x1;
	s4 =	sshrl.u32 s4, $0x3;
	v60 =	vadd.s32 s24, v60;
	v61 =	vadd.s32 s24, v61;
	[tilespmem:$0x1FFB0] =	vst v0;
	v0 =	vadd.s32 s24, v12  }
0x5e: {  	s5 =	sadd.s32 $0x1C3C00, s15;
	s9 =	ssub.s32 s9, s26;
	s22 =	sadd.s32 s4, s15;
	v2 =	vor.u32 v1, v2;
	v63 =	vadd.s32 s24, v63;
	[tilespmem:$0x1FFC0] =	vst v0;
	v0 =	vadd.s32 s24, v13  }
0x5f: {  	s6 =	sadd.s32 $0x43D00, s15;
	s8 =	smax.u32 s9, $0x1;
	s25 =	sadd.s32 $0x42C00, s22;
	v1 =	vadd.s32 s24, v3;
	v2 =	vadd.s32 s24, v2;
	[tilespmem:$0x1FFD0] =	vst v0;
	v0 =	vadd.s32 s24, v14  }
0x60: {  	s30 =	sshll.u32 s24, $0xB;
	s7 =	sadd.s32 $0x41C00, s22;
	[dreg:$0x2] =	wrdreg s25;
	[tilespmem:$0x1FFE0] =	vst v0;
	v0 =	vadd.s32 s24, v15;
	v15 =	vadd.s32 s24, v16;
	v16 =	vadd.s32 s24, v17  }
0x61: {  	s3 =	sadd.s32 $0x43C00, s15;
	[dreg:$0x3] =	wrdreg s7;
	s7 =	sadd.s32 $0x1C3D00, s15;
	v17 =	vadd.s32 s24, v18;
	v18 =	vadd.s32 s24, v19;
	v19 =	vmov s30;
	[tilespmem:$0x1FFF0] =	vst v0  }
.LBB2_1:
0x62: {  	[dreg:$0x5] =	wrdreg s8  }
0x63: {  	s28 =	rddreg [dreg:$0x2];
	s30 =	simm.s32 $0x3  }
0x64: {  	[tilespmem:s2], [sflag:$0x3] =	stream.linear.gather [hbm4b:s28+s2], $0x400, $0x38;
	[tilespmem:$0x19000] =	vst v63  }
0x65: {  	_ =	swait.ge [sflag:s30], $0x400  }
0x66: {  	s18 =	rddreg [dreg:$0x3];
	[sflag:s30] =	ssyncset.done $0x0  }
0x67: {  	s29 =	rddreg [dreg:$0x4];
	[sflag:s30] =	ssyncadd.s32 $0xFFFFFC00  }
0x68: {  	[tilespmem:s29], [sflag:$0x3] =	stream.linear.gather [hbm4b:s18+s2], $0x400, $0x38;
	[tilespmem:$0x19000] =	vst v63  }
0x69: {  	_ =	swait.ge [sflag:s30], $0x400  }
0x6a: {  	[sflag:s30] =	ssyncset.done $0x0  }
0x6b: {  	[sflag:s30] =	ssyncadd.s32 $0xFFFFFC00  }
0x6c: {  	v3 =	vld [tilespmem:$0x0]  }
0x6d: {  	v4 =	vld [tilespmem:$0x400]  }
0x6e: {  	v5 =	vld [tilespmem:$0x10]  }
0x6f: {  	v0 =	vld [tilespmem:$0x410]  }
0x70: {  	v7 =	vld [tilespmem:$0x20]  }
0x71: {  	v8 =	vld [tilespmem:$0x420]  }
0x72: {  	v9 =	vld [tilespmem:$0x30]  }
0x73: {  	v10 =	vld [tilespmem:$0x430]  }
0x74: {  	v11 =	vld [tilespmem:$0x40]  }
0x75: {  	v12 =	vld [tilespmem:$0x440]  }
0x76: {  	v13 =	vld [tilespmem:$0x50]  }
0x77: {  	v14 =	vld [tilespmem:$0x450];
	v4 =	vshll.u32 v4, $0xE;
	v3 =	vadd.s32 v19, v3  }
0x78: {  	v0 =	vshll.u32 v0, $0xE;
	v3 =	vadd.s32 v4, v3;
	v4 =	vadd.s32 v19, v5;
	v5 =	vld [tilespmem:$0x60]  }
0x79: {  	v0 =	vadd.s32 v0, v4;
	v4 =	vadd.s32 v19, v7;
	v7 =	vld [tilespmem:$0x460]  }
0x7a: {  	[tilespmem:$0x800] =	vst v3;
	v3 =	vshll.u32 v8, $0xE;
	v8 =	vld [tilespmem:$0x70]  }
0x7b: {  	[tilespmem:$0x810] =	vst v0;
	v0 =	vadd.s32 v3, v4;
	v3 =	vshll.u32 v10, $0xE;
	v4 =	vadd.s32 v19, v9;
	v10 =	vld [tilespmem:$0x1FF00]  }
0x7c: {  	v9 =	vld [tilespmem:$0x80];
	[tilespmem:$0x820] =	vst v0;
	v0 =	vadd.s32 v3, v4  }
0x7d: {  	v3 =	vld [tilespmem:$0x470];
	v4 =	vadd.s32 v19, v11;
	[tilespmem:$0x830] =	vst v0;
	v0 =	vshll.u32 v12, $0xE  }
0x7e: {  	v12 =	vld [tilespmem:$0x1FF20];
	v0 =	vadd.s32 v0, v4  }
0x7f: {  	v11 =	vld [tilespmem:$0x90];
	[tilespmem:$0x840] =	vst v0  }
0x80: {  	v4 =	vld [tilespmem:$0x480];
	v0 =	vshll.u32 v14, $0xE;
	[tilespmem:$0xC00] =	vst v10;
	v10 =	vadd.s32 v19, v13  }
0x81: {  	v0 =	vadd.s32 v0, v10;
	v10 =	vld [tilespmem:$0x490]  }
0x82: {  	[tilespmem:$0x850] =	vst v0;
	v0 =	vshll.u32 v7, $0xE;
	v7 =	vld [tilespmem:$0xA0]  }
0x83: {  	v5 =	vadd.s32 v19, v5;
	[tilespmem:$0xC10] =	vst v12;
	v12 =	vld [tilespmem:$0x1FF40]  }
0x84: {  	v0 =	vadd.s32 v0, v5;
	v5 =	vld [tilespmem:$0x4A0]  }
0x85: {  	[tilespmem:$0x860] =	vst v0;
	v0 =	vshll.u32 v3, $0xE;
	v3 =	vadd.s32 v19, v8;
	v8 =	vld [tilespmem:$0xB0]  }
0x86: {  	v0 =	vadd.s32 v0, v3;
	v3 =	vld [tilespmem:$0x4B0]  }
0x87: {  	[tilespmem:$0x870] =	vst v0;
	v0 =	vshll.u32 v4, $0xE;
	v4 =	vadd.s32 v19, v9;
	v9 =	vld [tilespmem:$0xC0]  }
0x88: {  	[tilespmem:$0xC20] =	vst v12;
	v12 =	vld [tilespmem:$0x1FF50]  }
0x89: {  	v0 =	vadd.s32 v0, v4;
	v4 =	vld [tilespmem:$0x4C0]  }
0x8a: {  	[tilespmem:$0x880] =	vst v0;
	v0 =	vshll.u32 v10, $0xE;
	v10 =	vadd.s32 v19, v11;
	v11 =	vld [tilespmem:$0xD0]  }
0x8b: {  	v0 =	vadd.s32 v0, v10;
	v10 =	vld [tilespmem:$0x4D0]  }
0x8c: {  	[tilespmem:$0x890] =	vst v0;
	v0 =	vshll.u32 v5, $0xE;
	v5 =	vadd.s32 v19, v7;
	v7 =	vld [tilespmem:$0xE0]  }
0x8d: {  	v0 =	vadd.s32 v0, v5;
	v5 =	vld [tilespmem:$0x4E0]  }
0x8e: {  	[tilespmem:$0xC30] =	vst v12;
	v12 =	vld [tilespmem:$0x1FF60]  }
0x8f: {  	[tilespmem:$0x8A0] =	vst v0;
	v0 =	vshll.u32 v3, $0xE;
	v3 =	vadd.s32 v19, v8;
	v8 =	vld [tilespmem:$0xF0]  }
0x90: {  	v0 =	vadd.s32 v0, v3;
	v3 =	vld [tilespmem:$0x4F0]  }
0x91: {  	[tilespmem:$0x8B0] =	vst v0;
	v0 =	vshll.u32 v4, $0xE;
	v4 =	vadd.s32 v19, v9;
	v9 =	vld [tilespmem:$0x100]  }
0x92: {  	v0 =	vadd.s32 v0, v4;
	v4 =	vld [tilespmem:$0x500]  }
0x93: {  	[tilespmem:$0x8C0] =	vst v0;
	v0 =	vshll.u32 v10, $0xE;
	v10 =	vadd.s32 v19, v11;
	v11 =	vld [tilespmem:$0x110]  }
0x94: {  	[tilespmem:$0xC40] =	vst v12;
	v12 =	vld [tilespmem:$0x1FF70]  }
0x95: {  	v0 =	vadd.s32 v0, v10;
	v10 =	vld [tilespmem:$0x510]  }
0x96: {  	[tilespmem:$0x8D0] =	vst v0;
	v0 =	vshll.u32 v5, $0xE;
	v5 =	vadd.s32 v19, v7;
	v7 =	vld [tilespmem:$0x120]  }
0x97: {  	[tilespmem:$0xCE0] =	vst v15;
	v0 =	vadd.s32 v0, v5;
	v5 =	vld [tilespmem:$0x520]  }
0x98: {  	[tilespmem:$0x8E0] =	vst v0;
	v0 =	vshll.u32 v3, $0xE;
	v3 =	vadd.s32 v19, v8;
	v8 =	vld [tilespmem:$0x130]  }
0x99: {  	[tilespmem:$0xCF0] =	vst v16;
	v0 =	vadd.s32 v0, v3;
	v3 =	vld [tilespmem:$0x530]  }
0x9a: {  	[tilespmem:$0xC50] =	vst v12;
	v12 =	vld [tilespmem:$0x1FF80]  }
0x9b: {  	[tilespmem:$0x8F0] =	vst v0;
	v0 =	vshll.u32 v4, $0xE;
	v4 =	vadd.s32 v19, v9;
	v9 =	vld [tilespmem:$0x140]  }
0x9c: {  	[tilespmem:$0xD00] =	vst v17;
	v0 =	vadd.s32 v0, v4;
	v4 =	vld [tilespmem:$0x540]  }
0x9d: {  	[tilespmem:$0x900] =	vst v0;
	v0 =	vshll.u32 v10, $0xE;
	v10 =	vadd.s32 v19, v11;
	v11 =	vld [tilespmem:$0x150]  }
0x9e: {  	[tilespmem:$0xD10] =	vst v18;
	v0 =	vadd.s32 v0, v10;
	v10 =	vld [tilespmem:$0x550]  }
0x9f: {  	[tilespmem:$0x910] =	vst v0;
	v0 =	vshll.u32 v5, $0xE;
	v5 =	vadd.s32 v19, v7;
	v7 =	vld [tilespmem:$0x160]  }
0xa0: {  	[tilespmem:$0xC60] =	vst v12;
	v12 =	vld [tilespmem:$0x1FF90]  }
0xa1: {  	[tilespmem:$0xD20] =	vst v20;
	v0 =	vadd.s32 v0, v5;
	v5 =	vld [tilespmem:$0x560]  }
0xa2: {  	[tilespmem:$0x920] =	vst v0;
	v0 =	vshll.u32 v3, $0xE;
	v3 =	vadd.s32 v19, v8;
	v8 =	vld [tilespmem:$0x170]  }
0xa3: {  	[tilespmem:$0xD30] =	vst v21;
	v0 =	vadd.s32 v0, v3;
	v3 =	vld [tilespmem:$0x570]  }
0xa4: {  	[tilespmem:$0x930] =	vst v0;
	v0 =	vshll.u32 v4, $0xE;
	v4 =	vadd.s32 v19, v9;
	v9 =	vld [tilespmem:$0x180]  }
0xa5: {  	[tilespmem:$0xD40] =	vst v22;
	v0 =	vadd.s32 v0, v4;
	v4 =	vld [tilespmem:$0x580]  }
0xa6: {  	[tilespmem:$0xC70] =	vst v12;
	v12 =	vld [tilespmem:$0x1FFA0]  }
0xa7: {  	[tilespmem:$0x940] =	vst v0;
	v0 =	vshll.u32 v10, $0xE;
	v10 =	vadd.s32 v19, v11;
	v11 =	vld [tilespmem:$0x190]  }
0xa8: {  	[tilespmem:$0xD50] =	vst v23;
	v0 =	vadd.s32 v0, v10;
	v10 =	vld [tilespmem:$0x590]  }
0xa9: {  	[tilespmem:$0x950] =	vst v0;
	v0 =	vshll.u32 v5, $0xE;
	v5 =	vadd.s32 v19, v7;
	v7 =	vld [tilespmem:$0x1A0]  }
0xaa: {  	[tilespmem:$0xD60] =	vst v24;
	v0 =	vadd.s32 v0, v5;
	v5 =	vld [tilespmem:$0x5A0]  }
0xab: {  	[tilespmem:$0x960] =	vst v0;
	v0 =	vshll.u32 v3, $0xE;
	v3 =	vadd.s32 v19, v8;
	v8 =	vld [tilespmem:$0x1B0]  }
0xac: {  	[tilespmem:$0xC80] =	vst v12;
	v12 =	vld [tilespmem:$0x1FFB0]  }
0xad: {  	[tilespmem:$0xD70] =	vst v25;
	v0 =	vadd.s32 v0, v3;
	v3 =	vld [tilespmem:$0x5B0]  }
0xae: {  	[tilespmem:$0x970] =	vst v0;
	v0 =	vshll.u32 v4, $0xE;
	v4 =	vadd.s32 v19, v9;
	v9 =	vld [tilespmem:$0x1C0]  }
0xaf: {  	[tilespmem:$0xD80] =	vst v26;
	v0 =	vadd.s32 v0, v4;
	v4 =	vld [tilespmem:$0x5C0]  }
0xb0: {  	[tilespmem:$0x980] =	vst v0;
	v0 =	vshll.u32 v10, $0xE;
	v10 =	vadd.s32 v19, v11;
	v11 =	vld [tilespmem:$0x1D0]  }
0xb1: {  	[tilespmem:$0xD90] =	vst v27;
	v0 =	vadd.s32 v0, v10;
	v10 =	vld [tilespmem:$0x5D0]  }
0xb2: {  	[tilespmem:$0xC90] =	vst v12;
	v12 =	vld [tilespmem:$0x1FFC0]  }
0xb3: {  	[tilespmem:$0x990] =	vst v0;
	v0 =	vshll.u32 v5, $0xE;
	v5 =	vadd.s32 v19, v7;
	v7 =	vld [tilespmem:$0x1E0]  }
0xb4: {  	[tilespmem:$0xDA0] =	vst v28;
	v0 =	vadd.s32 v0, v5;
	v5 =	vld [tilespmem:$0x5E0]  }
0xb5: {  	[tilespmem:$0x9A0] =	vst v0;
	v0 =	vshll.u32 v3, $0xE;
	v3 =	vadd.s32 v19, v8;
	v8 =	vld [tilespmem:$0x1F0]  }
0xb6: {  	[tilespmem:$0xDB0] =	vst v29;
	v0 =	vadd.s32 v0, v3;
	v3 =	vld [tilespmem:$0x5F0]  }
0xb7: {  	[tilespmem:$0x9B0] =	vst v0;
	v0 =	vshll.u32 v4, $0xE;
	v4 =	vadd.s32 v19, v9;
	v9 =	vld [tilespmem:$0x200]  }
0xb8: {  	[tilespmem:$0xCA0] =	vst v12;
	v12 =	vld [tilespmem:$0x1FFD0];
	v0 =	vadd.s32 v0, v4  }
0xb9: {  	v4 =	vld [tilespmem:$0x600];
	[tilespmem:$0x9C0] =	vst v0;
	v0 =	vshll.u32 v10, $0xE;
	v10 =	vadd.s32 v19, v11  }
0xba: {  	[tilespmem:$0xDC0] =	vst v30;
	v11 =	vld [tilespmem:$0x210];
	v0 =	vadd.s32 v0, v10  }
0xbb: {  	v10 =	vld [tilespmem:$0x610];
	[tilespmem:$0x9D0] =	vst v0;
	v0 =	vshll.u32 v5, $0xE;
	v5 =	vadd.s32 v19, v7  }
0xbc: {  	[tilespmem:$0xDD0] =	vst v31;
	v7 =	vld [tilespmem:$0x220];
	v0 =	vadd.s32 v0, v5  }
0xbd: {  	v5 =	vld [tilespmem:$0x620];
	[tilespmem:$0x9E0] =	vst v0;
	v0 =	vshll.u32 v3, $0xE;
	v3 =	vadd.s32 v19, v8  }
0xbe: {  	[tilespmem:$0xDE0] =	vst v32;
	v8 =	vld [tilespmem:$0x230];
	v0 =	vadd.s32 v0, v3  }
0xbf: {  	v3 =	vld [tilespmem:$0x630];
	[tilespmem:$0x9F0] =	vst v0;
	v0 =	vshll.u32 v4, $0xE;
	v4 =	vadd.s32 v19, v9  }
0xc0: {  	[tilespmem:$0xDF0] =	vst v33;
	v9 =	vld [tilespmem:$0x240];
	v0 =	vadd.s32 v0, v4  }
0xc1: {  	v4 =	vld [tilespmem:$0x640];
	[tilespmem:$0xA00] =	vst v0;
	v0 =	vshll.u32 v10, $0xE;
	v10 =	vadd.s32 v19, v11  }
0xc2: {  	[tilespmem:$0xE00] =	vst v34;
	v11 =	vld [tilespmem:$0x250];
	v0 =	vadd.s32 v0, v10  }
0xc3: {  	v10 =	vld [tilespmem:$0x650];
	[tilespmem:$0xA10] =	vst v0;
	v0 =	vshll.u32 v5, $0xE;
	v5 =	vadd.s32 v19, v7  }
0xc4: {  	[tilespmem:$0xE10] =	vst v35;
	v7 =	vld [tilespmem:$0x260];
	v0 =	vadd.s32 v0, v5  }
0xc5: {  	v5 =	vld [tilespmem:$0x660];
	[tilespmem:$0xA20] =	vst v0;
	v0 =	vshll.u32 v3, $0xE;
	v3 =	vadd.s32 v19, v8  }
0xc6: {  	[tilespmem:$0xE20] =	vst v36;
	v8 =	vld [tilespmem:$0x270];
	v0 =	vadd.s32 v0, v3  }
0xc7: {  	v3 =	vld [tilespmem:$0x670];
	[tilespmem:$0xA30] =	vst v0;
	v0 =	vshll.u32 v4, $0xE;
	v4 =	vadd.s32 v19, v9  }
0xc8: {  	[tilespmem:$0xE30] =	vst v37;
	v9 =	vld [tilespmem:$0x280];
	v0 =	vadd.s32 v0, v4  }
0xc9: {  	v4 =	vld [tilespmem:$0x680];
	[tilespmem:$0xA40] =	vst v0;
	v0 =	vshll.u32 v10, $0xE;
	v10 =	vadd.s32 v19, v11  }
0xca: {  	[tilespmem:$0xE40] =	vst v38;
	v11 =	vld [tilespmem:$0x290];
	v0 =	vadd.s32 v0, v10  }
0xcb: {  	v10 =	vld [tilespmem:$0x690];
	[tilespmem:$0xA50] =	vst v0;
	v0 =	vshll.u32 v5, $0xE;
	v5 =	vadd.s32 v19, v7  }
0xcc: {  	[tilespmem:$0xE50] =	vst v39;
	v7 =	vld [tilespmem:$0x2A0];
	v0 =	vadd.s32 v0, v5  }
0xcd: {  	v5 =	vld [tilespmem:$0x6A0];
	[tilespmem:$0xA60] =	vst v0;
	v0 =	vshll.u32 v3, $0xE;
	v3 =	vadd.s32 v19, v8  }
0xce: {  	[tilespmem:$0xE60] =	vst v40;
	v8 =	vld [tilespmem:$0x2B0];
	v0 =	vadd.s32 v0, v3  }
0xcf: {  	v3 =	vld [tilespmem:$0x6B0];
	[tilespmem:$0xA70] =	vst v0;
	v0 =	vshll.u32 v4, $0xE;
	v4 =	vadd.s32 v19, v9  }
0xd0: {  	[tilespmem:$0xE70] =	vst v41;
	v9 =	vld [tilespmem:$0x2C0];
	v0 =	vadd.s32 v0, v4  }
0xd1: {  	v4 =	vld [tilespmem:$0x6C0];
	[tilespmem:$0xA80] =	vst v0;
	v0 =	vshll.u32 v10, $0xE;
	v10 =	vadd.s32 v19, v11  }
0xd2: {  	[tilespmem:$0xE80] =	vst v42;
	v11 =	vld [tilespmem:$0x2D0];
	v0 =	vadd.s32 v0, v10  }
0xd3: {  	v10 =	vld [tilespmem:$0x6D0];
	[tilespmem:$0xA90] =	vst v0;
	v0 =	vshll.u32 v5, $0xE;
	v5 =	vadd.s32 v19, v7  }
0xd4: {  	[tilespmem:$0xE90] =	vst v43;
	v7 =	vld [tilespmem:$0x2E0];
	v0 =	vadd.s32 v0, v5  }
0xd5: {  	v5 =	vld [tilespmem:$0x6E0];
	[tilespmem:$0xAA0] =	vst v0;
	v0 =	vshll.u32 v3, $0xE;
	v3 =	vadd.s32 v19, v8  }
0xd6: {  	[tilespmem:$0xEA0] =	vst v44;
	v8 =	vld [tilespmem:$0x2F0];
	v0 =	vadd.s32 v0, v3  }
0xd7: {  	v3 =	vld [tilespmem:$0x6F0];
	[tilespmem:$0xAB0] =	vst v0;
	v0 =	vshll.u32 v4, $0xE;
	v4 =	vadd.s32 v19, v9  }
0xd8: {  	[tilespmem:$0xEB0] =	vst v45;
	v9 =	vld [tilespmem:$0x300];
	v0 =	vadd.s32 v0, v4  }
0xd9: {  	v4 =	vld [tilespmem:$0x700];
	[tilespmem:$0xAC0] =	vst v0;
	v0 =	vshll.u32 v10, $0xE;
	v10 =	vadd.s32 v19, v11  }
0xda: {  	[tilespmem:$0xEC0] =	vst v46;
	v11 =	vld [tilespmem:$0x310];
	v0 =	vadd.s32 v0, v10  }
0xdb: {  	v10 =	vld [tilespmem:$0x710];
	[tilespmem:$0xAD0] =	vst v0;
	v0 =	vshll.u32 v5, $0xE;
	v5 =	vadd.s32 v19, v7  }
0xdc: {  	[tilespmem:$0xED0] =	vst v47;
	v7 =	vld [tilespmem:$0x320];
	v0 =	vadd.s32 v0, v5  }
0xdd: {  	v5 =	vld [tilespmem:$0x720];
	[tilespmem:$0xAE0] =	vst v0;
	v0 =	vshll.u32 v3, $0xE;
	v3 =	vadd.s32 v19, v8  }
0xde: {  	[tilespmem:$0xEE0] =	vst v48;
	v8 =	vld [tilespmem:$0x330];
	v0 =	vadd.s32 v0, v3  }
0xdf: {  	v3 =	vld [tilespmem:$0x730];
	[tilespmem:$0xAF0] =	vst v0;
	v0 =	vshll.u32 v4, $0xE;
	v4 =	vadd.s32 v19, v9  }
0xe0: {  	[tilespmem:$0xEF0] =	vst v49;
	v9 =	vld [tilespmem:$0x340];
	v0 =	vadd.s32 v0, v4  }
0xe1: {  	v4 =	vld [tilespmem:$0x740];
	[tilespmem:$0xB00] =	vst v0;
	v0 =	vshll.u32 v10, $0xE;
	v10 =	vadd.s32 v19, v11  }
0xe2: {  	[tilespmem:$0xF00] =	vst v50;
	v11 =	vld [tilespmem:$0x350];
	v0 =	vadd.s32 v0, v10  }
0xe3: {  	v10 =	vld [tilespmem:$0x750];
	[tilespmem:$0xB10] =	vst v0;
	v0 =	vshll.u32 v5, $0xE;
	v5 =	vadd.s32 v19, v7  }
0xe4: {  	[tilespmem:$0xF10] =	vst v51;
	v7 =	vld [tilespmem:$0x360];
	v0 =	vadd.s32 v0, v5  }
0xe5: {  	v5 =	vld [tilespmem:$0x760];
	[tilespmem:$0xB20] =	vst v0;
	v0 =	vshll.u32 v3, $0xE;
	v3 =	vadd.s32 v19, v8  }
0xe6: {  	[tilespmem:$0xF20] =	vst v52;
	v8 =	vld [tilespmem:$0x370];
	v0 =	vadd.s32 v0, v3  }
0xe7: {  	v3 =	vld [tilespmem:$0x770];
	[tilespmem:$0xB30] =	vst v0;
	v0 =	vshll.u32 v4, $0xE;
	v4 =	vadd.s32 v19, v9  }
0xe8: {  	[tilespmem:$0xF30] =	vst v53;
	v9 =	vld [tilespmem:$0x380];
	v0 =	vadd.s32 v0, v4  }
0xe9: {  	v4 =	vld [tilespmem:$0x780];
	[tilespmem:$0xB40] =	vst v0;
	v0 =	vshll.u32 v10, $0xE;
	v10 =	vadd.s32 v19, v11  }
0xea: {  	[tilespmem:$0xF40] =	vst v54;
	v11 =	vld [tilespmem:$0x390];
	v0 =	vadd.s32 v0, v10  }
0xeb: {  	v10 =	vld [tilespmem:$0x790];
	[tilespmem:$0xB50] =	vst v0;
	v0 =	vshll.u32 v5, $0xE;
	v5 =	vadd.s32 v19, v7  }
0xec: {  	[tilespmem:$0xF50] =	vst v55;
	v7 =	vld [tilespmem:$0x3A0];
	v0 =	vadd.s32 v0, v5  }
0xed: {  	v5 =	vld [tilespmem:$0x7A0];
	[tilespmem:$0xB60] =	vst v0;
	v0 =	vshll.u32 v3, $0xE;
	v3 =	vadd.s32 v19, v8  }
0xee: {  	[tilespmem:$0xF60] =	vst v56;
	v8 =	vld [tilespmem:$0x3B0];
	v0 =	vadd.s32 v0, v3  }
0xef: {  	v3 =	vld [tilespmem:$0x7B0];
	[tilespmem:$0xB70] =	vst v0;
	v0 =	vshll.u32 v4, $0xE;
	v4 =	vadd.s32 v19, v9  }
0xf0: {  	[tilespmem:$0xF70] =	vst v57;
	v9 =	vld [tilespmem:$0x3C0];
	v0 =	vadd.s32 v0, v4  }
0xf1: {  	v4 =	vld [tilespmem:$0x7C0];
	[tilespmem:$0xB80] =	vst v0;
	v0 =	vshll.u32 v10, $0xE;
	v10 =	vadd.s32 v19, v11  }
0xf2: {  	[tilespmem:$0xF80] =	vst v58;
	v11 =	vld [tilespmem:$0x3D0];
	v0 =	vadd.s32 v0, v10  }
0xf3: {  	v10 =	vld [tilespmem:$0x7D0];
	[tilespmem:$0xB90] =	vst v0;
	v0 =	vshll.u32 v5, $0xE;
	v5 =	vadd.s32 v19, v7  }
0xf4: {  	[tilespmem:$0xF90] =	vst v59;
	v0 =	vadd.s32 v0, v5;
	v5 =	vld [tilespmem:$0x800]  }
0xf5: {  	[tilespmem:$0xFA0] =	vst v60;
	v7 =	vld [tilespmem:$0x3E0]  }
0xf6: {  	v8 =	vadd.s32 v19, v8;
	v3 =	vshll.u32 v3, $0xE;
	[tilespmem:$0xBA0] =	vst v0;
	v0 =	vld [tilespmem:$0x7E0]  }
0xf7: {  	[tilespmem:$0xCB0] =	vst v12;
	v12 =	vld [tilespmem:$0x1FFE0];
	v3 =	vadd.s32 v3, v8;
	v8 =	vadd.s32 v19, v9;
	v4 =	vshll.u32 v4, $0xE  }
0xf8: {  	v9 =	vld [tilespmem:$0x7F0];
	[tilespmem:$0xBB0] =	vst v3;
	v3 =	vadd.s32 v4, v8  }
0xf9: {  	v8 =	vld [tilespmem:$0x3F0];
	v4 =	vadd.s32 v19, v11;
	[tilespmem:$0xBC0] =	vst v3;
	v3 =	vshll.u32 v10, $0xE;
	v10 =	vshrl.u32 v5, $0x3  }
0xfa: {  	[tilespmem:$0xFB0] =	vst v61;
	v7 =	vadd.s32 v19, v7;
	v3 =	vadd.s32 v3, v4;
	v10 =	vmul.u32 $0x18, v10  }
0xfb: {  	v4 =	vand.u32 $0x7, v5;
	[tilespmem:$0xBD0] =	vst v3;
	v3 =	vand.u32 $0x7, v6;
	v0 =	vshll.u32 v0, $0xE  }
0xfc: {  	[tilespmem:$0xFC0] =	vst v62;
	v0 =	vadd.s32 v0, v7;
	v7 =	vor.u32 v4, v10;
	v4 =	vshrl.u32 v6, $0x3  }
0xfd: {  	[tilespmem:$0xBE0] =	vst v0;
	v0 =	vperm.xlane v7, v3;
	v4 =	vmul.u32 $0x8, v4  }
0xfe: {  	[tilespmem:$0xCC0] =	vst v12;
	v12 =	vld [tilespmem:$0x1FFF0];
	v5 =	vshll.u32 v9, $0xE;
	v8 =	vadd.s32 v19, v8  }
0xff: {  	[tilespmem:$0xFD0] =	vst v63;
	v5 =	vadd.s32 v5, v8;
	v0 =	vadd.s32 v4, v0  }
0x100: {  	[tilespmem:$0xBF0] =	vst v5;
	v5 =	vor.u32 $0x8, v6  }
0x101: {  	[tilespmem:$0xFE0] =	vst v1;
	v7 =	vperm.xlane v7, v5  }
0x102: {  	[tilespmem:$0xFF0] =	vst v2  }
0x103: {  	s0 =	simm.s32 $0x1000;
	[tilespmem:$0xCD0] =	vst v12;
	v7 =	vadd.s32 v4, v7  }
0x104: {  	[tilespmem:s0], [sflag:$0x1] =	stream.indirect_vreg.gather [hbm4b:s3+s2], $0x80, v0, vm0, $0xb8;
	[tilespmem:$0x19000] =	vst v63  }
0x105: {  	s19 =	simm.s32 $0x1800  }
0x106: {  	[tilespmem:s19], [sflag:$0x1] =	stream.indirect_vreg.gather [hbm4b:s6+s2], $0x80, v0, vm1, $0xb8;
	[tilespmem:$0x19000] =	vst v63  }
0x107: {  	s20 =	simm.s32 $0x1C00  }
0x108: {  	[tilespmem:s20], [sflag:$0x1] =	stream.indirect_vreg.gather [hbm4b:s3+s2], $0x80, v7, vm0, $0xb8;
	[tilespmem:$0x19000] =	vst v63  }
0x109: {  	s21 =	simm.s32 $0x2400  }
0x10a: {  	[tilespmem:s21], [sflag:$0x1] =	stream.indirect_vreg.gather [hbm4b:s6+s2], $0x80, v7, vm1, $0xb8;
	[tilespmem:$0x19000] =	vst v63  }
0x10b: {  	v0 =	vld [tilespmem:$0x810];
	_ =	sdelay $0x4  }
0x10c: {  	v7 =	vshrl.u32 v0, $0x3  }
0x10d: {  	v7 =	vmul.u32 $0x18, v7  }
0x10e: {  	v0 =	vand.u32 $0x7, v0  }
0x10f: {  	v0 =	vor.u32 v0, v7  }
0x110: {  	v7 =	vperm.xlane v0, v3;
	_ =	sdelay $0x1  }
0x111: {  	v7 =	vadd.s32 v4, v7;
	_ =	sdelay $0x1  }
0x112: {  	v0 =	vperm.xlane v0, v5;
	_ =	sdelay $0x1  }
0x113: {  	s22 =	simm.s32 $0x2800;
	v0 =	vadd.s32 v4, v0  }
0x114: {  	[tilespmem:s22], [sflag:$0x1] =	stream.indirect_vreg.gather [hbm4b:s3+s2], $0x80, v7, vm0, $0xb8;
	[tilespmem:$0x19000] =	vst v63  }
0x115: {  	s23 =	simm.s32 $0x3000  }
0x116: {  	[tilespmem:s23], [sflag:$0x1] =	stream.indirect_vreg.gather [hbm4b:s6+s2], $0x80, v7, vm1, $0xb8;
	[tilespmem:$0x19000] =	vst v63  }
0x117: {  	s24 =	simm.s32 $0x3400  }
0x118: {  	[tilespmem:s24], [sflag:$0x1] =	stream.indirect_vreg.gather [hbm4b:s3+s2], $0x80, v0, vm0, $0xb8;
	[tilespmem:$0x19000] =	vst v63  }
0x119: {  	s25 =	simm.s32 $0x3C00  }
0x11a: {  	[tilespmem:s25], [sflag:$0x1] =	stream.indirect_vreg.gather [hbm4b:s6+s2], $0x80, v0, vm1, $0xb8;
	[tilespmem:$0x19000] =	vst v63  }
0x11b: {  	v0 =	vld [tilespmem:$0x820];
	_ =	sdelay $0x4  }
0x11c: {  	v7 =	vshrl.u32 v0, $0x3  }
0x11d: {  	v7 =	vmul.u32 $0x18, v7  }
0x11e: {  	v0 =	vand.u32 $0x7, v0  }
0x11f: {  	v0 =	vor.u32 v0, v7  }
0x120: {  	v7 =	vperm.xlane v0, v3;
	_ =	sdelay $0x1  }
0x121: {  	v7 =	vadd.s32 v4, v7;
	_ =	sdelay $0x1  }
0x122: {  	v0 =	vperm.xlane v0, v5;
	_ =	sdelay $0x1  }
0x123: {  	s26 =	simm.s32 $0x4000;
	v0 =	vadd.s32 v4, v0  }
0x124: {  	[tilespmem:s26], [sflag:$0x1] =	stream.indirect_vreg.gather [hbm4b:s3+s2], $0x80, v7, vm0, $0xb8;
	[tilespmem:$0x19000] =	vst v63  }
0x125: {  	s28 =	simm.s32 $0x4800  }
0x126: {  	[tilespmem:s28], [sflag:$0x1] =	stream.indirect_vreg.gather [hbm4b:s6+s2], $0x80, v7, vm1, $0xb8;
	[tilespmem:$0x19000] =	vst v63  }
0x127: {  	s29 =	simm.s32 $0x4C00  }
0x128: {  	[tilespmem:s29], [sflag:$0x1] =	stream.indirect_vreg.gather [hbm4b:s3+s2], $0x80, v0, vm0, $0xb8;
	[tilespmem:$0x19000] =	vst v63  }
0x129: {  	s30 =	simm.s32 $0x5400  }
0x12a: {  	[tilespmem:s30], [sflag:$0x1] =	stream.indirect_vreg.gather [hbm4b:s6+s2], $0x80, v0, vm1, $0xb8;
	[tilespmem:$0x19000] =	vst v63  }
0x12b: {  	v0 =	vld [tilespmem:$0x830];
	_ =	sdelay $0x4  }
0x12c: {  	v7 =	vshrl.u32 v0, $0x3  }
0x12d: {  	v7 =	vmul.u32 $0x18, v7  }
0x12e: {  	v0 =	vand.u32 $0x7, v0  }
0x12f: {  	v0 =	vor.u32 v0, v7  }
0x130: {  	v7 =	vperm.xlane v0, v3;
	_ =	sdelay $0x1  }
0x131: {  	v7 =	vadd.s32 v4, v7;
	_ =	sdelay $0x1  }
0x132: {  	v0 =	vperm.xlane v0, v5;
	_ =	sdelay $0x1  }
0x133: {  	s31 =	simm.s32 $0x5800;
	v0 =	vadd.s32 v4, v0  }
0x134: {  	[tilespmem:s31], [sflag:$0x1] =	stream.indirect_vreg.gather [hbm4b:s3+s2], $0x80, v7, vm0, $0xb8;
	[tilespmem:$0x19000] =	vst v63  }
0x135: {  	s10 =	simm.s32 $0x6000  }
0x136: {  	[tilespmem:s10], [sflag:$0x1] =	stream.indirect_vreg.gather [hbm4b:s6+s2], $0x80, v7, vm1, $0xb8;
	[tilespmem:$0x19000] =	vst v63  }
0x137: {  	s11 =	simm.s32 $0x6400  }
0x138: {  	[tilespmem:s11], [sflag:$0x1] =	stream.indirect_vreg.gather [hbm4b:s3+s2], $0x80, v0, vm0, $0xb8;
	[tilespmem:$0x19000] =	vst v63  }
0x139: {  	s12 =	simm.s32 $0x6C00  }
0x13a: {  	[tilespmem:s12], [sflag:$0x1] =	stream.indirect_vreg.gather [hbm4b:s6+s2], $0x80, v0, vm1, $0xb8;
	[tilespmem:$0x19000] =	vst v63  }
0x13b: {  	v0 =	vld [tilespmem:$0x840];
	_ =	sdelay $0x4  }
0x13c: {  	v7 =	vshrl.u32 v0, $0x3  }
0x13d: {  	v7 =	vmul.u32 $0x18, v7  }
0x13e: {  	v0 =	vand.u32 $0x7, v0  }
0x13f: {  	v0 =	vor.u32 v0, v7  }
0x140: {  	v7 =	vperm.xlane v0, v3;
	_ =	sdelay $0x1  }
0x141: {  	v7 =	vadd.s32 v4, v7;
	_ =	sdelay $0x1  }
0x142: {  	v0 =	vperm.xlane v0, v5;
	_ =	sdelay $0x1  }
0x143: {  	s16 =	simm.s32 $0x7000;
	v0 =	vadd.s32 v4, v0  }
0x144: {  	[tilespmem:s16], [sflag:$0x1] =	stream.indirect_vreg.gather [hbm4b:s3+s2], $0x80, v7, vm0, $0xb8;
	[tilespmem:$0x19000] =	vst v63  }
0x145: {  	s18 =	simm.s32 $0x7800  }
0x146: {  	[tilespmem:s18], [sflag:$0x1] =	stream.indirect_vreg.gather [hbm4b:s6+s2], $0x80, v7, vm1, $0xb8;
	[tilespmem:$0x19000] =	vst v63  }
0x147: {  	s19 =	simm.s32 $0x7C00  }
0x148: {  	[tilespmem:s19], [sflag:$0x1] =	stream.indirect_vreg.gather [hbm4b:s3+s2], $0x80, v0, vm0, $0xb8;
	[tilespmem:$0x19000] =	vst v63  }
0x149: {  	s20 =	simm.s32 $0x8400  }
0x14a: {  	[tilespmem:s20], [sflag:$0x1] =	stream.indirect_vreg.gather [hbm4b:s6+s2], $0x80, v0, vm1, $0xb8;
	[tilespmem:$0x19000] =	vst v63  }
0x14b: {  	v0 =	vld [tilespmem:$0x850];
	_ =	sdelay $0x4  }
0x14c: {  	v7 =	vshrl.u32 v0, $0x3  }
0x14d: {  	v7 =	vmul.u32 $0x18, v7  }
0x14e: {  	v0 =	vand.u32 $0x7, v0  }
0x14f: {  	v0 =	vor.u32 v0, v7  }
0x150: {  	v7 =	vperm.xlane v0, v3;
	_ =	sdelay $0x1  }
0x151: {  	v7 =	vadd.s32 v4, v7;
	_ =	sdelay $0x1  }
0x152: {  	v0 =	vperm.xlane v0, v5;
	_ =	sdelay $0x1  }
0x153: {  	s21 =	simm.s32 $0x8800;
	v0 =	vadd.s32 v4, v0  }
0x154: {  	[tilespmem:s21], [sflag:$0x1] =	stream.indirect_vreg.gather [hbm4b:s3+s2], $0x80, v7, vm0, $0xb8;
	[tilespmem:$0x19000] =	vst v63  }
0x155: {  	s23 =	simm.s32 $0x9000  }
0x156: {  	[tilespmem:s23], [sflag:$0x1] =	stream.indirect_vreg.gather [hbm4b:s6+s2], $0x80, v7, vm1, $0xb8;
	[tilespmem:$0x19000] =	vst v63  }
0x157: {  	s24 =	simm.s32 $0x9400  }
0x158: {  	[tilespmem:s24], [sflag:$0x1] =	stream.indirect_vreg.gather [hbm4b:s3+s2], $0x80, v0, vm0, $0xb8;
	[tilespmem:$0x19000] =	vst v63  }
0x159: {  	s25 =	simm.s32 $0x9C00  }
0x15a: {  	[tilespmem:s25], [sflag:$0x1] =	stream.indirect_vreg.gather [hbm4b:s6+s2], $0x80, v0, vm1, $0xb8;
	[tilespmem:$0x19000] =	vst v63  }
0x15b: {  	v0 =	vld [tilespmem:$0x860];
	_ =	sdelay $0x4  }
0x15c: {  	v7 =	vshrl.u32 v0, $0x3  }
0x15d: {  	v7 =	vmul.u32 $0x18, v7  }
0x15e: {  	v0 =	vand.u32 $0x7, v0  }
0x15f: {  	v0 =	vor.u32 v0, v7  }
0x160: {  	v7 =	vperm.xlane v0, v3;
	_ =	sdelay $0x1  }
0x161: {  	v7 =	vadd.s32 v4, v7;
	_ =	sdelay $0x1  }
0x162: {  	v0 =	vperm.xlane v0, v5;
	_ =	sdelay $0x1  }
0x163: {  	s26 =	simm.s32 $0xA000;
	v0 =	vadd.s32 v4, v0  }
0x164: {  	[tilespmem:s26], [sflag:$0x1] =	stream.indirect_vreg.gather [hbm4b:s3+s2], $0x80, v7, vm0, $0xb8;
	[tilespmem:$0x19000] =	vst v63  }
0x165: {  	s28 =	simm.s32 $0xA800  }
0x166: {  	[tilespmem:s28], [sflag:$0x1] =	stream.indirect_vreg.gather [hbm4b:s6+s2], $0x80, v7, vm1, $0xb8;
	[tilespmem:$0x19000] =	vst v63  }
0x167: {  	s29 =	simm.s32 $0xAC00  }
0x168: {  	[tilespmem:s29], [sflag:$0x1] =	stream.indirect_vreg.gather [hbm4b:s3+s2], $0x80, v0, vm0, $0xb8;
	[tilespmem:$0x19000] =	vst v63  }
0x169: {  	s30 =	simm.s32 $0xB400  }
0x16a: {  	[tilespmem:s30], [sflag:$0x1] =	stream.indirect_vreg.gather [hbm4b:s6+s2], $0x80, v0, vm1, $0xb8;
	[tilespmem:$0x19000] =	vst v63  }
0x16b: {  	v0 =	vld [tilespmem:$0x870];
	_ =	sdelay $0x4  }
0x16c: {  	v7 =	vshrl.u32 v0, $0x3  }
0x16d: {  	v7 =	vmul.u32 $0x18, v7  }
0x16e: {  	v0 =	vand.u32 $0x7, v0  }
0x16f: {  	v0 =	vor.u32 v0, v7  }
0x170: {  	v7 =	vperm.xlane v0, v3;
	_ =	sdelay $0x1  }
0x171: {  	v7 =	vadd.s32 v4, v7;
	_ =	sdelay $0x1  }
0x172: {  	v0 =	vperm.xlane v0, v5;
	_ =	sdelay $0x1  }
0x173: {  	s31 =	simm.s32 $0xB800;
	v0 =	vadd.s32 v4, v0  }
0x174: {  	[tilespmem:s31], [sflag:$0x1] =	stream.indirect_vreg.gather [hbm4b:s3+s2], $0x80, v7, vm0, $0xb8;
	[tilespmem:$0x19000] =	vst v63  }
0x175: {  	s10 =	simm.s32 $0xC000  }
0x176: {  	[tilespmem:s10], [sflag:$0x1] =	stream.indirect_vreg.gather [hbm4b:s6+s2], $0x80, v7, vm1, $0xb8;
	[tilespmem:$0x19000] =	vst v63  }
0x177: {  	s11 =	simm.s32 $0xC400  }
0x178: {  	[tilespmem:s11], [sflag:$0x1] =	stream.indirect_vreg.gather [hbm4b:s3+s2], $0x80, v0, vm0, $0xb8;
	[tilespmem:$0x19000] =	vst v63  }
0x179: {  	s12 =	simm.s32 $0xCC00;
	s16 =	simm.s32 $0x1  }
0x17a: {  	[tilespmem:s12], [sflag:$0x1] =	stream.indirect_vreg.gather [hbm4b:s6+s2], $0x80, v0, vm1, $0xb8;
	[tilespmem:$0x19000] =	vst v63  }
0x17b: {  	_ =	swait.ge [sflag:s16], $0xC000  }
0x17c: {  	[sflag:s16] =	ssyncset.done $0x0  }
0x17d: {  	[sflag:s16] =	ssyncadd.s32 $0xFFFF4000  }
0x17e: {  	v0 =	vld [tilespmem:$0x880];
	_ =	sdelay $0x4  }
0x17f: {  	v7 =	vshrl.u32 v0, $0x3  }
0x180: {  	v7 =	vmul.u32 $0x18, v7  }
0x181: {  	v0 =	vand.u32 $0x7, v0  }
0x182: {  	v0 =	vor.u32 v0, v7  }
0x183: {  	v7 =	vperm.xlane v0, v3;
	_ =	sdelay $0x1  }
0x184: {  	v7 =	vadd.s32 v4, v7;
	_ =	sdelay $0x1  }
0x185: {  	v0 =	vperm.xlane v0, v5;
	_ =	sdelay $0x1  }
0x186: {  	s19 =	simm.s32 $0xD000;
	v0 =	vadd.s32 v4, v0  }
0x187: {  	[tilespmem:s19], [sflag:$0x1] =	stream.indirect_vreg.gather [hbm4b:s3+s2], $0x80, v7, vm0, $0xb8;
	[tilespmem:$0x19000] =	vst v63  }
0x188: {  	s20 =	simm.s32 $0xD800  }
0x189: {  	[tilespmem:s20], [sflag:$0x1] =	stream.indirect_vreg.gather [hbm4b:s6+s2], $0x80, v7, vm1, $0xb8;
	[tilespmem:$0x19000] =	vst v63  }
0x18a: {  	s24 =	simm.s32 $0xDC00  }
0x18b: {  	[tilespmem:s24], [sflag:$0x1] =	stream.indirect_vreg.gather [hbm4b:s3+s2], $0x80, v0, vm0, $0xb8;
	[tilespmem:$0x19000] =	vst v63  }
0x18c: {  	s26 =	simm.s32 $0xE400  }
0x18d: {  	[tilespmem:s26], [sflag:$0x1] =	stream.indirect_vreg.gather [hbm4b:s6+s2], $0x80, v0, vm1, $0xb8;
	[tilespmem:$0x19000] =	vst v63  }
0x18e: {  	v0 =	vld [tilespmem:$0x890];
	_ =	sdelay $0x4  }
0x18f: {  	v7 =	vshrl.u32 v0, $0x3  }
0x190: {  	v7 =	vmul.u32 $0x18, v7  }
0x191: {  	v0 =	vand.u32 $0x7, v0  }
0x192: {  	v0 =	vor.u32 v0, v7  }
0x193: {  	v7 =	vperm.xlane v0, v3;
	_ =	sdelay $0x1  }
0x194: {  	v7 =	vadd.s32 v4, v7;
	_ =	sdelay $0x1  }
0x195: {  	v0 =	vperm.xlane v0, v5;
	_ =	sdelay $0x1  }
0x196: {  	s28 =	simm.s32 $0xE800;
	v0 =	vadd.s32 v4, v0  }
0x197: {  	[tilespmem:s28], [sflag:$0x1] =	stream.indirect_vreg.gather [hbm4b:s3+s2], $0x80, v7, vm0, $0xb8;
	[tilespmem:$0x19000] =	vst v63  }
0x198: {  	s29 =	simm.s32 $0xF000  }
0x199: {  	[tilespmem:s29], [sflag:$0x1] =	stream.indirect_vreg.gather [hbm4b:s6+s2], $0x80, v7, vm1, $0xb8;
	[tilespmem:$0x19000] =	vst v63  }
0x19a: {  	s30 =	simm.s32 $0xF400  }
0x19b: {  	[tilespmem:s30], [sflag:$0x1] =	stream.indirect_vreg.gather [hbm4b:s3+s2], $0x80, v0, vm0, $0xb8;
	[tilespmem:$0x19000] =	vst v63  }
0x19c: {  	s31 =	simm.s32 $0xFC00  }
0x19d: {  	[tilespmem:s31], [sflag:$0x1] =	stream.indirect_vreg.gather [hbm4b:s6+s2], $0x80, v0, vm1, $0xb8;
	[tilespmem:$0x19000] =	vst v63  }
0x19e: {  	v0 =	vld [tilespmem:$0x8A0];
	_ =	sdelay $0x4  }
0x19f: {  	v7 =	vshrl.u32 v0, $0x3  }
0x1a0: {  	v7 =	vmul.u32 $0x18, v7  }
0x1a1: {  	v0 =	vand.u32 $0x7, v0  }
0x1a2: {  	v0 =	vor.u32 v0, v7  }
0x1a3: {  	v7 =	vperm.xlane v0, v3;
	_ =	sdelay $0x1  }
0x1a4: {  	v7 =	vadd.s32 v4, v7;
	_ =	sdelay $0x1  }
0x1a5: {  	v0 =	vperm.xlane v0, v5;
	_ =	sdelay $0x1  }
0x1a6: {  	s10 =	simm.s32 $0x10000;
	v0 =	vadd.s32 v4, v0  }
0x1a7: {  	[tilespmem:s10], [sflag:$0x1] =	stream.indirect_vreg.gather [hbm4b:s3+s2], $0x80, v7, vm0, $0xb8;
	[tilespmem:$0x19000] =	vst v63  }
0x1a8: {  	s11 =	simm.s32 $0x10800  }
0x1a9: {  	[tilespmem:s11], [sflag:$0x1] =	stream.indirect_vreg.gather [hbm4b:s6+s2], $0x80, v7, vm1, $0xb8;
	[tilespmem:$0x19000] =	vst v63  }
0x1aa: {  	s12 =	simm.s32 $0x10C00  }
0x1ab: {  	[tilespmem:s12], [sflag:$0x1] =	stream.indirect_vreg.gather [hbm4b:s3+s2], $0x80, v0, vm0, $0xb8;
	[tilespmem:$0x19000] =	vst v63  }
0x1ac: {  	s16 =	simm.s32 $0x11400  }
0x1ad: {  	[tilespmem:s16], [sflag:$0x1] =	stream.indirect_vreg.gather [hbm4b:s6+s2], $0x80, v0, vm1, $0xb8;
	[tilespmem:$0x19000] =	vst v63  }
0x1ae: {  	v0 =	vld [tilespmem:$0x8B0];
	_ =	sdelay $0x4  }
0x1af: {  	v7 =	vshrl.u32 v0, $0x3  }
0x1b0: {  	v7 =	vmul.u32 $0x18, v7  }
0x1b1: {  	v0 =	vand.u32 $0x7, v0  }
0x1b2: {  	v0 =	vor.u32 v0, v7  }
0x1b3: {  	v7 =	vperm.xlane v0, v3;
	_ =	sdelay $0x1  }
0x1b4: {  	v7 =	vadd.s32 v4, v7;
	_ =	sdelay $0x1  }
0x1b5: {  	v0 =	vperm.xlane v0, v5;
	_ =	sdelay $0x1  }
0x1b6: {  	s19 =	simm.s32 $0x11800;
	v0 =	vadd.s32 v4, v0  }
0x1b7: {  	[tilespmem:s19], [sflag:$0x1] =	stream.indirect_vreg.gather [hbm4b:s3+s2], $0x80, v7, vm0, $0xb8;
	[tilespmem:$0x19000] =	vst v63  }
0x1b8: {  	s20 =	simm.s32 $0x12000  }
0x1b9: {  	[tilespmem:s20], [sflag:$0x1] =	stream.indirect_vreg.gather [hbm4b:s6+s2], $0x80, v7, vm1, $0xb8;
	[tilespmem:$0x19000] =	vst v63  }
0x1ba: {  	s24 =	simm.s32 $0x12400  }
0x1bb: {  	[tilespmem:s24], [sflag:$0x1] =	stream.indirect_vreg.gather [hbm4b:s3+s2], $0x80, v0, vm0, $0xb8;
	[tilespmem:$0x19000] =	vst v63  }
0x1bc: {  	s26 =	simm.s32 $0x12C00  }
0x1bd: {  	[tilespmem:s26], [sflag:$0x1] =	stream.indirect_vreg.gather [hbm4b:s6+s2], $0x80, v0, vm1, $0xb8;
	[tilespmem:$0x19000] =	vst v63  }
0x1be: {  	v0 =	vld [tilespmem:$0x8C0];
	_ =	sdelay $0x4  }
0x1bf: {  	v7 =	vshrl.u32 v0, $0x3  }
0x1c0: {  	v7 =	vmul.u32 $0x18, v7  }
0x1c1: {  	v0 =	vand.u32 $0x7, v0  }
0x1c2: {  	v0 =	vor.u32 v0, v7  }
0x1c3: {  	v7 =	vperm.xlane v0, v3;
	_ =	sdelay $0x1  }
0x1c4: {  	v7 =	vadd.s32 v4, v7;
	_ =	sdelay $0x1  }
0x1c5: {  	v0 =	vperm.xlane v0, v5;
	_ =	sdelay $0x1  }
0x1c6: {  	s28 =	simm.s32 $0x13000;
	v0 =	vadd.s32 v4, v0  }
0x1c7: {  	[tilespmem:s28], [sflag:$0x1] =	stream.indirect_vreg.gather [hbm4b:s3+s2], $0x80, v7, vm0, $0xb8;
	[tilespmem:$0x19000] =	vst v63  }
0x1c8: {  	s29 =	simm.s32 $0x13800  }
0x1c9: {  	[tilespmem:s29], [sflag:$0x1] =	stream.indirect_vreg.gather [hbm4b:s6+s2], $0x80, v7, vm1, $0xb8;
	[tilespmem:$0x19000] =	vst v63  }
0x1ca: {  	s30 =	simm.s32 $0x13C00  }
0x1cb: {  	[tilespmem:s30], [sflag:$0x1] =	stream.indirect_vreg.gather [hbm4b:s3+s2], $0x80, v0, vm0, $0xb8;
	[tilespmem:$0x19000] =	vst v63  }
0x1cc: {  	s31 =	simm.s32 $0x14400  }
0x1cd: {  	[tilespmem:s31], [sflag:$0x1] =	stream.indirect_vreg.gather [hbm4b:s6+s2], $0x80, v0, vm1, $0xb8;
	[tilespmem:$0x19000] =	vst v63  }
0x1ce: {  	v0 =	vld [tilespmem:$0x8D0];
	_ =	sdelay $0x4  }
0x1cf: {  	v7 =	vshrl.u32 v0, $0x3  }
0x1d0: {  	v7 =	vmul.u32 $0x18, v7  }
0x1d1: {  	v0 =	vand.u32 $0x7, v0  }
0x1d2: {  	v0 =	vor.u32 v0, v7  }
0x1d3: {  	v7 =	vperm.xlane v0, v3;
	_ =	sdelay $0x1  }
0x1d4: {  	v7 =	vadd.s32 v4, v7;
	_ =	sdelay $0x1  }
0x1d5: {  	v0 =	vperm.xlane v0, v5;
	_ =	sdelay $0x1  }
0x1d6: {  	s10 =	simm.s32 $0x14800;
	v0 =	vadd.s32 v4, v0  }
0x1d7: {  	[tilespmem:s10], [sflag:$0x1] =	stream.indirect_vreg.gather [hbm4b:s3+s2], $0x80, v7, vm0, $0xb8;
	[tilespmem:$0x19000] =	vst v63  }
0x1d8: {  	s11 =	simm.s32 $0x15000  }
0x1d9: {  	[tilespmem:s11], [sflag:$0x1] =	stream.indirect_vreg.gather [hbm4b:s6+s2], $0x80, v7, vm1, $0xb8;
	[tilespmem:$0x19000] =	vst v63  }
0x1da: {  	s12 =	simm.s32 $0x15400  }
0x1db: {  	[tilespmem:s12], [sflag:$0x1] =	stream.indirect_vreg.gather [hbm4b:s3+s2], $0x80, v0, vm0, $0xb8;
	[tilespmem:$0x19000] =	vst v63  }
0x1dc: {  	s16 =	simm.s32 $0x15C00  }
0x1dd: {  	[tilespmem:s16], [sflag:$0x1] =	stream.indirect_vreg.gather [hbm4b:s6+s2], $0x80, v0, vm1, $0xb8;
	[tilespmem:$0x19000] =	vst v63  }
0x1de: {  	v0 =	vld [tilespmem:$0x8E0];
	_ =	sdelay $0x4  }
0x1df: {  	v7 =	vshrl.u32 v0, $0x3  }
0x1e0: {  	v7 =	vmul.u32 $0x18, v7  }
0x1e1: {  	v0 =	vand.u32 $0x7, v0  }
0x1e2: {  	v0 =	vor.u32 v0, v7  }
0x1e3: {  	v7 =	vperm.xlane v0, v3;
	_ =	sdelay $0x1  }
0x1e4: {  	v7 =	vadd.s32 v4, v7;
	_ =	sdelay $0x1  }
0x1e5: {  	v0 =	vperm.xlane v0, v5;
	_ =	sdelay $0x1  }
0x1e6: {  	s19 =	simm.s32 $0x16000;
	v0 =	vadd.s32 v4, v0  }
0x1e7: {  	[tilespmem:s19], [sflag:$0x1] =	stream.indirect_vreg.gather [hbm4b:s3+s2], $0x80, v7, vm0, $0xb8;
	[tilespmem:$0x19000] =	vst v63  }
0x1e8: {  	s20 =	simm.s32 $0x16800  }
0x1e9: {  	[tilespmem:s20], [sflag:$0x1] =	stream.indirect_vreg.gather [hbm4b:s6+s2], $0x80, v7, vm1, $0xb8;
	[tilespmem:$0x19000] =	vst v63  }
0x1ea: {  	s24 =	simm.s32 $0x16C00  }
0x1eb: {  	[tilespmem:s24], [sflag:$0x1] =	stream.indirect_vreg.gather [hbm4b:s3+s2], $0x80, v0, vm0, $0xb8;
	[tilespmem:$0x19000] =	vst v63  }
0x1ec: {  	s26 =	simm.s32 $0x17400  }
0x1ed: {  	[tilespmem:s26], [sflag:$0x1] =	stream.indirect_vreg.gather [hbm4b:s6+s2], $0x80, v0, vm1, $0xb8;
	[tilespmem:$0x19000] =	vst v63  }
0x1ee: {  	v0 =	vld [tilespmem:$0x8F0];
	_ =	sdelay $0x4  }
0x1ef: {  	v7 =	vshrl.u32 v0, $0x3  }
0x1f0: {  	v7 =	vmul.u32 $0x18, v7  }
0x1f1: {  	v0 =	vand.u32 $0x7, v0  }
0x1f2: {  	v0 =	vor.u32 v0, v7  }
0x1f3: {  	v7 =	vperm.xlane v0, v3;
	_ =	sdelay $0x1  }
0x1f4: {  	v7 =	vadd.s32 v4, v7;
	_ =	sdelay $0x1  }
0x1f5: {  	v0 =	vperm.xlane v0, v5;
	_ =	sdelay $0x1  }
0x1f6: {  	s28 =	simm.s32 $0x17800;
	v0 =	vadd.s32 v4, v0  }
0x1f7: {  	[tilespmem:s28], [sflag:$0x1] =	stream.indirect_vreg.gather [hbm4b:s3+s2], $0x80, v7, vm0, $0xb8;
	[tilespmem:$0x19000] =	vst v63  }
0x1f8: {  	s29 =	simm.s32 $0x18000  }
0x1f9: {  	[tilespmem:s29], [sflag:$0x1] =	stream.indirect_vreg.gather [hbm4b:s6+s2], $0x80, v7, vm1, $0xb8;
	[tilespmem:$0x19000] =	vst v63  }
0x1fa: {  	s30 =	simm.s32 $0x18400  }
0x1fb: {  	[tilespmem:s30], [sflag:$0x1] =	stream.indirect_vreg.gather [hbm4b:s3+s2], $0x80, v0, vm0, $0xb8;
	[tilespmem:$0x19000] =	vst v63  }
0x1fc: {  	s31 =	simm.s32 $0x18C00  }
0x1fd: {  	[tilespmem:s31], [sflag:$0x1] =	stream.indirect_vreg.gather [hbm4b:s6+s2], $0x80, v0, vm1, $0xb8;
	[tilespmem:$0x19000] =	vst v63  }
0x1fe: {  	v0 =	vld [tilespmem:$0xC00];
	_ =	sdelay $0x4  }
0x1ff: {  	v7 =	vshrl.u32 v0, $0x3  }
0x200: {  	v7 =	vmul.u32 $0x18, v7  }
0x201: {  	v0 =	vand.u32 $0x7, v0  }
0x202: {  	v0 =	vor.u32 v0, v7  }
0x203: {  	v7 =	vperm.xlane v0, v3;
	_ =	sdelay $0x1  }
0x204: {  	v7 =	vadd.s32 v4, v7;
	_ =	sdelay $0x1  }
0x205: {  	v0 =	vperm.xlane v0, v5;
	_ =	sdelay $0x1  }
0x206: {  	s1 =	simm.s32 $0x1000;
	v0 =	vadd.s32 v4, v0  }
0x207: {  	[hbm4b:s5+s2] =	stream.indirect_vreg.scatter [tilespmem:s1], [sflag:$0x2], $0x80, v7, vm0, $0xb8;
	[tilespmem:$0x19000] =	vst v63  }
0x208: {  	s4 =	simm.s32 $0x1800  }
0x209: {  	[hbm4b:s7+s2] =	stream.indirect_vreg.scatter [tilespmem:s4], [sflag:$0x2], $0x80, v7, vm1, $0xb8;
	[tilespmem:$0x19000] =	vst v63  }
0x20a: {  	s8 =	simm.s32 $0x1C00  }
0x20b: {  	[hbm4b:s5+s2] =	stream.indirect_vreg.scatter [tilespmem:s8], [sflag:$0x2], $0x80, v0, vm0, $0xb8;
	[tilespmem:$0x19000] =	vst v63  }
0x20c: {  	s13 =	simm.s32 $0x2400  }
0x20d: {  	[hbm4b:s7+s2] =	stream.indirect_vreg.scatter [tilespmem:s13], [sflag:$0x2], $0x80, v0, vm1, $0xb8;
	[tilespmem:$0x19000] =	vst v63  }
0x20e: {  	v0 =	vld [tilespmem:$0xC10];
	_ =	sdelay $0x4  }
0x20f: {  	v7 =	vshrl.u32 v0, $0x3  }
0x210: {  	v7 =	vmul.u32 $0x18, v7  }
0x211: {  	v0 =	vand.u32 $0x7, v0  }
0x212: {  	v0 =	vor.u32 v0, v7  }
0x213: {  	v7 =	vperm.xlane v0, v3;
	_ =	sdelay $0x1  }
0x214: {  	v7 =	vadd.s32 v4, v7;
	_ =	sdelay $0x1  }
0x215: {  	v0 =	vperm.xlane v0, v5;
	_ =	sdelay $0x1  }
0x216: {  	s9 =	simm.s32 $0x2800;
	v0 =	vadd.s32 v4, v0  }
0x217: {  	[hbm4b:s5+s2] =	stream.indirect_vreg.scatter [tilespmem:s9], [sflag:$0x2], $0x80, v7, vm0, $0xb8;
	[tilespmem:$0x19000] =	vst v63  }
0x218: {  	s1 =	simm.s32 $0x3000  }
0x219: {  	[hbm4b:s7+s2] =	stream.indirect_vreg.scatter [tilespmem:s1], [sflag:$0x2], $0x80, v7, vm1, $0xb8;
	[tilespmem:$0x19000] =	vst v63  }
0x21a: {  	s4 =	simm.s32 $0x3400  }
0x21b: {  	[hbm4b:s5+s2] =	stream.indirect_vreg.scatter [tilespmem:s4], [sflag:$0x2], $0x80, v0, vm0, $0xb8;
	[tilespmem:$0x19000] =	vst v63  }
0x21c: {  	s14 =	simm.s32 $0x3C00  }
0x21d: {  	[hbm4b:s7+s2] =	stream.indirect_vreg.scatter [tilespmem:s14], [sflag:$0x2], $0x80, v0, vm1, $0xb8;
	[tilespmem:$0x19000] =	vst v63  }
0x21e: {  	v0 =	vld [tilespmem:$0xC20];
	_ =	sdelay $0x4  }
0x21f: {  	v7 =	vshrl.u32 v0, $0x3  }
0x220: {  	v7 =	vmul.u32 $0x18, v7  }
0x221: {  	v0 =	vand.u32 $0x7, v0  }
0x222: {  	v0 =	vor.u32 v0, v7  }
0x223: {  	v7 =	vperm.xlane v0, v3;
	_ =	sdelay $0x1  }
0x224: {  	v7 =	vadd.s32 v4, v7;
	_ =	sdelay $0x1  }
0x225: {  	v0 =	vperm.xlane v0, v5;
	_ =	sdelay $0x1  }
0x226: {  	s8 =	simm.s32 $0x4000;
	v0 =	vadd.s32 v4, v0  }
0x227: {  	[hbm4b:s5+s2] =	stream.indirect_vreg.scatter [tilespmem:s8], [sflag:$0x2], $0x80, v7, vm0, $0xb8;
	[tilespmem:$0x19000] =	vst v63  }
0x228: {  	s9 =	simm.s32 $0x4800  }
0x229: {  	[hbm4b:s7+s2] =	stream.indirect_vreg.scatter [tilespmem:s9], [sflag:$0x2], $0x80, v7, vm1, $0xb8;
	[tilespmem:$0x19000] =	vst v63  }
0x22a: {  	s14 =	simm.s32 $0x4C00  }
0x22b: {  	[hbm4b:s5+s2] =	stream.indirect_vreg.scatter [tilespmem:s14], [sflag:$0x2], $0x80, v0, vm0, $0xb8;
	[tilespmem:$0x19000] =	vst v63  }
0x22c: {  	s15 =	simm.s32 $0x5400  }
0x22d: {  	[hbm4b:s7+s2] =	stream.indirect_vreg.scatter [tilespmem:s15], [sflag:$0x2], $0x80, v0, vm1, $0xb8;
	[tilespmem:$0x19000] =	vst v63  }
0x22e: {  	v0 =	vld [tilespmem:$0xC30];
	_ =	sdelay $0x4  }
0x22f: {  	v7 =	vshrl.u32 v0, $0x3  }
0x230: {  	v7 =	vmul.u32 $0x18, v7  }
0x231: {  	v0 =	vand.u32 $0x7, v0  }
0x232: {  	v0 =	vor.u32 v0, v7  }
0x233: {  	v7 =	vperm.xlane v0, v3;
	_ =	sdelay $0x1  }
0x234: {  	v7 =	vadd.s32 v4, v7;
	_ =	sdelay $0x1  }
0x235: {  	v0 =	vperm.xlane v0, v5;
	_ =	sdelay $0x1  }
0x236: {  	s16 =	simm.s32 $0x5800;
	v0 =	vadd.s32 v4, v0  }
0x237: {  	[hbm4b:s5+s2] =	stream.indirect_vreg.scatter [tilespmem:s16], [sflag:$0x2], $0x80, v7, vm0, $0xb8;
	[tilespmem:$0x19000] =	vst v63  }
0x238: {  	s19 =	simm.s32 $0x6000  }
0x239: {  	[hbm4b:s7+s2] =	stream.indirect_vreg.scatter [tilespmem:s19], [sflag:$0x2], $0x80, v7, vm1, $0xb8;
	[tilespmem:$0x19000] =	vst v63  }
0x23a: {  	s20 =	simm.s32 $0x6400  }
0x23b: {  	[hbm4b:s5+s2] =	stream.indirect_vreg.scatter [tilespmem:s20], [sflag:$0x2], $0x80, v0, vm0, $0xb8;
	[tilespmem:$0x19000] =	vst v63  }
0x23c: {  	s17 =	simm.s32 $0x6C00  }
0x23d: {  	[hbm4b:s7+s2] =	stream.indirect_vreg.scatter [tilespmem:s17], [sflag:$0x2], $0x80, v0, vm1, $0xb8;
	[tilespmem:$0x19000] =	vst v63  }
0x23e: {  	v0 =	vld [tilespmem:$0xC40];
	_ =	sdelay $0x4  }
0x23f: {  	v7 =	vshrl.u32 v0, $0x3  }
0x240: {  	v7 =	vmul.u32 $0x18, v7  }
0x241: {  	v0 =	vand.u32 $0x7, v0  }
0x242: {  	v0 =	vor.u32 v0, v7  }
0x243: {  	v7 =	vperm.xlane v0, v3;
	_ =	sdelay $0x1  }
0x244: {  	v7 =	vadd.s32 v4, v7;
	_ =	sdelay $0x1  }
0x245: {  	v0 =	vperm.xlane v0, v5;
	_ =	sdelay $0x1  }
0x246: {  	s24 =	simm.s32 $0x7000;
	v0 =	vadd.s32 v4, v0  }
0x247: {  	[hbm4b:s5+s2] =	stream.indirect_vreg.scatter [tilespmem:s24], [sflag:$0x2], $0x80, v7, vm0, $0xb8;
	[tilespmem:$0x19000] =	vst v63  }
0x248: {  	s18 =	simm.s32 $0x7800  }
0x249: {  	[hbm4b:s7+s2] =	stream.indirect_vreg.scatter [tilespmem:s18], [sflag:$0x2], $0x80, v7, vm1, $0xb8;
	[tilespmem:$0x19000] =	vst v63  }
0x24a: {  	s26 =	simm.s32 $0x7C00  }
0x24b: {  	[hbm4b:s5+s2] =	stream.indirect_vreg.scatter [tilespmem:s26], [sflag:$0x2], $0x80, v0, vm0, $0xb8;
	[tilespmem:$0x19000] =	vst v63  }
0x24c: {  	s22 =	simm.s32 $0x8400  }
0x24d: {  	[hbm4b:s7+s2] =	stream.indirect_vreg.scatter [tilespmem:s22], [sflag:$0x2], $0x80, v0, vm1, $0xb8;
	[tilespmem:$0x19000] =	vst v63  }
0x24e: {  	v0 =	vld [tilespmem:$0xC50];
	_ =	sdelay $0x4  }
0x24f: {  	v7 =	vshrl.u32 v0, $0x3  }
0x250: {  	v7 =	vmul.u32 $0x18, v7  }
0x251: {  	v0 =	vand.u32 $0x7, v0  }
0x252: {  	v0 =	vor.u32 v0, v7  }
0x253: {  	v7 =	vperm.xlane v0, v3;
	_ =	sdelay $0x1  }
0x254: {  	v7 =	vadd.s32 v4, v7;
	_ =	sdelay $0x1  }
0x255: {  	v0 =	vperm.xlane v0, v5;
	_ =	sdelay $0x1  }
0x256: {  	s21 =	simm.s32 $0x8800;
	v0 =	vadd.s32 v4, v0  }
0x257: {  	[hbm4b:s5+s2] =	stream.indirect_vreg.scatter [tilespmem:s21], [sflag:$0x2], $0x80, v7, vm0, $0xb8;
	[tilespmem:$0x19000] =	vst v63  }
0x258: {  	s28 =	simm.s32 $0x9000  }
0x259: {  	[hbm4b:s7+s2] =	stream.indirect_vreg.scatter [tilespmem:s28], [sflag:$0x2], $0x80, v7, vm1, $0xb8;
	[tilespmem:$0x19000] =	vst v63  }
0x25a: {  	s18 =	simm.s32 $0x9400  }
0x25b: {  	[hbm4b:s5+s2] =	stream.indirect_vreg.scatter [tilespmem:s18], [sflag:$0x2], $0x80, v0, vm0, $0xb8;
	[tilespmem:$0x19000] =	vst v63  }
0x25c: {  	s23 =	simm.s32 $0x9C00  }
0x25d: {  	[hbm4b:s7+s2] =	stream.indirect_vreg.scatter [tilespmem:s23], [sflag:$0x2], $0x80, v0, vm1, $0xb8;
	[tilespmem:$0x19000] =	vst v63  }
0x25e: {  	v0 =	vld [tilespmem:$0xC60];
	_ =	sdelay $0x4  }
0x25f: {  	v7 =	vshrl.u32 v0, $0x3  }
0x260: {  	v7 =	vmul.u32 $0x18, v7  }
0x261: {  	v0 =	vand.u32 $0x7, v0  }
0x262: {  	v0 =	vor.u32 v0, v7  }
0x263: {  	v7 =	vperm.xlane v0, v3;
	_ =	sdelay $0x1  }
0x264: {  	v7 =	vadd.s32 v4, v7;
	_ =	sdelay $0x1  }
0x265: {  	v0 =	vperm.xlane v0, v5;
	_ =	sdelay $0x1  }
0x266: {  	s21 =	simm.s32 $0xA000;
	v0 =	vadd.s32 v4, v0  }
0x267: {  	[hbm4b:s5+s2] =	stream.indirect_vreg.scatter [tilespmem:s21], [sflag:$0x2], $0x80, v7, vm0, $0xb8;
	[tilespmem:$0x19000] =	vst v63  }
0x268: {  	s23 =	simm.s32 $0xA800  }
0x269: {  	[hbm4b:s7+s2] =	stream.indirect_vreg.scatter [tilespmem:s23], [sflag:$0x2], $0x80, v7, vm1, $0xb8;
	[tilespmem:$0x19000] =	vst v63  }
0x26a: {  	s24 =	simm.s32 $0xAC00  }
0x26b: {  	[hbm4b:s5+s2] =	stream.indirect_vreg.scatter [tilespmem:s24], [sflag:$0x2], $0x80, v0, vm0, $0xb8;
	[tilespmem:$0x19000] =	vst v63  }
0x26c: {  	s25 =	simm.s32 $0xB400  }
0x26d: {  	[hbm4b:s7+s2] =	stream.indirect_vreg.scatter [tilespmem:s25], [sflag:$0x2], $0x80, v0, vm1, $0xb8;
	[tilespmem:$0x19000] =	vst v63  }
0x26e: {  	v0 =	vld [tilespmem:$0xC70];
	_ =	sdelay $0x4  }
0x26f: {  	v7 =	vshrl.u32 v0, $0x3  }
0x270: {  	v7 =	vmul.u32 $0x18, v7  }
0x271: {  	v0 =	vand.u32 $0x7, v0  }
0x272: {  	v0 =	vor.u32 v0, v7  }
0x273: {  	v7 =	vperm.xlane v0, v3;
	_ =	sdelay $0x1  }
0x274: {  	v7 =	vadd.s32 v4, v7;
	_ =	sdelay $0x1  }
0x275: {  	v0 =	vperm.xlane v0, v5;
	_ =	sdelay $0x1  }
0x276: {  	s25 =	simm.s32 $0xB800;
	v0 =	vadd.s32 v4, v0  }
0x277: {  	[hbm4b:s5+s2] =	stream.indirect_vreg.scatter [tilespmem:s25], [sflag:$0x2], $0x80, v7, vm0, $0xb8;
	[tilespmem:$0x19000] =	vst v63  }
0x278: {  	s26 =	simm.s32 $0xC000  }
0x279: {  	[hbm4b:s7+s2] =	stream.indirect_vreg.scatter [tilespmem:s26], [sflag:$0x2], $0x80, v7, vm1, $0xb8;
	[tilespmem:$0x19000] =	vst v63  }
0x27a: {  	s28 =	simm.s32 $0xC400  }
0x27b: {  	[hbm4b:s5+s2] =	stream.indirect_vreg.scatter [tilespmem:s28], [sflag:$0x2], $0x80, v0, vm0, $0xb8;
	[tilespmem:$0x19000] =	vst v63  }
0x27c: {  	s0 =	simm.s32 $0xCC00  }
0x27d: {  	[hbm4b:s7+s2] =	stream.indirect_vreg.scatter [tilespmem:s0], [sflag:$0x2], $0x80, v0, vm1, $0xb8;
	[tilespmem:$0x19000] =	vst v63  }
0x27e: {  	s0 =	simm.s32 $0x2  }
0x27f: {  	_ =	swait.ge [sflag:s0], $0xC000  }
0x280: {  	[sflag:s0] =	ssyncset.done $0x0  }
0x281: {  	[sflag:s0] =	ssyncadd.s32 $0xFFFF4000;
	s0 =	simm.s32 $0x1  }
0x282: {  	_ =	swait.ge [sflag:s0], $0xC000  }
0x283: {  	[sflag:s0] =	ssyncset.done $0x0  }
0x284: {  	[sflag:s0] =	ssyncadd.s32 $0xFFFF4000  }
0x285: {  	v0 =	vld [tilespmem:$0x900];
	_ =	sdelay $0x4  }
0x286: {  	v7 =	vshrl.u32 v0, $0x3  }
0x287: {  	v7 =	vmul.u32 $0x18, v7  }
0x288: {  	v0 =	vand.u32 $0x7, v0  }
0x289: {  	v0 =	vor.u32 v0, v7  }
0x28a: {  	v7 =	vperm.xlane v0, v3;
	_ =	sdelay $0x1  }
0x28b: {  	v7 =	vadd.s32 v4, v7;
	_ =	sdelay $0x1  }
0x28c: {  	v0 =	vperm.xlane v0, v5;
	_ =	sdelay $0x1  }
0x28d: {  	s10 =	simm.s32 $0x1000;
	v0 =	vadd.s32 v4, v0  }
0x28e: {  	[tilespmem:s10], [sflag:$0x1] =	stream.indirect_vreg.gather [hbm4b:s3+s2], $0x80, v7, vm0, $0xb8;
	[tilespmem:$0x19000] =	vst v63  }
0x28f: {  	s11 =	simm.s32 $0x1800  }
0x290: {  	[tilespmem:s11], [sflag:$0x1] =	stream.indirect_vreg.gather [hbm4b:s6+s2], $0x80, v7, vm1, $0xb8;
	[tilespmem:$0x19000] =	vst v63  }
0x291: {  	s12 =	simm.s32 $0x1C00  }
0x292: {  	[tilespmem:s12], [sflag:$0x1] =	stream.indirect_vreg.gather [hbm4b:s3+s2], $0x80, v0, vm0, $0xb8;
	[tilespmem:$0x19000] =	vst v63  }
0x293: {  	s29 =	simm.s32 $0x2400  }
0x294: {  	[tilespmem:s29], [sflag:$0x1] =	stream.indirect_vreg.gather [hbm4b:s6+s2], $0x80, v0, vm1, $0xb8;
	[tilespmem:$0x19000] =	vst v63  }
0x295: {  	v0 =	vld [tilespmem:$0x910];
	_ =	sdelay $0x4  }
0x296: {  	v7 =	vshrl.u32 v0, $0x3  }
0x297: {  	v7 =	vmul.u32 $0x18, v7  }
0x298: {  	v0 =	vand.u32 $0x7, v0  }
0x299: {  	v0 =	vor.u32 v0, v7  }
0x29a: {  	v7 =	vperm.xlane v0, v3;
	_ =	sdelay $0x1  }
0x29b: {  	v7 =	vadd.s32 v4, v7;
	_ =	sdelay $0x1  }
0x29c: {  	v0 =	vperm.xlane v0, v5;
	_ =	sdelay $0x1  }
0x29d: {  	s13 =	simm.s32 $0x2800;
	v0 =	vadd.s32 v4, v0  }
0x29e: {  	[tilespmem:s13], [sflag:$0x1] =	stream.indirect_vreg.gather [hbm4b:s3+s2], $0x80, v7, vm0, $0xb8;
	[tilespmem:$0x19000] =	vst v63  }
0x29f: {  	s13 =	simm.s32 $0x3000  }
0x2a0: {  	[tilespmem:s13], [sflag:$0x1] =	stream.indirect_vreg.gather [hbm4b:s6+s2], $0x80, v7, vm1, $0xb8;
	[tilespmem:$0x19000] =	vst v63  }
0x2a1: {  	s1 =	simm.s32 $0x3400  }
0x2a2: {  	[tilespmem:s1], [sflag:$0x1] =	stream.indirect_vreg.gather [hbm4b:s3+s2], $0x80, v0, vm0, $0xb8;
	[tilespmem:$0x19000] =	vst v63  }
0x2a3: {  	s30 =	simm.s32 $0x3C00  }
0x2a4: {  	[tilespmem:s30], [sflag:$0x1] =	stream.indirect_vreg.gather [hbm4b:s6+s2], $0x80, v0, vm1, $0xb8;
	[tilespmem:$0x19000] =	vst v63  }
0x2a5: {  	v0 =	vld [tilespmem:$0x920];
	_ =	sdelay $0x4  }
0x2a6: {  	v7 =	vshrl.u32 v0, $0x3  }
0x2a7: {  	v7 =	vmul.u32 $0x18, v7  }
0x2a8: {  	v0 =	vand.u32 $0x7, v0  }
0x2a9: {  	v0 =	vor.u32 v0, v7  }
0x2aa: {  	v7 =	vperm.xlane v0, v3;
	_ =	sdelay $0x1  }
0x2ab: {  	v7 =	vadd.s32 v4, v7;
	_ =	sdelay $0x1  }
0x2ac: {  	v0 =	vperm.xlane v0, v5;
	_ =	sdelay $0x1  }
0x2ad: {  	s4 =	simm.s32 $0x4000;
	v0 =	vadd.s32 v4, v0  }
0x2ae: {  	[tilespmem:s4], [sflag:$0x1] =	stream.indirect_vreg.gather [hbm4b:s3+s2], $0x80, v7, vm0, $0xb8;
	[tilespmem:$0x19000] =	vst v63  }
0x2af: {  	s8 =	simm.s32 $0x4800  }
0x2b0: {  	[tilespmem:s8], [sflag:$0x1] =	stream.indirect_vreg.gather [hbm4b:s6+s2], $0x80, v7, vm1, $0xb8;
	[tilespmem:$0x19000] =	vst v63  }
0x2b1: {  	s9 =	simm.s32 $0x4C00  }
0x2b2: {  	[tilespmem:s9], [sflag:$0x1] =	stream.indirect_vreg.gather [hbm4b:s3+s2], $0x80, v0, vm0, $0xb8;
	[tilespmem:$0x19000] =	vst v63  }
0x2b3: {  	s31 =	simm.s32 $0x5400  }
0x2b4: {  	[tilespmem:s31], [sflag:$0x1] =	stream.indirect_vreg.gather [hbm4b:s6+s2], $0x80, v0, vm1, $0xb8;
	[tilespmem:$0x19000] =	vst v63  }
0x2b5: {  	v0 =	vld [tilespmem:$0x930];
	_ =	sdelay $0x4  }
0x2b6: {  	v7 =	vshrl.u32 v0, $0x3  }
0x2b7: {  	v7 =	vmul.u32 $0x18, v7  }
0x2b8: {  	v0 =	vand.u32 $0x7, v0  }
0x2b9: {  	v0 =	vor.u32 v0, v7  }
0x2ba: {  	v7 =	vperm.xlane v0, v3;
	_ =	sdelay $0x1  }
0x2bb: {  	v7 =	vadd.s32 v4, v7;
	_ =	sdelay $0x1  }
0x2bc: {  	v0 =	vperm.xlane v0, v5;
	_ =	sdelay $0x1  }
0x2bd: {  	s14 =	simm.s32 $0x5800;
	v0 =	vadd.s32 v4, v0  }
0x2be: {  	[tilespmem:s14], [sflag:$0x1] =	stream.indirect_vreg.gather [hbm4b:s3+s2], $0x80, v7, vm0, $0xb8;
	[tilespmem:$0x19000] =	vst v63  }
0x2bf: {  	s15 =	simm.s32 $0x6000  }
0x2c0: {  	[tilespmem:s15], [sflag:$0x1] =	stream.indirect_vreg.gather [hbm4b:s6+s2], $0x80, v7, vm1, $0xb8;
	[tilespmem:$0x19000] =	vst v63  }
0x2c1: {  	s16 =	simm.s32 $0x6400  }
0x2c2: {  	[tilespmem:s16], [sflag:$0x1] =	stream.indirect_vreg.gather [hbm4b:s3+s2], $0x80, v0, vm0, $0xb8;
	[tilespmem:$0x19000] =	vst v63  }
0x2c3: {  	s16 =	simm.s32 $0x6C00  }
0x2c4: {  	[tilespmem:s16], [sflag:$0x1] =	stream.indirect_vreg.gather [hbm4b:s6+s2], $0x80, v0, vm1, $0xb8;
	[tilespmem:$0x19000] =	vst v63  }
0x2c5: {  	v0 =	vld [tilespmem:$0x940];
	_ =	sdelay $0x4  }
0x2c6: {  	v7 =	vshrl.u32 v0, $0x3  }
0x2c7: {  	v7 =	vmul.u32 $0x18, v7  }
0x2c8: {  	v0 =	vand.u32 $0x7, v0  }
0x2c9: {  	v0 =	vor.u32 v0, v7  }
0x2ca: {  	v7 =	vperm.xlane v0, v3;
	_ =	sdelay $0x1  }
0x2cb: {  	v7 =	vadd.s32 v4, v7;
	_ =	sdelay $0x1  }
0x2cc: {  	v0 =	vperm.xlane v0, v5;
	_ =	sdelay $0x1  }
0x2cd: {  	s17 =	simm.s32 $0x7000;
	v0 =	vadd.s32 v4, v0  }
0x2ce: {  	[tilespmem:s17], [sflag:$0x1] =	stream.indirect_vreg.gather [hbm4b:s3+s2], $0x80, v7, vm0, $0xb8;
	[tilespmem:$0x19000] =	vst v63  }
0x2cf: {  	s19 =	simm.s32 $0x7800  }
0x2d0: {  	[tilespmem:s19], [sflag:$0x1] =	stream.indirect_vreg.gather [hbm4b:s6+s2], $0x80, v7, vm1, $0xb8;
	[tilespmem:$0x19000] =	vst v63  }
0x2d1: {  	s20 =	simm.s32 $0x7C00  }
0x2d2: {  	[tilespmem:s20], [sflag:$0x1] =	stream.indirect_vreg.gather [hbm4b:s3+s2], $0x80, v0, vm0, $0xb8;
	[tilespmem:$0x19000] =	vst v63  }
0x2d3: {  	s19 =	simm.s32 $0x8400  }
0x2d4: {  	[tilespmem:s19], [sflag:$0x1] =	stream.indirect_vreg.gather [hbm4b:s6+s2], $0x80, v0, vm1, $0xb8;
	[tilespmem:$0x19000] =	vst v63  }
0x2d5: {  	v0 =	vld [tilespmem:$0x950];
	_ =	sdelay $0x4  }
0x2d6: {  	v7 =	vshrl.u32 v0, $0x3  }
0x2d7: {  	v7 =	vmul.u32 $0x18, v7  }
0x2d8: {  	v0 =	vand.u32 $0x7, v0  }
0x2d9: {  	v0 =	vor.u32 v0, v7  }
0x2da: {  	v7 =	vperm.xlane v0, v3;
	_ =	sdelay $0x1  }
0x2db: {  	v7 =	vadd.s32 v4, v7;
	_ =	sdelay $0x1  }
0x2dc: {  	v0 =	vperm.xlane v0, v5;
	_ =	sdelay $0x1  }
0x2dd: {  	s22 =	simm.s32 $0x8800;
	v0 =	vadd.s32 v4, v0  }
0x2de: {  	[tilespmem:s22], [sflag:$0x1] =	stream.indirect_vreg.gather [hbm4b:s3+s2], $0x80, v7, vm0, $0xb8;
	[tilespmem:$0x19000] =	vst v63  }
0x2df: {  	s20 =	simm.s32 $0x9000  }
0x2e0: {  	[tilespmem:s20], [sflag:$0x1] =	stream.indirect_vreg.gather [hbm4b:s6+s2], $0x80, v7, vm1, $0xb8;
	[tilespmem:$0x19000] =	vst v63  }
0x2e1: {  	s18 =	simm.s32 $0x9400  }
0x2e2: {  	[tilespmem:s18], [sflag:$0x1] =	stream.indirect_vreg.gather [hbm4b:s3+s2], $0x80, v0, vm0, $0xb8;
	[tilespmem:$0x19000] =	vst v63  }
0x2e3: {  	s22 =	simm.s32 $0x9C00  }
0x2e4: {  	[tilespmem:s22], [sflag:$0x1] =	stream.indirect_vreg.gather [hbm4b:s6+s2], $0x80, v0, vm1, $0xb8;
	[tilespmem:$0x19000] =	vst v63  }
0x2e5: {  	v0 =	vld [tilespmem:$0x960];
	_ =	sdelay $0x4  }
0x2e6: {  	v7 =	vshrl.u32 v0, $0x3  }
0x2e7: {  	v7 =	vmul.u32 $0x18, v7  }
0x2e8: {  	v0 =	vand.u32 $0x7, v0  }
0x2e9: {  	v0 =	vor.u32 v0, v7  }
0x2ea: {  	v7 =	vperm.xlane v0, v3;
	_ =	sdelay $0x1  }
0x2eb: {  	v7 =	vadd.s32 v4, v7;
	_ =	sdelay $0x1  }
0x2ec: {  	v0 =	vperm.xlane v0, v5;
	_ =	sdelay $0x1  }
0x2ed: {  	s21 =	simm.s32 $0xA000;
	v0 =	vadd.s32 v4, v0  }
0x2ee: {  	[tilespmem:s21], [sflag:$0x1] =	stream.indirect_vreg.gather [hbm4b:s3+s2], $0x80, v7, vm0, $0xb8;
	[tilespmem:$0x19000] =	vst v63  }
0x2ef: {  	s23 =	simm.s32 $0xA800  }
0x2f0: {  	[tilespmem:s23], [sflag:$0x1] =	stream.indirect_vreg.gather [hbm4b:s6+s2], $0x80, v7, vm1, $0xb8;
	[tilespmem:$0x19000] =	vst v63  }
0x2f1: {  	s24 =	simm.s32 $0xAC00  }
0x2f2: {  	[tilespmem:s24], [sflag:$0x1] =	stream.indirect_vreg.gather [hbm4b:s3+s2], $0x80, v0, vm0, $0xb8;
	[tilespmem:$0x19000] =	vst v63  }
0x2f3: {  	s23 =	simm.s32 $0xB400  }
0x2f4: {  	[tilespmem:s23], [sflag:$0x1] =	stream.indirect_vreg.gather [hbm4b:s6+s2], $0x80, v0, vm1, $0xb8;
	[tilespmem:$0x19000] =	vst v63  }
0x2f5: {  	v0 =	vld [tilespmem:$0x970];
	_ =	sdelay $0x4  }
0x2f6: {  	v7 =	vshrl.u32 v0, $0x3  }
0x2f7: {  	v7 =	vmul.u32 $0x18, v7  }
0x2f8: {  	v0 =	vand.u32 $0x7, v0  }
0x2f9: {  	v0 =	vor.u32 v0, v7  }
0x2fa: {  	v7 =	vperm.xlane v0, v3;
	_ =	sdelay $0x1  }
0x2fb: {  	v7 =	vadd.s32 v4, v7;
	_ =	sdelay $0x1  }
0x2fc: {  	v0 =	vperm.xlane v0, v5;
	_ =	sdelay $0x1  }
0x2fd: {  	s25 =	simm.s32 $0xB800;
	v0 =	vadd.s32 v4, v0  }
0x2fe: {  	[tilespmem:s25], [sflag:$0x1] =	stream.indirect_vreg.gather [hbm4b:s3+s2], $0x80, v7, vm0, $0xb8;
	[tilespmem:$0x19000] =	vst v63  }
0x2ff: {  	s26 =	simm.s32 $0xC000  }
0x300: {  	[tilespmem:s26], [sflag:$0x1] =	stream.indirect_vreg.gather [hbm4b:s6+s2], $0x80, v7, vm1, $0xb8;
	[tilespmem:$0x19000] =	vst v63  }
0x301: {  	s28 =	simm.s32 $0xC400  }
0x302: {  	[tilespmem:s28], [sflag:$0x1] =	stream.indirect_vreg.gather [hbm4b:s3+s2], $0x80, v0, vm0, $0xb8;
	[tilespmem:$0x19000] =	vst v63  }
0x303: {  	s24 =	simm.s32 $0xCC00  }
0x304: {  	[tilespmem:s24], [sflag:$0x1] =	stream.indirect_vreg.gather [hbm4b:s6+s2], $0x80, v0, vm1, $0xb8;
	[tilespmem:$0x19000] =	vst v63  }
0x305: {  	v0 =	vld [tilespmem:$0xC80];
	_ =	sdelay $0x4  }
0x306: {  	v7 =	vshrl.u32 v0, $0x3  }
0x307: {  	v7 =	vmul.u32 $0x18, v7  }
0x308: {  	v0 =	vand.u32 $0x7, v0  }
0x309: {  	v0 =	vor.u32 v0, v7  }
0x30a: {  	v7 =	vperm.xlane v0, v3;
	_ =	sdelay $0x1  }
0x30b: {  	v7 =	vadd.s32 v4, v7;
	_ =	sdelay $0x1  }
0x30c: {  	v0 =	vperm.xlane v0, v5;
	_ =	sdelay $0x1  }
0x30d: {  	s0 =	simm.s32 $0xD000;
	v0 =	vadd.s32 v4, v0  }
0x30e: {  	[hbm4b:s5+s2] =	stream.indirect_vreg.scatter [tilespmem:s0], [sflag:$0x2], $0x80, v7, vm0, $0xb8;
	[tilespmem:$0x19000] =	vst v63  }
0x30f: {  	s25 =	simm.s32 $0xD800  }
0x310: {  	[hbm4b:s7+s2] =	stream.indirect_vreg.scatter [tilespmem:s25], [sflag:$0x2], $0x80, v7, vm1, $0xb8;
	[tilespmem:$0x19000] =	vst v63  }
0x311: {  	s1 =	simm.s32 $0xDC00  }
0x312: {  	[hbm4b:s5+s2] =	stream.indirect_vreg.scatter [tilespmem:s1], [sflag:$0x2], $0x80, v0, vm0, $0xb8;
	[tilespmem:$0x19000] =	vst v63  }
0x313: {  	s26 =	simm.s32 $0xE400  }
0x314: {  	[hbm4b:s7+s2] =	stream.indirect_vreg.scatter [tilespmem:s26], [sflag:$0x2], $0x80, v0, vm1, $0xb8;
	[tilespmem:$0x19000] =	vst v63  }
0x315: {  	v0 =	vld [tilespmem:$0xC90];
	_ =	sdelay $0x4  }
0x316: {  	v7 =	vshrl.u32 v0, $0x3  }
0x317: {  	v7 =	vmul.u32 $0x18, v7  }
0x318: {  	v0 =	vand.u32 $0x7, v0  }
0x319: {  	v0 =	vor.u32 v0, v7  }
0x31a: {  	v7 =	vperm.xlane v0, v3;
	_ =	sdelay $0x1  }
0x31b: {  	v7 =	vadd.s32 v4, v7;
	_ =	sdelay $0x1  }
0x31c: {  	v0 =	vperm.xlane v0, v5;
	_ =	sdelay $0x1  }
0x31d: {  	s10 =	simm.s32 $0xE800;
	v0 =	vadd.s32 v4, v0  }
0x31e: {  	[hbm4b:s5+s2] =	stream.indirect_vreg.scatter [tilespmem:s10], [sflag:$0x2], $0x80, v7, vm0, $0xb8;
	[tilespmem:$0x19000] =	vst v63  }
0x31f: {  	s13 =	simm.s32 $0xF000  }
0x320: {  	[hbm4b:s7+s2] =	stream.indirect_vreg.scatter [tilespmem:s13], [sflag:$0x2], $0x80, v7, vm1, $0xb8;
	[tilespmem:$0x19000] =	vst v63  }
0x321: {  	s11 =	simm.s32 $0xF400  }
0x322: {  	[hbm4b:s5+s2] =	stream.indirect_vreg.scatter [tilespmem:s11], [sflag:$0x2], $0x80, v0, vm0, $0xb8;
	[tilespmem:$0x19000] =	vst v63  }
0x323: {  	s28 =	simm.s32 $0xFC00  }
0x324: {  	[hbm4b:s7+s2] =	stream.indirect_vreg.scatter [tilespmem:s28], [sflag:$0x2], $0x80, v0, vm1, $0xb8;
	[tilespmem:$0x19000] =	vst v63  }
0x325: {  	v0 =	vld [tilespmem:$0xCA0];
	_ =	sdelay $0x4  }
0x326: {  	v7 =	vshrl.u32 v0, $0x3  }
0x327: {  	v7 =	vmul.u32 $0x18, v7  }
0x328: {  	v0 =	vand.u32 $0x7, v0  }
0x329: {  	v0 =	vor.u32 v0, v7  }
0x32a: {  	v7 =	vperm.xlane v0, v3;
	_ =	sdelay $0x1  }
0x32b: {  	v7 =	vadd.s32 v4, v7;
	_ =	sdelay $0x1  }
0x32c: {  	v0 =	vperm.xlane v0, v5;
	_ =	sdelay $0x1  }
0x32d: {  	s14 =	simm.s32 $0x10000;
	v0 =	vadd.s32 v4, v0  }
0x32e: {  	[hbm4b:s5+s2] =	stream.indirect_vreg.scatter [tilespmem:s14], [sflag:$0x2], $0x80, v7, vm0, $0xb8;
	[tilespmem:$0x19000] =	vst v63  }
0x32f: {  	s12 =	simm.s32 $0x10800  }
0x330: {  	[hbm4b:s7+s2] =	stream.indirect_vreg.scatter [tilespmem:s12], [sflag:$0x2], $0x80, v7, vm1, $0xb8;
	[tilespmem:$0x19000] =	vst v63  }
0x331: {  	s15 =	simm.s32 $0x10C00  }
0x332: {  	[hbm4b:s5+s2] =	stream.indirect_vreg.scatter [tilespmem:s15], [sflag:$0x2], $0x80, v0, vm0, $0xb8;
	[tilespmem:$0x19000] =	vst v63  }
0x333: {  	s29 =	simm.s32 $0x11400  }
0x334: {  	[hbm4b:s7+s2] =	stream.indirect_vreg.scatter [tilespmem:s29], [sflag:$0x2], $0x80, v0, vm1, $0xb8;
	[tilespmem:$0x19000] =	vst v63  }
0x335: {  	v0 =	vld [tilespmem:$0xCB0];
	_ =	sdelay $0x4  }
0x336: {  	v7 =	vshrl.u32 v0, $0x3  }
0x337: {  	v7 =	vmul.u32 $0x18, v7  }
0x338: {  	v0 =	vand.u32 $0x7, v0  }
0x339: {  	v0 =	vor.u32 v0, v7  }
0x33a: {  	v7 =	vperm.xlane v0, v3;
	_ =	sdelay $0x1  }
0x33b: {  	v7 =	vadd.s32 v4, v7;
	_ =	sdelay $0x1  }
0x33c: {  	v0 =	vperm.xlane v0, v5;
	_ =	sdelay $0x1  }
0x33d: {  	s17 =	simm.s32 $0x11800;
	v0 =	vadd.s32 v4, v0  }
0x33e: {  	[hbm4b:s5+s2] =	stream.indirect_vreg.scatter [tilespmem:s17], [sflag:$0x2], $0x80, v7, vm0, $0xb8;
	[tilespmem:$0x19000] =	vst v63  }
0x33f: {  	s16 =	simm.s32 $0x12000  }
0x340: {  	[hbm4b:s7+s2] =	stream.indirect_vreg.scatter [tilespmem:s16], [sflag:$0x2], $0x80, v7, vm1, $0xb8;
	[tilespmem:$0x19000] =	vst v63  }
0x341: {  	s18 =	simm.s32 $0x12400  }
0x342: {  	[hbm4b:s5+s2] =	stream.indirect_vreg.scatter [tilespmem:s18], [sflag:$0x2], $0x80, v0, vm0, $0xb8;
	[tilespmem:$0x19000] =	vst v63  }
0x343: {  	s30 =	simm.s32 $0x12C00  }
0x344: {  	[hbm4b:s7+s2] =	stream.indirect_vreg.scatter [tilespmem:s30], [sflag:$0x2], $0x80, v0, vm1, $0xb8;
	[tilespmem:$0x19000] =	vst v63  }
0x345: {  	v0 =	vld [tilespmem:$0xCC0];
	_ =	sdelay $0x4  }
0x346: {  	v7 =	vshrl.u32 v0, $0x3  }
0x347: {  	v7 =	vmul.u32 $0x18, v7  }
0x348: {  	v0 =	vand.u32 $0x7, v0  }
0x349: {  	v0 =	vor.u32 v0, v7  }
0x34a: {  	v7 =	vperm.xlane v0, v3;
	_ =	sdelay $0x1  }
0x34b: {  	v7 =	vadd.s32 v4, v7;
	_ =	sdelay $0x1  }
0x34c: {  	v0 =	vperm.xlane v0, v5;
	_ =	sdelay $0x1  }
0x34d: {  	s20 =	simm.s32 $0x13000;
	v0 =	vadd.s32 v4, v0  }
0x34e: {  	[hbm4b:s5+s2] =	stream.indirect_vreg.scatter [tilespmem:s20], [sflag:$0x2], $0x80, v7, vm0, $0xb8;
	[tilespmem:$0x19000] =	vst v63  }
0x34f: {  	s19 =	simm.s32 $0x13800  }
0x350: {  	[hbm4b:s7+s2] =	stream.indirect_vreg.scatter [tilespmem:s19], [sflag:$0x2], $0x80, v7, vm1, $0xb8;
	[tilespmem:$0x19000] =	vst v63  }
0x351: {  	s21 =	simm.s32 $0x13C00  }
0x352: {  	[hbm4b:s5+s2] =	stream.indirect_vreg.scatter [tilespmem:s21], [sflag:$0x2], $0x80, v0, vm0, $0xb8;
	[tilespmem:$0x19000] =	vst v63  }
0x353: {  	s31 =	simm.s32 $0x14400  }
0x354: {  	[hbm4b:s7+s2] =	stream.indirect_vreg.scatter [tilespmem:s31], [sflag:$0x2], $0x80, v0, vm1, $0xb8;
	[tilespmem:$0x19000] =	vst v63  }
0x355: {  	v0 =	vld [tilespmem:$0xCD0];
	_ =	sdelay $0x4  }
0x356: {  	v7 =	vshrl.u32 v0, $0x3  }
0x357: {  	v7 =	vmul.u32 $0x18, v7  }
0x358: {  	v0 =	vand.u32 $0x7, v0  }
0x359: {  	v0 =	vor.u32 v0, v7  }
0x35a: {  	v7 =	vperm.xlane v0, v3;
	_ =	sdelay $0x1  }
0x35b: {  	v7 =	vadd.s32 v4, v7;
	_ =	sdelay $0x1  }
0x35c: {  	v0 =	vperm.xlane v0, v5;
	_ =	sdelay $0x1  }
0x35d: {  	s23 =	simm.s32 $0x14800;
	v0 =	vadd.s32 v4, v0  }
0x35e: {  	[hbm4b:s5+s2] =	stream.indirect_vreg.scatter [tilespmem:s23], [sflag:$0x2], $0x80, v7, vm0, $0xb8;
	[tilespmem:$0x19000] =	vst v63  }
0x35f: {  	s22 =	simm.s32 $0x15000  }
0x360: {  	[hbm4b:s7+s2] =	stream.indirect_vreg.scatter [tilespmem:s22], [sflag:$0x2], $0x80, v7, vm1, $0xb8;
	[tilespmem:$0x19000] =	vst v63  }
0x361: {  	s24 =	simm.s32 $0x15400  }
0x362: {  	[hbm4b:s5+s2] =	stream.indirect_vreg.scatter [tilespmem:s24], [sflag:$0x2], $0x80, v0, vm0, $0xb8;
	[tilespmem:$0x19000] =	vst v63  }
0x363: {  	s8 =	simm.s32 $0x15C00  }
0x364: {  	[hbm4b:s7+s2] =	stream.indirect_vreg.scatter [tilespmem:s8], [sflag:$0x2], $0x80, v0, vm1, $0xb8;
	[tilespmem:$0x19000] =	vst v63  }
0x365: {  	v0 =	vld [tilespmem:$0xCE0];
	_ =	sdelay $0x4  }
0x366: {  	v7 =	vshrl.u32 v0, $0x3  }
0x367: {  	v7 =	vmul.u32 $0x18, v7  }
0x368: {  	v0 =	vand.u32 $0x7, v0  }
0x369: {  	v0 =	vor.u32 v0, v7  }
0x36a: {  	v7 =	vperm.xlane v0, v3;
	_ =	sdelay $0x1  }
0x36b: {  	v7 =	vadd.s32 v4, v7;
	_ =	sdelay $0x1  }
0x36c: {  	v0 =	vperm.xlane v0, v5;
	_ =	sdelay $0x1  }
0x36d: {  	s26 =	simm.s32 $0x16000;
	v0 =	vadd.s32 v4, v0  }
0x36e: {  	[hbm4b:s5+s2] =	stream.indirect_vreg.scatter [tilespmem:s26], [sflag:$0x2], $0x80, v7, vm0, $0xb8;
	[tilespmem:$0x19000] =	vst v63  }
0x36f: {  	s25 =	simm.s32 $0x16800  }
0x370: {  	[hbm4b:s7+s2] =	stream.indirect_vreg.scatter [tilespmem:s25], [sflag:$0x2], $0x80, v7, vm1, $0xb8;
	[tilespmem:$0x19000] =	vst v63  }
0x371: {  	s28 =	simm.s32 $0x16C00  }
0x372: {  	[hbm4b:s5+s2] =	stream.indirect_vreg.scatter [tilespmem:s28], [sflag:$0x2], $0x80, v0, vm0, $0xb8;
	[tilespmem:$0x19000] =	vst v63  }
0x373: {  	s4 =	simm.s32 $0x17400  }
0x374: {  	[hbm4b:s7+s2] =	stream.indirect_vreg.scatter [tilespmem:s4], [sflag:$0x2], $0x80, v0, vm1, $0xb8;
	[tilespmem:$0x19000] =	vst v63  }
0x375: {  	v0 =	vld [tilespmem:$0xCF0];
	_ =	sdelay $0x4  }
0x376: {  	v7 =	vshrl.u32 v0, $0x3  }
0x377: {  	v7 =	vmul.u32 $0x18, v7  }
0x378: {  	v0 =	vand.u32 $0x7, v0  }
0x379: {  	v0 =	vor.u32 v0, v7  }
0x37a: {  	v7 =	vperm.xlane v0, v3;
	_ =	sdelay $0x1  }
0x37b: {  	v7 =	vadd.s32 v4, v7;
	_ =	sdelay $0x1  }
0x37c: {  	v0 =	vperm.xlane v0, v5;
	_ =	sdelay $0x1  }
0x37d: {  	s30 =	simm.s32 $0x17800;
	v0 =	vadd.s32 v4, v0  }
0x37e: {  	[hbm4b:s5+s2] =	stream.indirect_vreg.scatter [tilespmem:s30], [sflag:$0x2], $0x80, v7, vm0, $0xb8;
	[tilespmem:$0x19000] =	vst v63  }
0x37f: {  	s29 =	simm.s32 $0x18000  }
0x380: {  	[hbm4b:s7+s2] =	stream.indirect_vreg.scatter [tilespmem:s29], [sflag:$0x2], $0x80, v7, vm1, $0xb8;
	[tilespmem:$0x19000] =	vst v63  }
0x381: {  	s31 =	simm.s32 $0x18400  }
0x382: {  	[hbm4b:s5+s2] =	stream.indirect_vreg.scatter [tilespmem:s31], [sflag:$0x2], $0x80, v0, vm0, $0xb8;
	[tilespmem:$0x19000] =	vst v63  }
0x383: {  	s9 =	simm.s32 $0x2;
	s8 =	simm.s32 $0x18C00  }
0x384: {  	[hbm4b:s7+s2] =	stream.indirect_vreg.scatter [tilespmem:s8], [sflag:$0x2], $0x80, v0, vm1, $0xb8;
	[tilespmem:$0x19000] =	vst v63  }
0x385: {  	_ =	swait.ge [sflag:s9], $0xC000  }
0x386: {  	[sflag:s9] =	ssyncset.done $0x0  }
0x387: {  	[sflag:s9] =	ssyncadd.s32 $0xFFFF4000;
	s9 =	simm.s32 $0x1  }
0x388: {  	_ =	swait.ge [sflag:s9], $0xC000  }
0x389: {  	[sflag:s9] =	ssyncset.done $0x0  }
0x38a: {  	[sflag:s9] =	ssyncadd.s32 $0xFFFF4000  }
0x38b: {  	v0 =	vld [tilespmem:$0x980];
	_ =	sdelay $0x4  }
0x38c: {  	v7 =	vshrl.u32 v0, $0x3  }
0x38d: {  	v7 =	vmul.u32 $0x18, v7  }
0x38e: {  	v0 =	vand.u32 $0x7, v0  }
0x38f: {  	v0 =	vor.u32 v0, v7  }
0x390: {  	v7 =	vperm.xlane v0, v3;
	_ =	sdelay $0x1  }
0x391: {  	v7 =	vadd.s32 v4, v7;
	_ =	sdelay $0x1  }
0x392: {  	v0 =	vperm.xlane v0, v5;
	_ =	sdelay $0x1  }
0x393: {  	v0 =	vadd.s32 v4, v0  }
0x394: {  	[tilespmem:s0], [sflag:$0x1] =	stream.indirect_vreg.gather [hbm4b:s3+s2], $0x80, v7, vm0, $0xb8;
	[tilespmem:$0x19000] =	vst v63  }
0x395: {  	s9 =	simm.s32 $0xD800  }
0x396: {  	[tilespmem:s9], [sflag:$0x1] =	stream.indirect_vreg.gather [hbm4b:s6+s2], $0x80, v7, vm1, $0xb8;
	[tilespmem:$0x19000] =	vst v63  }
0x397: {  	_ = 	snop  }
0x398: {  	[tilespmem:s1], [sflag:$0x1] =	stream.indirect_vreg.gather [hbm4b:s3+s2], $0x80, v0, vm0, $0xb8;
	[tilespmem:$0x19000] =	vst v63  }
0x399: {  	s9 =	simm.s32 $0xE400  }
0x39a: {  	[tilespmem:s9], [sflag:$0x1] =	stream.indirect_vreg.gather [hbm4b:s6+s2], $0x80, v0, vm1, $0xb8;
	[tilespmem:$0x19000] =	vst v63  }
0x39b: {  	v0 =	vld [tilespmem:$0x990];
	_ =	sdelay $0x4  }
0x39c: {  	v7 =	vshrl.u32 v0, $0x3  }
0x39d: {  	v7 =	vmul.u32 $0x18, v7  }
0x39e: {  	v0 =	vand.u32 $0x7, v0  }
0x39f: {  	v0 =	vor.u32 v0, v7  }
0x3a0: {  	v7 =	vperm.xlane v0, v3;
	_ =	sdelay $0x1  }
0x3a1: {  	v7 =	vadd.s32 v4, v7;
	_ =	sdelay $0x1  }
0x3a2: {  	v0 =	vperm.xlane v0, v5;
	_ =	sdelay $0x1  }
0x3a3: {  	v0 =	vadd.s32 v4, v0  }
0x3a4: {  	[tilespmem:s10], [sflag:$0x1] =	stream.indirect_vreg.gather [hbm4b:s3+s2], $0x80, v7, vm0, $0xb8;
	[tilespmem:$0x19000] =	vst v63  }
0x3a5: {  	_ = 	snop  }
0x3a6: {  	[tilespmem:s13], [sflag:$0x1] =	stream.indirect_vreg.gather [hbm4b:s6+s2], $0x80, v7, vm1, $0xb8;
	[tilespmem:$0x19000] =	vst v63  }
0x3a7: {  	_ = 	snop  }
0x3a8: {  	[tilespmem:s11], [sflag:$0x1] =	stream.indirect_vreg.gather [hbm4b:s3+s2], $0x80, v0, vm0, $0xb8;
	[tilespmem:$0x19000] =	vst v63  }
0x3a9: {  	s13 =	simm.s32 $0xFC00  }
0x3aa: {  	[tilespmem:s13], [sflag:$0x1] =	stream.indirect_vreg.gather [hbm4b:s6+s2], $0x80, v0, vm1, $0xb8;
	[tilespmem:$0x19000] =	vst v63  }
0x3ab: {  	v0 =	vld [tilespmem:$0x9A0];
	_ =	sdelay $0x4  }
0x3ac: {  	v7 =	vshrl.u32 v0, $0x3  }
0x3ad: {  	v7 =	vmul.u32 $0x18, v7  }
0x3ae: {  	v0 =	vand.u32 $0x7, v0  }
0x3af: {  	v0 =	vor.u32 v0, v7  }
0x3b0: {  	v7 =	vperm.xlane v0, v3;
	_ =	sdelay $0x1  }
0x3b1: {  	v7 =	vadd.s32 v4, v7;
	_ =	sdelay $0x1  }
0x3b2: {  	v0 =	vperm.xlane v0, v5;
	_ =	sdelay $0x1  }
0x3b3: {  	v0 =	vadd.s32 v4, v0  }
0x3b4: {  	[tilespmem:s14], [sflag:$0x1] =	stream.indirect_vreg.gather [hbm4b:s3+s2], $0x80, v7, vm0, $0xb8;
	[tilespmem:$0x19000] =	vst v63  }
0x3b5: {  	_ = 	snop  }
0x3b6: {  	[tilespmem:s12], [sflag:$0x1] =	stream.indirect_vreg.gather [hbm4b:s6+s2], $0x80, v7, vm1, $0xb8;
	[tilespmem:$0x19000] =	vst v63  }
0x3b7: {  	_ = 	snop  }
0x3b8: {  	[tilespmem:s15], [sflag:$0x1] =	stream.indirect_vreg.gather [hbm4b:s3+s2], $0x80, v0, vm0, $0xb8;
	[tilespmem:$0x19000] =	vst v63  }
0x3b9: {  	s15 =	simm.s32 $0x11400  }
0x3ba: {  	[tilespmem:s15], [sflag:$0x1] =	stream.indirect_vreg.gather [hbm4b:s6+s2], $0x80, v0, vm1, $0xb8;
	[tilespmem:$0x19000] =	vst v63  }
0x3bb: {  	v0 =	vld [tilespmem:$0x9B0];
	_ =	sdelay $0x4  }
0x3bc: {  	v7 =	vshrl.u32 v0, $0x3  }
0x3bd: {  	v7 =	vmul.u32 $0x18, v7  }
0x3be: {  	v0 =	vand.u32 $0x7, v0  }
0x3bf: {  	v0 =	vor.u32 v0, v7  }
0x3c0: {  	v7 =	vperm.xlane v0, v3;
	_ =	sdelay $0x1  }
0x3c1: {  	v7 =	vadd.s32 v4, v7;
	_ =	sdelay $0x1  }
0x3c2: {  	v0 =	vperm.xlane v0, v5;
	_ =	sdelay $0x1  }
0x3c3: {  	v0 =	vadd.s32 v4, v0  }
0x3c4: {  	[tilespmem:s17], [sflag:$0x1] =	stream.indirect_vreg.gather [hbm4b:s3+s2], $0x80, v7, vm0, $0xb8;
	[tilespmem:$0x19000] =	vst v63  }
0x3c5: {  	_ = 	snop  }
0x3c6: {  	[tilespmem:s16], [sflag:$0x1] =	stream.indirect_vreg.gather [hbm4b:s6+s2], $0x80, v7, vm1, $0xb8;
	[tilespmem:$0x19000] =	vst v63  }
0x3c7: {  	_ = 	snop  }
0x3c8: {  	[tilespmem:s18], [sflag:$0x1] =	stream.indirect_vreg.gather [hbm4b:s3+s2], $0x80, v0, vm0, $0xb8;
	[tilespmem:$0x19000] =	vst v63  }
0x3c9: {  	s18 =	simm.s32 $0x12C00  }
0x3ca: {  	[tilespmem:s18], [sflag:$0x1] =	stream.indirect_vreg.gather [hbm4b:s6+s2], $0x80, v0, vm1, $0xb8;
	[tilespmem:$0x19000] =	vst v63  }
0x3cb: {  	v0 =	vld [tilespmem:$0x9C0];
	_ =	sdelay $0x4  }
0x3cc: {  	v7 =	vshrl.u32 v0, $0x3  }
0x3cd: {  	v7 =	vmul.u32 $0x18, v7  }
0x3ce: {  	v0 =	vand.u32 $0x7, v0  }
0x3cf: {  	v0 =	vor.u32 v0, v7  }
0x3d0: {  	v7 =	vperm.xlane v0, v3;
	_ =	sdelay $0x1  }
0x3d1: {  	v7 =	vadd.s32 v4, v7;
	_ =	sdelay $0x1  }
0x3d2: {  	v0 =	vperm.xlane v0, v5;
	_ =	sdelay $0x1  }
0x3d3: {  	v0 =	vadd.s32 v4, v0  }
0x3d4: {  	[tilespmem:s20], [sflag:$0x1] =	stream.indirect_vreg.gather [hbm4b:s3+s2], $0x80, v7, vm0, $0xb8;
	[tilespmem:$0x19000] =	vst v63  }
0x3d5: {  	_ = 	snop  }
0x3d6: {  	[tilespmem:s19], [sflag:$0x1] =	stream.indirect_vreg.gather [hbm4b:s6+s2], $0x80, v7, vm1, $0xb8;
	[tilespmem:$0x19000] =	vst v63  }
0x3d7: {  	_ = 	snop  }
0x3d8: {  	[tilespmem:s21], [sflag:$0x1] =	stream.indirect_vreg.gather [hbm4b:s3+s2], $0x80, v0, vm0, $0xb8;
	[tilespmem:$0x19000] =	vst v63  }
0x3d9: {  	s21 =	simm.s32 $0x14400  }
0x3da: {  	[tilespmem:s21], [sflag:$0x1] =	stream.indirect_vreg.gather [hbm4b:s6+s2], $0x80, v0, vm1, $0xb8;
	[tilespmem:$0x19000] =	vst v63  }
0x3db: {  	v0 =	vld [tilespmem:$0x9D0];
	_ =	sdelay $0x4  }
0x3dc: {  	v7 =	vshrl.u32 v0, $0x3  }
0x3dd: {  	v7 =	vmul.u32 $0x18, v7  }
0x3de: {  	v0 =	vand.u32 $0x7, v0  }
0x3df: {  	v0 =	vor.u32 v0, v7  }
0x3e0: {  	v7 =	vperm.xlane v0, v3;
	_ =	sdelay $0x1  }
0x3e1: {  	v7 =	vadd.s32 v4, v7;
	_ =	sdelay $0x1  }
0x3e2: {  	v0 =	vperm.xlane v0, v5;
	_ =	sdelay $0x1  }
0x3e3: {  	v0 =	vadd.s32 v4, v0  }
0x3e4: {  	[tilespmem:s23], [sflag:$0x1] =	stream.indirect_vreg.gather [hbm4b:s3+s2], $0x80, v7, vm0, $0xb8;
	[tilespmem:$0x19000] =	vst v63  }
0x3e5: {  	_ = 	snop  }
0x3e6: {  	[tilespmem:s22], [sflag:$0x1] =	stream.indirect_vreg.gather [hbm4b:s6+s2], $0x80, v7, vm1, $0xb8;
	[tilespmem:$0x19000] =	vst v63  }
0x3e7: {  	_ = 	snop  }
0x3e8: {  	[tilespmem:s24], [sflag:$0x1] =	stream.indirect_vreg.gather [hbm4b:s3+s2], $0x80, v0, vm0, $0xb8;
	[tilespmem:$0x19000] =	vst v63  }
0x3e9: {  	s23 =	simm.s32 $0x15C00  }
0x3ea: {  	[tilespmem:s23], [sflag:$0x1] =	stream.indirect_vreg.gather [hbm4b:s6+s2], $0x80, v0, vm1, $0xb8;
	[tilespmem:$0x19000] =	vst v63  }
0x3eb: {  	v0 =	vld [tilespmem:$0x9E0];
	_ =	sdelay $0x4  }
0x3ec: {  	v7 =	vshrl.u32 v0, $0x3  }
0x3ed: {  	v7 =	vmul.u32 $0x18, v7  }
0x3ee: {  	v0 =	vand.u32 $0x7, v0  }
0x3ef: {  	v0 =	vor.u32 v0, v7  }
0x3f0: {  	v7 =	vperm.xlane v0, v3;
	_ =	sdelay $0x1  }
0x3f1: {  	v7 =	vadd.s32 v4, v7;
	_ =	sdelay $0x1  }
0x3f2: {  	v0 =	vperm.xlane v0, v5;
	_ =	sdelay $0x1  }
0x3f3: {  	v0 =	vadd.s32 v4, v0  }
0x3f4: {  	[tilespmem:s26], [sflag:$0x1] =	stream.indirect_vreg.gather [hbm4b:s3+s2], $0x80, v7, vm0, $0xb8;
	[tilespmem:$0x19000] =	vst v63  }
0x3f5: {  	_ = 	snop  }
0x3f6: {  	[tilespmem:s25], [sflag:$0x1] =	stream.indirect_vreg.gather [hbm4b:s6+s2], $0x80, v7, vm1, $0xb8;
	[tilespmem:$0x19000] =	vst v63  }
0x3f7: {  	_ = 	snop  }
0x3f8: {  	[tilespmem:s28], [sflag:$0x1] =	stream.indirect_vreg.gather [hbm4b:s3+s2], $0x80, v0, vm0, $0xb8;
	[tilespmem:$0x19000] =	vst v63  }
0x3f9: {  	_ = 	snop  }
0x3fa: {  	[tilespmem:s4], [sflag:$0x1] =	stream.indirect_vreg.gather [hbm4b:s6+s2], $0x80, v0, vm1, $0xb8;
	[tilespmem:$0x19000] =	vst v63  }
0x3fb: {  	v0 =	vld [tilespmem:$0x9F0];
	_ =	sdelay $0x4  }
0x3fc: {  	v7 =	vshrl.u32 v0, $0x3  }
0x3fd: {  	v7 =	vmul.u32 $0x18, v7  }
0x3fe: {  	v0 =	vand.u32 $0x7, v0  }
0x3ff: {  	v0 =	vor.u32 v0, v7  }
0x400: {  	v7 =	vperm.xlane v0, v3;
	_ =	sdelay $0x1  }
0x401: {  	v7 =	vadd.s32 v4, v7;
	_ =	sdelay $0x1  }
0x402: {  	v0 =	vperm.xlane v0, v5;
	_ =	sdelay $0x1  }
0x403: {  	v0 =	vadd.s32 v4, v0  }
0x404: {  	[tilespmem:s30], [sflag:$0x1] =	stream.indirect_vreg.gather [hbm4b:s3+s2], $0x80, v7, vm0, $0xb8;
	[tilespmem:$0x19000] =	vst v63  }
0x405: {  	_ = 	snop  }
0x406: {  	[tilespmem:s29], [sflag:$0x1] =	stream.indirect_vreg.gather [hbm4b:s6+s2], $0x80, v7, vm1, $0xb8;
	[tilespmem:$0x19000] =	vst v63  }
0x407: {  	_ = 	snop  }
0x408: {  	[tilespmem:s31], [sflag:$0x1] =	stream.indirect_vreg.gather [hbm4b:s3+s2], $0x80, v0, vm0, $0xb8;
	[tilespmem:$0x19000] =	vst v63  }
0x409: {  	_ = 	snop  }
0x40a: {  	[tilespmem:s8], [sflag:$0x1] =	stream.indirect_vreg.gather [hbm4b:s6+s2], $0x80, v0, vm1, $0xb8;
	[tilespmem:$0x19000] =	vst v63  }
0x40b: {  	v0 =	vld [tilespmem:$0xD00];
	_ =	sdelay $0x4  }
0x40c: {  	v7 =	vshrl.u32 v0, $0x3  }
0x40d: {  	v7 =	vmul.u32 $0x18, v7  }
0x40e: {  	v0 =	vand.u32 $0x7, v0  }
0x40f: {  	v0 =	vor.u32 v0, v7  }
0x410: {  	v7 =	vperm.xlane v0, v3;
	_ =	sdelay $0x1  }
0x411: {  	v7 =	vadd.s32 v4, v7;
	_ =	sdelay $0x1  }
0x412: {  	v0 =	vperm.xlane v0, v5;
	_ =	sdelay $0x1  }
0x413: {  	s10 =	simm.s32 $0x1000;
	v0 =	vadd.s32 v4, v0  }
0x414: {  	[hbm4b:s5+s2] =	stream.indirect_vreg.scatter [tilespmem:s10], [sflag:$0x2], $0x80, v7, vm0, $0xb8;
	[tilespmem:$0x19000] =	vst v63  }
0x415: {  	s11 =	simm.s32 $0x1800  }
0x416: {  	[hbm4b:s7+s2] =	stream.indirect_vreg.scatter [tilespmem:s11], [sflag:$0x2], $0x80, v7, vm1, $0xb8;
	[tilespmem:$0x19000] =	vst v63  }
0x417: {  	s12 =	simm.s32 $0x1C00  }
0x418: {  	[hbm4b:s5+s2] =	stream.indirect_vreg.scatter [tilespmem:s12], [sflag:$0x2], $0x80, v0, vm0, $0xb8;
	[tilespmem:$0x19000] =	vst v63  }
0x419: {  	s24 =	simm.s32 $0x2400  }
0x41a: {  	[hbm4b:s7+s2] =	stream.indirect_vreg.scatter [tilespmem:s24], [sflag:$0x2], $0x80, v0, vm1, $0xb8;
	[tilespmem:$0x19000] =	vst v63  }
0x41b: {  	v0 =	vld [tilespmem:$0xD10];
	_ =	sdelay $0x4  }
0x41c: {  	v7 =	vshrl.u32 v0, $0x3  }
0x41d: {  	v7 =	vmul.u32 $0x18, v7  }
0x41e: {  	v0 =	vand.u32 $0x7, v0  }
0x41f: {  	v0 =	vor.u32 v0, v7  }
0x420: {  	v7 =	vperm.xlane v0, v3;
	_ =	sdelay $0x1  }
0x421: {  	v7 =	vadd.s32 v4, v7;
	_ =	sdelay $0x1  }
0x422: {  	v0 =	vperm.xlane v0, v5;
	_ =	sdelay $0x1  }
0x423: {  	s13 =	simm.s32 $0x2800;
	v0 =	vadd.s32 v4, v0  }
0x424: {  	[hbm4b:s5+s2] =	stream.indirect_vreg.scatter [tilespmem:s13], [sflag:$0x2], $0x80, v7, vm0, $0xb8;
	[tilespmem:$0x19000] =	vst v63  }
0x425: {  	s14 =	simm.s32 $0x3000  }
0x426: {  	[hbm4b:s7+s2] =	stream.indirect_vreg.scatter [tilespmem:s14], [sflag:$0x2], $0x80, v7, vm1, $0xb8;
	[tilespmem:$0x19000] =	vst v63  }
0x427: {  	s0 =	simm.s32 $0x3400  }
0x428: {  	[hbm4b:s5+s2] =	stream.indirect_vreg.scatter [tilespmem:s0], [sflag:$0x2], $0x80, v0, vm0, $0xb8;
	[tilespmem:$0x19000] =	vst v63  }
0x429: {  	s25 =	simm.s32 $0x3C00  }
0x42a: {  	[hbm4b:s7+s2] =	stream.indirect_vreg.scatter [tilespmem:s25], [sflag:$0x2], $0x80, v0, vm1, $0xb8;
	[tilespmem:$0x19000] =	vst v63  }
0x42b: {  	v0 =	vld [tilespmem:$0xD20];
	_ =	sdelay $0x4  }
0x42c: {  	v7 =	vshrl.u32 v0, $0x3  }
0x42d: {  	v7 =	vmul.u32 $0x18, v7  }
0x42e: {  	v0 =	vand.u32 $0x7, v0  }
0x42f: {  	v0 =	vor.u32 v0, v7  }
0x430: {  	v7 =	vperm.xlane v0, v3;
	_ =	sdelay $0x1  }
0x431: {  	v7 =	vadd.s32 v4, v7;
	_ =	sdelay $0x1  }
0x432: {  	v0 =	vperm.xlane v0, v5;
	_ =	sdelay $0x1  }
0x433: {  	s1 =	simm.s32 $0x4000;
	v0 =	vadd.s32 v4, v0  }
0x434: {  	[hbm4b:s5+s2] =	stream.indirect_vreg.scatter [tilespmem:s1], [sflag:$0x2], $0x80, v7, vm0, $0xb8;
	[tilespmem:$0x19000] =	vst v63  }
0x435: {  	s4 =	simm.s32 $0x4800  }
0x436: {  	[hbm4b:s7+s2] =	stream.indirect_vreg.scatter [tilespmem:s4], [sflag:$0x2], $0x80, v7, vm1, $0xb8;
	[tilespmem:$0x19000] =	vst v63  }
0x437: {  	s8 =	simm.s32 $0x4C00  }
0x438: {  	[hbm4b:s5+s2] =	stream.indirect_vreg.scatter [tilespmem:s8], [sflag:$0x2], $0x80, v0, vm0, $0xb8;
	[tilespmem:$0x19000] =	vst v63  }
0x439: {  	s26 =	simm.s32 $0x5400  }
0x43a: {  	[hbm4b:s7+s2] =	stream.indirect_vreg.scatter [tilespmem:s26], [sflag:$0x2], $0x80, v0, vm1, $0xb8;
	[tilespmem:$0x19000] =	vst v63  }
0x43b: {  	v0 =	vld [tilespmem:$0xD30];
	_ =	sdelay $0x4  }
0x43c: {  	v7 =	vshrl.u32 v0, $0x3  }
0x43d: {  	v7 =	vmul.u32 $0x18, v7  }
0x43e: {  	v0 =	vand.u32 $0x7, v0  }
0x43f: {  	v0 =	vor.u32 v0, v7  }
0x440: {  	v7 =	vperm.xlane v0, v3;
	_ =	sdelay $0x1  }
0x441: {  	v7 =	vadd.s32 v4, v7;
	_ =	sdelay $0x1  }
0x442: {  	v0 =	vperm.xlane v0, v5;
	_ =	sdelay $0x1  }
0x443: {  	s15 =	simm.s32 $0x5800;
	v0 =	vadd.s32 v4, v0  }
0x444: {  	[hbm4b:s5+s2] =	stream.indirect_vreg.scatter [tilespmem:s15], [sflag:$0x2], $0x80, v7, vm0, $0xb8;
	[tilespmem:$0x19000] =	vst v63  }
0x445: {  	s16 =	simm.s32 $0x6000  }
0x446: {  	[hbm4b:s7+s2] =	stream.indirect_vreg.scatter [tilespmem:s16], [sflag:$0x2], $0x80, v7, vm1, $0xb8;
	[tilespmem:$0x19000] =	vst v63  }
0x447: {  	s17 =	simm.s32 $0x6400  }
0x448: {  	[hbm4b:s5+s2] =	stream.indirect_vreg.scatter [tilespmem:s17], [sflag:$0x2], $0x80, v0, vm0, $0xb8;
	[tilespmem:$0x19000] =	vst v63  }
0x449: {  	s28 =	simm.s32 $0x6C00  }
0x44a: {  	[hbm4b:s7+s2] =	stream.indirect_vreg.scatter [tilespmem:s28], [sflag:$0x2], $0x80, v0, vm1, $0xb8;
	[tilespmem:$0x19000] =	vst v63  }
0x44b: {  	v0 =	vld [tilespmem:$0xD40];
	_ =	sdelay $0x4  }
0x44c: {  	v7 =	vshrl.u32 v0, $0x3  }
0x44d: {  	v7 =	vmul.u32 $0x18, v7  }
0x44e: {  	v0 =	vand.u32 $0x7, v0  }
0x44f: {  	v0 =	vor.u32 v0, v7  }
0x450: {  	v7 =	vperm.xlane v0, v3;
	_ =	sdelay $0x1  }
0x451: {  	v7 =	vadd.s32 v4, v7;
	_ =	sdelay $0x1  }
0x452: {  	v0 =	vperm.xlane v0, v5;
	_ =	sdelay $0x1  }
0x453: {  	s18 =	simm.s32 $0x7000;
	v0 =	vadd.s32 v4, v0  }
0x454: {  	[hbm4b:s5+s2] =	stream.indirect_vreg.scatter [tilespmem:s18], [sflag:$0x2], $0x80, v7, vm0, $0xb8;
	[tilespmem:$0x19000] =	vst v63  }
0x455: {  	s19 =	simm.s32 $0x7800  }
0x456: {  	[hbm4b:s7+s2] =	stream.indirect_vreg.scatter [tilespmem:s19], [sflag:$0x2], $0x80, v7, vm1, $0xb8;
	[tilespmem:$0x19000] =	vst v63  }
0x457: {  	s22 =	simm.s32 $0x7C00  }
0x458: {  	[hbm4b:s5+s2] =	stream.indirect_vreg.scatter [tilespmem:s22], [sflag:$0x2], $0x80, v0, vm0, $0xb8;
	[tilespmem:$0x19000] =	vst v63  }
0x459: {  	s29 =	simm.s32 $0x8400  }
0x45a: {  	[hbm4b:s7+s2] =	stream.indirect_vreg.scatter [tilespmem:s29], [sflag:$0x2], $0x80, v0, vm1, $0xb8;
	[tilespmem:$0x19000] =	vst v63  }
0x45b: {  	v0 =	vld [tilespmem:$0xD50];
	_ =	sdelay $0x4  }
0x45c: {  	v7 =	vshrl.u32 v0, $0x3  }
0x45d: {  	v7 =	vmul.u32 $0x18, v7  }
0x45e: {  	v0 =	vand.u32 $0x7, v0  }
0x45f: {  	v0 =	vor.u32 v0, v7  }
0x460: {  	v7 =	vperm.xlane v0, v3;
	_ =	sdelay $0x1  }
0x461: {  	v7 =	vadd.s32 v4, v7;
	_ =	sdelay $0x1  }
0x462: {  	v0 =	vperm.xlane v0, v5;
	_ =	sdelay $0x1  }
0x463: {  	s25 =	simm.s32 $0x8800;
	v0 =	vadd.s32 v4, v0  }
0x464: {  	[hbm4b:s5+s2] =	stream.indirect_vreg.scatter [tilespmem:s25], [sflag:$0x2], $0x80, v7, vm0, $0xb8;
	[tilespmem:$0x19000] =	vst v63  }
0x465: {  	s29 =	simm.s32 $0x9000  }
0x466: {  	[hbm4b:s7+s2] =	stream.indirect_vreg.scatter [tilespmem:s29], [sflag:$0x2], $0x80, v7, vm1, $0xb8;
	[tilespmem:$0x19000] =	vst v63  }
0x467: {  	s20 =	simm.s32 $0x9400  }
0x468: {  	[hbm4b:s5+s2] =	stream.indirect_vreg.scatter [tilespmem:s20], [sflag:$0x2], $0x80, v0, vm0, $0xb8;
	[tilespmem:$0x19000] =	vst v63  }
0x469: {  	s30 =	simm.s32 $0x9C00  }
0x46a: {  	[hbm4b:s7+s2] =	stream.indirect_vreg.scatter [tilespmem:s30], [sflag:$0x2], $0x80, v0, vm1, $0xb8;
	[tilespmem:$0x19000] =	vst v63  }
0x46b: {  	v0 =	vld [tilespmem:$0xD60];
	_ =	sdelay $0x4  }
0x46c: {  	v7 =	vshrl.u32 v0, $0x3  }
0x46d: {  	v7 =	vmul.u32 $0x18, v7  }
0x46e: {  	v0 =	vand.u32 $0x7, v0  }
0x46f: {  	v0 =	vor.u32 v0, v7  }
0x470: {  	v7 =	vperm.xlane v0, v3;
	_ =	sdelay $0x1  }
0x471: {  	v7 =	vadd.s32 v4, v7;
	_ =	sdelay $0x1  }
0x472: {  	v0 =	vperm.xlane v0, v5;
	_ =	sdelay $0x1  }
0x473: {  	s21 =	simm.s32 $0xA000;
	v0 =	vadd.s32 v4, v0  }
0x474: {  	[hbm4b:s5+s2] =	stream.indirect_vreg.scatter [tilespmem:s21], [sflag:$0x2], $0x80, v7, vm0, $0xb8;
	[tilespmem:$0x19000] =	vst v63  }
0x475: {  	s23 =	simm.s32 $0xA800  }
0x476: {  	[hbm4b:s7+s2] =	stream.indirect_vreg.scatter [tilespmem:s23], [sflag:$0x2], $0x80, v7, vm1, $0xb8;
	[tilespmem:$0x19000] =	vst v63  }
0x477: {  	s24 =	simm.s32 $0xAC00  }
0x478: {  	[hbm4b:s5+s2] =	stream.indirect_vreg.scatter [tilespmem:s24], [sflag:$0x2], $0x80, v0, vm0, $0xb8;
	[tilespmem:$0x19000] =	vst v63  }
0x479: {  	s31 =	simm.s32 $0xB400  }
0x47a: {  	[hbm4b:s7+s2] =	stream.indirect_vreg.scatter [tilespmem:s31], [sflag:$0x2], $0x80, v0, vm1, $0xb8;
	[tilespmem:$0x19000] =	vst v63  }
0x47b: {  	v0 =	vld [tilespmem:$0xD70];
	_ =	sdelay $0x4  }
0x47c: {  	v7 =	vshrl.u32 v0, $0x3  }
0x47d: {  	v7 =	vmul.u32 $0x18, v7  }
0x47e: {  	v0 =	vand.u32 $0x7, v0  }
0x47f: {  	v0 =	vor.u32 v0, v7  }
0x480: {  	v7 =	vperm.xlane v0, v3;
	_ =	sdelay $0x1  }
0x481: {  	v7 =	vadd.s32 v4, v7;
	_ =	sdelay $0x1  }
0x482: {  	v0 =	vperm.xlane v0, v5;
	_ =	sdelay $0x1  }
0x483: {  	s26 =	simm.s32 $0xB800;
	v0 =	vadd.s32 v4, v0  }
0x484: {  	[hbm4b:s5+s2] =	stream.indirect_vreg.scatter [tilespmem:s26], [sflag:$0x2], $0x80, v7, vm0, $0xb8;
	[tilespmem:$0x19000] =	vst v63  }
0x485: {  	s28 =	simm.s32 $0xC000  }
0x486: {  	[hbm4b:s7+s2] =	stream.indirect_vreg.scatter [tilespmem:s28], [sflag:$0x2], $0x80, v7, vm1, $0xb8;
	[tilespmem:$0x19000] =	vst v63  }
0x487: {  	s30 =	simm.s32 $0xC400  }
0x488: {  	[hbm4b:s5+s2] =	stream.indirect_vreg.scatter [tilespmem:s30], [sflag:$0x2], $0x80, v0, vm0, $0xb8;
	[tilespmem:$0x19000] =	vst v63  }
0x489: {  	s9 =	simm.s32 $0x2;
	s31 =	simm.s32 $0xCC00  }
0x48a: {  	[hbm4b:s7+s2] =	stream.indirect_vreg.scatter [tilespmem:s31], [sflag:$0x2], $0x80, v0, vm1, $0xb8;
	[tilespmem:$0x19000] =	vst v63  }
0x48b: {  	_ =	swait.ge [sflag:s9], $0xC000  }
0x48c: {  	[sflag:s9] =	ssyncset.done $0x0  }
0x48d: {  	[sflag:s9] =	ssyncadd.s32 $0xFFFF4000;
	s9 =	simm.s32 $0x1  }
0x48e: {  	_ =	swait.ge [sflag:s9], $0xC000  }
0x48f: {  	[sflag:s9] =	ssyncset.done $0x0  }
0x490: {  	[sflag:s9] =	ssyncadd.s32 $0xFFFF4000  }
0x491: {  	v0 =	vld [tilespmem:$0xA00];
	_ =	sdelay $0x4  }
0x492: {  	v7 =	vshrl.u32 v0, $0x3  }
0x493: {  	v7 =	vmul.u32 $0x18, v7  }
0x494: {  	v0 =	vand.u32 $0x7, v0  }
0x495: {  	v0 =	vor.u32 v0, v7  }
0x496: {  	v7 =	vperm.xlane v0, v3;
	_ =	sdelay $0x1  }
0x497: {  	v7 =	vadd.s32 v4, v7;
	_ =	sdelay $0x1  }
0x498: {  	v0 =	vperm.xlane v0, v5;
	_ =	sdelay $0x1  }
0x499: {  	v0 =	vadd.s32 v4, v0  }
0x49a: {  	[tilespmem:s10], [sflag:$0x1] =	stream.indirect_vreg.gather [hbm4b:s3+s2], $0x80, v7, vm0, $0xb8;
	[tilespmem:$0x19000] =	vst v63  }
0x49b: {  	_ = 	snop  }
0x49c: {  	[tilespmem:s11], [sflag:$0x1] =	stream.indirect_vreg.gather [hbm4b:s6+s2], $0x80, v7, vm1, $0xb8;
	[tilespmem:$0x19000] =	vst v63  }
0x49d: {  	_ = 	snop  }
0x49e: {  	[tilespmem:s12], [sflag:$0x1] =	stream.indirect_vreg.gather [hbm4b:s3+s2], $0x80, v0, vm0, $0xb8;
	[tilespmem:$0x19000] =	vst v63  }
0x49f: {  	s12 =	simm.s32 $0x2400  }
0x4a0: {  	[tilespmem:s12], [sflag:$0x1] =	stream.indirect_vreg.gather [hbm4b:s6+s2], $0x80, v0, vm1, $0xb8;
	[tilespmem:$0x19000] =	vst v63  }
0x4a1: {  	v0 =	vld [tilespmem:$0xA10];
	_ =	sdelay $0x4  }
0x4a2: {  	v7 =	vshrl.u32 v0, $0x3  }
0x4a3: {  	v7 =	vmul.u32 $0x18, v7  }
0x4a4: {  	v0 =	vand.u32 $0x7, v0  }
0x4a5: {  	v0 =	vor.u32 v0, v7  }
0x4a6: {  	v7 =	vperm.xlane v0, v3;
	_ =	sdelay $0x1  }
0x4a7: {  	v7 =	vadd.s32 v4, v7;
	_ =	sdelay $0x1  }
0x4a8: {  	v0 =	vperm.xlane v0, v5;
	_ =	sdelay $0x1  }
0x4a9: {  	v0 =	vadd.s32 v4, v0  }
0x4aa: {  	[tilespmem:s13], [sflag:$0x1] =	stream.indirect_vreg.gather [hbm4b:s3+s2], $0x80, v7, vm0, $0xb8;
	[tilespmem:$0x19000] =	vst v63  }
0x4ab: {  	_ = 	snop  }
0x4ac: {  	[tilespmem:s14], [sflag:$0x1] =	stream.indirect_vreg.gather [hbm4b:s6+s2], $0x80, v7, vm1, $0xb8;
	[tilespmem:$0x19000] =	vst v63  }
0x4ad: {  	_ = 	snop  }
0x4ae: {  	[tilespmem:s0], [sflag:$0x1] =	stream.indirect_vreg.gather [hbm4b:s3+s2], $0x80, v0, vm0, $0xb8;
	[tilespmem:$0x19000] =	vst v63  }
0x4af: {  	s13 =	simm.s32 $0x3C00  }
0x4b0: {  	[tilespmem:s13], [sflag:$0x1] =	stream.indirect_vreg.gather [hbm4b:s6+s2], $0x80, v0, vm1, $0xb8;
	[tilespmem:$0x19000] =	vst v63  }
0x4b1: {  	v0 =	vld [tilespmem:$0xA20];
	_ =	sdelay $0x4  }
0x4b2: {  	v7 =	vshrl.u32 v0, $0x3  }
0x4b3: {  	v7 =	vmul.u32 $0x18, v7  }
0x4b4: {  	v0 =	vand.u32 $0x7, v0  }
0x4b5: {  	v0 =	vor.u32 v0, v7  }
0x4b6: {  	v7 =	vperm.xlane v0, v3;
	_ =	sdelay $0x1  }
0x4b7: {  	v7 =	vadd.s32 v4, v7;
	_ =	sdelay $0x1  }
0x4b8: {  	v0 =	vperm.xlane v0, v5;
	_ =	sdelay $0x1  }
0x4b9: {  	v0 =	vadd.s32 v4, v0  }
0x4ba: {  	[tilespmem:s1], [sflag:$0x1] =	stream.indirect_vreg.gather [hbm4b:s3+s2], $0x80, v7, vm0, $0xb8;
	[tilespmem:$0x19000] =	vst v63  }
0x4bb: {  	_ = 	snop  }
0x4bc: {  	[tilespmem:s4], [sflag:$0x1] =	stream.indirect_vreg.gather [hbm4b:s6+s2], $0x80, v7, vm1, $0xb8;
	[tilespmem:$0x19000] =	vst v63  }
0x4bd: {  	_ = 	snop  }
0x4be: {  	[tilespmem:s8], [sflag:$0x1] =	stream.indirect_vreg.gather [hbm4b:s3+s2], $0x80, v0, vm0, $0xb8;
	[tilespmem:$0x19000] =	vst v63  }
0x4bf: {  	s14 =	simm.s32 $0x5400  }
0x4c0: {  	[tilespmem:s14], [sflag:$0x1] =	stream.indirect_vreg.gather [hbm4b:s6+s2], $0x80, v0, vm1, $0xb8;
	[tilespmem:$0x19000] =	vst v63  }
0x4c1: {  	v0 =	vld [tilespmem:$0xA30];
	_ =	sdelay $0x4  }
0x4c2: {  	v7 =	vshrl.u32 v0, $0x3  }
0x4c3: {  	v7 =	vmul.u32 $0x18, v7  }
0x4c4: {  	v0 =	vand.u32 $0x7, v0  }
0x4c5: {  	v0 =	vor.u32 v0, v7  }
0x4c6: {  	v7 =	vperm.xlane v0, v3;
	_ =	sdelay $0x1  }
0x4c7: {  	v7 =	vadd.s32 v4, v7;
	_ =	sdelay $0x1  }
0x4c8: {  	v0 =	vperm.xlane v0, v5;
	_ =	sdelay $0x1  }
0x4c9: {  	v0 =	vadd.s32 v4, v0  }
0x4ca: {  	[tilespmem:s15], [sflag:$0x1] =	stream.indirect_vreg.gather [hbm4b:s3+s2], $0x80, v7, vm0, $0xb8;
	[tilespmem:$0x19000] =	vst v63  }
0x4cb: {  	_ = 	snop  }
0x4cc: {  	[tilespmem:s16], [sflag:$0x1] =	stream.indirect_vreg.gather [hbm4b:s6+s2], $0x80, v7, vm1, $0xb8;
	[tilespmem:$0x19000] =	vst v63  }
0x4cd: {  	_ = 	snop  }
0x4ce: {  	[tilespmem:s17], [sflag:$0x1] =	stream.indirect_vreg.gather [hbm4b:s3+s2], $0x80, v0, vm0, $0xb8;
	[tilespmem:$0x19000] =	vst v63  }
0x4cf: {  	s17 =	simm.s32 $0x6C00  }
0x4d0: {  	[tilespmem:s17], [sflag:$0x1] =	stream.indirect_vreg.gather [hbm4b:s6+s2], $0x80, v0, vm1, $0xb8;
	[tilespmem:$0x19000] =	vst v63  }
0x4d1: {  	v0 =	vld [tilespmem:$0xA40];
	_ =	sdelay $0x4  }
0x4d2: {  	v7 =	vshrl.u32 v0, $0x3  }
0x4d3: {  	v7 =	vmul.u32 $0x18, v7  }
0x4d4: {  	v0 =	vand.u32 $0x7, v0  }
0x4d5: {  	v0 =	vor.u32 v0, v7  }
0x4d6: {  	v7 =	vperm.xlane v0, v3;
	_ =	sdelay $0x1  }
0x4d7: {  	v7 =	vadd.s32 v4, v7;
	_ =	sdelay $0x1  }
0x4d8: {  	v0 =	vperm.xlane v0, v5;
	_ =	sdelay $0x1  }
0x4d9: {  	v0 =	vadd.s32 v4, v0  }
0x4da: {  	[tilespmem:s18], [sflag:$0x1] =	stream.indirect_vreg.gather [hbm4b:s3+s2], $0x80, v7, vm0, $0xb8;
	[tilespmem:$0x19000] =	vst v63  }
0x4db: {  	_ = 	snop  }
0x4dc: {  	[tilespmem:s19], [sflag:$0x1] =	stream.indirect_vreg.gather [hbm4b:s6+s2], $0x80, v7, vm1, $0xb8;
	[tilespmem:$0x19000] =	vst v63  }
0x4dd: {  	_ = 	snop  }
0x4de: {  	[tilespmem:s22], [sflag:$0x1] =	stream.indirect_vreg.gather [hbm4b:s3+s2], $0x80, v0, vm0, $0xb8;
	[tilespmem:$0x19000] =	vst v63  }
0x4df: {  	s19 =	simm.s32 $0x8400  }
0x4e0: {  	[tilespmem:s19], [sflag:$0x1] =	stream.indirect_vreg.gather [hbm4b:s6+s2], $0x80, v0, vm1, $0xb8;
	[tilespmem:$0x19000] =	vst v63  }
0x4e1: {  	v0 =	vld [tilespmem:$0xA50];
	_ =	sdelay $0x4  }
0x4e2: {  	v7 =	vshrl.u32 v0, $0x3  }
0x4e3: {  	v7 =	vmul.u32 $0x18, v7  }
0x4e4: {  	v0 =	vand.u32 $0x7, v0  }
0x4e5: {  	v0 =	vor.u32 v0, v7  }
0x4e6: {  	v7 =	vperm.xlane v0, v3;
	_ =	sdelay $0x1  }
0x4e7: {  	v7 =	vadd.s32 v4, v7;
	_ =	sdelay $0x1  }
0x4e8: {  	v0 =	vperm.xlane v0, v5;
	_ =	sdelay $0x1  }
0x4e9: {  	v0 =	vadd.s32 v4, v0  }
0x4ea: {  	[tilespmem:s25], [sflag:$0x1] =	stream.indirect_vreg.gather [hbm4b:s3+s2], $0x80, v7, vm0, $0xb8;
	[tilespmem:$0x19000] =	vst v63  }
0x4eb: {  	_ = 	snop  }
0x4ec: {  	[tilespmem:s29], [sflag:$0x1] =	stream.indirect_vreg.gather [hbm4b:s6+s2], $0x80, v7, vm1, $0xb8;
	[tilespmem:$0x19000] =	vst v63  }
0x4ed: {  	_ = 	snop  }
0x4ee: {  	[tilespmem:s20], [sflag:$0x1] =	stream.indirect_vreg.gather [hbm4b:s3+s2], $0x80, v0, vm0, $0xb8;
	[tilespmem:$0x19000] =	vst v63  }
0x4ef: {  	s22 =	simm.s32 $0x9C00  }
0x4f0: {  	[tilespmem:s22], [sflag:$0x1] =	stream.indirect_vreg.gather [hbm4b:s6+s2], $0x80, v0, vm1, $0xb8;
	[tilespmem:$0x19000] =	vst v63  }
0x4f1: {  	v0 =	vld [tilespmem:$0xA60];
	_ =	sdelay $0x4  }
0x4f2: {  	v7 =	vshrl.u32 v0, $0x3  }
0x4f3: {  	v7 =	vmul.u32 $0x18, v7  }
0x4f4: {  	v0 =	vand.u32 $0x7, v0  }
0x4f5: {  	v0 =	vor.u32 v0, v7  }
0x4f6: {  	v7 =	vperm.xlane v0, v3;
	_ =	sdelay $0x1  }
0x4f7: {  	v7 =	vadd.s32 v4, v7;
	_ =	sdelay $0x1  }
0x4f8: {  	v0 =	vperm.xlane v0, v5;
	_ =	sdelay $0x1  }
0x4f9: {  	v0 =	vadd.s32 v4, v0  }
0x4fa: {  	[tilespmem:s21], [sflag:$0x1] =	stream.indirect_vreg.gather [hbm4b:s3+s2], $0x80, v7, vm0, $0xb8;
	[tilespmem:$0x19000] =	vst v63  }
0x4fb: {  	_ = 	snop  }
0x4fc: {  	[tilespmem:s23], [sflag:$0x1] =	stream.indirect_vreg.gather [hbm4b:s6+s2], $0x80, v7, vm1, $0xb8;
	[tilespmem:$0x19000] =	vst v63  }
0x4fd: {  	_ = 	snop  }
0x4fe: {  	[tilespmem:s24], [sflag:$0x1] =	stream.indirect_vreg.gather [hbm4b:s3+s2], $0x80, v0, vm0, $0xb8;
	[tilespmem:$0x19000] =	vst v63  }
0x4ff: {  	s25 =	simm.s32 $0xB400  }
0x500: {  	[tilespmem:s25], [sflag:$0x1] =	stream.indirect_vreg.gather [hbm4b:s6+s2], $0x80, v0, vm1, $0xb8;
	[tilespmem:$0x19000] =	vst v63  }
0x501: {  	v0 =	vld [tilespmem:$0xA70];
	_ =	sdelay $0x4  }
0x502: {  	v7 =	vshrl.u32 v0, $0x3  }
0x503: {  	v7 =	vmul.u32 $0x18, v7  }
0x504: {  	v0 =	vand.u32 $0x7, v0  }
0x505: {  	v0 =	vor.u32 v0, v7  }
0x506: {  	v7 =	vperm.xlane v0, v3;
	_ =	sdelay $0x1  }
0x507: {  	v7 =	vadd.s32 v4, v7;
	_ =	sdelay $0x1  }
0x508: {  	v0 =	vperm.xlane v0, v5;
	_ =	sdelay $0x1  }
0x509: {  	v0 =	vadd.s32 v4, v0  }
0x50a: {  	[tilespmem:s26], [sflag:$0x1] =	stream.indirect_vreg.gather [hbm4b:s3+s2], $0x80, v7, vm0, $0xb8;
	[tilespmem:$0x19000] =	vst v63  }
0x50b: {  	_ = 	snop  }
0x50c: {  	[tilespmem:s28], [sflag:$0x1] =	stream.indirect_vreg.gather [hbm4b:s6+s2], $0x80, v7, vm1, $0xb8;
	[tilespmem:$0x19000] =	vst v63  }
0x50d: {  	_ = 	snop  }
0x50e: {  	[tilespmem:s30], [sflag:$0x1] =	stream.indirect_vreg.gather [hbm4b:s3+s2], $0x80, v0, vm0, $0xb8;
	[tilespmem:$0x19000] =	vst v63  }
0x50f: {  	_ = 	snop  }
0x510: {  	[tilespmem:s31], [sflag:$0x1] =	stream.indirect_vreg.gather [hbm4b:s6+s2], $0x80, v0, vm1, $0xb8;
	[tilespmem:$0x19000] =	vst v63  }
0x511: {  	v0 =	vld [tilespmem:$0xD80];
	_ =	sdelay $0x4  }
0x512: {  	v7 =	vshrl.u32 v0, $0x3  }
0x513: {  	v7 =	vmul.u32 $0x18, v7  }
0x514: {  	v0 =	vand.u32 $0x7, v0  }
0x515: {  	v0 =	vor.u32 v0, v7  }
0x516: {  	v7 =	vperm.xlane v0, v3;
	_ =	sdelay $0x1  }
0x517: {  	v7 =	vadd.s32 v4, v7;
	_ =	sdelay $0x1  }
0x518: {  	v0 =	vperm.xlane v0, v5;
	_ =	sdelay $0x1  }
0x519: {  	s0 =	simm.s32 $0xD000;
	v0 =	vadd.s32 v4, v0  }
0x51a: {  	[hbm4b:s5+s2] =	stream.indirect_vreg.scatter [tilespmem:s0], [sflag:$0x2], $0x80, v7, vm0, $0xb8;
	[tilespmem:$0x19000] =	vst v63  }
0x51b: {  	s1 =	simm.s32 $0xD800  }
0x51c: {  	[hbm4b:s7+s2] =	stream.indirect_vreg.scatter [tilespmem:s1], [sflag:$0x2], $0x80, v7, vm1, $0xb8;
	[tilespmem:$0x19000] =	vst v63  }
0x51d: {  	s4 =	simm.s32 $0xDC00  }
0x51e: {  	[hbm4b:s5+s2] =	stream.indirect_vreg.scatter [tilespmem:s4], [sflag:$0x2], $0x80, v0, vm0, $0xb8;
	[tilespmem:$0x19000] =	vst v63  }
0x51f: {  	s18 =	simm.s32 $0xE400  }
0x520: {  	[hbm4b:s7+s2] =	stream.indirect_vreg.scatter [tilespmem:s18], [sflag:$0x2], $0x80, v0, vm1, $0xb8;
	[tilespmem:$0x19000] =	vst v63  }
0x521: {  	v0 =	vld [tilespmem:$0xD90];
	_ =	sdelay $0x4  }
0x522: {  	v7 =	vshrl.u32 v0, $0x3  }
0x523: {  	v7 =	vmul.u32 $0x18, v7  }
0x524: {  	v0 =	vand.u32 $0x7, v0  }
0x525: {  	v0 =	vor.u32 v0, v7  }
0x526: {  	v7 =	vperm.xlane v0, v3;
	_ =	sdelay $0x1  }
0x527: {  	v7 =	vadd.s32 v4, v7;
	_ =	sdelay $0x1  }
0x528: {  	v0 =	vperm.xlane v0, v5;
	_ =	sdelay $0x1  }
0x529: {  	s8 =	simm.s32 $0xE800;
	v0 =	vadd.s32 v4, v0  }
0x52a: {  	[hbm4b:s5+s2] =	stream.indirect_vreg.scatter [tilespmem:s8], [sflag:$0x2], $0x80, v7, vm0, $0xb8;
	[tilespmem:$0x19000] =	vst v63  }
0x52b: {  	s23 =	simm.s32 $0xF000  }
0x52c: {  	[hbm4b:s7+s2] =	stream.indirect_vreg.scatter [tilespmem:s23], [sflag:$0x2], $0x80, v7, vm1, $0xb8;
	[tilespmem:$0x19000] =	vst v63  }
0x52d: {  	s9 =	simm.s32 $0xF400  }
0x52e: {  	[hbm4b:s5+s2] =	stream.indirect_vreg.scatter [tilespmem:s9], [sflag:$0x2], $0x80, v0, vm0, $0xb8;
	[tilespmem:$0x19000] =	vst v63  }
0x52f: {  	s11 =	simm.s32 $0xFC00  }
0x530: {  	[hbm4b:s7+s2] =	stream.indirect_vreg.scatter [tilespmem:s11], [sflag:$0x2], $0x80, v0, vm1, $0xb8;
	[tilespmem:$0x19000] =	vst v63  }
0x531: {  	v0 =	vld [tilespmem:$0xDA0];
	_ =	sdelay $0x4  }
0x532: {  	v7 =	vshrl.u32 v0, $0x3  }
0x533: {  	v7 =	vmul.u32 $0x18, v7  }
0x534: {  	v0 =	vand.u32 $0x7, v0  }
0x535: {  	v0 =	vor.u32 v0, v7  }
0x536: {  	v7 =	vperm.xlane v0, v3;
	_ =	sdelay $0x1  }
0x537: {  	v7 =	vadd.s32 v4, v7;
	_ =	sdelay $0x1  }
0x538: {  	v0 =	vperm.xlane v0, v5;
	_ =	sdelay $0x1  }
0x539: {  	s24 =	simm.s32 $0x10000;
	v0 =	vadd.s32 v4, v0  }
0x53a: {  	[hbm4b:s5+s2] =	stream.indirect_vreg.scatter [tilespmem:s24], [sflag:$0x2], $0x80, v7, vm0, $0xb8;
	[tilespmem:$0x19000] =	vst v63  }
0x53b: {  	s16 =	simm.s32 $0x10800  }
0x53c: {  	[hbm4b:s7+s2] =	stream.indirect_vreg.scatter [tilespmem:s16], [sflag:$0x2], $0x80, v7, vm1, $0xb8;
	[tilespmem:$0x19000] =	vst v63  }
0x53d: {  	s26 =	simm.s32 $0x10C00  }
0x53e: {  	[hbm4b:s5+s2] =	stream.indirect_vreg.scatter [tilespmem:s26], [sflag:$0x2], $0x80, v0, vm0, $0xb8;
	[tilespmem:$0x19000] =	vst v63  }
0x53f: {  	s13 =	simm.s32 $0x11400  }
0x540: {  	[hbm4b:s7+s2] =	stream.indirect_vreg.scatter [tilespmem:s13], [sflag:$0x2], $0x80, v0, vm1, $0xb8;
	[tilespmem:$0x19000] =	vst v63  }
0x541: {  	v0 =	vld [tilespmem:$0xDB0];
	_ =	sdelay $0x4  }
0x542: {  	v7 =	vshrl.u32 v0, $0x3  }
0x543: {  	v7 =	vmul.u32 $0x18, v7  }
0x544: {  	v0 =	vand.u32 $0x7, v0  }
0x545: {  	v0 =	vor.u32 v0, v7  }
0x546: {  	v7 =	vperm.xlane v0, v3;
	_ =	sdelay $0x1  }
0x547: {  	v7 =	vadd.s32 v4, v7;
	_ =	sdelay $0x1  }
0x548: {  	v0 =	vperm.xlane v0, v5;
	_ =	sdelay $0x1  }
0x549: {  	s28 =	simm.s32 $0x11800;
	v0 =	vadd.s32 v4, v0  }
0x54a: {  	[hbm4b:s5+s2] =	stream.indirect_vreg.scatter [tilespmem:s28], [sflag:$0x2], $0x80, v7, vm0, $0xb8;
	[tilespmem:$0x19000] =	vst v63  }
0x54b: {  	s19 =	simm.s32 $0x12000  }
0x54c: {  	[hbm4b:s7+s2] =	stream.indirect_vreg.scatter [tilespmem:s19], [sflag:$0x2], $0x80, v7, vm1, $0xb8;
	[tilespmem:$0x19000] =	vst v63  }
0x54d: {  	s30 =	simm.s32 $0x12400  }
0x54e: {  	[hbm4b:s5+s2] =	stream.indirect_vreg.scatter [tilespmem:s30], [sflag:$0x2], $0x80, v0, vm0, $0xb8;
	[tilespmem:$0x19000] =	vst v63  }
0x54f: {  	s14 =	simm.s32 $0x12C00  }
0x550: {  	[hbm4b:s7+s2] =	stream.indirect_vreg.scatter [tilespmem:s14], [sflag:$0x2], $0x80, v0, vm1, $0xb8;
	[tilespmem:$0x19000] =	vst v63  }
0x551: {  	v0 =	vld [tilespmem:$0xDC0];
	_ =	sdelay $0x4  }
0x552: {  	v7 =	vshrl.u32 v0, $0x3  }
0x553: {  	v7 =	vmul.u32 $0x18, v7  }
0x554: {  	v0 =	vand.u32 $0x7, v0  }
0x555: {  	v0 =	vor.u32 v0, v7  }
0x556: {  	v7 =	vperm.xlane v0, v3;
	_ =	sdelay $0x1  }
0x557: {  	v7 =	vadd.s32 v4, v7;
	_ =	sdelay $0x1  }
0x558: {  	v0 =	vperm.xlane v0, v5;
	_ =	sdelay $0x1  }
0x559: {  	s31 =	simm.s32 $0x13000;
	v0 =	vadd.s32 v4, v0  }
0x55a: {  	[hbm4b:s5+s2] =	stream.indirect_vreg.scatter [tilespmem:s31], [sflag:$0x2], $0x80, v7, vm0, $0xb8;
	[tilespmem:$0x19000] =	vst v63  }
0x55b: {  	s22 =	simm.s32 $0x13800  }
0x55c: {  	[hbm4b:s7+s2] =	stream.indirect_vreg.scatter [tilespmem:s22], [sflag:$0x2], $0x80, v7, vm1, $0xb8;
	[tilespmem:$0x19000] =	vst v63  }
0x55d: {  	s29 =	simm.s32 $0x13C00  }
0x55e: {  	[hbm4b:s5+s2] =	stream.indirect_vreg.scatter [tilespmem:s29], [sflag:$0x2], $0x80, v0, vm0, $0xb8;
	[tilespmem:$0x19000] =	vst v63  }
0x55f: {  	s15 =	simm.s32 $0x14400  }
0x560: {  	[hbm4b:s7+s2] =	stream.indirect_vreg.scatter [tilespmem:s15], [sflag:$0x2], $0x80, v0, vm1, $0xb8;
	[tilespmem:$0x19000] =	vst v63  }
0x561: {  	v0 =	vld [tilespmem:$0xDD0];
	_ =	sdelay $0x4  }
0x562: {  	v7 =	vshrl.u32 v0, $0x3  }
0x563: {  	v7 =	vmul.u32 $0x18, v7  }
0x564: {  	v0 =	vand.u32 $0x7, v0  }
0x565: {  	v0 =	vor.u32 v0, v7  }
0x566: {  	v7 =	vperm.xlane v0, v3;
	_ =	sdelay $0x1  }
0x567: {  	v7 =	vadd.s32 v4, v7;
	_ =	sdelay $0x1  }
0x568: {  	v0 =	vperm.xlane v0, v5;
	_ =	sdelay $0x1  }
0x569: {  	s12 =	simm.s32 $0x14800;
	v0 =	vadd.s32 v4, v0  }
0x56a: {  	[hbm4b:s5+s2] =	stream.indirect_vreg.scatter [tilespmem:s12], [sflag:$0x2], $0x80, v7, vm0, $0xb8;
	[tilespmem:$0x19000] =	vst v63  }
0x56b: {  	s25 =	simm.s32 $0x15000  }
0x56c: {  	[hbm4b:s7+s2] =	stream.indirect_vreg.scatter [tilespmem:s25], [sflag:$0x2], $0x80, v7, vm1, $0xb8;
	[tilespmem:$0x19000] =	vst v63  }
0x56d: {  	s17 =	simm.s32 $0x15400  }
0x56e: {  	[hbm4b:s5+s2] =	stream.indirect_vreg.scatter [tilespmem:s17], [sflag:$0x2], $0x80, v0, vm0, $0xb8;
	[tilespmem:$0x19000] =	vst v63  }
0x56f: {  	s17 =	simm.s32 $0x15C00  }
0x570: {  	[hbm4b:s7+s2] =	stream.indirect_vreg.scatter [tilespmem:s17], [sflag:$0x2], $0x80, v0, vm1, $0xb8;
	[tilespmem:$0x19000] =	vst v63  }
0x571: {  	v0 =	vld [tilespmem:$0xDE0];
	_ =	sdelay $0x4  }
0x572: {  	v7 =	vshrl.u32 v0, $0x3  }
0x573: {  	v7 =	vmul.u32 $0x18, v7  }
0x574: {  	v0 =	vand.u32 $0x7, v0  }
0x575: {  	v0 =	vor.u32 v0, v7  }
0x576: {  	v7 =	vperm.xlane v0, v3;
	_ =	sdelay $0x1  }
0x577: {  	v7 =	vadd.s32 v4, v7;
	_ =	sdelay $0x1  }
0x578: {  	v0 =	vperm.xlane v0, v5;
	_ =	sdelay $0x1  }
0x579: {  	s20 =	simm.s32 $0x16000;
	v0 =	vadd.s32 v4, v0  }
0x57a: {  	[hbm4b:s5+s2] =	stream.indirect_vreg.scatter [tilespmem:s20], [sflag:$0x2], $0x80, v7, vm0, $0xb8;
	[tilespmem:$0x19000] =	vst v63  }
0x57b: {  	s29 =	simm.s32 $0x16800  }
0x57c: {  	[hbm4b:s7+s2] =	stream.indirect_vreg.scatter [tilespmem:s29], [sflag:$0x2], $0x80, v7, vm1, $0xb8;
	[tilespmem:$0x19000] =	vst v63  }
0x57d: {  	s21 =	simm.s32 $0x16C00  }
0x57e: {  	[hbm4b:s5+s2] =	stream.indirect_vreg.scatter [tilespmem:s21], [sflag:$0x2], $0x80, v0, vm0, $0xb8;
	[tilespmem:$0x19000] =	vst v63  }
0x57f: {  	s20 =	simm.s32 $0x17400  }
0x580: {  	[hbm4b:s7+s2] =	stream.indirect_vreg.scatter [tilespmem:s20], [sflag:$0x2], $0x80, v0, vm1, $0xb8;
	[tilespmem:$0x19000] =	vst v63  }
0x581: {  	v0 =	vld [tilespmem:$0xDF0];
	_ =	sdelay $0x4  }
0x582: {  	v7 =	vshrl.u32 v0, $0x3  }
0x583: {  	v7 =	vmul.u32 $0x18, v7  }
0x584: {  	v0 =	vand.u32 $0x7, v0  }
0x585: {  	v0 =	vor.u32 v0, v7  }
0x586: {  	v7 =	vperm.xlane v0, v3;
	_ =	sdelay $0x1  }
0x587: {  	v7 =	vadd.s32 v4, v7;
	_ =	sdelay $0x1  }
0x588: {  	v0 =	vperm.xlane v0, v5;
	_ =	sdelay $0x1  }
0x589: {  	s12 =	simm.s32 $0x17800;
	v0 =	vadd.s32 v4, v0  }
0x58a: {  	[hbm4b:s5+s2] =	stream.indirect_vreg.scatter [tilespmem:s12], [sflag:$0x2], $0x80, v7, vm0, $0xb8;
	[tilespmem:$0x19000] =	vst v63  }
0x58b: {  	s10 =	simm.s32 $0x18000  }
0x58c: {  	[hbm4b:s7+s2] =	stream.indirect_vreg.scatter [tilespmem:s10], [sflag:$0x2], $0x80, v7, vm1, $0xb8;
	[tilespmem:$0x19000] =	vst v63  }
0x58d: {  	s21 =	simm.s32 $0x18400  }
0x58e: {  	[hbm4b:s5+s2] =	stream.indirect_vreg.scatter [tilespmem:s21], [sflag:$0x2], $0x80, v0, vm0, $0xb8;
	[tilespmem:$0x19000] =	vst v63  }
0x58f: {  	s12 =	simm.s32 $0x2;
	s21 =	simm.s32 $0x18C00  }
0x590: {  	[hbm4b:s7+s2] =	stream.indirect_vreg.scatter [tilespmem:s21], [sflag:$0x2], $0x80, v0, vm1, $0xb8;
	[tilespmem:$0x19000] =	vst v63  }
0x591: {  	_ =	swait.ge [sflag:s12], $0xC000  }
0x592: {  	[sflag:s12] =	ssyncset.done $0x0  }
0x593: {  	[sflag:s12] =	ssyncadd.s32 $0xFFFF4000;
	s12 =	simm.s32 $0x1  }
0x594: {  	_ =	swait.ge [sflag:s12], $0xC000  }
0x595: {  	[sflag:s12] =	ssyncset.done $0x0  }
0x596: {  	[sflag:s12] =	ssyncadd.s32 $0xFFFF4000  }
0x597: {  	v0 =	vld [tilespmem:$0xA80];
	_ =	sdelay $0x4  }
0x598: {  	v7 =	vshrl.u32 v0, $0x3  }
0x599: {  	v7 =	vmul.u32 $0x18, v7  }
0x59a: {  	v0 =	vand.u32 $0x7, v0  }
0x59b: {  	v0 =	vor.u32 v0, v7  }
0x59c: {  	v7 =	vperm.xlane v0, v3;
	_ =	sdelay $0x1  }
0x59d: {  	v7 =	vadd.s32 v4, v7;
	_ =	sdelay $0x1  }
0x59e: {  	v0 =	vperm.xlane v0, v5;
	_ =	sdelay $0x1  }
0x59f: {  	v0 =	vadd.s32 v4, v0  }
0x5a0: {  	[tilespmem:s0], [sflag:$0x1] =	stream.indirect_vreg.gather [hbm4b:s3+s2], $0x80, v7, vm0, $0xb8;
	[tilespmem:$0x19000] =	vst v63  }
0x5a1: {  	_ = 	snop  }
0x5a2: {  	[tilespmem:s1], [sflag:$0x1] =	stream.indirect_vreg.gather [hbm4b:s6+s2], $0x80, v7, vm1, $0xb8;
	[tilespmem:$0x19000] =	vst v63  }
0x5a3: {  	_ = 	snop  }
0x5a4: {  	[tilespmem:s4], [sflag:$0x1] =	stream.indirect_vreg.gather [hbm4b:s3+s2], $0x80, v0, vm0, $0xb8;
	[tilespmem:$0x19000] =	vst v63  }
0x5a5: {  	_ = 	snop  }
0x5a6: {  	[tilespmem:s18], [sflag:$0x1] =	stream.indirect_vreg.gather [hbm4b:s6+s2], $0x80, v0, vm1, $0xb8;
	[tilespmem:$0x19000] =	vst v63  }
0x5a7: {  	v0 =	vld [tilespmem:$0xA90];
	_ =	sdelay $0x4  }
0x5a8: {  	v7 =	vshrl.u32 v0, $0x3  }
0x5a9: {  	v7 =	vmul.u32 $0x18, v7  }
0x5aa: {  	v0 =	vand.u32 $0x7, v0  }
0x5ab: {  	v0 =	vor.u32 v0, v7  }
0x5ac: {  	v7 =	vperm.xlane v0, v3;
	_ =	sdelay $0x1  }
0x5ad: {  	v7 =	vadd.s32 v4, v7;
	_ =	sdelay $0x1  }
0x5ae: {  	v0 =	vperm.xlane v0, v5;
	_ =	sdelay $0x1  }
0x5af: {  	v0 =	vadd.s32 v4, v0  }
0x5b0: {  	[tilespmem:s8], [sflag:$0x1] =	stream.indirect_vreg.gather [hbm4b:s3+s2], $0x80, v7, vm0, $0xb8;
	[tilespmem:$0x19000] =	vst v63  }
0x5b1: {  	_ = 	snop  }
0x5b2: {  	[tilespmem:s23], [sflag:$0x1] =	stream.indirect_vreg.gather [hbm4b:s6+s2], $0x80, v7, vm1, $0xb8;
	[tilespmem:$0x19000] =	vst v63  }
0x5b3: {  	_ = 	snop  }
0x5b4: {  	[tilespmem:s9], [sflag:$0x1] =	stream.indirect_vreg.gather [hbm4b:s3+s2], $0x80, v0, vm0, $0xb8;
	[tilespmem:$0x19000] =	vst v63  }
0x5b5: {  	_ = 	snop  }
0x5b6: {  	[tilespmem:s11], [sflag:$0x1] =	stream.indirect_vreg.gather [hbm4b:s6+s2], $0x80, v0, vm1, $0xb8;
	[tilespmem:$0x19000] =	vst v63  }
0x5b7: {  	v0 =	vld [tilespmem:$0xAA0];
	_ =	sdelay $0x4  }
0x5b8: {  	v7 =	vshrl.u32 v0, $0x3  }
0x5b9: {  	v7 =	vmul.u32 $0x18, v7  }
0x5ba: {  	v0 =	vand.u32 $0x7, v0  }
0x5bb: {  	v0 =	vor.u32 v0, v7  }
0x5bc: {  	v7 =	vperm.xlane v0, v3;
	_ =	sdelay $0x1  }
0x5bd: {  	v7 =	vadd.s32 v4, v7;
	_ =	sdelay $0x1  }
0x5be: {  	v0 =	vperm.xlane v0, v5;
	_ =	sdelay $0x1  }
0x5bf: {  	v0 =	vadd.s32 v4, v0  }
0x5c0: {  	[tilespmem:s24], [sflag:$0x1] =	stream.indirect_vreg.gather [hbm4b:s3+s2], $0x80, v7, vm0, $0xb8;
	[tilespmem:$0x19000] =	vst v63  }
0x5c1: {  	_ = 	snop  }
0x5c2: {  	[tilespmem:s16], [sflag:$0x1] =	stream.indirect_vreg.gather [hbm4b:s6+s2], $0x80, v7, vm1, $0xb8;
	[tilespmem:$0x19000] =	vst v63  }
0x5c3: {  	_ = 	snop  }
0x5c4: {  	[tilespmem:s26], [sflag:$0x1] =	stream.indirect_vreg.gather [hbm4b:s3+s2], $0x80, v0, vm0, $0xb8;
	[tilespmem:$0x19000] =	vst v63  }
0x5c5: {  	_ = 	snop  }
0x5c6: {  	[tilespmem:s13], [sflag:$0x1] =	stream.indirect_vreg.gather [hbm4b:s6+s2], $0x80, v0, vm1, $0xb8;
	[tilespmem:$0x19000] =	vst v63  }
0x5c7: {  	v0 =	vld [tilespmem:$0xAB0];
	_ =	sdelay $0x4  }
0x5c8: {  	v7 =	vshrl.u32 v0, $0x3  }
0x5c9: {  	v7 =	vmul.u32 $0x18, v7  }
0x5ca: {  	v0 =	vand.u32 $0x7, v0  }
0x5cb: {  	v0 =	vor.u32 v0, v7  }
0x5cc: {  	v7 =	vperm.xlane v0, v3;
	_ =	sdelay $0x1  }
0x5cd: {  	v7 =	vadd.s32 v4, v7;
	_ =	sdelay $0x1  }
0x5ce: {  	v0 =	vperm.xlane v0, v5;
	_ =	sdelay $0x1  }
0x5cf: {  	v0 =	vadd.s32 v4, v0  }
0x5d0: {  	[tilespmem:s28], [sflag:$0x1] =	stream.indirect_vreg.gather [hbm4b:s3+s2], $0x80, v7, vm0, $0xb8;
	[tilespmem:$0x19000] =	vst v63  }
0x5d1: {  	_ = 	snop  }
0x5d2: {  	[tilespmem:s19], [sflag:$0x1] =	stream.indirect_vreg.gather [hbm4b:s6+s2], $0x80, v7, vm1, $0xb8;
	[tilespmem:$0x19000] =	vst v63  }
0x5d3: {  	_ = 	snop  }
0x5d4: {  	[tilespmem:s30], [sflag:$0x1] =	stream.indirect_vreg.gather [hbm4b:s3+s2], $0x80, v0, vm0, $0xb8;
	[tilespmem:$0x19000] =	vst v63  }
0x5d5: {  	_ = 	snop  }
0x5d6: {  	[tilespmem:s14], [sflag:$0x1] =	stream.indirect_vreg.gather [hbm4b:s6+s2], $0x80, v0, vm1, $0xb8;
	[tilespmem:$0x19000] =	vst v63  }
0x5d7: {  	v0 =	vld [tilespmem:$0xAC0];
	_ =	sdelay $0x4  }
0x5d8: {  	v7 =	vshrl.u32 v0, $0x3  }
0x5d9: {  	v7 =	vmul.u32 $0x18, v7  }
0x5da: {  	v0 =	vand.u32 $0x7, v0  }
0x5db: {  	v0 =	vor.u32 v0, v7  }
0x5dc: {  	v7 =	vperm.xlane v0, v3;
	_ =	sdelay $0x1  }
0x5dd: {  	v7 =	vadd.s32 v4, v7;
	_ =	sdelay $0x1  }
0x5de: {  	v0 =	vperm.xlane v0, v5;
	_ =	sdelay $0x1  }
0x5df: {  	v0 =	vadd.s32 v4, v0  }
0x5e0: {  	[tilespmem:s31], [sflag:$0x1] =	stream.indirect_vreg.gather [hbm4b:s3+s2], $0x80, v7, vm0, $0xb8;
	[tilespmem:$0x19000] =	vst v63  }
0x5e1: {  	_ = 	snop  }
0x5e2: {  	[tilespmem:s22], [sflag:$0x1] =	stream.indirect_vreg.gather [hbm4b:s6+s2], $0x80, v7, vm1, $0xb8;
	[tilespmem:$0x19000] =	vst v63  }
0x5e3: {  	s12 =	simm.s32 $0x13C00  }
0x5e4: {  	[tilespmem:s12], [sflag:$0x1] =	stream.indirect_vreg.gather [hbm4b:s3+s2], $0x80, v0, vm0, $0xb8;
	[tilespmem:$0x19000] =	vst v63  }
0x5e5: {  	_ = 	snop  }
0x5e6: {  	[tilespmem:s15], [sflag:$0x1] =	stream.indirect_vreg.gather [hbm4b:s6+s2], $0x80, v0, vm1, $0xb8;
	[tilespmem:$0x19000] =	vst v63  }
0x5e7: {  	v0 =	vld [tilespmem:$0xAD0];
	_ =	sdelay $0x4  }
0x5e8: {  	v7 =	vshrl.u32 v0, $0x3  }
0x5e9: {  	v7 =	vmul.u32 $0x18, v7  }
0x5ea: {  	v0 =	vand.u32 $0x7, v0  }
0x5eb: {  	v0 =	vor.u32 v0, v7  }
0x5ec: {  	v7 =	vperm.xlane v0, v3;
	_ =	sdelay $0x1  }
0x5ed: {  	v7 =	vadd.s32 v4, v7;
	_ =	sdelay $0x1  }
0x5ee: {  	v0 =	vperm.xlane v0, v5;
	_ =	sdelay $0x1  }
0x5ef: {  	s13 =	simm.s32 $0x14800;
	v0 =	vadd.s32 v4, v0  }
0x5f0: {  	[tilespmem:s13], [sflag:$0x1] =	stream.indirect_vreg.gather [hbm4b:s3+s2], $0x80, v7, vm0, $0xb8;
	[tilespmem:$0x19000] =	vst v63  }
0x5f1: {  	_ = 	snop  }
0x5f2: {  	[tilespmem:s25], [sflag:$0x1] =	stream.indirect_vreg.gather [hbm4b:s6+s2], $0x80, v7, vm1, $0xb8;
	[tilespmem:$0x19000] =	vst v63  }
0x5f3: {  	s14 =	simm.s32 $0x15400  }
0x5f4: {  	[tilespmem:s14], [sflag:$0x1] =	stream.indirect_vreg.gather [hbm4b:s3+s2], $0x80, v0, vm0, $0xb8;
	[tilespmem:$0x19000] =	vst v63  }
0x5f5: {  	_ = 	snop  }
0x5f6: {  	[tilespmem:s17], [sflag:$0x1] =	stream.indirect_vreg.gather [hbm4b:s6+s2], $0x80, v0, vm1, $0xb8;
	[tilespmem:$0x19000] =	vst v63  }
0x5f7: {  	v0 =	vld [tilespmem:$0xAE0];
	_ =	sdelay $0x4  }
0x5f8: {  	v7 =	vshrl.u32 v0, $0x3  }
0x5f9: {  	v7 =	vmul.u32 $0x18, v7  }
0x5fa: {  	v0 =	vand.u32 $0x7, v0  }
0x5fb: {  	v0 =	vor.u32 v0, v7  }
0x5fc: {  	v7 =	vperm.xlane v0, v3;
	_ =	sdelay $0x1  }
0x5fd: {  	v7 =	vadd.s32 v4, v7;
	_ =	sdelay $0x1  }
0x5fe: {  	v0 =	vperm.xlane v0, v5;
	_ =	sdelay $0x1  }
0x5ff: {  	s15 =	simm.s32 $0x16000;
	v0 =	vadd.s32 v4, v0  }
0x600: {  	[tilespmem:s15], [sflag:$0x1] =	stream.indirect_vreg.gather [hbm4b:s3+s2], $0x80, v7, vm0, $0xb8;
	[tilespmem:$0x19000] =	vst v63  }
0x601: {  	_ = 	snop  }
0x602: {  	[tilespmem:s29], [sflag:$0x1] =	stream.indirect_vreg.gather [hbm4b:s6+s2], $0x80, v7, vm1, $0xb8;
	[tilespmem:$0x19000] =	vst v63  }
0x603: {  	s16 =	simm.s32 $0x16C00  }
0x604: {  	[tilespmem:s16], [sflag:$0x1] =	stream.indirect_vreg.gather [hbm4b:s3+s2], $0x80, v0, vm0, $0xb8;
	[tilespmem:$0x19000] =	vst v63  }
0x605: {  	_ = 	snop  }
0x606: {  	[tilespmem:s20], [sflag:$0x1] =	stream.indirect_vreg.gather [hbm4b:s6+s2], $0x80, v0, vm1, $0xb8;
	[tilespmem:$0x19000] =	vst v63  }
0x607: {  	v0 =	vld [tilespmem:$0xAF0];
	_ =	sdelay $0x4  }
0x608: {  	v7 =	vshrl.u32 v0, $0x3  }
0x609: {  	v7 =	vmul.u32 $0x18, v7  }
0x60a: {  	v0 =	vand.u32 $0x7, v0  }
0x60b: {  	v0 =	vor.u32 v0, v7  }
0x60c: {  	v7 =	vperm.xlane v0, v3;
	_ =	sdelay $0x1  }
0x60d: {  	v7 =	vadd.s32 v4, v7;
	_ =	sdelay $0x1  }
0x60e: {  	v0 =	vperm.xlane v0, v5;
	_ =	sdelay $0x1  }
0x60f: {  	s17 =	simm.s32 $0x17800;
	v0 =	vadd.s32 v4, v0  }
0x610: {  	[tilespmem:s17], [sflag:$0x1] =	stream.indirect_vreg.gather [hbm4b:s3+s2], $0x80, v7, vm0, $0xb8;
	[tilespmem:$0x19000] =	vst v63  }
0x611: {  	_ = 	snop  }
0x612: {  	[tilespmem:s10], [sflag:$0x1] =	stream.indirect_vreg.gather [hbm4b:s6+s2], $0x80, v7, vm1, $0xb8;
	[tilespmem:$0x19000] =	vst v63  }
0x613: {  	s18 =	simm.s32 $0x18400  }
0x614: {  	[tilespmem:s18], [sflag:$0x1] =	stream.indirect_vreg.gather [hbm4b:s3+s2], $0x80, v0, vm0, $0xb8;
	[tilespmem:$0x19000] =	vst v63  }
0x615: {  	_ = 	snop  }
0x616: {  	[tilespmem:s21], [sflag:$0x1] =	stream.indirect_vreg.gather [hbm4b:s6+s2], $0x80, v0, vm1, $0xb8;
	[tilespmem:$0x19000] =	vst v63  }
0x617: {  	v0 =	vld [tilespmem:$0xE00];
	_ =	sdelay $0x4  }
0x618: {  	v7 =	vshrl.u32 v0, $0x3  }
0x619: {  	v7 =	vmul.u32 $0x18, v7  }
0x61a: {  	v0 =	vand.u32 $0x7, v0  }
0x61b: {  	v0 =	vor.u32 v0, v7  }
0x61c: {  	v7 =	vperm.xlane v0, v3;
	_ =	sdelay $0x1  }
0x61d: {  	v7 =	vadd.s32 v4, v7;
	_ =	sdelay $0x1  }
0x61e: {  	v0 =	vperm.xlane v0, v5;
	_ =	sdelay $0x1  }
0x61f: {  	s19 =	simm.s32 $0x1000;
	v0 =	vadd.s32 v4, v0  }
0x620: {  	[hbm4b:s5+s2] =	stream.indirect_vreg.scatter [tilespmem:s19], [sflag:$0x2], $0x80, v7, vm0, $0xb8;
	[tilespmem:$0x19000] =	vst v63  }
0x621: {  	s1 =	simm.s32 $0x1800  }
0x622: {  	[hbm4b:s7+s2] =	stream.indirect_vreg.scatter [tilespmem:s1], [sflag:$0x2], $0x80, v7, vm1, $0xb8;
	[tilespmem:$0x19000] =	vst v63  }
0x623: {  	s4 =	simm.s32 $0x1C00  }
0x624: {  	[hbm4b:s5+s2] =	stream.indirect_vreg.scatter [tilespmem:s4], [sflag:$0x2], $0x80, v0, vm0, $0xb8;
	[tilespmem:$0x19000] =	vst v63  }
0x625: {  	s28 =	simm.s32 $0x2400  }
0x626: {  	[hbm4b:s7+s2] =	stream.indirect_vreg.scatter [tilespmem:s28], [sflag:$0x2], $0x80, v0, vm1, $0xb8;
	[tilespmem:$0x19000] =	vst v63  }
0x627: {  	v0 =	vld [tilespmem:$0xE10];
	_ =	sdelay $0x4  }
0x628: {  	v7 =	vshrl.u32 v0, $0x3  }
0x629: {  	v7 =	vmul.u32 $0x18, v7  }
0x62a: {  	v0 =	vand.u32 $0x7, v0  }
0x62b: {  	v0 =	vor.u32 v0, v7  }
0x62c: {  	v7 =	vperm.xlane v0, v3;
	_ =	sdelay $0x1  }
0x62d: {  	v7 =	vadd.s32 v4, v7;
	_ =	sdelay $0x1  }
0x62e: {  	v0 =	vperm.xlane v0, v5;
	_ =	sdelay $0x1  }
0x62f: {  	s8 =	simm.s32 $0x2800;
	v0 =	vadd.s32 v4, v0  }
0x630: {  	[hbm4b:s5+s2] =	stream.indirect_vreg.scatter [tilespmem:s8], [sflag:$0x2], $0x80, v7, vm0, $0xb8;
	[tilespmem:$0x19000] =	vst v63  }
0x631: {  	s9 =	simm.s32 $0x3000  }
0x632: {  	[hbm4b:s7+s2] =	stream.indirect_vreg.scatter [tilespmem:s9], [sflag:$0x2], $0x80, v7, vm1, $0xb8;
	[tilespmem:$0x19000] =	vst v63  }
0x633: {  	s20 =	simm.s32 $0x3400  }
0x634: {  	[hbm4b:s5+s2] =	stream.indirect_vreg.scatter [tilespmem:s20], [sflag:$0x2], $0x80, v0, vm0, $0xb8;
	[tilespmem:$0x19000] =	vst v63  }
0x635: {  	s29 =	simm.s32 $0x3C00  }
0x636: {  	[hbm4b:s7+s2] =	stream.indirect_vreg.scatter [tilespmem:s29], [sflag:$0x2], $0x80, v0, vm1, $0xb8;
	[tilespmem:$0x19000] =	vst v63  }
0x637: {  	v0 =	vld [tilespmem:$0xE20];
	_ =	sdelay $0x4  }
0x638: {  	v7 =	vshrl.u32 v0, $0x3  }
0x639: {  	v7 =	vmul.u32 $0x18, v7  }
0x63a: {  	v0 =	vand.u32 $0x7, v0  }
0x63b: {  	v0 =	vor.u32 v0, v7  }
0x63c: {  	v7 =	vperm.xlane v0, v3;
	_ =	sdelay $0x1  }
0x63d: {  	v7 =	vadd.s32 v4, v7;
	_ =	sdelay $0x1  }
0x63e: {  	v0 =	vperm.xlane v0, v5;
	_ =	sdelay $0x1  }
0x63f: {  	s21 =	simm.s32 $0x4000;
	v0 =	vadd.s32 v4, v0  }
0x640: {  	[hbm4b:s5+s2] =	stream.indirect_vreg.scatter [tilespmem:s21], [sflag:$0x2], $0x80, v7, vm0, $0xb8;
	[tilespmem:$0x19000] =	vst v63  }
0x641: {  	s22 =	simm.s32 $0x4800  }
0x642: {  	[hbm4b:s7+s2] =	stream.indirect_vreg.scatter [tilespmem:s22], [sflag:$0x2], $0x80, v7, vm1, $0xb8;
	[tilespmem:$0x19000] =	vst v63  }
0x643: {  	s23 =	simm.s32 $0x4C00  }
0x644: {  	[hbm4b:s5+s2] =	stream.indirect_vreg.scatter [tilespmem:s23], [sflag:$0x2], $0x80, v0, vm0, $0xb8;
	[tilespmem:$0x19000] =	vst v63  }
0x645: {  	s30 =	simm.s32 $0x5400  }
0x646: {  	[hbm4b:s7+s2] =	stream.indirect_vreg.scatter [tilespmem:s30], [sflag:$0x2], $0x80, v0, vm1, $0xb8;
	[tilespmem:$0x19000] =	vst v63  }
0x647: {  	v0 =	vld [tilespmem:$0xE30];
	_ =	sdelay $0x4  }
0x648: {  	v7 =	vshrl.u32 v0, $0x3  }
0x649: {  	v7 =	vmul.u32 $0x18, v7  }
0x64a: {  	v0 =	vand.u32 $0x7, v0  }
0x64b: {  	v0 =	vor.u32 v0, v7  }
0x64c: {  	v7 =	vperm.xlane v0, v3;
	_ =	sdelay $0x1  }
0x64d: {  	v7 =	vadd.s32 v4, v7;
	_ =	sdelay $0x1  }
0x64e: {  	v0 =	vperm.xlane v0, v5;
	_ =	sdelay $0x1  }
0x64f: {  	s10 =	simm.s32 $0x5800;
	v0 =	vadd.s32 v4, v0  }
0x650: {  	[hbm4b:s5+s2] =	stream.indirect_vreg.scatter [tilespmem:s10], [sflag:$0x2], $0x80, v7, vm0, $0xb8;
	[tilespmem:$0x19000] =	vst v63  }
0x651: {  	s11 =	simm.s32 $0x6000  }
0x652: {  	[hbm4b:s7+s2] =	stream.indirect_vreg.scatter [tilespmem:s11], [sflag:$0x2], $0x80, v7, vm1, $0xb8;
	[tilespmem:$0x19000] =	vst v63  }
0x653: {  	s12 =	simm.s32 $0x6400  }
0x654: {  	[hbm4b:s5+s2] =	stream.indirect_vreg.scatter [tilespmem:s12], [sflag:$0x2], $0x80, v0, vm0, $0xb8;
	[tilespmem:$0x19000] =	vst v63  }
0x655: {  	s31 =	simm.s32 $0x6C00  }
0x656: {  	[hbm4b:s7+s2] =	stream.indirect_vreg.scatter [tilespmem:s31], [sflag:$0x2], $0x80, v0, vm1, $0xb8;
	[tilespmem:$0x19000] =	vst v63  }
0x657: {  	v0 =	vld [tilespmem:$0xE40];
	_ =	sdelay $0x4  }
0x658: {  	v7 =	vshrl.u32 v0, $0x3  }
0x659: {  	v7 =	vmul.u32 $0x18, v7  }
0x65a: {  	v0 =	vand.u32 $0x7, v0  }
0x65b: {  	v0 =	vor.u32 v0, v7  }
0x65c: {  	v7 =	vperm.xlane v0, v3;
	_ =	sdelay $0x1  }
0x65d: {  	v7 =	vadd.s32 v4, v7;
	_ =	sdelay $0x1  }
0x65e: {  	v0 =	vperm.xlane v0, v5;
	_ =	sdelay $0x1  }
0x65f: {  	s13 =	simm.s32 $0x7000;
	v0 =	vadd.s32 v4, v0  }
0x660: {  	[hbm4b:s5+s2] =	stream.indirect_vreg.scatter [tilespmem:s13], [sflag:$0x2], $0x80, v7, vm0, $0xb8;
	[tilespmem:$0x19000] =	vst v63  }
0x661: {  	s14 =	simm.s32 $0x7800  }
0x662: {  	[hbm4b:s7+s2] =	stream.indirect_vreg.scatter [tilespmem:s14], [sflag:$0x2], $0x80, v7, vm1, $0xb8;
	[tilespmem:$0x19000] =	vst v63  }
0x663: {  	s15 =	simm.s32 $0x7C00  }
0x664: {  	[hbm4b:s5+s2] =	stream.indirect_vreg.scatter [tilespmem:s15], [sflag:$0x2], $0x80, v0, vm0, $0xb8;
	[tilespmem:$0x19000] =	vst v63  }
0x665: {  	s26 =	simm.s32 $0x8400  }
0x666: {  	[hbm4b:s7+s2] =	stream.indirect_vreg.scatter [tilespmem:s26], [sflag:$0x2], $0x80, v0, vm1, $0xb8;
	[tilespmem:$0x19000] =	vst v63  }
0x667: {  	v0 =	vld [tilespmem:$0xE50];
	_ =	sdelay $0x4  }
0x668: {  	v7 =	vshrl.u32 v0, $0x3  }
0x669: {  	v7 =	vmul.u32 $0x18, v7  }
0x66a: {  	v0 =	vand.u32 $0x7, v0  }
0x66b: {  	v0 =	vor.u32 v0, v7  }
0x66c: {  	v7 =	vperm.xlane v0, v3;
	_ =	sdelay $0x1  }
0x66d: {  	v7 =	vadd.s32 v4, v7;
	_ =	sdelay $0x1  }
0x66e: {  	v0 =	vperm.xlane v0, v5;
	_ =	sdelay $0x1  }
0x66f: {  	s16 =	simm.s32 $0x8800;
	v0 =	vadd.s32 v4, v0  }
0x670: {  	[hbm4b:s5+s2] =	stream.indirect_vreg.scatter [tilespmem:s16], [sflag:$0x2], $0x80, v7, vm0, $0xb8;
	[tilespmem:$0x19000] =	vst v63  }
0x671: {  	s17 =	simm.s32 $0x9000  }
0x672: {  	[hbm4b:s7+s2] =	stream.indirect_vreg.scatter [tilespmem:s17], [sflag:$0x2], $0x80, v7, vm1, $0xb8;
	[tilespmem:$0x19000] =	vst v63  }
0x673: {  	s18 =	simm.s32 $0x9400  }
0x674: {  	[hbm4b:s5+s2] =	stream.indirect_vreg.scatter [tilespmem:s18], [sflag:$0x2], $0x80, v0, vm0, $0xb8;
	[tilespmem:$0x19000] =	vst v63  }
0x675: {  	s24 =	simm.s32 $0x9C00  }
0x676: {  	[hbm4b:s7+s2] =	stream.indirect_vreg.scatter [tilespmem:s24], [sflag:$0x2], $0x80, v0, vm1, $0xb8;
	[tilespmem:$0x19000] =	vst v63  }
0x677: {  	v0 =	vld [tilespmem:$0xE60];
	_ =	sdelay $0x4  }
0x678: {  	v7 =	vshrl.u32 v0, $0x3  }
0x679: {  	v7 =	vmul.u32 $0x18, v7  }
0x67a: {  	v0 =	vand.u32 $0x7, v0  }
0x67b: {  	v0 =	vor.u32 v0, v7  }
0x67c: {  	v7 =	vperm.xlane v0, v3;
	_ =	sdelay $0x1  }
0x67d: {  	v7 =	vadd.s32 v4, v7;
	_ =	sdelay $0x1  }
0x67e: {  	v0 =	vperm.xlane v0, v5;
	_ =	sdelay $0x1  }
0x67f: {  	s19 =	simm.s32 $0xA000;
	v0 =	vadd.s32 v4, v0  }
0x680: {  	[hbm4b:s5+s2] =	stream.indirect_vreg.scatter [tilespmem:s19], [sflag:$0x2], $0x80, v7, vm0, $0xb8;
	[tilespmem:$0x19000] =	vst v63  }
0x681: {  	s20 =	simm.s32 $0xA800  }
0x682: {  	[hbm4b:s7+s2] =	stream.indirect_vreg.scatter [tilespmem:s20], [sflag:$0x2], $0x80, v7, vm1, $0xb8;
	[tilespmem:$0x19000] =	vst v63  }
0x683: {  	s21 =	simm.s32 $0xAC00  }
0x684: {  	[hbm4b:s5+s2] =	stream.indirect_vreg.scatter [tilespmem:s21], [sflag:$0x2], $0x80, v0, vm0, $0xb8;
	[tilespmem:$0x19000] =	vst v63  }
0x685: {  	s25 =	simm.s32 $0xB400  }
0x686: {  	[hbm4b:s7+s2] =	stream.indirect_vreg.scatter [tilespmem:s25], [sflag:$0x2], $0x80, v0, vm1, $0xb8;
	[tilespmem:$0x19000] =	vst v63  }
0x687: {  	v0 =	vld [tilespmem:$0xE70];
	_ =	sdelay $0x4  }
0x688: {  	v7 =	vshrl.u32 v0, $0x3  }
0x689: {  	v7 =	vmul.u32 $0x18, v7  }
0x68a: {  	v0 =	vand.u32 $0x7, v0  }
0x68b: {  	v0 =	vor.u32 v0, v7  }
0x68c: {  	v7 =	vperm.xlane v0, v3;
	_ =	sdelay $0x1  }
0x68d: {  	v7 =	vadd.s32 v4, v7;
	_ =	sdelay $0x1  }
0x68e: {  	v0 =	vperm.xlane v0, v5;
	_ =	sdelay $0x1  }
0x68f: {  	s22 =	simm.s32 $0xB800;
	v0 =	vadd.s32 v4, v0  }
0x690: {  	[hbm4b:s5+s2] =	stream.indirect_vreg.scatter [tilespmem:s22], [sflag:$0x2], $0x80, v7, vm0, $0xb8;
	[tilespmem:$0x19000] =	vst v63  }
0x691: {  	s23 =	simm.s32 $0xC000  }
0x692: {  	[hbm4b:s7+s2] =	stream.indirect_vreg.scatter [tilespmem:s23], [sflag:$0x2], $0x80, v7, vm1, $0xb8;
	[tilespmem:$0x19000] =	vst v63  }
0x693: {  	s24 =	simm.s32 $0xC400  }
0x694: {  	[hbm4b:s5+s2] =	stream.indirect_vreg.scatter [tilespmem:s24], [sflag:$0x2], $0x80, v0, vm0, $0xb8;
	[tilespmem:$0x19000] =	vst v63  }
0x695: {  	s0 =	simm.s32 $0x2;
	s25 =	simm.s32 $0xCC00  }
0x696: {  	[hbm4b:s7+s2] =	stream.indirect_vreg.scatter [tilespmem:s25], [sflag:$0x2], $0x80, v0, vm1, $0xb8;
	[tilespmem:$0x19000] =	vst v63  }
0x697: {  	_ =	swait.ge [sflag:s0], $0xC000  }
0x698: {  	[sflag:s0] =	ssyncset.done $0x0  }
0x699: {  	[sflag:s0] =	ssyncadd.s32 $0xFFFF4000;
	s0 =	simm.s32 $0x1  }
0x69a: {  	_ =	swait.ge [sflag:s0], $0xC000  }
0x69b: {  	[sflag:s0] =	ssyncset.done $0x0  }
0x69c: {  	[sflag:s0] =	ssyncadd.s32 $0xFFFF4000  }
0x69d: {  	v0 =	vld [tilespmem:$0xB00];
	_ =	sdelay $0x4  }
0x69e: {  	v7 =	vshrl.u32 v0, $0x3  }
0x69f: {  	v7 =	vmul.u32 $0x18, v7  }
0x6a0: {  	v0 =	vand.u32 $0x7, v0  }
0x6a1: {  	v0 =	vor.u32 v0, v7  }
0x6a2: {  	v7 =	vperm.xlane v0, v3;
	_ =	sdelay $0x1  }
0x6a3: {  	v7 =	vadd.s32 v4, v7;
	_ =	sdelay $0x1  }
0x6a4: {  	v0 =	vperm.xlane v0, v5;
	_ =	sdelay $0x1  }
0x6a5: {  	s0 =	simm.s32 $0x1000;
	v0 =	vadd.s32 v4, v0  }
0x6a6: {  	[tilespmem:s0], [sflag:$0x1] =	stream.indirect_vreg.gather [hbm4b:s3+s2], $0x80, v7, vm0, $0xb8;
	[tilespmem:$0x19000] =	vst v63  }
0x6a7: {  	_ = 	snop  }
0x6a8: {  	[tilespmem:s1], [sflag:$0x1] =	stream.indirect_vreg.gather [hbm4b:s6+s2], $0x80, v7, vm1, $0xb8;
	[tilespmem:$0x19000] =	vst v63  }
0x6a9: {  	_ = 	snop  }
0x6aa: {  	[tilespmem:s4], [sflag:$0x1] =	stream.indirect_vreg.gather [hbm4b:s3+s2], $0x80, v0, vm0, $0xb8;
	[tilespmem:$0x19000] =	vst v63  }
0x6ab: {  	_ = 	snop  }
0x6ac: {  	[tilespmem:s28], [sflag:$0x1] =	stream.indirect_vreg.gather [hbm4b:s6+s2], $0x80, v0, vm1, $0xb8;
	[tilespmem:$0x19000] =	vst v63  }
0x6ad: {  	v0 =	vld [tilespmem:$0xB10];
	_ =	sdelay $0x4  }
0x6ae: {  	v7 =	vshrl.u32 v0, $0x3  }
0x6af: {  	v7 =	vmul.u32 $0x18, v7  }
0x6b0: {  	v0 =	vand.u32 $0x7, v0  }
0x6b1: {  	v0 =	vor.u32 v0, v7  }
0x6b2: {  	v7 =	vperm.xlane v0, v3;
	_ =	sdelay $0x1  }
0x6b3: {  	v7 =	vadd.s32 v4, v7;
	_ =	sdelay $0x1  }
0x6b4: {  	v0 =	vperm.xlane v0, v5;
	_ =	sdelay $0x1  }
0x6b5: {  	v0 =	vadd.s32 v4, v0  }
0x6b6: {  	[tilespmem:s8], [sflag:$0x1] =	stream.indirect_vreg.gather [hbm4b:s3+s2], $0x80, v7, vm0, $0xb8;
	[tilespmem:$0x19000] =	vst v63  }
0x6b7: {  	_ = 	snop  }
0x6b8: {  	[tilespmem:s9], [sflag:$0x1] =	stream.indirect_vreg.gather [hbm4b:s6+s2], $0x80, v7, vm1, $0xb8;
	[tilespmem:$0x19000] =	vst v63  }
0x6b9: {  	s1 =	simm.s32 $0x3400  }
0x6ba: {  	[tilespmem:s1], [sflag:$0x1] =	stream.indirect_vreg.gather [hbm4b:s3+s2], $0x80, v0, vm0, $0xb8;
	[tilespmem:$0x19000] =	vst v63  }
0x6bb: {  	_ = 	snop  }
0x6bc: {  	[tilespmem:s29], [sflag:$0x1] =	stream.indirect_vreg.gather [hbm4b:s6+s2], $0x80, v0, vm1, $0xb8;
	[tilespmem:$0x19000] =	vst v63  }
0x6bd: {  	v0 =	vld [tilespmem:$0xB20];
	_ =	sdelay $0x4  }
0x6be: {  	v7 =	vshrl.u32 v0, $0x3  }
0x6bf: {  	v7 =	vmul.u32 $0x18, v7  }
0x6c0: {  	v0 =	vand.u32 $0x7, v0  }
0x6c1: {  	v0 =	vor.u32 v0, v7  }
0x6c2: {  	v7 =	vperm.xlane v0, v3;
	_ =	sdelay $0x1  }
0x6c3: {  	v7 =	vadd.s32 v4, v7;
	_ =	sdelay $0x1  }
0x6c4: {  	v0 =	vperm.xlane v0, v5;
	_ =	sdelay $0x1  }
0x6c5: {  	s4 =	simm.s32 $0x4000;
	v0 =	vadd.s32 v4, v0  }
0x6c6: {  	[tilespmem:s4], [sflag:$0x1] =	stream.indirect_vreg.gather [hbm4b:s3+s2], $0x80, v7, vm0, $0xb8;
	[tilespmem:$0x19000] =	vst v63  }
0x6c7: {  	s8 =	simm.s32 $0x4800  }
0x6c8: {  	[tilespmem:s8], [sflag:$0x1] =	stream.indirect_vreg.gather [hbm4b:s6+s2], $0x80, v7, vm1, $0xb8;
	[tilespmem:$0x19000] =	vst v63  }
0x6c9: {  	s9 =	simm.s32 $0x4C00  }
0x6ca: {  	[tilespmem:s9], [sflag:$0x1] =	stream.indirect_vreg.gather [hbm4b:s3+s2], $0x80, v0, vm0, $0xb8;
	[tilespmem:$0x19000] =	vst v63  }
0x6cb: {  	_ = 	snop  }
0x6cc: {  	[tilespmem:s30], [sflag:$0x1] =	stream.indirect_vreg.gather [hbm4b:s6+s2], $0x80, v0, vm1, $0xb8;
	[tilespmem:$0x19000] =	vst v63  }
0x6cd: {  	v0 =	vld [tilespmem:$0xB30];
	_ =	sdelay $0x4  }
0x6ce: {  	v7 =	vshrl.u32 v0, $0x3  }
0x6cf: {  	v7 =	vmul.u32 $0x18, v7  }
0x6d0: {  	v0 =	vand.u32 $0x7, v0  }
0x6d1: {  	v0 =	vor.u32 v0, v7  }
0x6d2: {  	v7 =	vperm.xlane v0, v3;
	_ =	sdelay $0x1  }
0x6d3: {  	v7 =	vadd.s32 v4, v7;
	_ =	sdelay $0x1  }
0x6d4: {  	v0 =	vperm.xlane v0, v5;
	_ =	sdelay $0x1  }
0x6d5: {  	v0 =	vadd.s32 v4, v0  }
0x6d6: {  	[tilespmem:s10], [sflag:$0x1] =	stream.indirect_vreg.gather [hbm4b:s3+s2], $0x80, v7, vm0, $0xb8;
	[tilespmem:$0x19000] =	vst v63  }
0x6d7: {  	_ = 	snop  }
0x6d8: {  	[tilespmem:s11], [sflag:$0x1] =	stream.indirect_vreg.gather [hbm4b:s6+s2], $0x80, v7, vm1, $0xb8;
	[tilespmem:$0x19000] =	vst v63  }
0x6d9: {  	_ = 	snop  }
0x6da: {  	[tilespmem:s12], [sflag:$0x1] =	stream.indirect_vreg.gather [hbm4b:s3+s2], $0x80, v0, vm0, $0xb8;
	[tilespmem:$0x19000] =	vst v63  }
0x6db: {  	_ = 	snop  }
0x6dc: {  	[tilespmem:s31], [sflag:$0x1] =	stream.indirect_vreg.gather [hbm4b:s6+s2], $0x80, v0, vm1, $0xb8;
	[tilespmem:$0x19000] =	vst v63  }
0x6dd: {  	v0 =	vld [tilespmem:$0xB40];
	_ =	sdelay $0x4  }
0x6de: {  	v7 =	vshrl.u32 v0, $0x3  }
0x6df: {  	v7 =	vmul.u32 $0x18, v7  }
0x6e0: {  	v0 =	vand.u32 $0x7, v0  }
0x6e1: {  	v0 =	vor.u32 v0, v7  }
0x6e2: {  	v7 =	vperm.xlane v0, v3;
	_ =	sdelay $0x1  }
0x6e3: {  	v7 =	vadd.s32 v4, v7;
	_ =	sdelay $0x1  }
0x6e4: {  	v0 =	vperm.xlane v0, v5;
	_ =	sdelay $0x1  }
0x6e5: {  	v0 =	vadd.s32 v4, v0  }
0x6e6: {  	[tilespmem:s13], [sflag:$0x1] =	stream.indirect_vreg.gather [hbm4b:s3+s2], $0x80, v7, vm0, $0xb8;
	[tilespmem:$0x19000] =	vst v63  }
0x6e7: {  	_ = 	snop  }
0x6e8: {  	[tilespmem:s14], [sflag:$0x1] =	stream.indirect_vreg.gather [hbm4b:s6+s2], $0x80, v7, vm1, $0xb8;
	[tilespmem:$0x19000] =	vst v63  }
0x6e9: {  	_ = 	snop  }
0x6ea: {  	[tilespmem:s15], [sflag:$0x1] =	stream.indirect_vreg.gather [hbm4b:s3+s2], $0x80, v0, vm0, $0xb8;
	[tilespmem:$0x19000] =	vst v63  }
0x6eb: {  	_ = 	snop  }
0x6ec: {  	[tilespmem:s26], [sflag:$0x1] =	stream.indirect_vreg.gather [hbm4b:s6+s2], $0x80, v0, vm1, $0xb8;
	[tilespmem:$0x19000] =	vst v63  }
0x6ed: {  	v0 =	vld [tilespmem:$0xB50];
	_ =	sdelay $0x4  }
0x6ee: {  	v7 =	vshrl.u32 v0, $0x3  }
0x6ef: {  	v7 =	vmul.u32 $0x18, v7  }
0x6f0: {  	v0 =	vand.u32 $0x7, v0  }
0x6f1: {  	v0 =	vor.u32 v0, v7  }
0x6f2: {  	v7 =	vperm.xlane v0, v3;
	_ =	sdelay $0x1  }
0x6f3: {  	v7 =	vadd.s32 v4, v7;
	_ =	sdelay $0x1  }
0x6f4: {  	v0 =	vperm.xlane v0, v5;
	_ =	sdelay $0x1  }
0x6f5: {  	v0 =	vadd.s32 v4, v0  }
0x6f6: {  	[tilespmem:s16], [sflag:$0x1] =	stream.indirect_vreg.gather [hbm4b:s3+s2], $0x80, v7, vm0, $0xb8;
	[tilespmem:$0x19000] =	vst v63  }
0x6f7: {  	_ = 	snop  }
0x6f8: {  	[tilespmem:s17], [sflag:$0x1] =	stream.indirect_vreg.gather [hbm4b:s6+s2], $0x80, v7, vm1, $0xb8;
	[tilespmem:$0x19000] =	vst v63  }
0x6f9: {  	_ = 	snop  }
0x6fa: {  	[tilespmem:s18], [sflag:$0x1] =	stream.indirect_vreg.gather [hbm4b:s3+s2], $0x80, v0, vm0, $0xb8;
	[tilespmem:$0x19000] =	vst v63  }
0x6fb: {  	s17 =	simm.s32 $0x9C00  }
0x6fc: {  	[tilespmem:s17], [sflag:$0x1] =	stream.indirect_vreg.gather [hbm4b:s6+s2], $0x80, v0, vm1, $0xb8;
	[tilespmem:$0x19000] =	vst v63  }
0x6fd: {  	v0 =	vld [tilespmem:$0xB60];
	_ =	sdelay $0x4  }
0x6fe: {  	v7 =	vshrl.u32 v0, $0x3  }
0x6ff: {  	v7 =	vmul.u32 $0x18, v7  }
0x700: {  	v0 =	vand.u32 $0x7, v0  }
0x701: {  	v0 =	vor.u32 v0, v7  }
0x702: {  	v7 =	vperm.xlane v0, v3;
	_ =	sdelay $0x1  }
0x703: {  	v7 =	vadd.s32 v4, v7;
	_ =	sdelay $0x1  }
0x704: {  	v0 =	vperm.xlane v0, v5;
	_ =	sdelay $0x1  }
0x705: {  	v0 =	vadd.s32 v4, v0  }
0x706: {  	[tilespmem:s19], [sflag:$0x1] =	stream.indirect_vreg.gather [hbm4b:s3+s2], $0x80, v7, vm0, $0xb8;
	[tilespmem:$0x19000] =	vst v63  }
0x707: {  	_ = 	snop  }
0x708: {  	[tilespmem:s20], [sflag:$0x1] =	stream.indirect_vreg.gather [hbm4b:s6+s2], $0x80, v7, vm1, $0xb8;
	[tilespmem:$0x19000] =	vst v63  }
0x709: {  	_ = 	snop  }
0x70a: {  	[tilespmem:s21], [sflag:$0x1] =	stream.indirect_vreg.gather [hbm4b:s3+s2], $0x80, v0, vm0, $0xb8;
	[tilespmem:$0x19000] =	vst v63  }
0x70b: {  	s18 =	simm.s32 $0xB400  }
0x70c: {  	[tilespmem:s18], [sflag:$0x1] =	stream.indirect_vreg.gather [hbm4b:s6+s2], $0x80, v0, vm1, $0xb8;
	[tilespmem:$0x19000] =	vst v63  }
0x70d: {  	v0 =	vld [tilespmem:$0xB70];
	_ =	sdelay $0x4  }
0x70e: {  	v7 =	vshrl.u32 v0, $0x3  }
0x70f: {  	v7 =	vmul.u32 $0x18, v7  }
0x710: {  	v0 =	vand.u32 $0x7, v0  }
0x711: {  	v0 =	vor.u32 v0, v7  }
0x712: {  	v7 =	vperm.xlane v0, v3;
	_ =	sdelay $0x1  }
0x713: {  	v7 =	vadd.s32 v4, v7;
	_ =	sdelay $0x1  }
0x714: {  	v0 =	vperm.xlane v0, v5;
	_ =	sdelay $0x1  }
0x715: {  	v0 =	vadd.s32 v4, v0  }
0x716: {  	[tilespmem:s22], [sflag:$0x1] =	stream.indirect_vreg.gather [hbm4b:s3+s2], $0x80, v7, vm0, $0xb8;
	[tilespmem:$0x19000] =	vst v63  }
0x717: {  	_ = 	snop  }
0x718: {  	[tilespmem:s23], [sflag:$0x1] =	stream.indirect_vreg.gather [hbm4b:s6+s2], $0x80, v7, vm1, $0xb8;
	[tilespmem:$0x19000] =	vst v63  }
0x719: {  	_ = 	snop  }
0x71a: {  	[tilespmem:s24], [sflag:$0x1] =	stream.indirect_vreg.gather [hbm4b:s3+s2], $0x80, v0, vm0, $0xb8;
	[tilespmem:$0x19000] =	vst v63  }
0x71b: {  	_ = 	snop  }
0x71c: {  	[tilespmem:s25], [sflag:$0x1] =	stream.indirect_vreg.gather [hbm4b:s6+s2], $0x80, v0, vm1, $0xb8;
	[tilespmem:$0x19000] =	vst v63  }
0x71d: {  	v0 =	vld [tilespmem:$0xE80];
	_ =	sdelay $0x4  }
0x71e: {  	v7 =	vshrl.u32 v0, $0x3  }
0x71f: {  	v7 =	vmul.u32 $0x18, v7  }
0x720: {  	v0 =	vand.u32 $0x7, v0  }
0x721: {  	v0 =	vor.u32 v0, v7  }
0x722: {  	v7 =	vperm.xlane v0, v3;
	_ =	sdelay $0x1  }
0x723: {  	v7 =	vadd.s32 v4, v7;
	_ =	sdelay $0x1  }
0x724: {  	v0 =	vperm.xlane v0, v5;
	_ =	sdelay $0x1  }
0x725: {  	s19 =	simm.s32 $0xD000;
	v0 =	vadd.s32 v4, v0  }
0x726: {  	[hbm4b:s5+s2] =	stream.indirect_vreg.scatter [tilespmem:s19], [sflag:$0x2], $0x80, v7, vm0, $0xb8;
	[tilespmem:$0x19000] =	vst v63  }
0x727: {  	s20 =	simm.s32 $0xD800  }
0x728: {  	[hbm4b:s7+s2] =	stream.indirect_vreg.scatter [tilespmem:s20], [sflag:$0x2], $0x80, v7, vm1, $0xb8;
	[tilespmem:$0x19000] =	vst v63  }
0x729: {  	s21 =	simm.s32 $0xDC00  }
0x72a: {  	[hbm4b:s5+s2] =	stream.indirect_vreg.scatter [tilespmem:s21], [sflag:$0x2], $0x80, v0, vm0, $0xb8;
	[tilespmem:$0x19000] =	vst v63  }
0x72b: {  	s25 =	simm.s32 $0xE400  }
0x72c: {  	[hbm4b:s7+s2] =	stream.indirect_vreg.scatter [tilespmem:s25], [sflag:$0x2], $0x80, v0, vm1, $0xb8;
	[tilespmem:$0x19000] =	vst v63  }
0x72d: {  	v0 =	vld [tilespmem:$0xE90];
	_ =	sdelay $0x4  }
0x72e: {  	v7 =	vshrl.u32 v0, $0x3  }
0x72f: {  	v7 =	vmul.u32 $0x18, v7  }
0x730: {  	v0 =	vand.u32 $0x7, v0  }
0x731: {  	v0 =	vor.u32 v0, v7  }
0x732: {  	v7 =	vperm.xlane v0, v3;
	_ =	sdelay $0x1  }
0x733: {  	v7 =	vadd.s32 v4, v7;
	_ =	sdelay $0x1  }
0x734: {  	v0 =	vperm.xlane v0, v5;
	_ =	sdelay $0x1  }
0x735: {  	s22 =	simm.s32 $0xE800;
	v0 =	vadd.s32 v4, v0  }
0x736: {  	[hbm4b:s5+s2] =	stream.indirect_vreg.scatter [tilespmem:s22], [sflag:$0x2], $0x80, v7, vm0, $0xb8;
	[tilespmem:$0x19000] =	vst v63  }
0x737: {  	s10 =	simm.s32 $0xF000  }
0x738: {  	[hbm4b:s7+s2] =	stream.indirect_vreg.scatter [tilespmem:s10], [sflag:$0x2], $0x80, v7, vm1, $0xb8;
	[tilespmem:$0x19000] =	vst v63  }
0x739: {  	s23 =	simm.s32 $0xF400  }
0x73a: {  	[hbm4b:s5+s2] =	stream.indirect_vreg.scatter [tilespmem:s23], [sflag:$0x2], $0x80, v0, vm0, $0xb8;
	[tilespmem:$0x19000] =	vst v63  }
0x73b: {  	s28 =	simm.s32 $0xFC00  }
0x73c: {  	[hbm4b:s7+s2] =	stream.indirect_vreg.scatter [tilespmem:s28], [sflag:$0x2], $0x80, v0, vm1, $0xb8;
	[tilespmem:$0x19000] =	vst v63  }
0x73d: {  	v0 =	vld [tilespmem:$0xEA0];
	_ =	sdelay $0x4  }
0x73e: {  	v7 =	vshrl.u32 v0, $0x3  }
0x73f: {  	v7 =	vmul.u32 $0x18, v7  }
0x740: {  	v0 =	vand.u32 $0x7, v0  }
0x741: {  	v0 =	vor.u32 v0, v7  }
0x742: {  	v7 =	vperm.xlane v0, v3;
	_ =	sdelay $0x1  }
0x743: {  	v7 =	vadd.s32 v4, v7;
	_ =	sdelay $0x1  }
0x744: {  	v0 =	vperm.xlane v0, v5;
	_ =	sdelay $0x1  }
0x745: {  	s24 =	simm.s32 $0x10000;
	v0 =	vadd.s32 v4, v0  }
0x746: {  	[hbm4b:s5+s2] =	stream.indirect_vreg.scatter [tilespmem:s24], [sflag:$0x2], $0x80, v7, vm0, $0xb8;
	[tilespmem:$0x19000] =	vst v63  }
0x747: {  	s8 =	simm.s32 $0x10800  }
0x748: {  	[hbm4b:s7+s2] =	stream.indirect_vreg.scatter [tilespmem:s8], [sflag:$0x2], $0x80, v7, vm1, $0xb8;
	[tilespmem:$0x19000] =	vst v63  }
0x749: {  	s1 =	simm.s32 $0x10C00  }
0x74a: {  	[hbm4b:s5+s2] =	stream.indirect_vreg.scatter [tilespmem:s1], [sflag:$0x2], $0x80, v0, vm0, $0xb8;
	[tilespmem:$0x19000] =	vst v63  }
0x74b: {  	s29 =	simm.s32 $0x11400  }
0x74c: {  	[hbm4b:s7+s2] =	stream.indirect_vreg.scatter [tilespmem:s29], [sflag:$0x2], $0x80, v0, vm1, $0xb8;
	[tilespmem:$0x19000] =	vst v63  }
0x74d: {  	v0 =	vld [tilespmem:$0xEB0];
	_ =	sdelay $0x4  }
0x74e: {  	v7 =	vshrl.u32 v0, $0x3  }
0x74f: {  	v7 =	vmul.u32 $0x18, v7  }
0x750: {  	v0 =	vand.u32 $0x7, v0  }
0x751: {  	v0 =	vor.u32 v0, v7  }
0x752: {  	v7 =	vperm.xlane v0, v3;
	_ =	sdelay $0x1  }
0x753: {  	v7 =	vadd.s32 v4, v7;
	_ =	sdelay $0x1  }
0x754: {  	v0 =	vperm.xlane v0, v5;
	_ =	sdelay $0x1  }
0x755: {  	s9 =	simm.s32 $0x11800;
	v0 =	vadd.s32 v4, v0  }
0x756: {  	[hbm4b:s5+s2] =	stream.indirect_vreg.scatter [tilespmem:s9], [sflag:$0x2], $0x80, v7, vm0, $0xb8;
	[tilespmem:$0x19000] =	vst v63  }
0x757: {  	s12 =	simm.s32 $0x12000  }
0x758: {  	[hbm4b:s7+s2] =	stream.indirect_vreg.scatter [tilespmem:s12], [sflag:$0x2], $0x80, v7, vm1, $0xb8;
	[tilespmem:$0x19000] =	vst v63  }
0x759: {  	s11 =	simm.s32 $0x12400  }
0x75a: {  	[hbm4b:s5+s2] =	stream.indirect_vreg.scatter [tilespmem:s11], [sflag:$0x2], $0x80, v0, vm0, $0xb8;
	[tilespmem:$0x19000] =	vst v63  }
0x75b: {  	s30 =	simm.s32 $0x12C00  }
0x75c: {  	[hbm4b:s7+s2] =	stream.indirect_vreg.scatter [tilespmem:s30], [sflag:$0x2], $0x80, v0, vm1, $0xb8;
	[tilespmem:$0x19000] =	vst v63  }
0x75d: {  	v0 =	vld [tilespmem:$0xEC0];
	_ =	sdelay $0x4  }
0x75e: {  	v7 =	vshrl.u32 v0, $0x3  }
0x75f: {  	v7 =	vmul.u32 $0x18, v7  }
0x760: {  	v0 =	vand.u32 $0x7, v0  }
0x761: {  	v0 =	vor.u32 v0, v7  }
0x762: {  	v7 =	vperm.xlane v0, v3;
	_ =	sdelay $0x1  }
0x763: {  	v7 =	vadd.s32 v4, v7;
	_ =	sdelay $0x1  }
0x764: {  	v0 =	vperm.xlane v0, v5;
	_ =	sdelay $0x1  }
0x765: {  	s13 =	simm.s32 $0x13000;
	v0 =	vadd.s32 v4, v0  }
0x766: {  	[hbm4b:s5+s2] =	stream.indirect_vreg.scatter [tilespmem:s13], [sflag:$0x2], $0x80, v7, vm0, $0xb8;
	[tilespmem:$0x19000] =	vst v63  }
0x767: {  	s15 =	simm.s32 $0x13800  }
0x768: {  	[hbm4b:s7+s2] =	stream.indirect_vreg.scatter [tilespmem:s15], [sflag:$0x2], $0x80, v7, vm1, $0xb8;
	[tilespmem:$0x19000] =	vst v63  }
0x769: {  	s14 =	simm.s32 $0x13C00  }
0x76a: {  	[hbm4b:s5+s2] =	stream.indirect_vreg.scatter [tilespmem:s14], [sflag:$0x2], $0x80, v0, vm0, $0xb8;
	[tilespmem:$0x19000] =	vst v63  }
0x76b: {  	s31 =	simm.s32 $0x14400  }
0x76c: {  	[hbm4b:s7+s2] =	stream.indirect_vreg.scatter [tilespmem:s31], [sflag:$0x2], $0x80, v0, vm1, $0xb8;
	[tilespmem:$0x19000] =	vst v63  }
0x76d: {  	v0 =	vld [tilespmem:$0xED0];
	_ =	sdelay $0x4  }
0x76e: {  	v7 =	vshrl.u32 v0, $0x3  }
0x76f: {  	v7 =	vmul.u32 $0x18, v7  }
0x770: {  	v0 =	vand.u32 $0x7, v0  }
0x771: {  	v0 =	vor.u32 v0, v7  }
0x772: {  	v7 =	vperm.xlane v0, v3;
	_ =	sdelay $0x1  }
0x773: {  	v7 =	vadd.s32 v4, v7;
	_ =	sdelay $0x1  }
0x774: {  	v0 =	vperm.xlane v0, v5;
	_ =	sdelay $0x1  }
0x775: {  	s16 =	simm.s32 $0x14800;
	v0 =	vadd.s32 v4, v0  }
0x776: {  	[hbm4b:s5+s2] =	stream.indirect_vreg.scatter [tilespmem:s16], [sflag:$0x2], $0x80, v7, vm0, $0xb8;
	[tilespmem:$0x19000] =	vst v63  }
0x777: {  	s18 =	simm.s32 $0x15000  }
0x778: {  	[hbm4b:s7+s2] =	stream.indirect_vreg.scatter [tilespmem:s18], [sflag:$0x2], $0x80, v7, vm1, $0xb8;
	[tilespmem:$0x19000] =	vst v63  }
0x779: {  	s17 =	simm.s32 $0x15400  }
0x77a: {  	[hbm4b:s5+s2] =	stream.indirect_vreg.scatter [tilespmem:s17], [sflag:$0x2], $0x80, v0, vm0, $0xb8;
	[tilespmem:$0x19000] =	vst v63  }
0x77b: {  	s4 =	simm.s32 $0x15C00  }
0x77c: {  	[hbm4b:s7+s2] =	stream.indirect_vreg.scatter [tilespmem:s4], [sflag:$0x2], $0x80, v0, vm1, $0xb8;
	[tilespmem:$0x19000] =	vst v63  }
0x77d: {  	v0 =	vld [tilespmem:$0xEE0];
	_ =	sdelay $0x4  }
0x77e: {  	v7 =	vshrl.u32 v0, $0x3  }
0x77f: {  	v7 =	vmul.u32 $0x18, v7  }
0x780: {  	v0 =	vand.u32 $0x7, v0  }
0x781: {  	v0 =	vor.u32 v0, v7  }
0x782: {  	v7 =	vperm.xlane v0, v3;
	_ =	sdelay $0x1  }
0x783: {  	v7 =	vadd.s32 v4, v7;
	_ =	sdelay $0x1  }
0x784: {  	v0 =	vperm.xlane v0, v5;
	_ =	sdelay $0x1  }
0x785: {  	s19 =	simm.s32 $0x16000;
	v0 =	vadd.s32 v4, v0  }
0x786: {  	[hbm4b:s5+s2] =	stream.indirect_vreg.scatter [tilespmem:s19], [sflag:$0x2], $0x80, v7, vm0, $0xb8;
	[tilespmem:$0x19000] =	vst v63  }
0x787: {  	s21 =	simm.s32 $0x16800  }
0x788: {  	[hbm4b:s7+s2] =	stream.indirect_vreg.scatter [tilespmem:s21], [sflag:$0x2], $0x80, v7, vm1, $0xb8;
	[tilespmem:$0x19000] =	vst v63  }
0x789: {  	s20 =	simm.s32 $0x16C00  }
0x78a: {  	[hbm4b:s5+s2] =	stream.indirect_vreg.scatter [tilespmem:s20], [sflag:$0x2], $0x80, v0, vm0, $0xb8;
	[tilespmem:$0x19000] =	vst v63  }
0x78b: {  	s26 =	simm.s32 $0x17400  }
0x78c: {  	[hbm4b:s7+s2] =	stream.indirect_vreg.scatter [tilespmem:s26], [sflag:$0x2], $0x80, v0, vm1, $0xb8;
	[tilespmem:$0x19000] =	vst v63  }
0x78d: {  	v0 =	vld [tilespmem:$0xEF0];
	_ =	sdelay $0x4  }
0x78e: {  	v7 =	vshrl.u32 v0, $0x3  }
0x78f: {  	v7 =	vmul.u32 $0x18, v7  }
0x790: {  	v0 =	vand.u32 $0x7, v0  }
0x791: {  	v0 =	vor.u32 v0, v7  }
0x792: {  	v7 =	vperm.xlane v0, v3;
	_ =	sdelay $0x1  }
0x793: {  	v7 =	vadd.s32 v4, v7;
	_ =	sdelay $0x1  }
0x794: {  	v0 =	vperm.xlane v0, v5;
	_ =	sdelay $0x1  }
0x795: {  	s22 =	simm.s32 $0x17800;
	v0 =	vadd.s32 v4, v0  }
0x796: {  	[hbm4b:s5+s2] =	stream.indirect_vreg.scatter [tilespmem:s22], [sflag:$0x2], $0x80, v7, vm0, $0xb8;
	[tilespmem:$0x19000] =	vst v63  }
0x797: {  	s24 =	simm.s32 $0x18000  }
0x798: {  	[hbm4b:s7+s2] =	stream.indirect_vreg.scatter [tilespmem:s24], [sflag:$0x2], $0x80, v7, vm1, $0xb8;
	[tilespmem:$0x19000] =	vst v63  }
0x799: {  	s23 =	simm.s32 $0x18400  }
0x79a: {  	[hbm4b:s5+s2] =	stream.indirect_vreg.scatter [tilespmem:s23], [sflag:$0x2], $0x80, v0, vm0, $0xb8;
	[tilespmem:$0x19000] =	vst v63  }
0x79b: {  	s0 =	simm.s32 $0x18C00  }
0x79c: {  	[hbm4b:s7+s2] =	stream.indirect_vreg.scatter [tilespmem:s0], [sflag:$0x2], $0x80, v0, vm1, $0xb8;
	[tilespmem:$0x19000] =	vst v63  }
0x79d: {  	s0 =	simm.s32 $0x2  }
0x79e: {  	_ =	swait.ge [sflag:s0], $0xC000  }
0x79f: {  	[sflag:s0] =	ssyncset.done $0x0  }
0x7a0: {  	[sflag:s0] =	ssyncadd.s32 $0xFFFF4000;
	s0 =	simm.s32 $0x1  }
0x7a1: {  	_ =	swait.ge [sflag:s0], $0xC000  }
0x7a2: {  	[sflag:s0] =	ssyncset.done $0x0  }
0x7a3: {  	[sflag:s0] =	ssyncadd.s32 $0xFFFF4000  }
0x7a4: {  	v0 =	vld [tilespmem:$0xB80];
	_ =	sdelay $0x4  }
0x7a5: {  	v7 =	vshrl.u32 v0, $0x3  }
0x7a6: {  	v7 =	vmul.u32 $0x18, v7  }
0x7a7: {  	v0 =	vand.u32 $0x7, v0  }
0x7a8: {  	v0 =	vor.u32 v0, v7  }
0x7a9: {  	v7 =	vperm.xlane v0, v3;
	_ =	sdelay $0x1  }
0x7aa: {  	v7 =	vadd.s32 v4, v7;
	_ =	sdelay $0x1  }
0x7ab: {  	v0 =	vperm.xlane v0, v5;
	_ =	sdelay $0x1  }
0x7ac: {  	s0 =	simm.s32 $0xD000;
	v0 =	vadd.s32 v4, v0  }
0x7ad: {  	[tilespmem:s0], [sflag:$0x1] =	stream.indirect_vreg.gather [hbm4b:s3+s2], $0x80, v7, vm0, $0xb8;
	[tilespmem:$0x19000] =	vst v63  }
0x7ae: {  	s0 =	simm.s32 $0xD800  }
0x7af: {  	[tilespmem:s0], [sflag:$0x1] =	stream.indirect_vreg.gather [hbm4b:s6+s2], $0x80, v7, vm1, $0xb8;
	[tilespmem:$0x19000] =	vst v63  }
0x7b0: {  	s0 =	simm.s32 $0xDC00  }
0x7b1: {  	[tilespmem:s0], [sflag:$0x1] =	stream.indirect_vreg.gather [hbm4b:s3+s2], $0x80, v0, vm0, $0xb8;
	[tilespmem:$0x19000] =	vst v63  }
0x7b2: {  	_ = 	snop  }
0x7b3: {  	[tilespmem:s25], [sflag:$0x1] =	stream.indirect_vreg.gather [hbm4b:s6+s2], $0x80, v0, vm1, $0xb8;
	[tilespmem:$0x19000] =	vst v63  }
0x7b4: {  	v0 =	vld [tilespmem:$0xB90];
	_ =	sdelay $0x4  }
0x7b5: {  	v7 =	vshrl.u32 v0, $0x3  }
0x7b6: {  	v7 =	vmul.u32 $0x18, v7  }
0x7b7: {  	v0 =	vand.u32 $0x7, v0  }
0x7b8: {  	v0 =	vor.u32 v0, v7  }
0x7b9: {  	v7 =	vperm.xlane v0, v3;
	_ =	sdelay $0x1  }
0x7ba: {  	v7 =	vadd.s32 v4, v7;
	_ =	sdelay $0x1  }
0x7bb: {  	v0 =	vperm.xlane v0, v5;
	_ =	sdelay $0x1  }
0x7bc: {  	s0 =	simm.s32 $0xE800;
	v0 =	vadd.s32 v4, v0  }
0x7bd: {  	[tilespmem:s0], [sflag:$0x1] =	stream.indirect_vreg.gather [hbm4b:s3+s2], $0x80, v7, vm0, $0xb8;
	[tilespmem:$0x19000] =	vst v63  }
0x7be: {  	_ = 	snop  }
0x7bf: {  	[tilespmem:s10], [sflag:$0x1] =	stream.indirect_vreg.gather [hbm4b:s6+s2], $0x80, v7, vm1, $0xb8;
	[tilespmem:$0x19000] =	vst v63  }
0x7c0: {  	s0 =	simm.s32 $0xF400  }
0x7c1: {  	[tilespmem:s0], [sflag:$0x1] =	stream.indirect_vreg.gather [hbm4b:s3+s2], $0x80, v0, vm0, $0xb8;
	[tilespmem:$0x19000] =	vst v63  }
0x7c2: {  	_ = 	snop  }
0x7c3: {  	[tilespmem:s28], [sflag:$0x1] =	stream.indirect_vreg.gather [hbm4b:s6+s2], $0x80, v0, vm1, $0xb8;
	[tilespmem:$0x19000] =	vst v63  }
0x7c4: {  	v0 =	vld [tilespmem:$0xBA0];
	_ =	sdelay $0x4  }
0x7c5: {  	v7 =	vshrl.u32 v0, $0x3  }
0x7c6: {  	v7 =	vmul.u32 $0x18, v7  }
0x7c7: {  	v0 =	vand.u32 $0x7, v0  }
0x7c8: {  	v0 =	vor.u32 v0, v7  }
0x7c9: {  	v7 =	vperm.xlane v0, v3;
	_ =	sdelay $0x1  }
0x7ca: {  	v7 =	vadd.s32 v4, v7;
	_ =	sdelay $0x1  }
0x7cb: {  	v0 =	vperm.xlane v0, v5;
	_ =	sdelay $0x1  }
0x7cc: {  	s0 =	simm.s32 $0x10000;
	v0 =	vadd.s32 v4, v0  }
0x7cd: {  	[tilespmem:s0], [sflag:$0x1] =	stream.indirect_vreg.gather [hbm4b:s3+s2], $0x80, v7, vm0, $0xb8;
	[tilespmem:$0x19000] =	vst v63  }
0x7ce: {  	_ = 	snop  }
0x7cf: {  	[tilespmem:s8], [sflag:$0x1] =	stream.indirect_vreg.gather [hbm4b:s6+s2], $0x80, v7, vm1, $0xb8;
	[tilespmem:$0x19000] =	vst v63  }
0x7d0: {  	_ = 	snop  }
0x7d1: {  	[tilespmem:s1], [sflag:$0x1] =	stream.indirect_vreg.gather [hbm4b:s3+s2], $0x80, v0, vm0, $0xb8;
	[tilespmem:$0x19000] =	vst v63  }
0x7d2: {  	_ = 	snop  }
0x7d3: {  	[tilespmem:s29], [sflag:$0x1] =	stream.indirect_vreg.gather [hbm4b:s6+s2], $0x80, v0, vm1, $0xb8;
	[tilespmem:$0x19000] =	vst v63  }
0x7d4: {  	v0 =	vld [tilespmem:$0xBB0];
	_ =	sdelay $0x4  }
0x7d5: {  	v7 =	vshrl.u32 v0, $0x3  }
0x7d6: {  	v7 =	vmul.u32 $0x18, v7  }
0x7d7: {  	v0 =	vand.u32 $0x7, v0  }
0x7d8: {  	v0 =	vor.u32 v0, v7  }
0x7d9: {  	v7 =	vperm.xlane v0, v3;
	_ =	sdelay $0x1  }
0x7da: {  	v7 =	vadd.s32 v4, v7;
	_ =	sdelay $0x1  }
0x7db: {  	v0 =	vperm.xlane v0, v5;
	_ =	sdelay $0x1  }
0x7dc: {  	v0 =	vadd.s32 v4, v0  }
0x7dd: {  	[tilespmem:s9], [sflag:$0x1] =	stream.indirect_vreg.gather [hbm4b:s3+s2], $0x80, v7, vm0, $0xb8;
	[tilespmem:$0x19000] =	vst v63  }
0x7de: {  	_ = 	snop  }
0x7df: {  	[tilespmem:s12], [sflag:$0x1] =	stream.indirect_vreg.gather [hbm4b:s6+s2], $0x80, v7, vm1, $0xb8;
	[tilespmem:$0x19000] =	vst v63  }
0x7e0: {  	_ = 	snop  }
0x7e1: {  	[tilespmem:s11], [sflag:$0x1] =	stream.indirect_vreg.gather [hbm4b:s3+s2], $0x80, v0, vm0, $0xb8;
	[tilespmem:$0x19000] =	vst v63  }
0x7e2: {  	_ = 	snop  }
0x7e3: {  	[tilespmem:s30], [sflag:$0x1] =	stream.indirect_vreg.gather [hbm4b:s6+s2], $0x80, v0, vm1, $0xb8;
	[tilespmem:$0x19000] =	vst v63  }
0x7e4: {  	v0 =	vld [tilespmem:$0xBC0];
	_ =	sdelay $0x4  }
0x7e5: {  	v7 =	vshrl.u32 v0, $0x3  }
0x7e6: {  	v7 =	vmul.u32 $0x18, v7  }
0x7e7: {  	v0 =	vand.u32 $0x7, v0  }
0x7e8: {  	v0 =	vor.u32 v0, v7  }
0x7e9: {  	v7 =	vperm.xlane v0, v3;
	_ =	sdelay $0x1  }
0x7ea: {  	v7 =	vadd.s32 v4, v7;
	_ =	sdelay $0x1  }
0x7eb: {  	v0 =	vperm.xlane v0, v5;
	_ =	sdelay $0x1  }
0x7ec: {  	v0 =	vadd.s32 v4, v0  }
0x7ed: {  	[tilespmem:s13], [sflag:$0x1] =	stream.indirect_vreg.gather [hbm4b:s3+s2], $0x80, v7, vm0, $0xb8;
	[tilespmem:$0x19000] =	vst v63  }
0x7ee: {  	_ = 	snop  }
0x7ef: {  	[tilespmem:s15], [sflag:$0x1] =	stream.indirect_vreg.gather [hbm4b:s6+s2], $0x80, v7, vm1, $0xb8;
	[tilespmem:$0x19000] =	vst v63  }
0x7f0: {  	_ = 	snop  }
0x7f1: {  	[tilespmem:s14], [sflag:$0x1] =	stream.indirect_vreg.gather [hbm4b:s3+s2], $0x80, v0, vm0, $0xb8;
	[tilespmem:$0x19000] =	vst v63  }
0x7f2: {  	_ = 	snop  }
0x7f3: {  	[tilespmem:s31], [sflag:$0x1] =	stream.indirect_vreg.gather [hbm4b:s6+s2], $0x80, v0, vm1, $0xb8;
	[tilespmem:$0x19000] =	vst v63  }
0x7f4: {  	v0 =	vld [tilespmem:$0xBD0];
	_ =	sdelay $0x4  }
0x7f5: {  	v7 =	vshrl.u32 v0, $0x3  }
0x7f6: {  	v7 =	vmul.u32 $0x18, v7  }
0x7f7: {  	v0 =	vand.u32 $0x7, v0  }
0x7f8: {  	v0 =	vor.u32 v0, v7  }
0x7f9: {  	v7 =	vperm.xlane v0, v3;
	_ =	sdelay $0x1  }
0x7fa: {  	v7 =	vadd.s32 v4, v7;
	_ =	sdelay $0x1  }
0x7fb: {  	v0 =	vperm.xlane v0, v5;
	_ =	sdelay $0x1  }
0x7fc: {  	v0 =	vadd.s32 v4, v0  }
0x7fd: {  	[tilespmem:s16], [sflag:$0x1] =	stream.indirect_vreg.gather [hbm4b:s3+s2], $0x80, v7, vm0, $0xb8;
	[tilespmem:$0x19000] =	vst v63  }
0x7fe: {  	_ = 	snop  }
0x7ff: {  	[tilespmem:s18], [sflag:$0x1] =	stream.indirect_vreg.gather [hbm4b:s6+s2], $0x80, v7, vm1, $0xb8;
	[tilespmem:$0x19000] =	vst v63  }
0x800: {  	_ = 	snop  }
0x801: {  	[tilespmem:s17], [sflag:$0x1] =	stream.indirect_vreg.gather [hbm4b:s3+s2], $0x80, v0, vm0, $0xb8;
	[tilespmem:$0x19000] =	vst v63  }
0x802: {  	_ = 	snop  }
0x803: {  	[tilespmem:s4], [sflag:$0x1] =	stream.indirect_vreg.gather [hbm4b:s6+s2], $0x80, v0, vm1, $0xb8;
	[tilespmem:$0x19000] =	vst v63  }
0x804: {  	v0 =	vld [tilespmem:$0xBE0];
	_ =	sdelay $0x4  }
0x805: {  	v7 =	vshrl.u32 v0, $0x3  }
0x806: {  	v7 =	vmul.u32 $0x18, v7  }
0x807: {  	v0 =	vand.u32 $0x7, v0  }
0x808: {  	v0 =	vor.u32 v0, v7  }
0x809: {  	v7 =	vperm.xlane v0, v3;
	_ =	sdelay $0x1  }
0x80a: {  	v7 =	vadd.s32 v4, v7;
	_ =	sdelay $0x1  }
0x80b: {  	v0 =	vperm.xlane v0, v5;
	_ =	sdelay $0x1  }
0x80c: {  	v0 =	vadd.s32 v4, v0  }
0x80d: {  	[tilespmem:s19], [sflag:$0x1] =	stream.indirect_vreg.gather [hbm4b:s3+s2], $0x80, v7, vm0, $0xb8;
	[tilespmem:$0x19000] =	vst v63  }
0x80e: {  	_ = 	snop  }
0x80f: {  	[tilespmem:s21], [sflag:$0x1] =	stream.indirect_vreg.gather [hbm4b:s6+s2], $0x80, v7, vm1, $0xb8;
	[tilespmem:$0x19000] =	vst v63  }
0x810: {  	_ = 	snop  }
0x811: {  	[tilespmem:s20], [sflag:$0x1] =	stream.indirect_vreg.gather [hbm4b:s3+s2], $0x80, v0, vm0, $0xb8;
	[tilespmem:$0x19000] =	vst v63  }
0x812: {  	_ = 	snop  }
0x813: {  	[tilespmem:s26], [sflag:$0x1] =	stream.indirect_vreg.gather [hbm4b:s6+s2], $0x80, v0, vm1, $0xb8;
	[tilespmem:$0x19000] =	vst v63  }
0x814: {  	v0 =	vld [tilespmem:$0xBF0];
	_ =	sdelay $0x4  }
0x815: {  	v7 =	vshrl.u32 v0, $0x3  }
0x816: {  	v7 =	vmul.u32 $0x18, v7  }
0x817: {  	v0 =	vand.u32 $0x7, v0  }
0x818: {  	v0 =	vor.u32 v0, v7  }
0x819: {  	v7 =	vperm.xlane v0, v3;
	_ =	sdelay $0x1  }
0x81a: {  	v7 =	vadd.s32 v4, v7;
	_ =	sdelay $0x1  }
0x81b: {  	v0 =	vperm.xlane v0, v5;
	_ =	sdelay $0x1  }
0x81c: {  	v0 =	vadd.s32 v4, v0  }
0x81d: {  	[tilespmem:s22], [sflag:$0x1] =	stream.indirect_vreg.gather [hbm4b:s3+s2], $0x80, v7, vm0, $0xb8;
	[tilespmem:$0x19000] =	vst v63  }
0x81e: {  	_ = 	snop  }
0x81f: {  	[tilespmem:s24], [sflag:$0x1] =	stream.indirect_vreg.gather [hbm4b:s6+s2], $0x80, v7, vm1, $0xb8;
	[tilespmem:$0x19000] =	vst v63  }
0x820: {  	_ = 	snop  }
0x821: {  	[tilespmem:s23], [sflag:$0x1] =	stream.indirect_vreg.gather [hbm4b:s3+s2], $0x80, v0, vm0, $0xb8;
	[tilespmem:$0x19000] =	vst v63  }
0x822: {  	s26 =	simm.s32 $0x18C00  }
0x823: {  	[tilespmem:s26], [sflag:$0x1] =	stream.indirect_vreg.gather [hbm4b:s6+s2], $0x80, v0, vm1, $0xb8;
	[tilespmem:$0x19000] =	vst v63  }
0x824: {  	v0 =	vld [tilespmem:$0xF00];
	_ =	sdelay $0x4  }
0x825: {  	v7 =	vshrl.u32 v0, $0x3  }
0x826: {  	v7 =	vmul.u32 $0x18, v7  }
0x827: {  	v0 =	vand.u32 $0x7, v0  }
0x828: {  	v0 =	vor.u32 v0, v7  }
0x829: {  	v7 =	vperm.xlane v0, v3;
	_ =	sdelay $0x1  }
0x82a: {  	v7 =	vadd.s32 v4, v7;
	_ =	sdelay $0x1  }
0x82b: {  	v0 =	vperm.xlane v0, v5;
	_ =	sdelay $0x1  }
0x82c: {  	s1 =	simm.s32 $0x1000;
	v0 =	vadd.s32 v4, v0  }
0x82d: {  	[hbm4b:s5+s2] =	stream.indirect_vreg.scatter [tilespmem:s1], [sflag:$0x2], $0x80, v7, vm0, $0xb8;
	[tilespmem:$0x19000] =	vst v63  }
0x82e: {  	s1 =	simm.s32 $0x1800  }
0x82f: {  	[hbm4b:s7+s2] =	stream.indirect_vreg.scatter [tilespmem:s1], [sflag:$0x2], $0x80, v7, vm1, $0xb8;
	[tilespmem:$0x19000] =	vst v63  }
0x830: {  	s1 =	simm.s32 $0x1C00  }
0x831: {  	[hbm4b:s5+s2] =	stream.indirect_vreg.scatter [tilespmem:s1], [sflag:$0x2], $0x80, v0, vm0, $0xb8;
	[tilespmem:$0x19000] =	vst v63  }
0x832: {  	s1 =	simm.s32 $0x2400  }
0x833: {  	[hbm4b:s7+s2] =	stream.indirect_vreg.scatter [tilespmem:s1], [sflag:$0x2], $0x80, v0, vm1, $0xb8;
	[tilespmem:$0x19000] =	vst v63  }
0x834: {  	v0 =	vld [tilespmem:$0xF10];
	_ =	sdelay $0x4  }
0x835: {  	v7 =	vshrl.u32 v0, $0x3  }
0x836: {  	v7 =	vmul.u32 $0x18, v7  }
0x837: {  	v0 =	vand.u32 $0x7, v0  }
0x838: {  	v0 =	vor.u32 v0, v7  }
0x839: {  	v7 =	vperm.xlane v0, v3;
	_ =	sdelay $0x1  }
0x83a: {  	v7 =	vadd.s32 v4, v7;
	_ =	sdelay $0x1  }
0x83b: {  	v0 =	vperm.xlane v0, v5;
	_ =	sdelay $0x1  }
0x83c: {  	s1 =	simm.s32 $0x2800;
	v0 =	vadd.s32 v4, v0  }
0x83d: {  	[hbm4b:s5+s2] =	stream.indirect_vreg.scatter [tilespmem:s1], [sflag:$0x2], $0x80, v7, vm0, $0xb8;
	[tilespmem:$0x19000] =	vst v63  }
0x83e: {  	s1 =	simm.s32 $0x3000  }
0x83f: {  	[hbm4b:s7+s2] =	stream.indirect_vreg.scatter [tilespmem:s1], [sflag:$0x2], $0x80, v7, vm1, $0xb8;
	[tilespmem:$0x19000] =	vst v63  }
0x840: {  	s1 =	simm.s32 $0x3400  }
0x841: {  	[hbm4b:s5+s2] =	stream.indirect_vreg.scatter [tilespmem:s1], [sflag:$0x2], $0x80, v0, vm0, $0xb8;
	[tilespmem:$0x19000] =	vst v63  }
0x842: {  	s1 =	simm.s32 $0x3C00  }
0x843: {  	[hbm4b:s7+s2] =	stream.indirect_vreg.scatter [tilespmem:s1], [sflag:$0x2], $0x80, v0, vm1, $0xb8;
	[tilespmem:$0x19000] =	vst v63  }
0x844: {  	v0 =	vld [tilespmem:$0xF20];
	_ =	sdelay $0x4  }
0x845: {  	v7 =	vshrl.u32 v0, $0x3  }
0x846: {  	v7 =	vmul.u32 $0x18, v7  }
0x847: {  	v0 =	vand.u32 $0x7, v0  }
0x848: {  	v0 =	vor.u32 v0, v7  }
0x849: {  	v7 =	vperm.xlane v0, v3;
	_ =	sdelay $0x1  }
0x84a: {  	v7 =	vadd.s32 v4, v7;
	_ =	sdelay $0x1  }
0x84b: {  	v0 =	vperm.xlane v0, v5;
	_ =	sdelay $0x1  }
0x84c: {  	s1 =	simm.s32 $0x4000;
	v0 =	vadd.s32 v4, v0  }
0x84d: {  	[hbm4b:s5+s2] =	stream.indirect_vreg.scatter [tilespmem:s1], [sflag:$0x2], $0x80, v7, vm0, $0xb8;
	[tilespmem:$0x19000] =	vst v63  }
0x84e: {  	s1 =	simm.s32 $0x4800  }
0x84f: {  	[hbm4b:s7+s2] =	stream.indirect_vreg.scatter [tilespmem:s1], [sflag:$0x2], $0x80, v7, vm1, $0xb8;
	[tilespmem:$0x19000] =	vst v63  }
0x850: {  	s1 =	simm.s32 $0x4C00  }
0x851: {  	[hbm4b:s5+s2] =	stream.indirect_vreg.scatter [tilespmem:s1], [sflag:$0x2], $0x80, v0, vm0, $0xb8;
	[tilespmem:$0x19000] =	vst v63  }
0x852: {  	s1 =	simm.s32 $0x5400  }
0x853: {  	[hbm4b:s7+s2] =	stream.indirect_vreg.scatter [tilespmem:s1], [sflag:$0x2], $0x80, v0, vm1, $0xb8;
	[tilespmem:$0x19000] =	vst v63  }
0x854: {  	v0 =	vld [tilespmem:$0xF30];
	_ =	sdelay $0x4  }
0x855: {  	v7 =	vshrl.u32 v0, $0x3  }
0x856: {  	v7 =	vmul.u32 $0x18, v7  }
0x857: {  	v0 =	vand.u32 $0x7, v0  }
0x858: {  	v0 =	vor.u32 v0, v7  }
0x859: {  	v7 =	vperm.xlane v0, v3;
	_ =	sdelay $0x1  }
0x85a: {  	v7 =	vadd.s32 v4, v7;
	_ =	sdelay $0x1  }
0x85b: {  	v0 =	vperm.xlane v0, v5;
	_ =	sdelay $0x1  }
0x85c: {  	s1 =	simm.s32 $0x5800;
	v0 =	vadd.s32 v4, v0  }
0x85d: {  	[hbm4b:s5+s2] =	stream.indirect_vreg.scatter [tilespmem:s1], [sflag:$0x2], $0x80, v7, vm0, $0xb8;
	[tilespmem:$0x19000] =	vst v63  }
0x85e: {  	s1 =	simm.s32 $0x6000  }
0x85f: {  	[hbm4b:s7+s2] =	stream.indirect_vreg.scatter [tilespmem:s1], [sflag:$0x2], $0x80, v7, vm1, $0xb8;
	[tilespmem:$0x19000] =	vst v63  }
0x860: {  	s1 =	simm.s32 $0x6400  }
0x861: {  	[hbm4b:s5+s2] =	stream.indirect_vreg.scatter [tilespmem:s1], [sflag:$0x2], $0x80, v0, vm0, $0xb8;
	[tilespmem:$0x19000] =	vst v63  }
0x862: {  	s1 =	simm.s32 $0x6C00  }
0x863: {  	[hbm4b:s7+s2] =	stream.indirect_vreg.scatter [tilespmem:s1], [sflag:$0x2], $0x80, v0, vm1, $0xb8;
	[tilespmem:$0x19000] =	vst v63  }
0x864: {  	v0 =	vld [tilespmem:$0xF40];
	_ =	sdelay $0x4  }
0x865: {  	v7 =	vshrl.u32 v0, $0x3  }
0x866: {  	v7 =	vmul.u32 $0x18, v7  }
0x867: {  	v0 =	vand.u32 $0x7, v0  }
0x868: {  	v0 =	vor.u32 v0, v7  }
0x869: {  	v7 =	vperm.xlane v0, v3;
	_ =	sdelay $0x1  }
0x86a: {  	v7 =	vadd.s32 v4, v7;
	_ =	sdelay $0x1  }
0x86b: {  	v0 =	vperm.xlane v0, v5;
	_ =	sdelay $0x1  }
0x86c: {  	s1 =	simm.s32 $0x7000;
	v0 =	vadd.s32 v4, v0  }
0x86d: {  	[hbm4b:s5+s2] =	stream.indirect_vreg.scatter [tilespmem:s1], [sflag:$0x2], $0x80, v7, vm0, $0xb8;
	[tilespmem:$0x19000] =	vst v63  }
0x86e: {  	s1 =	simm.s32 $0x7800  }
0x86f: {  	[hbm4b:s7+s2] =	stream.indirect_vreg.scatter [tilespmem:s1], [sflag:$0x2], $0x80, v7, vm1, $0xb8;
	[tilespmem:$0x19000] =	vst v63  }
0x870: {  	s1 =	simm.s32 $0x7C00  }
0x871: {  	[hbm4b:s5+s2] =	stream.indirect_vreg.scatter [tilespmem:s1], [sflag:$0x2], $0x80, v0, vm0, $0xb8;
	[tilespmem:$0x19000] =	vst v63  }
0x872: {  	s1 =	simm.s32 $0x8400  }
0x873: {  	[hbm4b:s7+s2] =	stream.indirect_vreg.scatter [tilespmem:s1], [sflag:$0x2], $0x80, v0, vm1, $0xb8;
	[tilespmem:$0x19000] =	vst v63  }
0x874: {  	v0 =	vld [tilespmem:$0xF50];
	_ =	sdelay $0x4  }
0x875: {  	v7 =	vshrl.u32 v0, $0x3  }
0x876: {  	v7 =	vmul.u32 $0x18, v7  }
0x877: {  	v0 =	vand.u32 $0x7, v0  }
0x878: {  	v0 =	vor.u32 v0, v7  }
0x879: {  	v7 =	vperm.xlane v0, v3;
	_ =	sdelay $0x1  }
0x87a: {  	v7 =	vadd.s32 v4, v7;
	_ =	sdelay $0x1  }
0x87b: {  	v0 =	vperm.xlane v0, v5;
	_ =	sdelay $0x1  }
0x87c: {  	s1 =	simm.s32 $0x8800;
	v0 =	vadd.s32 v4, v0  }
0x87d: {  	[hbm4b:s5+s2] =	stream.indirect_vreg.scatter [tilespmem:s1], [sflag:$0x2], $0x80, v7, vm0, $0xb8;
	[tilespmem:$0x19000] =	vst v63  }
0x87e: {  	s1 =	simm.s32 $0x9000  }
0x87f: {  	[hbm4b:s7+s2] =	stream.indirect_vreg.scatter [tilespmem:s1], [sflag:$0x2], $0x80, v7, vm1, $0xb8;
	[tilespmem:$0x19000] =	vst v63  }
0x880: {  	s1 =	simm.s32 $0x9400  }
0x881: {  	[hbm4b:s5+s2] =	stream.indirect_vreg.scatter [tilespmem:s1], [sflag:$0x2], $0x80, v0, vm0, $0xb8;
	[tilespmem:$0x19000] =	vst v63  }
0x882: {  	s1 =	simm.s32 $0x9C00  }
0x883: {  	[hbm4b:s7+s2] =	stream.indirect_vreg.scatter [tilespmem:s1], [sflag:$0x2], $0x80, v0, vm1, $0xb8;
	[tilespmem:$0x19000] =	vst v63  }
0x884: {  	v0 =	vld [tilespmem:$0xF60];
	_ =	sdelay $0x4  }
0x885: {  	v7 =	vshrl.u32 v0, $0x3  }
0x886: {  	v7 =	vmul.u32 $0x18, v7  }
0x887: {  	v0 =	vand.u32 $0x7, v0  }
0x888: {  	v0 =	vor.u32 v0, v7  }
0x889: {  	v7 =	vperm.xlane v0, v3;
	_ =	sdelay $0x1  }
0x88a: {  	v7 =	vadd.s32 v4, v7;
	_ =	sdelay $0x1  }
0x88b: {  	v0 =	vperm.xlane v0, v5;
	_ =	sdelay $0x1  }
0x88c: {  	s1 =	simm.s32 $0xA000;
	v0 =	vadd.s32 v4, v0  }
0x88d: {  	[hbm4b:s5+s2] =	stream.indirect_vreg.scatter [tilespmem:s1], [sflag:$0x2], $0x80, v7, vm0, $0xb8;
	[tilespmem:$0x19000] =	vst v63  }
0x88e: {  	s1 =	simm.s32 $0xA800  }
0x88f: {  	[hbm4b:s7+s2] =	stream.indirect_vreg.scatter [tilespmem:s1], [sflag:$0x2], $0x80, v7, vm1, $0xb8;
	[tilespmem:$0x19000] =	vst v63  }
0x890: {  	s1 =	simm.s32 $0xAC00  }
0x891: {  	[hbm4b:s5+s2] =	stream.indirect_vreg.scatter [tilespmem:s1], [sflag:$0x2], $0x80, v0, vm0, $0xb8;
	[tilespmem:$0x19000] =	vst v63  }
0x892: {  	s1 =	simm.s32 $0xB400  }
0x893: {  	[hbm4b:s7+s2] =	stream.indirect_vreg.scatter [tilespmem:s1], [sflag:$0x2], $0x80, v0, vm1, $0xb8;
	[tilespmem:$0x19000] =	vst v63  }
0x894: {  	v0 =	vld [tilespmem:$0xF70];
	_ =	sdelay $0x4  }
0x895: {  	v7 =	vshrl.u32 v0, $0x3  }
0x896: {  	v7 =	vmul.u32 $0x18, v7  }
0x897: {  	v0 =	vand.u32 $0x7, v0  }
0x898: {  	v0 =	vor.u32 v0, v7  }
0x899: {  	v7 =	vperm.xlane v0, v3;
	_ =	sdelay $0x1  }
0x89a: {  	v7 =	vadd.s32 v4, v7;
	_ =	sdelay $0x1  }
0x89b: {  	v0 =	vperm.xlane v0, v5;
	_ =	sdelay $0x1  }
0x89c: {  	s1 =	simm.s32 $0xB800;
	v0 =	vadd.s32 v4, v0  }
0x89d: {  	[hbm4b:s5+s2] =	stream.indirect_vreg.scatter [tilespmem:s1], [sflag:$0x2], $0x80, v7, vm0, $0xb8;
	[tilespmem:$0x19000] =	vst v63  }
0x89e: {  	s1 =	simm.s32 $0xC000  }
0x89f: {  	[hbm4b:s7+s2] =	stream.indirect_vreg.scatter [tilespmem:s1], [sflag:$0x2], $0x80, v7, vm1, $0xb8;
	[tilespmem:$0x19000] =	vst v63  }
0x8a0: {  	s1 =	simm.s32 $0xC400  }
0x8a1: {  	[hbm4b:s5+s2] =	stream.indirect_vreg.scatter [tilespmem:s1], [sflag:$0x2], $0x80, v0, vm0, $0xb8;
	[tilespmem:$0x19000] =	vst v63  }
0x8a2: {  	s1 =	simm.s32 $0xCC00  }
0x8a3: {  	[hbm4b:s7+s2] =	stream.indirect_vreg.scatter [tilespmem:s1], [sflag:$0x2], $0x80, v0, vm1, $0xb8;
	[tilespmem:$0x19000] =	vst v63  }
0x8a4: {  	s1 =	simm.s32 $0x2  }
0x8a5: {  	_ =	swait.ge [sflag:s1], $0xC000  }
0x8a6: {  	[sflag:s1] =	ssyncset.done $0x0  }
0x8a7: {  	[sflag:s1] =	ssyncadd.s32 $0xFFFF4000;
	s1 =	simm.s32 $0x1  }
0x8a8: {  	_ =	swait.ge [sflag:s1], $0xC000  }
0x8a9: {  	[sflag:s1] =	ssyncset.done $0x0  }
0x8aa: {  	[sflag:s1] =	ssyncadd.s32 $0xFFFF4000  }
0x8ab: {  	v0 =	vld [tilespmem:$0xF80];
	_ =	sdelay $0x4  }
0x8ac: {  	v7 =	vshrl.u32 v0, $0x3  }
0x8ad: {  	v7 =	vmul.u32 $0x18, v7  }
0x8ae: {  	v0 =	vand.u32 $0x7, v0  }
0x8af: {  	v0 =	vor.u32 v0, v7  }
0x8b0: {  	v7 =	vperm.xlane v0, v3;
	_ =	sdelay $0x1  }
0x8b1: {  	v7 =	vadd.s32 v4, v7;
	_ =	sdelay $0x1  }
0x8b2: {  	v0 =	vperm.xlane v0, v5;
	_ =	sdelay $0x1  }
0x8b3: {  	s1 =	simm.s32 $0xD000;
	v0 =	vadd.s32 v4, v0  }
0x8b4: {  	[hbm4b:s5+s2] =	stream.indirect_vreg.scatter [tilespmem:s1], [sflag:$0x2], $0x80, v7, vm0, $0xb8;
	[tilespmem:$0x19000] =	vst v63  }
0x8b5: {  	s1 =	simm.s32 $0xD800  }
0x8b6: {  	[hbm4b:s7+s2] =	stream.indirect_vreg.scatter [tilespmem:s1], [sflag:$0x2], $0x80, v7, vm1, $0xb8;
	[tilespmem:$0x19000] =	vst v63  }
0x8b7: {  	s1 =	simm.s32 $0xDC00  }
0x8b8: {  	[hbm4b:s5+s2] =	stream.indirect_vreg.scatter [tilespmem:s1], [sflag:$0x2], $0x80, v0, vm0, $0xb8;
	[tilespmem:$0x19000] =	vst v63  }
0x8b9: {  	s25 =	simm.s32 $0xE400  }
0x8ba: {  	[hbm4b:s7+s2] =	stream.indirect_vreg.scatter [tilespmem:s25], [sflag:$0x2], $0x80, v0, vm1, $0xb8;
	[tilespmem:$0x19000] =	vst v63  }
0x8bb: {  	v0 =	vld [tilespmem:$0xF90];
	_ =	sdelay $0x4  }
0x8bc: {  	v7 =	vshrl.u32 v0, $0x3  }
0x8bd: {  	v7 =	vmul.u32 $0x18, v7  }
0x8be: {  	v0 =	vand.u32 $0x7, v0  }
0x8bf: {  	v0 =	vor.u32 v0, v7  }
0x8c0: {  	v7 =	vperm.xlane v0, v3;
	_ =	sdelay $0x1  }
0x8c1: {  	v7 =	vadd.s32 v4, v7;
	_ =	sdelay $0x1  }
0x8c2: {  	v0 =	vperm.xlane v0, v5;
	_ =	sdelay $0x1  }
0x8c3: {  	s25 =	simm.s32 $0xE800;
	v0 =	vadd.s32 v4, v0  }
0x8c4: {  	[hbm4b:s5+s2] =	stream.indirect_vreg.scatter [tilespmem:s25], [sflag:$0x2], $0x80, v7, vm0, $0xb8;
	[tilespmem:$0x19000] =	vst v63  }
0x8c5: {  	s10 =	simm.s32 $0xF000  }
0x8c6: {  	[hbm4b:s7+s2] =	stream.indirect_vreg.scatter [tilespmem:s10], [sflag:$0x2], $0x80, v7, vm1, $0xb8;
	[tilespmem:$0x19000] =	vst v63  }
0x8c7: {  	s25 =	simm.s32 $0xF400  }
0x8c8: {  	[hbm4b:s5+s2] =	stream.indirect_vreg.scatter [tilespmem:s25], [sflag:$0x2], $0x80, v0, vm0, $0xb8;
	[tilespmem:$0x19000] =	vst v63  }
0x8c9: {  	s28 =	simm.s32 $0xFC00  }
0x8ca: {  	[hbm4b:s7+s2] =	stream.indirect_vreg.scatter [tilespmem:s28], [sflag:$0x2], $0x80, v0, vm1, $0xb8;
	[tilespmem:$0x19000] =	vst v63  }
0x8cb: {  	v0 =	vld [tilespmem:$0xFA0];
	_ =	sdelay $0x4  }
0x8cc: {  	v7 =	vshrl.u32 v0, $0x3  }
0x8cd: {  	v7 =	vmul.u32 $0x18, v7  }
0x8ce: {  	v0 =	vand.u32 $0x7, v0  }
0x8cf: {  	v0 =	vor.u32 v0, v7  }
0x8d0: {  	v7 =	vperm.xlane v0, v3;
	_ =	sdelay $0x1  }
0x8d1: {  	v7 =	vadd.s32 v4, v7;
	_ =	sdelay $0x1  }
0x8d2: {  	v0 =	vperm.xlane v0, v5;
	_ =	sdelay $0x1  }
0x8d3: {  	s10 =	simm.s32 $0x10000;
	v0 =	vadd.s32 v4, v0  }
0x8d4: {  	[hbm4b:s5+s2] =	stream.indirect_vreg.scatter [tilespmem:s10], [sflag:$0x2], $0x80, v7, vm0, $0xb8;
	[tilespmem:$0x19000] =	vst v63  }
0x8d5: {  	s8 =	simm.s32 $0x10800  }
0x8d6: {  	[hbm4b:s7+s2] =	stream.indirect_vreg.scatter [tilespmem:s8], [sflag:$0x2], $0x80, v7, vm1, $0xb8;
	[tilespmem:$0x19000] =	vst v63  }
0x8d7: {  	s28 =	simm.s32 $0x10C00  }
0x8d8: {  	[hbm4b:s5+s2] =	stream.indirect_vreg.scatter [tilespmem:s28], [sflag:$0x2], $0x80, v0, vm0, $0xb8;
	[tilespmem:$0x19000] =	vst v63  }
0x8d9: {  	s29 =	simm.s32 $0x11400  }
0x8da: {  	[hbm4b:s7+s2] =	stream.indirect_vreg.scatter [tilespmem:s29], [sflag:$0x2], $0x80, v0, vm1, $0xb8;
	[tilespmem:$0x19000] =	vst v63  }
0x8db: {  	v0 =	vld [tilespmem:$0xFB0];
	_ =	sdelay $0x4  }
0x8dc: {  	v7 =	vshrl.u32 v0, $0x3  }
0x8dd: {  	v7 =	vmul.u32 $0x18, v7  }
0x8de: {  	v0 =	vand.u32 $0x7, v0  }
0x8df: {  	v0 =	vor.u32 v0, v7  }
0x8e0: {  	v7 =	vperm.xlane v0, v3;
	_ =	sdelay $0x1  }
0x8e1: {  	v7 =	vadd.s32 v4, v7;
	_ =	sdelay $0x1  }
0x8e2: {  	v0 =	vperm.xlane v0, v5;
	_ =	sdelay $0x1  }
0x8e3: {  	s9 =	simm.s32 $0x11800;
	v0 =	vadd.s32 v4, v0  }
0x8e4: {  	[hbm4b:s5+s2] =	stream.indirect_vreg.scatter [tilespmem:s9], [sflag:$0x2], $0x80, v7, vm0, $0xb8;
	[tilespmem:$0x19000] =	vst v63  }
0x8e5: {  	s12 =	simm.s32 $0x12000  }
0x8e6: {  	[hbm4b:s7+s2] =	stream.indirect_vreg.scatter [tilespmem:s12], [sflag:$0x2], $0x80, v7, vm1, $0xb8;
	[tilespmem:$0x19000] =	vst v63  }
0x8e7: {  	s11 =	simm.s32 $0x12400  }
0x8e8: {  	[hbm4b:s5+s2] =	stream.indirect_vreg.scatter [tilespmem:s11], [sflag:$0x2], $0x80, v0, vm0, $0xb8;
	[tilespmem:$0x19000] =	vst v63  }
0x8e9: {  	s30 =	simm.s32 $0x12C00  }
0x8ea: {  	[hbm4b:s7+s2] =	stream.indirect_vreg.scatter [tilespmem:s30], [sflag:$0x2], $0x80, v0, vm1, $0xb8;
	[tilespmem:$0x19000] =	vst v63  }
0x8eb: {  	v0 =	vld [tilespmem:$0xFC0];
	_ =	sdelay $0x4  }
0x8ec: {  	v7 =	vshrl.u32 v0, $0x3  }
0x8ed: {  	v7 =	vmul.u32 $0x18, v7  }
0x8ee: {  	v0 =	vand.u32 $0x7, v0  }
0x8ef: {  	v0 =	vor.u32 v0, v7  }
0x8f0: {  	v7 =	vperm.xlane v0, v3;
	_ =	sdelay $0x1  }
0x8f1: {  	v7 =	vadd.s32 v4, v7;
	_ =	sdelay $0x1  }
0x8f2: {  	v0 =	vperm.xlane v0, v5;
	_ =	sdelay $0x1  }
0x8f3: {  	s13 =	simm.s32 $0x13000;
	v0 =	vadd.s32 v4, v0  }
0x8f4: {  	[hbm4b:s5+s2] =	stream.indirect_vreg.scatter [tilespmem:s13], [sflag:$0x2], $0x80, v7, vm0, $0xb8;
	[tilespmem:$0x19000] =	vst v63  }
0x8f5: {  	s15 =	simm.s32 $0x13800  }
0x8f6: {  	[hbm4b:s7+s2] =	stream.indirect_vreg.scatter [tilespmem:s15], [sflag:$0x2], $0x80, v7, vm1, $0xb8;
	[tilespmem:$0x19000] =	vst v63  }
0x8f7: {  	s14 =	simm.s32 $0x13C00  }
0x8f8: {  	[hbm4b:s5+s2] =	stream.indirect_vreg.scatter [tilespmem:s14], [sflag:$0x2], $0x80, v0, vm0, $0xb8;
	[tilespmem:$0x19000] =	vst v63  }
0x8f9: {  	s31 =	simm.s32 $0x14400  }
0x8fa: {  	[hbm4b:s7+s2] =	stream.indirect_vreg.scatter [tilespmem:s31], [sflag:$0x2], $0x80, v0, vm1, $0xb8;
	[tilespmem:$0x19000] =	vst v63  }
0x8fb: {  	v0 =	vld [tilespmem:$0xFD0];
	_ =	sdelay $0x4  }
0x8fc: {  	v7 =	vshrl.u32 v0, $0x3  }
0x8fd: {  	v7 =	vmul.u32 $0x18, v7  }
0x8fe: {  	v0 =	vand.u32 $0x7, v0  }
0x8ff: {  	v0 =	vor.u32 v0, v7  }
0x900: {  	v7 =	vperm.xlane v0, v3;
	_ =	sdelay $0x1  }
0x901: {  	v7 =	vadd.s32 v4, v7;
	_ =	sdelay $0x1  }
0x902: {  	v0 =	vperm.xlane v0, v5;
	_ =	sdelay $0x1  }
0x903: {  	s16 =	simm.s32 $0x14800;
	v0 =	vadd.s32 v4, v0  }
0x904: {  	[hbm4b:s5+s2] =	stream.indirect_vreg.scatter [tilespmem:s16], [sflag:$0x2], $0x80, v7, vm0, $0xb8;
	[tilespmem:$0x19000] =	vst v63  }
0x905: {  	s18 =	simm.s32 $0x15000  }
0x906: {  	[hbm4b:s7+s2] =	stream.indirect_vreg.scatter [tilespmem:s18], [sflag:$0x2], $0x80, v7, vm1, $0xb8;
	[tilespmem:$0x19000] =	vst v63  }
0x907: {  	s17 =	simm.s32 $0x15400  }
0x908: {  	[hbm4b:s5+s2] =	stream.indirect_vreg.scatter [tilespmem:s17], [sflag:$0x2], $0x80, v0, vm0, $0xb8;
	[tilespmem:$0x19000] =	vst v63  }
0x909: {  	s31 =	simm.s32 $0x15C00  }
0x90a: {  	[hbm4b:s7+s2] =	stream.indirect_vreg.scatter [tilespmem:s31], [sflag:$0x2], $0x80, v0, vm1, $0xb8;
	[tilespmem:$0x19000] =	vst v63  }
0x90b: {  	v0 =	vld [tilespmem:$0xFE0];
	_ =	sdelay $0x4  }
0x90c: {  	v7 =	vshrl.u32 v0, $0x3  }
0x90d: {  	v7 =	vmul.u32 $0x18, v7  }
0x90e: {  	v0 =	vand.u32 $0x7, v0  }
0x90f: {  	v0 =	vor.u32 v0, v7  }
0x910: {  	v7 =	vperm.xlane v0, v3;
	_ =	sdelay $0x1  }
0x911: {  	v7 =	vadd.s32 v4, v7;
	_ =	sdelay $0x1  }
0x912: {  	v0 =	vperm.xlane v0, v5;
	_ =	sdelay $0x1  }
0x913: {  	s19 =	simm.s32 $0x16000;
	v0 =	vadd.s32 v4, v0  }
0x914: {  	[hbm4b:s5+s2] =	stream.indirect_vreg.scatter [tilespmem:s19], [sflag:$0x2], $0x80, v7, vm0, $0xb8;
	[tilespmem:$0x19000] =	vst v63  }
0x915: {  	s21 =	simm.s32 $0x16800  }
0x916: {  	[hbm4b:s7+s2] =	stream.indirect_vreg.scatter [tilespmem:s21], [sflag:$0x2], $0x80, v7, vm1, $0xb8;
	[tilespmem:$0x19000] =	vst v63  }
0x917: {  	s20 =	simm.s32 $0x16C00  }
0x918: {  	[hbm4b:s5+s2] =	stream.indirect_vreg.scatter [tilespmem:s20], [sflag:$0x2], $0x80, v0, vm0, $0xb8;
	[tilespmem:$0x19000] =	vst v63  }
0x919: {  	s4 =	simm.s32 $0x17400  }
0x91a: {  	[hbm4b:s7+s2] =	stream.indirect_vreg.scatter [tilespmem:s4], [sflag:$0x2], $0x80, v0, vm1, $0xb8;
	[tilespmem:$0x19000] =	vst v63  }
0x91b: {  	v0 =	vld [tilespmem:$0xFF0];
	_ =	sdelay $0x4  }
0x91c: {  	v7 =	vshrl.u32 v0, $0x3  }
0x91d: {  	v7 =	vmul.u32 $0x18, v7  }
0x91e: {  	v0 =	vand.u32 $0x7, v0  }
0x91f: {  	v0 =	vor.u32 v0, v7  }
0x920: {  	v3 =	vperm.xlane v0, v3;
	_ =	sdelay $0x1  }
0x921: {  	v3 =	vadd.s32 v4, v3;
	_ =	sdelay $0x1  }
0x922: {  	v0 =	vperm.xlane v0, v5;
	_ =	sdelay $0x1  }
0x923: {  	s22 =	simm.s32 $0x17800;
	v0 =	vadd.s32 v4, v0  }
0x924: {  	[hbm4b:s5+s2] =	stream.indirect_vreg.scatter [tilespmem:s22], [sflag:$0x2], $0x80, v3, vm0, $0xb8;
	[tilespmem:$0x19000] =	vst v63  }
0x925: {  	s24 =	simm.s32 $0x18000;
	s25 =	rddreg [dreg:$0x5]  }
0x926: {  	[hbm4b:s7+s2] =	stream.indirect_vreg.scatter [tilespmem:s24], [sflag:$0x2], $0x80, v3, vm1, $0xb8;
	[tilespmem:$0x19000] =	vst v63  }
0x927: {  	s23 =	simm.s32 $0x18400;
	p0 =	sne.s32 s25, $0x1  }
0x928: {  	[hbm4b:s5+s2] =	stream.indirect_vreg.scatter [tilespmem:s23], [sflag:$0x2], $0x80, v0, vm0, $0xb8;
	[tilespmem:$0x19000] =	vst v63  }
.Ltmp0:
0x929: {  	s0 =	simm.s32 $0x2;
	s26 =	simm.s32 $0x18C00;
	(pc) =	sbr.rel @p0 .LBB2_1-.Ltmp0, $4  }
0x92a: {  	[hbm4b:s7+s2] =	stream.indirect_vreg.scatter [tilespmem:s26], [sflag:$0x2], $0x80, v0, vm1, $0xb8;
	[tilespmem:$0x19000] =	vst v63  }
0x92b: {  	_ =	swait.ge [sflag:s0], $0xC000  }
0x92c: {  	[sflag:s0] =	ssyncset.done $0x0  }
0x92d: {  	s8 =	sadd.s32 $0xFFFFFFFF, s25;
	[sflag:s0] =	ssyncadd.s32 $0xFFFF4000  }
0x92e: {  	_ =	sfence.sel $0x180000  }
0x92f: {  	[bflag:$0x0] =	sbarrier.arrive $0xFFFF  }
0x930: {  	_ =	strace $0x90000047  }
0x931: {  	s0 =	stileid.u32;
	[bflag:$0x2] =	sbarrier.arrive $0xFFFF  }
0x932: {  	p0 =	sne.s32 s0, $0x0;
	s0 =	rddreg [dreg:$0x1]  }
0x933: {  	s0 =	sadd.s32 @!p0 $0x100000, s0  }
0x934: {  	[sflag:s0] =	ssyncadd.tile.s32 @!p0 $0x1;
	_ =	shalt  }
.Lfunc_end2:
_tile_overlayer_lowered:
.L_overlay_start_2:
0x935: {  	(tag) =	ssettag $0x2  }
0x936: {  	s0 =	rddreg [dreg:$0x0];
	s2 =	stileid.u32  }
0x937: {  	s1 =	rddreg [dreg:$0x1];
	p0 =	sne.s32 s2, $0x0  }
0x938: {  	s3 =	rddreg [dreg:$0x2];
	[bflag:$0x3] =	sbarrier.arrive $0xFFFF;
	s2 =	simm.s32 @!p0 $0x1C03  }
0x939: {  	[timem:s3], [sflag:s2] =	dma.local @!p0 [hbm:s0], s1  }
0x93a: {  	s0 =	simm.s32 @!p0 $0x3  }
0x93b: {  	_ =	swait.ge @!p0 [sflag:s0], s1  }
0x93c: {  	s1 =	ssub.s32 @!p0 $0x0, s1;
	[sflag:s0] =	ssyncset.done @!p0 $0x0  }
0x93d: {  	[sflag:s0] =	ssyncadd.s32 @!p0 s1  }
0x93e: {  	[bflag:$0x3] =	sbarrier.arrive $0xFFFF  }
0x93f: {  	_ =	shalt  }

</sc_bundles>
